<compile_context>
chip_gen: v7x
topology: tpu7x:2x2x1
jax: 0.10.2.dev20260603
libtpu: 0.0.44.dev20260713+nightly
codegen_flags: <defaults>
</compile_context>

<pallas_src>
import jax, jax.numpy as jnp
import numpy as np
from jax.experimental import pallas as pl

B = 32


def _fps(pos, m):
    n = pos.shape[0]
    def body(i, carry):
        idx, dist = carry
        d = ((pos - pos[idx[i - 1]]) ** 2).sum(-1)
        dist = jnp.minimum(dist, d)
        idx = idx.at[i].set(jnp.argmax(dist).astype(idx.dtype))
        return idx, dist
    idx0 = jnp.zeros((m,), dtype=jnp.int32)
    dist0 = jnp.full((n,), jnp.inf, dtype=pos.dtype)
    idx, _ = jax.lax.fori_loop(1, m, body, (idx0, dist0))
    return idx


def _radius(pos_src, pos_q, r, max_nb):
    d2 = ((pos_q[:, None, :] - pos_src[None, :, :]) ** 2).sum(-1)
    mask = d2 < r * r
    n = pos_src.shape[0]
    keys = jnp.where(mask, jnp.arange(n, dtype=jnp.int32)[None, :], jnp.int32(n))
    order = jnp.argsort(keys, axis=1)
    nb = order[:, :max_nb]
    valid = jnp.take_along_axis(mask, nb, axis=1)
    return nb, valid


def _identity_pallas(x):
    def body(x_ref, o_ref):
        o_ref[...] = x_ref[...]
    return pl.pallas_call(body, out_shape=jax.ShapeDtypeStruct(x.shape, x.dtype))(x)


def kernel(x, pos, batch, W1a, b1a, W1b, b1b, W2a, b2a, W2b, b2b, W3a, b3a, W3b, b3b, W3c, b3c, W4a, b4a, W4b, b4b, W4c, b4c):
    n_per = pos.shape[0] // B
    pos_b = pos.reshape(B, n_per, 3)
    x_b = x.reshape(B, n_per, 3)
    batch_b = batch.reshape(B, n_per)
    m1 = int(np.ceil(0.5 * n_per))
    m2 = int(np.ceil(0.25 * m1))
    loc1 = jax.vmap(lambda p: _fps(p, m1))(pos_b)
    nb1, val1 = jax.vmap(lambda p, l: _radius(p, p[l], 0.2, 64))(pos_b, loc1)
    pos1_b = jnp.take_along_axis(pos_b, loc1[..., None], axis=1)
    batch1_b = jnp.take_along_axis(batch_b, loc1, axis=1)
    x_src = jax.vmap(lambda xb, nb: xb[nb])(x_b, nb1)
    pos_src = jax.vmap(lambda pb, nb: pb[nb])(pos_b, nb1)
    msg = jnp.concatenate([x_src, pos_src - pos1_b[:, :, None, :]], axis=-1)
    msg = jax.nn.relu(msg @ W1a + b1a)
    msg = jax.nn.relu(msg @ W1b + b1b)
    x1_b = jnp.max(jnp.where(val1[..., None], msg, -jnp.inf), axis=2)
    loc2 = jax.vmap(lambda p: _fps(p, m2))(pos1_b)
    nb2, val2 = jax.vmap(lambda p, l: _radius(p, p[l], 0.4, 64))(pos1_b, loc2)
    pos2_b = jnp.take_along_axis(pos1_b, loc2[..., None], axis=1)
    batch2_b = jnp.take_along_axis(batch1_b, loc2, axis=1)
    x1_src = jax.vmap(lambda xb, nb: xb[nb])(x1_b, nb2)
    pos1_src = jax.vmap(lambda pb, nb: pb[nb])(pos1_b, nb2)
    msg = jnp.concatenate([x1_src, pos1_src - pos2_b[:, :, None, :]], axis=-1)
    msg = jax.nn.relu(msg @ W2a + b2a)
    msg = jax.nn.relu(msg @ W2b + b2b)
    x2_b = jnp.max(jnp.where(val2[..., None], msg, -jnp.inf), axis=2)
    x2 = x2_b.reshape(B * m2, -1)
    pos2 = pos2_b.reshape(B * m2, 3)
    h = jnp.concatenate([x2, pos2], axis=1)
    h = jax.nn.relu(h @ W3a + b3a)
    h = jax.nn.relu(h @ W3b + b3b)
    h = jax.nn.relu(h @ W3c + b3c)
    g = jax.ops.segment_max(h, batch2_b.reshape(-1), num_segments=B)
    out = jax.nn.relu(g @ W4a + b4a)
    out = jax.nn.relu(out @ W4b + b4b)
    out = out @ W4c + b4c
    return _identity_pallas(out)

# --- scband reference (transcript-rebuilt; emitter-appended) ---
"""Pipeline reference for scband-point-net2-43894565765761 (READ-ONLY COPY).

The authoritative reference and input builder live on the scoring server;
editing this copy changes nothing except your own understanding.
"""

import jax, jax.numpy as jnp
import numpy as np

B = 32
N_PER = 1024
N = B * N_PER

def _fps(pos, m):
    n = pos.shape[0]
    def body(i, carry):
        idx, dist = carry
        d = ((pos - pos[idx[i - 1]]) ** 2).sum(-1)
        dist = jnp.minimum(dist, d)
        idx = idx.at[i].set(jnp.argmax(dist).astype(idx.dtype))
        return idx, dist
    idx0 = jnp.zeros((m,), dtype=jnp.int32)
    dist0 = jnp.full((n,), jnp.inf, dtype=pos.dtype)
    idx, _ = jax.lax.fori_loop(1, m, body, (idx0, dist0))
    return idx

def _radius(pos_src, pos_q, r, max_nb):
    d2 = ((pos_q[:, None, :] - pos_src[None, :, :]) ** 2).sum(-1)
    mask = d2 < r * r
    n = pos_src.shape[0]
    keys = jnp.where(mask, jnp.arange(n, dtype=jnp.int32)[None, :], jnp.int32(n))
    order = jnp.argsort(keys, axis=1)
    nb = order[:, :max_nb]
    valid = jnp.take_along_axis(mask, nb, axis=1)
    return nb, valid

def _init_linear(key, fan_in, fan_out):
    w = jax.random.normal(key, (fan_in, fan_out), dtype=jnp.float32) / np.sqrt(fan_in)
    b = jnp.zeros((fan_out,), dtype=jnp.float32)
    return w, b

def setup_inputs(seed: int = 0):
    key = jax.random.key(seed)
    ks = jax.random.split(key, 16)
    x = jax.random.normal(ks[0], (N, 3), dtype=jnp.float32)
    pos = jax.random.uniform(ks[1], (N, 3), dtype=jnp.float32)
    batch = jnp.arange(N, dtype=jnp.int32) // N_PER
    W1a, b1a = _init_linear(ks[2], 6, 32)
    W1b, b1b = _init_linear(ks[3], 32, 64)
    W2a, b2a = _init_linear(ks[4], 67, 64)
    W2b, b2b = _init_linear(ks[5], 64, 128)
    W3a, b3a = _init_linear(ks[6], 131, 128)
    W3b, b3b = _init_linear(ks[7], 128, 256)
    W3c, b3c = _init_linear(ks[8], 256, 512)
    W4a, b4a = _init_linear(ks[9], 512, 256)
    W4b, b4b = _init_linear(ks[10], 256, 128)
    W4c, b4c = _init_linear(ks[11], 128, 40)
    return {"x": x, "pos": pos, "batch": batch,
            "W1a": W1a, "b1a": b1a, "W1b": W1b, "b1b": b1b,
            "W2a": W2a, "b2a": b2a, "W2b": W2b, "b2b": b2b,
            "W3a": W3a, "b3a": b3a, "W3b": W3b, "b3b": b3b,
            "W3c": W3c, "b3c": b3c,
            "W4a": W4a, "b4a": b4a, "W4b": W4b, "b4b": b4b,
            "W4c": W4c, "b4c": b4c}

def reference(x, pos, batch, W1a, b1a, W1b, b1b, W2a, b2a, W2b, b2b, W3a, b3a, W3b, b3b, W3c, b3c, W4a, b4a, W4b, b4b, W4c, b4c):
    n_per = pos.shape[0] // B
    pos_b = pos.reshape(B, n_per, 3)
    x_b = x.reshape(B, n_per, 3)
    batch_b = batch.reshape(B, n_per)
    m1 = int(np.ceil(0.5 * n_per))
    m2 = int(np.ceil(0.25 * m1))
    loc1 = jax.vmap(lambda p: _fps(p, m1))(pos_b)
    nb1, val1 = jax.vmap(lambda p, l: _radius(p, p[l], 0.2, 64))(pos_b, loc1)
    pos1_b = jnp.take_along_axis(pos_b, loc1[..., None], axis=1)
    batch1_b = jnp.take_along_axis(batch_b, loc1, axis=1)
    # SA1: PointNetConv with max aggregation
    x_src = jax.vmap(lambda xb, nb: xb[nb])(x_b, nb1)
    pos_src = jax.vmap(lambda pb, nb: pb[nb])(pos_b, nb1)
    msg = jnp.concatenate([x_src, pos_src - pos1_b[:, :, None, :]], axis=-1)
    msg = jax.nn.relu(msg @ W1a + b1a)
    msg = jax.nn.relu(msg @ W1b + b1b)
    x1_b = jnp.max(jnp.where(val1[..., None], msg, -jnp.inf), axis=2)
    # SA2
    loc2 = jax.vmap(lambda p: _fps(p, m2))(pos1_b)
    nb2, val2 = jax.vmap(lambda p, l: _radius(p, p[l], 0.4, 64))(pos1_b, loc2)
    pos2_b = jnp.take_along_axis(pos1_b, loc2[..., None], axis=1)
    batch2_b = jnp.take_along_axis(batch1_b, loc2, axis=1)
    x1_src = jax.vmap(lambda xb, nb: xb[nb])(x1_b, nb2)
    pos1_src = jax.vmap(lambda pb, nb: pb[nb])(pos1_b, nb2)
    msg = jnp.concatenate([x1_src, pos1_src - pos2_b[:, :, None, :]], axis=-1)
    msg = jax.nn.relu(msg @ W2a + b2a)
    msg = jax.nn.relu(msg @ W2b + b2b)
    x2_b = jnp.max(jnp.where(val2[..., None], msg, -jnp.inf), axis=2)
    # GlobalSAModule
    x2 = x2_b.reshape(B * m2, -1)
    pos2 = pos2_b.reshape(B * m2, 3)
    h = jnp.concatenate([x2, pos2], axis=1)
    h = jax.nn.relu(h @ W3a + b3a)
    h = jax.nn.relu(h @ W3b + b3b)
    h = jax.nn.relu(h @ W3c + b3c)
    g = jax.ops.segment_max(h, batch2_b.reshape(-1), num_segments=B)
    # head MLP (dropout=0.5 is identity in eval mode)
    out = jax.nn.relu(g @ W4a + b4a)
    out = jax.nn.relu(out @ W4b + b4b)
    out = out @ W4c + b4c
    return out

if __name__ == "__main__":
    import jax
    _d = setup_inputs()
    print(jax.jit(kernel)(*tuple(_d.values())))

</pallas_src>

<mosaic_0001>
module attributes {stable_mosaic.version = 14 : i64} {
  func.func @body(%arg0: memref<32x40xf32, #tpu.memory_space<vmem>>, %arg1: memref<32x40xf32, #tpu.memory_space<vmem>>) attributes {dimension_semantics = [], scalar_prefetch = 0 : i64, scratch_operands = 0 : i64, tpu.core_type = #tpu.core_type<tc>} {
    %get3A = arith.constant 0 : index
    %get3A_0 = arith.constant 0 : index
    %get3A_1 = vector.load %arg0[%get3A, %get3A_0] : memref<32x40xf32, #tpu.memory_space<vmem>>, vector<32x40xf32>
    %swap3A = arith.constant 0 : index
    %swap3A_2 = arith.constant 0 : index
    %swap3A_3 = vector.load %arg1[%swap3A, %swap3A_2] : memref<32x40xf32, #tpu.memory_space<vmem>>, vector<32x40xf32>
    tpu.vector_store %arg1[%swap3A, %swap3A_2], %get3A_1 {strides = array<i32>} : memref<32x40xf32, #tpu.memory_space<vmem>>, vector<32x40xf32>,
    return
  }
}

</mosaic_0001>

<sc_bundles>
// kernel: gather_offload_async_start.1
scs
__scs_entry_jumppad:
0x0: {  	(pc) =	sbr.rel $0x88, $3  }
0x1: {  	(tag) =	ssettag $0x0;
	lr =	simm.s32 $0x1  }
0x2: {  	[smem:$0x3F8A] =	sst lr;
	_ =	strace $0xD0000000  }
0x3: {  	_ = 	snop  }
0x4: {  	_ = 	snop  }
0x5: {  	_ = 	snop  }
0x6: {  	_ = 	snop  }
0x7: {  	_ = 	snop  }
__scs_overlays_trampoline_lowered:
0x8: {  	[smem:$0x3F99] =	sst s0  }
0x9: {  	[smem:$0x3F9A] =	sst s1  }
0xa: {  	[smem:$0x3F9B] =	sst s2  }
0xb: {  	[smem:$0x3F9C] =	sst s3  }
0xc: {  	[smem:$0x3F9D] =	sst s4  }
0xd: {  	[smem:$0x3F9E] =	sst s5  }
0xe: {  	[smem:$0x3F9F] =	sst s6  }
0xf: {  	[smem:$0x3FA0] =	sst s7  }
0x10: {  	[smem:$0x3FA1] =	sst s8  }
0x11: {  	[smem:$0x3FA2] =	sst s9;
	s0 =	simm.s32 @!p0 $0x0  }
0x12: {  	s1 =	sld [smem:$0x3F88];
	s0 =	simm.s32 @p0 $0x1  }
0x13: {  	[smem:$0x3FA3] =	sst s0;
	s0 =	simm.s32 @!p1 $0x0  }
0x14: {  	s2 =	sld [smem:$0x3F87];
	s0 =	simm.s32 @p1 $0x1  }
0x15: {  	[smem:$0x3FA4] =	sst s0;
	s0 =	simm.s32 @!p2 $0x0  }
0x16: {  	s3 =	sld [smem:$0x3FDB];
	s0 =	simm.s32 @p2 $0x1  }
0x17: {  	s4 =	simm.s32 $0x1BF5;
	[smem:$0x3FA6] =	sst s0  }
0x18: {  	s0 =	sld [smem:$0x3F89];
	_ =	swait.ge [sflag:s4], $0x0  }
0x19: {  	s7 =	sld [smem:$0x3F8A]  }
0x1a: {  	s8 =	sadd.s32 $0xFFFFE003, lr  }
0x1b: {  	s9 =	sadd.s32 $0xFFFFFEF7, lr;
	s5 =	simm.s32 $0xFFFFFFFF;
	p2 =	slt.u32 s8, $0xFFFFF086  }
0x1c: {  	p1 =	slt.u32 s9, $0xF7A;
	s5 =	simm.s32 @!p2 $0x0  }
0x1d: {  	s5 =	simm.s32 @p1 $0x1;
	p0 =	seq.s32 s7, s2  }
0x1e: {  	s7 =	smul.u32 @!p0 $0xF7A, s2;
	p2 =	seq.s32 @!p0 s5, $0x0  }
0x1f: {  	s9 =	smul.u32 $0xF7A, s1;
	s8 =	simm.s32 @!p0 $0x1BF5;
	p2 =	por !p2, p0  }
0x20: {  	[sflag:s8] =	ssyncset.s32 @!p0 $0xFFFFF086;
	s6 =	sadd.s32 @!p0 s3, s7;
	s7 =	simm.s32 @!p0 $0x108  }
0x21: {  	s3 =	sadd.s32 s3, s9;
	s6 =	sadd.s32 @!p0 $0x88, s6;
	s7 =	simm.s32 @p2 $0x1082  }
0x22: {  	[simem:s7], [sflag:s8] =	dma.local @!p0 [hbm:s6], $0xF7A  }
0x23: {  	s9 =	sor.u32 $0xD0000000, s2;
	s6 =	simm.s32 $0x108;
	_ =	swait.ge @!p0 [sflag:s8], $0x0  }
0x24: {  	s3 =	sadd.s32 $0x88, s3;
	s6 =	simm.s32 @!p1 $0x1082;
	[sflag:s4] =	ssyncset.s32 $0xFFFFF086  }
0x25: {  	[simem:s6], [sflag:s4] =	dma.local [hbm:s3], $0xF7A  }
0x26: {  	[smem:$0x3F8A] =	sst s1;
	(tag) =	ssettag s2;
	_ =	strace s9  }
0x27: {  	s1 =	sld [smem:$0x3F9A]  }
0x28: {  	s2 =	sld [smem:$0x3F9B]  }
0x29: {  	s4 =	sld [smem:$0x3F9D]  }
0x2a: {  	p0 =	seq.s32 s5, $0x0;
	s5 =	sld [smem:$0x3F9E]  }
0x2b: {  	s6 =	sld [smem:$0x3F9F]  }
0x2c: {  	s7 =	sld [smem:$0x3FA0]  }
0x2d: {  	s3 =	simm.s32 $0x108;
	s8 =	sld [smem:$0x3FA1]  }
0x2e: {  	s3 =	simm.s32 @!p0 $0x1082;
	s9 =	sld [smem:$0x3FA2]  }
0x2f: {  	lr =	sadd.s32 s0, s3;
	s0 =	sld [smem:$0x3F99]  }
0x30: {  	s3 =	sld [smem:$0x3F9C]  }
0x31: {  	[smem:$0x3FA5] =	sst s10  }
0x32: {  	s10 =	sld [smem:$0x3FA3];
	_ =	sdelay $0x3  }
0x33: {  	p0 =	seq.s32 s10, $0x1;
	s10 =	sld [smem:$0x3FA5];
	_ =	sdelay $0x3  }
0x34: {  	[smem:$0x3FA5] =	sst s10  }
0x35: {  	s10 =	sld [smem:$0x3FA4];
	_ =	sdelay $0x3  }
0x36: {  	p1 =	seq.s32 s10, $0x1;
	s10 =	sld [smem:$0x3FA5];
	_ =	sdelay $0x3  }
0x37: {  	[smem:$0x3FA5] =	sst s10  }
0x38: {  	s10 =	sld [smem:$0x3FA6]  }
0x39: {  	_ = 	snop;
	(pc) =	sbr.ind lr, $3  }
0x3a: {  	_ = 	snop  }
0x3b: {  	_ = 	snop  }
0x3c: {  	p2 =	seq.s32 s10, $0x1;
	s10 =	sld [smem:$0x3FA5]  }
0x3d: {  	_ =	shalt  }
0x3e: {  	_ =	shalt  }
0x3f: {  	_ =	shalt  }
0x40: {  	_ =	shalt  }
0x41: {  	_ =	shalt  }
0x42: {  	_ =	shalt  }
0x43: {  	_ =	shalt  }
0x44: {  	_ =	shalt  }
0x45: {  	_ =	shalt  }
0x46: {  	_ =	shalt  }
0x47: {  	_ =	shalt  }
0x48: {  	_ =	shalt  }
0x49: {  	_ =	shalt  }
0x4a: {  	_ =	shalt  }
0x4b: {  	_ =	shalt  }
0x4c: {  	_ =	shalt  }
0x4d: {  	_ =	shalt  }
0x4e: {  	_ =	shalt  }
0x4f: {  	_ =	shalt  }
0x50: {  	_ =	shalt  }
0x51: {  	_ =	shalt  }
0x52: {  	_ =	shalt  }
0x53: {  	_ =	shalt  }
0x54: {  	_ =	shalt  }
0x55: {  	_ =	shalt  }
0x56: {  	_ =	shalt  }
0x57: {  	_ =	shalt  }
0x58: {  	_ =	shalt  }
0x59: {  	_ =	shalt  }
0x5a: {  	_ =	shalt  }
0x5b: {  	_ =	shalt  }
0x5c: {  	_ =	shalt  }
0x5d: {  	_ =	shalt  }
0x5e: {  	_ =	shalt  }
0x5f: {  	_ =	shalt  }
0x60: {  	_ =	shalt  }
0x61: {  	_ =	shalt  }
0x62: {  	_ =	shalt  }
0x63: {  	_ =	shalt  }
0x64: {  	_ =	shalt  }
0x65: {  	_ =	shalt  }
0x66: {  	_ =	shalt  }
0x67: {  	_ =	shalt  }
0x68: {  	_ =	shalt  }
0x69: {  	_ =	shalt  }
0x6a: {  	_ =	shalt  }
0x6b: {  	_ =	shalt  }
0x6c: {  	_ =	shalt  }
0x6d: {  	_ =	shalt  }
0x6e: {  	_ =	shalt  }
0x6f: {  	_ =	shalt  }
0x70: {  	_ =	shalt  }
0x71: {  	_ =	shalt  }
0x72: {  	_ =	shalt  }
0x73: {  	_ =	shalt  }
0x74: {  	_ =	shalt  }
0x75: {  	_ =	shalt  }
0x76: {  	_ =	shalt  }
0x77: {  	_ =	shalt  }
0x78: {  	_ =	shalt  }
0x79: {  	_ =	shalt  }
0x7a: {  	_ =	shalt  }
0x7b: {  	_ =	shalt  }
0x7c: {  	_ =	shalt  }
0x7d: {  	_ =	shalt  }
0x7e: {  	_ =	shalt  }
0x7f: {  	_ =	shalt  }
0x80: {  	_ =	shalt  }
0x81: {  	_ =	shalt  }
0x82: {  	_ =	shalt  }
0x83: {  	_ =	shalt  }
0x84: {  	_ =	shalt  }
0x85: {  	_ =	shalt  }
0x86: {  	_ =	shalt  }
0x87: {  	_ =	shalt  }
.Lfunc_end0:
.L_simem_size_0:
called_computation.3_lowered:
.L_overlay_start_0:
0x88: {  	s2 =	sld [smem:$0x3FD9]  }
0x89: {  	s3 =	sld [smem:$0x3FFE];
	_ =	sdelay $0x1  }
0x8a: {  	s1 =	srdreg.scid  }
0x8b: {  	s0 =	sand.u32 $0x1, s1  }
0x8c: {  	s16 =	sshll.u32 s0, $0xA;
	s2 =	sadd.s32 s3, s2  }
0x8d: {  	s2 =	sadd.s32 s2, s16  }
0x8e: {  	[smem:$0x3FB1] =	sst s2  }
0x8f: {  	_ = 	snop  }
0x90: {  	(tm) =	ssettm $0x1  }
0x91: {  	s17 =	sld [smem:$0x3FFB];
	_ =	sdelay $0x3  }
0x92: {  	_ =	strace s17  }
0x93: {  	s2 =	sld [smem:$0x3FFC];
	_ =	sdelay $0x3  }
0x94: {  	_ =	strace s2  }
0x95: {  	s2 =	sld [smem:$0x3FFD];
	_ =	sdelay $0x3  }
0x96: {  	_ =	strace s2  }
0x97: {  	_ =	strace $0x8FFFFFFF  }
0x98: {  	s18 =	sld [smem:$0x3FDB];
	_ =	sdelay $0x1  }
0x99: {  	s19 =	simm.s32 $_scs_section_size  }
0x9a: {  	s4 =	simm.s32 $_size__tile_overlayer_lowered;
	s5 =	simm.s32 $_tile_overlayer_lowered  }
0x9b: {  	s22 =	simm.s32 $0x1BFF;
	s21 =	sshll.u32 s5, $0x1;
	s2 =	sadd.s32 s19, s18  }
0x9c: {  	s6 =	simm.s32 $0x0;
	s20 =	sshll.u32 s4, $0x1;
	s4 =	sadd.s32 s21, s2  }
0x9d: {  	[timem:s6], [sflag:s22] =	dma.local [hbm:s4], s20  }
0x9e: {  	_ =	swait.ge [sflag:s22], s20  }
0x9f: {  	s3 =	ssub.s32 $0x0, s20;
	[sflag:s22] =	ssyncset.done $0x0  }
0xa0: {  	[sflag:s22] =	ssyncadd.s32 s3;
	_ =	sdelay $0x1  }
0xa1: {  	s23 =	simm.s32 $0x1B8B  }
0xa2: {  	_ =	swait.ge [sflag:s23], $0x1  }
0xa3: {  	[sflag:s23] =	ssyncset.done $0x0  }
0xa4: {  	s25 =	simm.s32 $0x1B8E;
	s24 =	sld [smem:$0x3FFE];
	[sflag:s23] =	ssyncadd.s32 $0xFFFFFFFF  }
0xa5: {  	s26 =	simm.s32 $execute0_lowered;
	[smem:$0x3FD2] =	sst s25  }
0xa6: {  	s4 =	sshll.u32 s26, $0x1;
	_ =	strace $0x80000046;
	[dreg:$0x1] =	wrdreg $0xFFFFFFFF  }
0xa7: {  	s28 =	simm.s32 $_size_execute0_lowered;
	s2 =	sadd.s32 s2, s4;
	[dreg:$0x0] =	wrdreg $0x0  }
0xa8: {  	s4 =	sshll.u32 s28, $0x1;
	[dreg:$0x2] =	wrdreg s2  }
0xa9: {  	[dreg:$0x3] =	wrdreg s4  }
0xaa: {  	[dreg:$0x4] =	wrdreg $0xC0  }
0xab: {  	_ =	task [dreg:s6], $0x5FFFF  }
0xac: {  	[dreg:$0x1] =	wrdreg $0xFFFFFFFF  }
0xad: {  	[dreg:$0x0] =	wrdreg $0x60  }
0xae: {  	[dreg:$0x2] =	wrdreg s24  }
0xaf: {  	[dreg:$0x3] =	wrdreg $0x9  }
0xb0: {  	_ =	task.clear_ibuf [dreg:s6], $0x4FFFF;
	_ =	strace $0x90000046  }
0xb1: {  	s29 =	simm.s32 $0x9;
	_ =	strace $0x80000048  }
0xb2: {  	_ =	swait.ge [sflag:s29], $0x1  }
0xb3: {  	[sflag:s29] =	ssyncadd.s32 $0xFFFFFFFF  }
0xb4: {  	_ =	strace $0x90000048  }
0xb5: {  	_ =	sfence  }
0xb6: {  	s30 =	sld [smem:$0x0];
	_ =	sdelay $0x2  }
0xb7: {  	s31 =	sshll.u32 s1, $0xD;
	s1 =	sshrl.u32 s1, $0x2  }
0xb8: {  	s3 =	sand.u32 $0x4000, s31;
	s1 =	sadd.s32 s1, s30  }
0xb9: {  	s0 =	sor.u32 s3, s0;
	s1 =	sshll.u32 s1, $0x11  }
0xba: {  	s0 =	sor.u32 s1, s0  }
0xbb: {  	s0 =	sadd.s32 $0x8F2B, s0  }
0xbc: {  	[sflag:s0] =	ssyncadd.remote.s32 $0x1  }
0xbd: {  	_ =	sfence.sel $0xFFFF  }
0xbe: {  	[dreg:$0x0] =	wrdreg $0xFFFFFFFF;
	(pc) =	sbr.abs _section_cstart, $3  }
0xbf: {  	[dreg:$0x1] =	wrdreg $0xFFFFFFFF  }
0xc0: {  	_ =	task.clear_ibuf [dreg:s6], $0x2FFFF;
	_ =	strace $0x9FFFFFFF  }
0xc1: {  	(tm) =	ssettm $0x7FFFFFFF  }
tec
execute0_lowered:
.L_overlay_start_1:
0x0: {  	(tag) =	ssettag $0x1  }
0x1: {  	s0 =	srdreg.scid;
	s5 =	rddreg [dreg:$0x0]  }
0x2: {  	s1 =	stileid.u32;
	s6 =	simm.s32 $0x1;
	s9 =	simm.s32 $0x1  }
0x3: {  	s10 =	simm.s32 $0x3;
	s13 =	simm.s32 $0x0;
	s2 =	sshll.u32 s0, $0x8  }
0x4: {  	s12 =	simm.s32 $0x0;
	s3 =	sshll.u32 s1, $0x9;
	s2 =	sand.u32 $0x100, s2  }
0x5: {  	s0 =	rddreg [dreg:$0x1];
	_ =	strace $0x80000047;
	s2 =	sor.u32 s3, s2  }
0x6: {  	s4 =	sadd.s32 $0x86400, s5;
	[sflag:s6] =	ssyncpa.u1 $0x0;
	s8 =	ssub.s32 $0x4000, s2  }
.Ltmp0:
0x7: {  	s3 =	sadd.s32 $0x1400, s5;
	s7 =	sand.u32 $0x1F00, s8;
	(pc) =	sbr.rel .LBB2_1-.Ltmp0, $4  }
0x8: {  	s5 =	sadd.s32 $0x86C00, s5;
	s11 =	smov.u32 s2;
	p0 =	sne.s32 s7, $0x0  }
0x9: {  	s8 =	sshrl.u32 s8, $0xD;
	s7 =	simm.s32 $0x2;
	s9 =	simm.s32 @!p0 $0x0  }
0xa: {  	[sflag:s7] =	ssyncpa.u1 $0x0;
	p0 =	por $0x0, $0x0;
	s8 =	sadd.s32 s9, s8  }
0xb: {  	vm0 =	vmmov $0xffff;
	[sflag:s10] =	ssyncpa.u1 $0x0;
	s10 =	simm.s32 $0x0;
	s9 =	sadd.s32 $0x1, s8  }
.LBB2_4:
0xc: {  	vm1 =	veq.s32 v0, $0x80000000;
	v63 =	vand.u32 $0x1F, v0;
	v2 =	vand.u32 $0x3FF, v2  }
0xd: {  	v0 =	vsel vm1, $0xFFFFFFFF, v63;
	v2 =	vsel vm1, $0xFFFFFFFF, v2  }
0xe: {  	v3 =	vshll.u32 v0, $0xA;
	v4 =	vshll.u32 v2, $0x3  }
0xf: {  	v0 =	vshll.u32 v0, $0x7;
	v3 =	vand.u32 $0xFFFFE000, v3;
	v4 =	vand.u32 $0xFFFFFC00, v4  }
0x10: {  	v0 =	vand.u32 $0x380, v0;
	v3 =	vadd.s32 v3, v4  }
0x11: {  	v2 =	vand.u32 $0x7F, v2;
	v0 =	vor.u32 v0, v3  }
0x12: {  	v0 =	vor.u32 v2, v0;
	_ =	sdelay $0x1  }
0x13: {  	(ifvalue) =	ssetifvalue $0x7FFFFFFF;
	s14 =	sadd.s32 $0x10, s14  }
0x14: {  	[tilespmem:s14], [sflag:$0x1] =	stream.indirect_vreg.gather [hbm4b:s3+s10], $0x1, v1, vm0, $0x4038;
	[tilespmem:$0x400] =	vst v63  }
0x15: {  	(ifvalue) =	ssetifvalue $0x7FFFFFFF;
	s14 =	sadd.s32 $0x10, s14  }
0x16: {  	[tilespmem:s14], [sflag:$0x1] =	stream.indirect_vreg.gather [hbm4b:s3+s10], $0x1, v0, vm0, $0x4038;
	[tilespmem:$0x400] =	vst v63  }
0x17: {  	_ =	swait.ge [sflag:s6], $0x100  }
0x18: {  	s30 =	sshrl.u32 s13, $0x3;
	[sflag:s6] =	ssyncset.done $0x0  }
0x19: {  	s31 =	sand.u32 $0x7, s13;
	s14 =	sadd.s32 s5, s30;
	[sflag:s6] =	ssyncadd.s32 $0xFFFFFF00  }
0x1a: {  	[hbm4b:s14+s31] =	stream.linear.scatter [tilespmem:s15], [sflag:$0x3], $0x100, $0x38;
	[tilespmem:$0x400] =	vst v63  }
.LBB2_5:
0x1b: {  	s15 =	sadd.s32 $0x2000, s11  }
0x1c: {  	p2 =	sgt.s32 s15, $0x3FFF  }
0x1d: {  	s15 =	smov.u32 @p2 s2;
	p2 =	sne.s32 s12, s9  }
.Ltmp1:
0x1e: {  	p1 =	slt.u32 s12, $0x2;
	(pc) =	sbr.rel @!p2 .LBB2_6-.Ltmp1, $4  }
0x1f: {  	s14 =	simm.s32 @!p1 $0x3  }
0x20: {  	s16 =	sadd.s32 $0x1, s12;
	_ =	swait.ge @!p1 [sflag:s14], $0x100  }
0x21: {  	s13 =	smov.u32 s11;
	p0 =	por !p0, !p0;
	[sflag:s14] =	ssyncset.done @!p1 $0x0  }
0x22: {  	s12 =	smov.u32 s16;
	s11 =	smov.u32 s15;
	[sflag:s14] =	ssyncadd.s32 @!p1 $0xFFFFFF00  }
.LBB2_1:
0x23: {  	p1 =	sge.u32 s12, s8  }
0x24: {  	s14 =	sxor.u32 @!p1 $0xFFFFFFFF, s12  }
0x25: {  	s31 =	sadd.s32 $0xFFFFFFFF, s12;
	s15 =	sshrl.u32 @!p1 s11, $0x3;
	s14 =	sshll.u32 @!p1 s14, $0x8  }
0x26: {  	s16 =	sand.u32 @!p1 $0x7, s11;
	s15 =	sadd.s32 @!p1 s4, s15;
	s14 =	sand.u32 @!p1 $0x100, s14  }
0x27: {  	[tilespmem:s14], [sflag:$0x2] =	stream.linear.gather @!p1 [hbm4b:s15+s16], $0x100, $0x38;
	[tilespmem:$0x400] =	vst v63  }
0x28: {  	p1 =	sge.u32 s31, s8  }
.Ltmp2:
0x29: {  	_ = 	snop;
	(pc) =	sbr.rel @p1 .LBB2_5-.Ltmp2, $1  }
0x2a: {  	_ =	sdelay $0x3  }
0x2b: {  	s14 =	simm.s32 $0x1  }
0x2c: {  	_ =	swait.ge [sflag:s7], $0x100;
	s14 =	simm.s32 @!p0 $0x0  }
0x2d: {  	[sflag:s7] =	ssyncset.done $0x0;
	s14 =	sshll.u32 s14, $0x8  }
0x2e: {  	[sflag:s7] =	ssyncadd.s32 $0xFFFFFF00;
	(ifvalue) =	ssetifvalue $0x7FFFFFFF;
	v0 =	vld.msk [tilespmem:s14+$0x0 ss:$0x1], $0xffff;
	_ =	sdelay $0x3  }
0x2f: {  	s15 =	sadd.s32 $0x10, s14  }
0x30: {  	v2 =	vld.msk [tilespmem:s15+$0x0 ss:$0x1], $0xffff;
	v1 =	vshrl.u32 v0, $0x5  }
0x31: {  	vm1 =	veq.s32 v0, $0x80000000;
	v0 =	vand.u32 $0x1F, v0;
	v1 =	vand.u32 $0x3FF, v1  }
0x32: {  	v0 =	vsel vm1, $0xFFFFFFFF, v0;
	v1 =	vsel vm1, $0xFFFFFFFF, v1  }
0x33: {  	v3 =	vshll.u32 v0, $0xA;
	v4 =	vshll.u32 v1, $0x3  }
0x34: {  	v0 =	vshll.u32 v0, $0x7;
	v3 =	vand.u32 $0xFFFFE000, v3;
	v4 =	vand.u32 $0xFFFFFC00, v4  }
0x35: {  	vm1 =	veq.s32 v2, $0x80000000;
	v0 =	vand.u32 $0x380, v0;
	v3 =	vadd.s32 v3, v4  }
0x36: {  	v1 =	vand.u32 $0x7F, v1;
	v0 =	vor.u32 v0, v3;
	v3 =	vshrl.u32 v2, $0x5  }
0x37: {  	s17 =	sadd.s32 $0x10, s15;
	v2 =	vand.u32 $0x1F, v2;
	v1 =	vor.u32 v1, v0;
	v3 =	vand.u32 $0x3FF, v3  }
0x38: {  	v0 =	vld.msk [tilespmem:s17+$0x0 ss:$0x1], $0xffff;
	v2 =	vsel vm1, $0xFFFFFFFF, v2;
	v3 =	vsel vm1, $0xFFFFFFFF, v3  }
0x39: {  	v63 =	vshll.u32 v2, $0xA;
	v5 =	vshll.u32 v3, $0x3  }
0x3a: {  	s31 =	sshll.u32 s12, $0x8;
	v2 =	vshll.u32 v2, $0x7;
	v4 =	vand.u32 $0xFFFFE000, v63;
	v5 =	vand.u32 $0xFFFFFC00, v5  }
0x3b: {  	s14 =	sor.u32 $0x200, s14;
	s15 =	sand.u32 $0x100, s31;
	(ifvalue) =	ssetifvalue $0x7FFFFFFF;
	v2 =	vand.u32 $0x380, v2;
	v4 =	vadd.s32 v4, v5  }
0x3c: {  	[tilespmem:s14], [sflag:$0x1] =	stream.indirect_vreg.gather [hbm4b:s3+s10], $0x1, v1, vm0, $0x4038;
	v1 =	vand.u32 $0x7F, v3;
	v3 =	vor.u32 v2, v4;
	[tilespmem:$0x400] =	vst v63  }
0x3d: {  	s16 =	simm.s32 $0x20;
	s15 =	sor.u32 $0x200, s15;
	s17 =	sadd.s32 $0x10, s17;
	v2 =	vshrl.u32 v0, $0x5;
	v1 =	vor.u32 v1, v3  }
.LBB2_3:
0x3e: {  	s16 =	sadd.s32 $0x10, s16;
	vm1 =	veq.s32 v0, $0x80000000;
	v3 =	vand.u32 $0x1F, v0;
	v0 =	vld.msk [tilespmem:s17+$0x0 ss:$0x1], $0xffff;
	v2 =	vand.u32 $0x3FF, v2  }
0x3f: {  	p1 =	slt.u32 s16, $0xF0;
	v3 =	vsel vm1, $0xFFFFFFFF, v3;
	v2 =	vsel vm1, $0xFFFFFFFF, v2  }
.Ltmp3:
0x40: {  	v4 =	vshll.u32 v3, $0xA;
	v5 =	vshll.u32 v2, $0x3;
	(pc) =	sbr.rel @p1 .LBB2_3-.Ltmp3, $4  }
0x41: {  	s14 =	sadd.s32 $0x10, s14;
	v3 =	vshll.u32 v3, $0x7;
	v4 =	vand.u32 $0xFFFFE000, v4;
	v5 =	vand.u32 $0xFFFFFC00, v5;
	(ifvalue) =	ssetifvalue $0x7FFFFFFF  }
0x42: {  	v3 =	vand.u32 $0x380, v3;
	v4 =	vadd.s32 v4, v5;
	[tilespmem:s14], [sflag:$0x1] =	stream.indirect_vreg.gather [hbm4b:s3+s10], $0x1, v1, vm0, $0x4038;
	[tilespmem:$0x400] =	vst v63  }
0x43: {  	v1 =	vand.u32 $0x7F, v2;
	v3 =	vor.u32 v3, v4  }
0x44: {  	s17 =	sadd.s32 $0x10, s17;
	v2 =	vshrl.u32 v0, $0x5;
	v1 =	vor.u32 v1, v3  }
.Ltmp4:
0x45: {  	_ = 	snop;
	(pc) =	sbr.rel .LBB2_4-.Ltmp4, $1  }
0x46: {  	_ =	sdelay $0x3  }
.LBB2_6:
0x47: {  	_ =	sfence.sel $0x180000  }
0x48: {  	s2 =	simm.s32 $0x2;
	[bflag:$0x0] =	sbarrier.arrive $0xFFFF  }
0x49: {  	s30 =	simm.s32 $0x3;
	[sflag:s2] =	ssyncpa.u1 $0x1  }
0x4a: {  	s31 =	simm.s32 $0x1;
	[sflag:s30] =	ssyncpa.u1 $0x1  }
0x4b: {  	[sflag:s31] =	ssyncpa.u1 $0x1  }
0x4c: {  	p0 =	sne.s32 s1, $0x0;
	_ =	strace $0x90000047  }
0x4d: {  	s0 =	sadd.s32 @!p0 $0x100000, s0;
	[bflag:$0x2] =	sbarrier.arrive $0xFFFF  }
0x4e: {  	[sflag:s0] =	ssyncadd.tile.s32 @!p0 $0x1;
	_ =	shalt  }
.Lfunc_end2:
_tile_overlayer_lowered:
.L_overlay_start_2:
0x4f: {  	(tag) =	ssettag $0x2  }
0x50: {  	s0 =	rddreg [dreg:$0x0];
	s2 =	stileid.u32  }
0x51: {  	s1 =	rddreg [dreg:$0x1];
	p0 =	sne.s32 s2, $0x0  }
0x52: {  	s3 =	rddreg [dreg:$0x2];
	[bflag:$0x3] =	sbarrier.arrive $0xFFFF;
	s2 =	simm.s32 @!p0 $0x1C01  }
0x53: {  	[timem:s3], [sflag:s2] =	dma.local @!p0 [hbm:s0], s1  }
0x54: {  	s0 =	simm.s32 @!p0 $0x1  }
0x55: {  	_ =	swait.ge @!p0 [sflag:s0], s1  }
0x56: {  	s1 =	ssub.s32 @!p0 $0x0, s1;
	[sflag:s0] =	ssyncset.done @!p0 $0x0  }
0x57: {  	[sflag:s0] =	ssyncadd.s32 @!p0 s1  }
0x58: {  	[bflag:$0x3] =	sbarrier.arrive $0xFFFF  }
0x59: {  	_ =	shalt  }

// kernel: gather_offload_async_start.2
scs
__scs_entry_jumppad:
0x0: {  	(pc) =	sbr.rel $0x88, $3  }
0x1: {  	(tag) =	ssettag $0x0;
	lr =	simm.s32 $0x1  }
0x2: {  	[smem:$0x3F8A] =	sst lr;
	_ =	strace $0xD0000000  }
0x3: {  	_ = 	snop  }
0x4: {  	_ = 	snop  }
0x5: {  	_ = 	snop  }
0x6: {  	_ = 	snop  }
0x7: {  	_ = 	snop  }
__scs_overlays_trampoline_lowered:
0x8: {  	[smem:$0x3F99] =	sst s0  }
0x9: {  	[smem:$0x3F9A] =	sst s1  }
0xa: {  	[smem:$0x3F9B] =	sst s2  }
0xb: {  	[smem:$0x3F9C] =	sst s3  }
0xc: {  	[smem:$0x3F9D] =	sst s4  }
0xd: {  	[smem:$0x3F9E] =	sst s5  }
0xe: {  	[smem:$0x3F9F] =	sst s6  }
0xf: {  	[smem:$0x3FA0] =	sst s7  }
0x10: {  	[smem:$0x3FA1] =	sst s8  }
0x11: {  	[smem:$0x3FA2] =	sst s9;
	s0 =	simm.s32 @!p0 $0x0  }
0x12: {  	s1 =	sld [smem:$0x3F88];
	s0 =	simm.s32 @p0 $0x1  }
0x13: {  	[smem:$0x3FA3] =	sst s0;
	s0 =	simm.s32 @!p1 $0x0  }
0x14: {  	s2 =	sld [smem:$0x3F87];
	s0 =	simm.s32 @p1 $0x1  }
0x15: {  	[smem:$0x3FA4] =	sst s0;
	s0 =	simm.s32 @!p2 $0x0  }
0x16: {  	s3 =	sld [smem:$0x3FDB];
	s0 =	simm.s32 @p2 $0x1  }
0x17: {  	s4 =	simm.s32 $0x1BF5;
	[smem:$0x3FA6] =	sst s0  }
0x18: {  	s0 =	sld [smem:$0x3F89];
	_ =	swait.ge [sflag:s4], $0x0  }
0x19: {  	s7 =	sld [smem:$0x3F8A]  }
0x1a: {  	s8 =	sadd.s32 $0xFFFFE003, lr  }
0x1b: {  	s9 =	sadd.s32 $0xFFFFFEF7, lr;
	s5 =	simm.s32 $0xFFFFFFFF;
	p2 =	slt.u32 s8, $0xFFFFF086  }
0x1c: {  	p1 =	slt.u32 s9, $0xF7A;
	s5 =	simm.s32 @!p2 $0x0  }
0x1d: {  	s5 =	simm.s32 @p1 $0x1;
	p0 =	seq.s32 s7, s2  }
0x1e: {  	s7 =	smul.u32 @!p0 $0xF7A, s2;
	p2 =	seq.s32 @!p0 s5, $0x0  }
0x1f: {  	s9 =	smul.u32 $0xF7A, s1;
	s8 =	simm.s32 @!p0 $0x1BF5;
	p2 =	por !p2, p0  }
0x20: {  	[sflag:s8] =	ssyncset.s32 @!p0 $0xFFFFF086;
	s6 =	sadd.s32 @!p0 s3, s7;
	s7 =	simm.s32 @!p0 $0x108  }
0x21: {  	s3 =	sadd.s32 s3, s9;
	s6 =	sadd.s32 @!p0 $0x88, s6;
	s7 =	simm.s32 @p2 $0x1082  }
0x22: {  	[simem:s7], [sflag:s8] =	dma.local @!p0 [hbm:s6], $0xF7A  }
0x23: {  	s9 =	sor.u32 $0xD0000000, s2;
	s6 =	simm.s32 $0x108;
	_ =	swait.ge @!p0 [sflag:s8], $0x0  }
0x24: {  	s3 =	sadd.s32 $0x88, s3;
	s6 =	simm.s32 @!p1 $0x1082;
	[sflag:s4] =	ssyncset.s32 $0xFFFFF086  }
0x25: {  	[simem:s6], [sflag:s4] =	dma.local [hbm:s3], $0xF7A  }
0x26: {  	[smem:$0x3F8A] =	sst s1;
	(tag) =	ssettag s2;
	_ =	strace s9  }
0x27: {  	s1 =	sld [smem:$0x3F9A]  }
0x28: {  	s2 =	sld [smem:$0x3F9B]  }
0x29: {  	s4 =	sld [smem:$0x3F9D]  }
0x2a: {  	p0 =	seq.s32 s5, $0x0;
	s5 =	sld [smem:$0x3F9E]  }
0x2b: {  	s6 =	sld [smem:$0x3F9F]  }
0x2c: {  	s7 =	sld [smem:$0x3FA0]  }
0x2d: {  	s3 =	simm.s32 $0x108;
	s8 =	sld [smem:$0x3FA1]  }
0x2e: {  	s3 =	simm.s32 @!p0 $0x1082;
	s9 =	sld [smem:$0x3FA2]  }
0x2f: {  	lr =	sadd.s32 s0, s3;
	s0 =	sld [smem:$0x3F99]  }
0x30: {  	s3 =	sld [smem:$0x3F9C]  }
0x31: {  	[smem:$0x3FA5] =	sst s10  }
0x32: {  	s10 =	sld [smem:$0x3FA3];
	_ =	sdelay $0x3  }
0x33: {  	p0 =	seq.s32 s10, $0x1;
	s10 =	sld [smem:$0x3FA5];
	_ =	sdelay $0x3  }
0x34: {  	[smem:$0x3FA5] =	sst s10  }
0x35: {  	s10 =	sld [smem:$0x3FA4];
	_ =	sdelay $0x3  }
0x36: {  	p1 =	seq.s32 s10, $0x1;
	s10 =	sld [smem:$0x3FA5];
	_ =	sdelay $0x3  }
0x37: {  	[smem:$0x3FA5] =	sst s10  }
0x38: {  	s10 =	sld [smem:$0x3FA6]  }
0x39: {  	_ = 	snop;
	(pc) =	sbr.ind lr, $3  }
0x3a: {  	_ = 	snop  }
0x3b: {  	_ = 	snop  }
0x3c: {  	p2 =	seq.s32 s10, $0x1;
	s10 =	sld [smem:$0x3FA5]  }
0x3d: {  	_ =	shalt  }
0x3e: {  	_ =	shalt  }
0x3f: {  	_ =	shalt  }
0x40: {  	_ =	shalt  }
0x41: {  	_ =	shalt  }
0x42: {  	_ =	shalt  }
0x43: {  	_ =	shalt  }
0x44: {  	_ =	shalt  }
0x45: {  	_ =	shalt  }
0x46: {  	_ =	shalt  }
0x47: {  	_ =	shalt  }
0x48: {  	_ =	shalt  }
0x49: {  	_ =	shalt  }
0x4a: {  	_ =	shalt  }
0x4b: {  	_ =	shalt  }
0x4c: {  	_ =	shalt  }
0x4d: {  	_ =	shalt  }
0x4e: {  	_ =	shalt  }
0x4f: {  	_ =	shalt  }
0x50: {  	_ =	shalt  }
0x51: {  	_ =	shalt  }
0x52: {  	_ =	shalt  }
0x53: {  	_ =	shalt  }
0x54: {  	_ =	shalt  }
0x55: {  	_ =	shalt  }
0x56: {  	_ =	shalt  }
0x57: {  	_ =	shalt  }
0x58: {  	_ =	shalt  }
0x59: {  	_ =	shalt  }
0x5a: {  	_ =	shalt  }
0x5b: {  	_ =	shalt  }
0x5c: {  	_ =	shalt  }
0x5d: {  	_ =	shalt  }
0x5e: {  	_ =	shalt  }
0x5f: {  	_ =	shalt  }
0x60: {  	_ =	shalt  }
0x61: {  	_ =	shalt  }
0x62: {  	_ =	shalt  }
0x63: {  	_ =	shalt  }
0x64: {  	_ =	shalt  }
0x65: {  	_ =	shalt  }
0x66: {  	_ =	shalt  }
0x67: {  	_ =	shalt  }
0x68: {  	_ =	shalt  }
0x69: {  	_ =	shalt  }
0x6a: {  	_ =	shalt  }
0x6b: {  	_ =	shalt  }
0x6c: {  	_ =	shalt  }
0x6d: {  	_ =	shalt  }
0x6e: {  	_ =	shalt  }
0x6f: {  	_ =	shalt  }
0x70: {  	_ =	shalt  }
0x71: {  	_ =	shalt  }
0x72: {  	_ =	shalt  }
0x73: {  	_ =	shalt  }
0x74: {  	_ =	shalt  }
0x75: {  	_ =	shalt  }
0x76: {  	_ =	shalt  }
0x77: {  	_ =	shalt  }
0x78: {  	_ =	shalt  }
0x79: {  	_ =	shalt  }
0x7a: {  	_ =	shalt  }
0x7b: {  	_ =	shalt  }
0x7c: {  	_ =	shalt  }
0x7d: {  	_ =	shalt  }
0x7e: {  	_ =	shalt  }
0x7f: {  	_ =	shalt  }
0x80: {  	_ =	shalt  }
0x81: {  	_ =	shalt  }
0x82: {  	_ =	shalt  }
0x83: {  	_ =	shalt  }
0x84: {  	_ =	shalt  }
0x85: {  	_ =	shalt  }
0x86: {  	_ =	shalt  }
0x87: {  	_ =	shalt  }
.Lfunc_end0:
.L_simem_size_0:
called_computation.4_lowered:
.L_overlay_start_0:
0x88: {  	s2 =	sld [smem:$0x3FD9]  }
0x89: {  	s3 =	sld [smem:$0x3FFE];
	_ =	sdelay $0x1  }
0x8a: {  	s1 =	srdreg.scid  }
0x8b: {  	s0 =	sand.u32 $0x1, s1  }
0x8c: {  	s17 =	sshll.u32 s0, $0xA;
	s2 =	sadd.s32 s3, s2  }
0x8d: {  	s2 =	sadd.s32 s2, s17  }
0x8e: {  	[smem:$0x3FB1] =	sst s2  }
0x8f: {  	_ = 	snop  }
0x90: {  	s2 =	sld [smem:$0x3FD0];
	(tm) =	ssettm $0x1  }
0x91: {  	s18 =	sld [smem:$0x3FFB];
	_ =	sdelay $0x3  }
0x92: {  	_ =	strace s18  }
0x93: {  	s3 =	sld [smem:$0x3FFC];
	_ =	sdelay $0x3  }
0x94: {  	_ =	strace s3  }
0x95: {  	s3 =	sld [smem:$0x3FFD];
	_ =	sdelay $0x3  }
0x96: {  	_ =	strace s3  }
0x97: {  	_ =	strace $0x8FFFFFFF  }
0x98: {  	s19 =	sld [smem:$0x3FDB];
	_ =	sdelay $0x1  }
0x99: {  	s4 =	simm.s32 $_scs_section_size  }
0x9a: {  	s5 =	simm.s32 $_size__tile_overlayer_lowered;
	s6 =	simm.s32 $_tile_overlayer_lowered  }
0x9b: {  	s22 =	simm.s32 $0x1BFF;
	s21 =	sshll.u32 s6, $0x1;
	s3 =	sadd.s32 s4, s19  }
0x9c: {  	s7 =	simm.s32 $0x0;
	s20 =	sshll.u32 s5, $0x1;
	s5 =	sadd.s32 s21, s3  }
0x9d: {  	[timem:s7], [sflag:s22] =	dma.local [hbm:s5], s20  }
0x9e: {  	_ =	swait.ge [sflag:s22], s20  }
0x9f: {  	s4 =	ssub.s32 $0x0, s20;
	[sflag:s22] =	ssyncset.done $0x0  }
0xa0: {  	[sflag:s22] =	ssyncadd.s32 s4;
	_ =	sdelay $0x1  }
0xa1: {  	s23 =	simm.s32 $0x1B8B  }
0xa2: {  	_ =	swait.ge [sflag:s23], $0x1  }
0xa3: {  	[sflag:s23] =	ssyncset.done $0x0  }
0xa4: {  	s25 =	simm.s32 $0x1B8E;
	s24 =	sld [smem:$0x3FFE];
	[sflag:s23] =	ssyncadd.s32 $0xFFFFFFFF  }
0xa5: {  	s26 =	simm.s32 $execute0_lowered;
	[smem:$0x3FD2] =	sst s25  }
0xa6: {  	s5 =	sshll.u32 s26, $0x1;
	_ =	strace $0x8000004F;
	[dreg:$0x1] =	wrdreg $0xFFFFFFFF  }
0xa7: {  	s28 =	simm.s32 $_size_execute0_lowered;
	s3 =	sadd.s32 s3, s5;
	[dreg:$0x0] =	wrdreg $0x0  }
0xa8: {  	s5 =	sshll.u32 s28, $0x1;
	[dreg:$0x2] =	wrdreg s3  }
0xa9: {  	[dreg:$0x3] =	wrdreg s5  }
0xaa: {  	[dreg:$0x4] =	wrdreg $0xC0  }
0xab: {  	_ =	task [dreg:s7], $0x5FFFF  }
0xac: {  	[dreg:$0x1] =	wrdreg $0xFFFFFFFF  }
0xad: {  	[dreg:$0x0] =	wrdreg $0x60  }
0xae: {  	[dreg:$0x2] =	wrdreg s24  }
0xaf: {  	[dreg:$0x3] =	wrdreg s2  }
0xb0: {  	[dreg:$0x4] =	wrdreg $0x9  }
0xb1: {  	_ =	task.clear_ibuf [dreg:s7], $0x5FFFF;
	_ =	strace $0x9000004F  }
0xb2: {  	s29 =	simm.s32 $0x9;
	_ =	strace $0x80000051  }
0xb3: {  	_ =	swait.ge [sflag:s29], $0x1  }
0xb4: {  	[sflag:s29] =	ssyncadd.s32 $0xFFFFFFFF  }
0xb5: {  	_ =	strace $0x90000051  }
0xb6: {  	_ =	sfence  }
0xb7: {  	s30 =	sld [smem:$0x0];
	_ =	sdelay $0x2  }
0xb8: {  	s31 =	sshll.u32 s1, $0xD;
	s1 =	sshrl.u32 s1, $0x2  }
0xb9: {  	s3 =	sand.u32 $0x4000, s31;
	s1 =	sadd.s32 s1, s30  }
0xba: {  	s0 =	sor.u32 s3, s0;
	s1 =	sshll.u32 s1, $0x11  }
0xbb: {  	s0 =	sor.u32 s1, s0  }
0xbc: {  	s0 =	sadd.s32 $0x8F2B, s0  }
0xbd: {  	[sflag:s0] =	ssyncadd.remote.s32 $0x1  }
0xbe: {  	_ =	sfence.sel $0xFFFF  }
0xbf: {  	[dreg:$0x0] =	wrdreg $0xFFFFFFFF;
	(pc) =	sbr.abs _section_cstart, $3  }
0xc0: {  	[dreg:$0x1] =	wrdreg $0xFFFFFFFF  }
0xc1: {  	_ =	task.clear_ibuf [dreg:s7], $0x2FFFF;
	_ =	strace $0x9FFFFFFF  }
0xc2: {  	(tm) =	ssettm $0x7FFFFFFF  }
0xc3: {  	_ =	shalt  }
tec
execute0_lowered:
.L_overlay_start_1:
0x0: {  	(tag) =	ssettag $0x1  }
0x1: {  	s5 =	rddreg [dreg:$0x0];
	s0 =	srdreg.scid  }
0x2: {  	s2 =	rddreg [dreg:$0x1];
	s1 =	stileid.u32;
	s6 =	simm.s32 $0x1  }
0x3: {  	s9 =	simm.s32 $0x1;
	s10 =	simm.s32 $0x3;
	s3 =	sshll.u32 s0, $0x6  }
0x4: {  	s13 =	simm.s32 $0x0;
	s4 =	sshll.u32 s1, $0x7;
	s3 =	sand.u32 $0x40, s3  }
0x5: {  	s0 =	rddreg [dreg:$0x2];
	_ =	strace $0x80000050;
	s3 =	sor.u32 s4, s3  }
0x6: {  	s12 =	simm.s32 $0x0;
	[sflag:s6] =	ssyncpa.u1 $0x0;
	s8 =	ssub.s32 $0x1000, s3  }
.Ltmp0:
0x7: {  	s4 =	sadd.s32 $0x107400, s5;
	s7 =	sand.u32 $0x7C0, s8;
	(pc) =	sbr.rel .LBB2_1-.Ltmp0, $4  }
0x8: {  	s5 =	sadd.s32 $0xC6600, s5;
	s11 =	smov.u32 s3;
	p0 =	sne.s32 s7, $0x0  }
0x9: {  	s8 =	sshrl.u32 s8, $0xB;
	s7 =	simm.s32 $0x2;
	s9 =	simm.s32 @!p0 $0x0  }
0xa: {  	[sflag:s7] =	ssyncpa.u1 $0x0;
	p0 =	por $0x0, $0x0;
	s8 =	sadd.s32 s9, s8  }
0xb: {  	vm0 =	vmmov $0xffff;
	[sflag:s10] =	ssyncpa.u1 $0x0;
	s10 =	simm.s32 $0x0;
	s9 =	sadd.s32 $0x1, s8  }
.LBB2_4:
0xc: {  	v5 =	vshll.u32 v1, $0x2  }
0xd: {  	vm1 =	veq.s32 v1, $0x80000000;
	v60 =	vand.u32 $0x1F, v1;
	v5 =	vand.u32 $0xFF80, v5  }
0xe: {  	v1 =	vsel vm1, $0xFFFFFFFF, v60;
	v5 =	vsel vm1, $0xFFFFFF80, v5  }
0xf: {  	v3 =	vor.u32 v4, v3;
	v6 =	vand.u32 $0xFFFFFC00, v1;
	v61 =	vand.u32 $0xFFFFFC00, v5  }
0x10: {  	v2 =	vor.u32 v2, v3;
	v63 =	vand.u32 $0x380, v5;
	v62 =	vadd.s32 v6, v61  }
0x11: {  	v1 =	vand.u32 $0x7F, v1;
	v3 =	vor.u32 v63, v62  }
0x12: {  	v1 =	vor.u32 v1, v3  }
0x13: {  	[tilespmem:s15], [sflag:$0x1] =	stream.indirect_vreg.gather [hbm4b:s4+s10], $0x1, v0, vm0, $0x4038;
	[tilespmem:$0x100] =	vst v63  }
0x14: {  	(ifvalue) =	ssetifvalue $0x7FFFFFFF  }
0x15: {  	[tilespmem:s16], [sflag:$0x1] =	stream.indirect_vreg.gather [hbm4b:s4+s10], $0x1, v2, vm0, $0x4038;
	[tilespmem:$0x100] =	vst v63  }
0x16: {  	s29 =	sadd.s32 $0x10, s16;
	(ifvalue) =	ssetifvalue $0x7FFFFFFF  }
0x17: {  	[tilespmem:s29], [sflag:$0x1] =	stream.indirect_vreg.gather [hbm4b:s4+s10], $0x1, v1, vm0, $0x4038;
	[tilespmem:$0x100] =	vst v63  }
0x18: {  	_ =	swait.ge [sflag:s6], $0x40  }
0x19: {  	s30 =	sshrl.u32 s13, $0x3;
	[sflag:s6] =	ssyncset.done $0x0  }
0x1a: {  	s31 =	sand.u32 $0x7, s13;
	s15 =	sadd.s32 s5, s30;
	[sflag:s6] =	ssyncadd.s32 $0xFFFFFFC0  }
0x1b: {  	[hbm4b:s15+s31] =	stream.linear.scatter [tilespmem:s14], [sflag:$0x3], $0x40, $0x38;
	[tilespmem:$0x100] =	vst v63  }
.LBB2_5:
0x1c: {  	s15 =	sadd.s32 $0x800, s11  }
0x1d: {  	p2 =	sgt.s32 s15, $0xFFF  }
0x1e: {  	s15 =	smov.u32 @p2 s3;
	p2 =	sne.s32 s12, s9  }
.Ltmp1:
0x1f: {  	p1 =	slt.u32 s12, $0x2;
	(pc) =	sbr.rel @!p2 .LBB2_6-.Ltmp1, $4  }
0x20: {  	s14 =	simm.s32 @!p1 $0x3  }
0x21: {  	s16 =	sadd.s32 $0x1, s12;
	_ =	swait.ge @!p1 [sflag:s14], $0x40  }
0x22: {  	s13 =	smov.u32 s11;
	p0 =	por !p0, !p0;
	[sflag:s14] =	ssyncset.done @!p1 $0x0  }
0x23: {  	s12 =	smov.u32 s16;
	s11 =	smov.u32 s15;
	[sflag:s14] =	ssyncadd.s32 @!p1 $0xFFFFFFC0  }
.LBB2_1:
0x24: {  	p1 =	sge.u32 s12, s8  }
0x25: {  	s14 =	sxor.u32 @!p1 $0xFFFFFFFF, s12  }
0x26: {  	s31 =	sadd.s32 $0xFFFFFFFF, s12;
	s15 =	sshrl.u32 @!p1 s11, $0x3;
	s14 =	sshll.u32 @!p1 s14, $0x6  }
0x27: {  	s16 =	sand.u32 @!p1 $0x7, s11;
	s15 =	sadd.s32 @!p1 s2, s15;
	s14 =	sand.u32 @!p1 $0x40, s14  }
0x28: {  	[tilespmem:s14], [sflag:$0x2] =	stream.linear.gather @!p1 [hbm4b:s15+s16], $0x40, $0x38;
	[tilespmem:$0x100] =	vst v63  }
0x29: {  	p1 =	sge.u32 s31, s8  }
.Ltmp2:
0x2a: {  	_ = 	snop;
	(pc) =	sbr.rel @p1 .LBB2_5-.Ltmp2, $1  }
0x2b: {  	_ =	sdelay $0x3  }
0x2c: {  	s14 =	simm.s32 $0x1  }
0x2d: {  	_ =	swait.ge [sflag:s7], $0x40;
	s14 =	simm.s32 @!p0 $0x0  }
0x2e: {  	[sflag:s7] =	ssyncset.done $0x0;
	s14 =	sshll.u32 s14, $0x6  }
0x2f: {  	[sflag:s7] =	ssyncadd.s32 $0xFFFFFFC0;
	(ifvalue) =	ssetifvalue $0x7FFFFFFF;
	v0 =	vld.msk [tilespmem:s14+$0x0 ss:$0x1], $0xffff;
	_ =	sdelay $0x4  }
0x30: {  	s15 =	sadd.s32 $0x10, s14;
	v2 =	vshll.u32 v0, $0x2  }
0x31: {  	v1 =	vld.msk [tilespmem:s15+$0x0 ss:$0x1], $0xffff;
	vm1 =	veq.s32 v0, $0x80000000;
	v0 =	vand.u32 $0x1F, v0;
	v2 =	vand.u32 $0xFF80, v2  }
0x32: {  	v0 =	vsel vm1, $0xFFFFFFFF, v0;
	v2 =	vsel vm1, $0xFFFFFF80, v2  }
0x33: {  	v3 =	vand.u32 $0x7F, v0;
	v0 =	vand.u32 $0xFFFFFC00, v0;
	v4 =	vand.u32 $0xFFFFFC00, v2  }
0x34: {  	v2 =	vand.u32 $0x380, v2;
	v0 =	vadd.s32 v0, v4  }
0x35: {  	v0 =	vor.u32 v2, v0  }
0x36: {  	v4 =	vshll.u32 v1, $0x2;
	v0 =	vor.u32 v3, v0  }
0x37: {  	s16 =	sshll.u32 s12, $0x6;
	vm1 =	veq.s32 v1, $0x80000000;
	v1 =	vand.u32 $0x1F, v1;
	v4 =	vand.u32 $0xFF80, v4  }
0x38: {  	s16 =	sand.u32 $0x40, s16;
	s18 =	sadd.s32 $0x10, s15;
	v2 =	vsel vm1, $0xFFFFFFFF, v1;
	v4 =	vsel vm1, $0xFFFFFF80, v4  }
0x39: {  	s17 =	simm.s32 $0x20;
	s15 =	sor.u32 $0x80, s14;
	s14 =	sor.u32 $0x80, s16;
	v1 =	vld.msk [tilespmem:s18+$0x0 ss:$0x1], $0xffff;
	v5 =	vand.u32 $0xFFFFFC00, v2;
	v3 =	vand.u32 $0xFFFFFC00, v4  }
0x3a: {  	s16 =	sadd.s32 $0x10, s15;
	s18 =	sadd.s32 $0x10, s18;
	(ifvalue) =	ssetifvalue $0x7FFFFFFF;
	v2 =	vand.u32 $0x7F, v2;
	v4 =	vand.u32 $0x380, v4;
	v3 =	vadd.s32 v5, v3  }
.LBB2_3:
0x3b: {  	[tilespmem:s15], [sflag:$0x1] =	stream.indirect_vreg.gather [hbm4b:s4+s10], $0x1, v0, vm0, $0x4038;
	[tilespmem:$0x100] =	vst v63  }
0x3c: {  	s17 =	sadd.s32 $0x10, s17  }
0x3d: {  	v3 =	vor.u32 v4, v3;
	p1 =	slt.u32 s17, $0x30  }
.Ltmp3:
0x3e: {  	v4 =	vshll.u32 v1, $0x2;
	s15 =	smov.u32 s16;
	v0 =	vor.u32 v2, v3;
	v2 =	vmov v1;
	v1 =	vld.msk [tilespmem:s18+$0x0 ss:$0x1], $0xffff;
	(pc) =	sbr.rel @p1 .LBB2_3-.Ltmp3, $4  }
0x3f: {  	v3 =	vand.u32 $0xFF80, v4;
	vm1 =	veq.s32 v2, $0x80000000;
	v2 =	vand.u32 $0x1F, v2  }
0x40: {  	v4 =	vsel vm1, $0xFFFFFFFF, v2;
	v5 =	vsel vm1, $0xFFFFFF80, v3  }
0x41: {  	v2 =	vand.u32 $0x7F, v4;
	v3 =	vand.u32 $0xFFFFFC00, v5;
	v4 =	vand.u32 $0xFFFFFC00, v4  }
0x42: {  	s16 =	sadd.s32 $0x10, s16;
	s18 =	sadd.s32 $0x10, s18;
	v3 =	vadd.s32 v4, v3;
	v4 =	vand.u32 $0x380, v5;
	(ifvalue) =	ssetifvalue $0x7FFFFFFF  }
.Ltmp4:
0x43: {  	_ = 	snop;
	(pc) =	sbr.rel .LBB2_4-.Ltmp4, $1  }
0x44: {  	_ =	sdelay $0x3  }
.LBB2_6:
0x45: {  	_ =	sfence.sel $0x180000  }
0x46: {  	s2 =	simm.s32 $0x2;
	[bflag:$0x0] =	sbarrier.arrive $0xFFFF  }
0x47: {  	s30 =	simm.s32 $0x3;
	[sflag:s2] =	ssyncpa.u1 $0x1  }
0x48: {  	s31 =	simm.s32 $0x1;
	[sflag:s30] =	ssyncpa.u1 $0x1  }
0x49: {  	[sflag:s31] =	ssyncpa.u1 $0x1  }
0x4a: {  	p0 =	sne.s32 s1, $0x0;
	_ =	strace $0x90000050  }
0x4b: {  	s0 =	sadd.s32 @!p0 $0x100000, s0;
	[bflag:$0x2] =	sbarrier.arrive $0xFFFF  }
0x4c: {  	[sflag:s0] =	ssyncadd.tile.s32 @!p0 $0x1;
	_ =	shalt  }
.Lfunc_end2:
_tile_overlayer_lowered:
.L_overlay_start_2:
0x4d: {  	(tag) =	ssettag $0x2  }
0x4e: {  	s0 =	rddreg [dreg:$0x0];
	s2 =	stileid.u32  }
0x4f: {  	s1 =	rddreg [dreg:$0x1];
	p0 =	sne.s32 s2, $0x0  }
0x50: {  	s3 =	rddreg [dreg:$0x2];
	[bflag:$0x3] =	sbarrier.arrive $0xFFFF;
	s2 =	simm.s32 @!p0 $0x1C01  }
0x51: {  	[timem:s3], [sflag:s2] =	dma.local @!p0 [hbm:s0], s1  }
0x52: {  	s0 =	simm.s32 @!p0 $0x1  }
0x53: {  	_ =	swait.ge @!p0 [sflag:s0], s1  }
0x54: {  	s1 =	ssub.s32 @!p0 $0x0, s1;
	[sflag:s0] =	ssyncset.done @!p0 $0x0  }
0x55: {  	[sflag:s0] =	ssyncadd.s32 @!p0 s1  }
0x56: {  	[bflag:$0x3] =	sbarrier.arrive $0xFFFF  }
0x57: {  	_ =	shalt  }

// kernel: gather_offload_async_start.3
scs
__scs_entry_jumppad:
0x0: {  	(pc) =	sbr.rel $0x88, $3  }
0x1: {  	(tag) =	ssettag $0x0;
	lr =	simm.s32 $0x1  }
0x2: {  	[smem:$0x3F8A] =	sst lr;
	_ =	strace $0xD0000000  }
0x3: {  	_ = 	snop  }
0x4: {  	_ = 	snop  }
0x5: {  	_ = 	snop  }
0x6: {  	_ = 	snop  }
0x7: {  	_ = 	snop  }
__scs_overlays_trampoline_lowered:
0x8: {  	[smem:$0x3F99] =	sst s0  }
0x9: {  	[smem:$0x3F9A] =	sst s1  }
0xa: {  	[smem:$0x3F9B] =	sst s2  }
0xb: {  	[smem:$0x3F9C] =	sst s3  }
0xc: {  	[smem:$0x3F9D] =	sst s4  }
0xd: {  	[smem:$0x3F9E] =	sst s5  }
0xe: {  	[smem:$0x3F9F] =	sst s6  }
0xf: {  	[smem:$0x3FA0] =	sst s7  }
0x10: {  	[smem:$0x3FA1] =	sst s8  }
0x11: {  	[smem:$0x3FA2] =	sst s9;
	s0 =	simm.s32 @!p0 $0x0  }
0x12: {  	s1 =	sld [smem:$0x3F88];
	s0 =	simm.s32 @p0 $0x1  }
0x13: {  	[smem:$0x3FA3] =	sst s0;
	s0 =	simm.s32 @!p1 $0x0  }
0x14: {  	s2 =	sld [smem:$0x3F87];
	s0 =	simm.s32 @p1 $0x1  }
0x15: {  	[smem:$0x3FA4] =	sst s0;
	s0 =	simm.s32 @!p2 $0x0  }
0x16: {  	s3 =	sld [smem:$0x3FDB];
	s0 =	simm.s32 @p2 $0x1  }
0x17: {  	s4 =	simm.s32 $0x1BF5;
	[smem:$0x3FA6] =	sst s0  }
0x18: {  	s0 =	sld [smem:$0x3F89];
	_ =	swait.ge [sflag:s4], $0x0  }
0x19: {  	s7 =	sld [smem:$0x3F8A]  }
0x1a: {  	s8 =	sadd.s32 $0xFFFFE003, lr  }
0x1b: {  	s9 =	sadd.s32 $0xFFFFFEF7, lr;
	s5 =	simm.s32 $0xFFFFFFFF;
	p2 =	slt.u32 s8, $0xFFFFF086  }
0x1c: {  	p1 =	slt.u32 s9, $0xF7A;
	s5 =	simm.s32 @!p2 $0x0  }
0x1d: {  	s5 =	simm.s32 @p1 $0x1;
	p0 =	seq.s32 s7, s2  }
0x1e: {  	s7 =	smul.u32 @!p0 $0xF7A, s2;
	p2 =	seq.s32 @!p0 s5, $0x0  }
0x1f: {  	s9 =	smul.u32 $0xF7A, s1;
	s8 =	simm.s32 @!p0 $0x1BF5;
	p2 =	por !p2, p0  }
0x20: {  	[sflag:s8] =	ssyncset.s32 @!p0 $0xFFFFF086;
	s6 =	sadd.s32 @!p0 s3, s7;
	s7 =	simm.s32 @!p0 $0x108  }
0x21: {  	s3 =	sadd.s32 s3, s9;
	s6 =	sadd.s32 @!p0 $0x88, s6;
	s7 =	simm.s32 @p2 $0x1082  }
0x22: {  	[simem:s7], [sflag:s8] =	dma.local @!p0 [hbm:s6], $0xF7A  }
0x23: {  	s9 =	sor.u32 $0xD0000000, s2;
	s6 =	simm.s32 $0x108;
	_ =	swait.ge @!p0 [sflag:s8], $0x0  }
0x24: {  	s3 =	sadd.s32 $0x88, s3;
	s6 =	simm.s32 @!p1 $0x1082;
	[sflag:s4] =	ssyncset.s32 $0xFFFFF086  }
0x25: {  	[simem:s6], [sflag:s4] =	dma.local [hbm:s3], $0xF7A  }
0x26: {  	[smem:$0x3F8A] =	sst s1;
	(tag) =	ssettag s2;
	_ =	strace s9  }
0x27: {  	s1 =	sld [smem:$0x3F9A]  }
0x28: {  	s2 =	sld [smem:$0x3F9B]  }
0x29: {  	s4 =	sld [smem:$0x3F9D]  }
0x2a: {  	p0 =	seq.s32 s5, $0x0;
	s5 =	sld [smem:$0x3F9E]  }
0x2b: {  	s6 =	sld [smem:$0x3F9F]  }
0x2c: {  	s7 =	sld [smem:$0x3FA0]  }
0x2d: {  	s3 =	simm.s32 $0x108;
	s8 =	sld [smem:$0x3FA1]  }
0x2e: {  	s3 =	simm.s32 @!p0 $0x1082;
	s9 =	sld [smem:$0x3FA2]  }
0x2f: {  	lr =	sadd.s32 s0, s3;
	s0 =	sld [smem:$0x3F99]  }
0x30: {  	s3 =	sld [smem:$0x3F9C]  }
0x31: {  	[smem:$0x3FA5] =	sst s10  }
0x32: {  	s10 =	sld [smem:$0x3FA3];
	_ =	sdelay $0x3  }
0x33: {  	p0 =	seq.s32 s10, $0x1;
	s10 =	sld [smem:$0x3FA5];
	_ =	sdelay $0x3  }
0x34: {  	[smem:$0x3FA5] =	sst s10  }
0x35: {  	s10 =	sld [smem:$0x3FA4];
	_ =	sdelay $0x3  }
0x36: {  	p1 =	seq.s32 s10, $0x1;
	s10 =	sld [smem:$0x3FA5];
	_ =	sdelay $0x3  }
0x37: {  	[smem:$0x3FA5] =	sst s10  }
0x38: {  	s10 =	sld [smem:$0x3FA6]  }
0x39: {  	_ = 	snop;
	(pc) =	sbr.ind lr, $3  }
0x3a: {  	_ = 	snop  }
0x3b: {  	_ = 	snop  }
0x3c: {  	p2 =	seq.s32 s10, $0x1;
	s10 =	sld [smem:$0x3FA5]  }
0x3d: {  	_ =	shalt  }
0x3e: {  	_ =	shalt  }
0x3f: {  	_ =	shalt  }
0x40: {  	_ =	shalt  }
0x41: {  	_ =	shalt  }
0x42: {  	_ =	shalt  }
0x43: {  	_ =	shalt  }
0x44: {  	_ =	shalt  }
0x45: {  	_ =	shalt  }
0x46: {  	_ =	shalt  }
0x47: {  	_ =	shalt  }
0x48: {  	_ =	shalt  }
0x49: {  	_ =	shalt  }
0x4a: {  	_ =	shalt  }
0x4b: {  	_ =	shalt  }
0x4c: {  	_ =	shalt  }
0x4d: {  	_ =	shalt  }
0x4e: {  	_ =	shalt  }
0x4f: {  	_ =	shalt  }
0x50: {  	_ =	shalt  }
0x51: {  	_ =	shalt  }
0x52: {  	_ =	shalt  }
0x53: {  	_ =	shalt  }
0x54: {  	_ =	shalt  }
0x55: {  	_ =	shalt  }
0x56: {  	_ =	shalt  }
0x57: {  	_ =	shalt  }
0x58: {  	_ =	shalt  }
0x59: {  	_ =	shalt  }
0x5a: {  	_ =	shalt  }
0x5b: {  	_ =	shalt  }
0x5c: {  	_ =	shalt  }
0x5d: {  	_ =	shalt  }
0x5e: {  	_ =	shalt  }
0x5f: {  	_ =	shalt  }
0x60: {  	_ =	shalt  }
0x61: {  	_ =	shalt  }
0x62: {  	_ =	shalt  }
0x63: {  	_ =	shalt  }
0x64: {  	_ =	shalt  }
0x65: {  	_ =	shalt  }
0x66: {  	_ =	shalt  }
0x67: {  	_ =	shalt  }
0x68: {  	_ =	shalt  }
0x69: {  	_ =	shalt  }
0x6a: {  	_ =	shalt  }
0x6b: {  	_ =	shalt  }
0x6c: {  	_ =	shalt  }
0x6d: {  	_ =	shalt  }
0x6e: {  	_ =	shalt  }
0x6f: {  	_ =	shalt  }
0x70: {  	_ =	shalt  }
0x71: {  	_ =	shalt  }
0x72: {  	_ =	shalt  }
0x73: {  	_ =	shalt  }
0x74: {  	_ =	shalt  }
0x75: {  	_ =	shalt  }
0x76: {  	_ =	shalt  }
0x77: {  	_ =	shalt  }
0x78: {  	_ =	shalt  }
0x79: {  	_ =	shalt  }
0x7a: {  	_ =	shalt  }
0x7b: {  	_ =	shalt  }
0x7c: {  	_ =	shalt  }
0x7d: {  	_ =	shalt  }
0x7e: {  	_ =	shalt  }
0x7f: {  	_ =	shalt  }
0x80: {  	_ =	shalt  }
0x81: {  	_ =	shalt  }
0x82: {  	_ =	shalt  }
0x83: {  	_ =	shalt  }
0x84: {  	_ =	shalt  }
0x85: {  	_ =	shalt  }
0x86: {  	_ =	shalt  }
0x87: {  	_ =	shalt  }
.Lfunc_end0:
.L_simem_size_0:
called_computation.5_lowered:
.L_overlay_start_0:
0x88: {  	s2 =	sld [smem:$0x3FD9]  }
0x89: {  	s3 =	sld [smem:$0x3FFE];
	_ =	sdelay $0x1  }
0x8a: {  	s1 =	srdreg.scid  }
0x8b: {  	s0 =	sand.u32 $0x1, s1  }
0x8c: {  	s17 =	sshll.u32 s0, $0xA;
	s2 =	sadd.s32 s3, s2  }
0x8d: {  	s2 =	sadd.s32 s2, s17  }
0x8e: {  	[smem:$0x3FB1] =	sst s2  }
0x8f: {  	_ = 	snop  }
0x90: {  	s18 =	sld [smem:$0x3FD0];
	(tm) =	ssettm $0x1  }
0x91: {  	s19 =	sld [smem:$0x3FFB];
	_ =	sdelay $0x3  }
0x92: {  	_ =	strace s19  }
0x93: {  	s2 =	sld [smem:$0x3FFC];
	_ =	sdelay $0x3  }
0x94: {  	_ =	strace s2  }
0x95: {  	s2 =	sld [smem:$0x3FFD];
	_ =	sdelay $0x3  }
0x96: {  	_ =	strace s2  }
0x97: {  	_ =	strace $0x8FFFFFFF  }
0x98: {  	s20 =	sld [smem:$0x3FDB];
	_ =	sdelay $0x1  }
0x99: {  	s4 =	simm.s32 $_scs_section_size  }
0x9a: {  	s5 =	simm.s32 $_size__tile_overlayer_lowered;
	s6 =	simm.s32 $_tile_overlayer_lowered  }
0x9b: {  	s7 =	simm.s32 $0x1BFF;
	s21 =	sshll.u32 s6, $0x1;
	s4 =	sadd.s32 s4, s20  }
0x9c: {  	s22 =	simm.s32 $0x0;
	s5 =	sshll.u32 s5, $0x1;
	s6 =	sadd.s32 s21, s4  }
0x9d: {  	[timem:s22], [sflag:s7] =	dma.local [hbm:s6], s5  }
0x9e: {  	_ =	swait.ge [sflag:s7], s5  }
0x9f: {  	s5 =	ssub.s32 $0x0, s5;
	[sflag:s7] =	ssyncset.done $0x0  }
0xa0: {  	[sflag:s7] =	ssyncadd.s32 s5;
	_ =	sdelay $0x1  }
0xa1: {  	s23 =	simm.s32 $0x1B8B  }
0xa2: {  	_ =	swait.ge [sflag:s23], $0x1  }
0xa3: {  	[sflag:s23] =	ssyncset.done $0x0  }
0xa4: {  	[sflag:s23] =	ssyncadd.s32 $0xFFFFFFFF  }
0xa5: {  	s5 =	sld [smem:$0x0]  }
0xa6: {  	s6 =	sand.u32 $0xFFFFFFFE, s1  }
0xa7: {  	p0 =	sne.s32 s1, s6  }
0xa8: {  	s6 =	sshll.u32 @p0 s6, $0xE  }
0xa9: {  	s6 =	sadd.s32 @p0 $0x11B8D, s6;
	s7 =	sshll.u32 @p0 s5, $0x11  }
0xaa: {  	s6 =	sor.u32 @p0 s7, s6  }
0xab: {  	[sflag:s6] =	ssyncadd.remote.s32 @p0 $0x1;
	_ =	sdelay $0x1  }
0xac: {  	s6 =	simm.s32 @p0 $0x1B8D  }
0xad: {  	_ =	swait.eq @p0 [sflag:s6], $0x1  }
0xae: {  	[sflag:s6] =	ssyncadd.s32 @p0 $0xFFFFFFFF  }
0xaf: {  	s7 =	sshll.u32 @!p0 s1, $0xE  }
0xb0: {  	s7 =	sor.u32 @!p0 $0x4000, s7;
	s6 =	simm.s32 @!p0 $0x1B8D  }
0xb1: {  	s5 =	sshll.u32 @!p0 s5, $0x11;
	s7 =	sadd.s32 @!p0 $0x11B8D, s7;
	_ =	swait.eq @!p0 [sflag:s6], $0x1  }
0xb2: {  	s5 =	sor.u32 @!p0 s5, s7;
	[sflag:s6] =	ssyncadd.s32 @!p0 $0xFFFFFFFF  }
0xb3: {  	s25 =	simm.s32 $0x1B8E;
	s24 =	sld [smem:$0x3FFE];
	[sflag:s5] =	ssyncadd.remote.s32 @!p0 $0x1  }
0xb4: {  	s26 =	simm.s32 $execute0_lowered;
	[smem:$0x3FD2] =	sst s25  }
0xb5: {  	s6 =	sshll.u32 s26, $0x1;
	_ =	strace $0x80000052;
	[dreg:$0x1] =	wrdreg $0xFFFFFFFF  }
0xb6: {  	s28 =	simm.s32 $_size_execute0_lowered;
	s4 =	sadd.s32 s4, s6;
	[dreg:$0x0] =	wrdreg $0x0  }
0xb7: {  	s6 =	sshll.u32 s28, $0x1;
	[dreg:$0x2] =	wrdreg s4  }
0xb8: {  	[dreg:$0x3] =	wrdreg s6  }
0xb9: {  	[dreg:$0x4] =	wrdreg $0xC0  }
0xba: {  	_ =	task [dreg:s22], $0x5FFFF  }
0xbb: {  	[dreg:$0x1] =	wrdreg $0xFFFFFFFF  }
0xbc: {  	[dreg:$0x0] =	wrdreg $0x60  }
0xbd: {  	[dreg:$0x2] =	wrdreg s24  }
0xbe: {  	[dreg:$0x3] =	wrdreg s18  }
0xbf: {  	[dreg:$0x4] =	wrdreg $0xA  }
0xc0: {  	_ =	task.clear_ibuf [dreg:s22], $0x5FFFF;
	_ =	strace $0x90000052  }
0xc1: {  	s29 =	simm.s32 $0xA;
	_ =	strace $0x80000054  }
0xc2: {  	_ =	swait.ge [sflag:s29], $0x1  }
0xc3: {  	[sflag:s29] =	ssyncadd.s32 $0xFFFFFFFF  }
0xc4: {  	_ =	strace $0x90000054  }
0xc5: {  	_ =	sfence  }
0xc6: {  	s30 =	sld [smem:$0x0];
	_ =	sdelay $0x2  }
0xc7: {  	s31 =	sshll.u32 s1, $0xD;
	s1 =	sshrl.u32 s1, $0x2  }
0xc8: {  	s4 =	sand.u32 $0x4000, s31;
	s1 =	sadd.s32 s1, s30  }
0xc9: {  	s0 =	sor.u32 s4, s0;
	s1 =	sshll.u32 s1, $0x11  }
0xca: {  	s0 =	sor.u32 s1, s0  }
0xcb: {  	s0 =	sadd.s32 $0x8F2B, s0  }
0xcc: {  	[sflag:s0] =	ssyncadd.remote.s32 $0x1  }
0xcd: {  	_ =	sfence.sel $0xFFFF  }
0xce: {  	[dreg:$0x0] =	wrdreg $0xFFFFFFFF;
	(pc) =	sbr.abs _section_cstart, $3  }
0xcf: {  	[dreg:$0x1] =	wrdreg $0xFFFFFFFF  }
0xd0: {  	_ =	task.clear_ibuf [dreg:s22], $0x2FFFF;
	_ =	strace $0x9FFFFFFF  }
0xd1: {  	(tm) =	ssettm $0x7FFFFFFF  }
tec
execute0_lowered:
.L_overlay_start_1:
0x0: {  	(tag) =	ssettag $0x1  }
0x1: {  	s7 =	rddreg [dreg:$0x0]  }
0x2: {  	s2 =	rddreg [dreg:$0x1]  }
0x3: {  	s0 =	rddreg [dreg:$0x2]  }
0x4: {  	s1 =	srdreg.scid;
	_ =	strace $0x80000053;
	s4 =	simm.s32 $0x1  }
0x5: {  	s9 =	simm.s32 $0x3;
	s12 =	simm.s32 $0x0;
	s5 =	sshll.u32 s1, $0x4  }
.Ltmp0:
0x6: {  	s1 =	stileid.u32;
	s5 =	sand.u32 $0x10, s5;
	(pc) =	sbr.rel .LBB2_1-.Ltmp0, $4  }
0x7: {  	s10 =	simm.s32 $0x0;
	s3 =	sadd.s32 $0x109400, s7;
	s6 =	sor.u32 s1, s5  }
0x8: {  	[sflag:s4] =	ssyncpa.u1 $0x0;
	s5 =	simm.s32 $0x2;
	s6 =	sshll.u32 s6, $0x7  }
0x9: {  	s7 =	sadd.s32 $0xC9400, s7;
	[sflag:s5] =	ssyncpa.u1 $0x0;
	s8 =	sadd.s32 $0x80, s6  }
0xa: {  	vm0 =	vmmov $0xff;
	vm1 =	vcmask $0x3F20;
	[sflag:s9] =	ssyncpa.u1 $0x0;
	s9 =	simm.s32 $0x80;
	s11 =	smov.u32 s6  }
.LBB2_9:
0xb: {  	p0 =	seq.s32 s10, $0x2  }
.Ltmp1:
0xc: {  	_ = 	snop;
	(pc) =	sbr.rel @p0 .LBB2_11-.Ltmp1, $1  }
0xd: {  	_ =	sdelay $0x3  }
.LBB2_10:
0xe: {  	s12 =	sadd.s32 $0x80, s11  }
0xf: {  	s13 =	smov.u32 s6;
	p0 =	slt.s32 s12, s8  }
0x10: {  	s13 =	smov.u32 @p0 s12  }
0x11: {  	s10 =	sadd.s32 $0x1, s10;
	s12 =	smov.u32 s11;
	s11 =	smov.u32 s13  }
.LBB2_1:
0x12: {  	p0 =	sne.s32 s10, $0x0  }
.Ltmp2:
0x13: {  	_ = 	snop;
	(pc) =	sbr.rel @!p0 .LBB2_2-.Ltmp2, $1  }
0x14: {  	_ =	sdelay $0x3  }
0x15: {  	s13 =	sand.u32 $0x1, s10  }
0x16: {  	p0 =	seq.s32 s13, $0x0  }
.Ltmp3:
0x17: {  	_ = 	snop;
	(pc) =	sbr.rel @p0 .LBB2_9-.Ltmp3, $1  }
0x18: {  	_ =	sdelay $0x3  }
0x19: {  	_ =	swait.ge [sflag:s5], $0x80  }
0x1a: {  	[sflag:s5] =	ssyncset.done $0x0  }
0x1b: {  	s13 =	simm.s32 $0x0;
	[sflag:s5] =	ssyncadd.s32 $0xFFFFFF80  }
0x1c: {  	v0 =	vld.msk [tilespmem:s13+$0x80 ss:$0x1], $0xffff;
	_ =	sdelay $0x4  }
0x1d: {  	v1 =	vshll.u32 v0, $0x2  }
0x1e: {  	vm2 =	veq.s32 v0, $0x80000000;
	v0 =	vshll.u32 v0, $0x10;
	v1 =	vand.u32 $0xFF80, v1  }
0x1f: {  	v0 =	vand.u32 $0x1F0000, v0;
	v1 =	vsel vm2, $0xFFFFFF80, v1  }
0x20: {  	v0 =	vsel vm2, $0xFFFF0000, v0;
	v2 =	vand.u32 $0xFFFFFC00, v1  }
0x21: {  	v1 =	vand.u32 $0x380, v1;
	v0 =	vadd.s32 v0, v2  }
0x22: {  	v0 =	vor.u32 v1, v0  }
0x23: {  	v0 =	vshrl.u32 v0, $0x3;
	_ =	sdelay $0x3  }
0x24: {  	s13 =	simm.s32 $0x4100  }
0x25: {  	[tilespmem:s13], [sflag:$0x1] =	stream.indirect_vreg.gather [hbm:s3], $0x80, v0, vm0, $0x38;
	[tilespmem:$0x8100] =	vst v63  }
0x26: {  	s14 =	simm.s32 $0x4500;
	s31 =	simm.s32 $0x10  }
0x27: {  	[tilespmem:s14], [sflag:$0x1] =	stream.indirect_vreg.gather [hbm:s3], $0x80, v0, vm1, $0x38;
	[tilespmem:$0x8100] =	vst v63  }
0x28: {  	s14 =	simm.s32 $0x80;
	v0 =	vld.msk [tilespmem:s31+$0x80 ss:$0x1], $0xffff  }
.LBB2_5:
0x29: {  	p0 =	sne.s32 s14, $0x1C0;
	_ =	sdelay $0x4  }
0x2a: {  	v1 =	vshll.u32 v0, $0x2  }
0x2b: {  	vm2 =	veq.s32 v0, $0x80000000;
	v0 =	vshll.u32 v0, $0x10;
	v1 =	vand.u32 $0xFF80, v1  }
0x2c: {  	v0 =	vand.u32 $0x1F0000, v0;
	v1 =	vsel vm2, $0xFFFFFF80, v1  }
0x2d: {  	v0 =	vsel vm2, $0xFFFF0000, v0;
	v2 =	vand.u32 $0xFFFFFC00, v1  }
0x2e: {  	v1 =	vand.u32 $0x380, v1;
	v0 =	vadd.s32 v0, v2  }
0x2f: {  	v0 =	vor.u32 v1, v0  }
0x30: {  	v0 =	vshrl.u32 v0, $0x3;
	_ =	sdelay $0x3  }
.Ltmp4:
0x31: {  	s13 =	sadd.s32 $0x800, s13;
	(pc) =	sbr.rel @p0 .LBB2_5-.Ltmp4, $4  }
0x32: {  	[tilespmem:s13], [sflag:$0x1] =	stream.indirect_vreg.gather [hbm:s3], $0x80, v0, vm0, $0x38;
	[tilespmem:$0x8100] =	vst v63  }
0x33: {  	s15 =	sshra.s32 s14, $0x2;
	s16 =	sadd.s32 $0x400, s13  }
0x34: {  	[tilespmem:s16], [sflag:$0x1] =	stream.indirect_vreg.gather [hbm:s3], $0x80, v0, vm1, $0x38;
	[tilespmem:$0x8100] =	vst v63  }
0x35: {  	s14 =	sadd.s32 $0x40, s14;
	v0 =	vld.msk [tilespmem:s15+$0x80 ss:$0x1], $0xffff  }
0x36: {  	_ =	sdelay $0x3  }
0x37: {  	v1 =	vshll.u32 v0, $0x2  }
0x38: {  	vm2 =	veq.s32 v0, $0x80000000;
	v63 =	vshll.u32 v0, $0x10;
	v1 =	vand.u32 $0xFF80, v1  }
0x39: {  	v0 =	vand.u32 $0x1F0000, v63;
	v1 =	vsel vm2, $0xFFFFFF80, v1  }
0x3a: {  	v0 =	vsel vm2, $0xFFFF0000, v0;
	v2 =	vand.u32 $0xFFFFFC00, v1  }
0x3b: {  	v1 =	vand.u32 $0x380, v1;
	v0 =	vadd.s32 v0, v2  }
0x3c: {  	v0 =	vor.u32 v1, v0  }
0x3d: {  	v0 =	vshrl.u32 v0, $0x3;
	_ =	sdelay $0x3  }
0x3e: {  	s13 =	sadd.s32 $0x800, s13  }
0x3f: {  	[tilespmem:s13], [sflag:$0x1] =	stream.indirect_vreg.gather [hbm:s3], $0x80, v0, vm0, $0x38;
	[tilespmem:$0x8100] =	vst v63  }
0x40: {  	s13 =	sadd.s32 $0x400, s13  }
0x41: {  	[tilespmem:s13], [sflag:$0x1] =	stream.indirect_vreg.gather [hbm:s3], $0x80, v0, vm1, $0x38;
	[tilespmem:$0x8100] =	vst v63  }
0x42: {  	s12 =	sshll.u32 s12, $0x4;
	s14 =	simm.s32 $0x80;
	_ =	swait.ge [sflag:s4], $0x4000  }
0x43: {  	s15 =	simm.s32 $0x4500;
	s12 =	sadd.s32 s12, s7;
	[sflag:s4] =	ssyncset.done $0x0  }
0x44: {  	s16 =	sadd.s32 $0x0, s12;
	s13 =	simm.s32 $0x4100;
	[sflag:s4] =	ssyncadd.s32 $0xFFFFC000  }
.LBB2_7:
0x45: {  	[hbm:s16] =	stream.linear.scatter [tilespmem:s13], [sflag:$0x3], $0x400, $0x38;
	[tilespmem:$0x8100] =	vst v63  }
0x46: {  	s16 =	smov.u32 s14;
	s13 =	smov.u32 s15;
	p0 =	sne.s32 s14, $0x780  }
.Ltmp5:
0x47: {  	s14 =	sadd.s32 $0x80, s14;
	(pc) =	sbr.rel @p0 .LBB2_7-.Ltmp5, $2  }
0x48: {  	_ =	sdelay $0x2  }
0x49: {  	s15 =	sadd.s32 $0x400, s15;
	s16 =	sadd.s32 s16, s12  }
.Ltmp6:
0x4a: {  	(pc) =	sbr.rel .LBB2_9-.Ltmp6, $2  }
0x4b: {  	_ =	sdelay $0x2  }
0x4c: {  	[hbm:s16] =	stream.linear.scatter [tilespmem:s13], [sflag:$0x3], $0x400, $0x38;
	[tilespmem:$0x8100] =	vst v63  }
.LBB2_2:
.Ltmp7:
0x4d: {  	(pc) =	sbr.rel .LBB2_10-.Ltmp7, $4  }
0x4e: {  	_ = 	snop  }
0x4f: {  	s12 =	sshrl.u32 s11, $0x3  }
0x50: {  	s13 =	sand.u32 $0x7, s11;
	s12 =	sadd.s32 s2, s12  }
0x51: {  	[tilespmem:s9], [sflag:$0x2] =	stream.linear.gather [hbm4b:s12+s13], $0x80, $0x38;
	[tilespmem:$0x8100] =	vst v63  }
.LBB2_11:
0x52: {  	s2 =	simm.s32 $0x3  }
0x53: {  	_ =	swait.ge [sflag:s2], $0x4000  }
0x54: {  	[sflag:s2] =	ssyncset.done $0x0  }
0x55: {  	[sflag:s2] =	ssyncadd.s32 $0xFFFFC000  }
0x56: {  	_ =	sfence.sel $0x180000  }
0x57: {  	s3 =	simm.s32 $0x2;
	[bflag:$0x0] =	sbarrier.arrive $0xFFFF  }
0x58: {  	[sflag:s3] =	ssyncpa.u1 $0x1  }
0x59: {  	s31 =	simm.s32 $0x1;
	[sflag:s2] =	ssyncpa.u1 $0x1  }
0x5a: {  	[sflag:s31] =	ssyncpa.u1 $0x1  }
0x5b: {  	p0 =	sne.s32 s1, $0x0;
	_ =	strace $0x90000053  }
0x5c: {  	s0 =	sadd.s32 @!p0 $0x100000, s0;
	[bflag:$0x2] =	sbarrier.arrive $0xFFFF  }
0x5d: {  	[sflag:s0] =	ssyncadd.tile.s32 @!p0 $0x1;
	_ =	shalt  }
.Lfunc_end2:
_tile_overlayer_lowered:
.L_overlay_start_2:
0x5e: {  	(tag) =	ssettag $0x2  }
0x5f: {  	s0 =	rddreg [dreg:$0x0];
	s2 =	stileid.u32  }
0x60: {  	s1 =	rddreg [dreg:$0x1];
	p0 =	sne.s32 s2, $0x0  }
0x61: {  	s3 =	rddreg [dreg:$0x2];
	[bflag:$0x3] =	sbarrier.arrive $0xFFFF;
	s2 =	simm.s32 @!p0 $0x1C01  }
0x62: {  	[timem:s3], [sflag:s2] =	dma.local @!p0 [hbm:s0], s1  }
0x63: {  	s0 =	simm.s32 @!p0 $0x1  }
0x64: {  	_ =	swait.ge @!p0 [sflag:s0], s1  }
0x65: {  	s1 =	ssub.s32 @!p0 $0x0, s1;
	[sflag:s0] =	ssyncset.done @!p0 $0x0  }
0x66: {  	[sflag:s0] =	ssyncadd.s32 @!p0 s1  }
0x67: {  	[bflag:$0x3] =	sbarrier.arrive $0xFFFF  }
0x68: {  	_ =	shalt  }

// kernel: gather_offload_async_start.4
scs
__scs_entry_jumppad:
0x0: {  	(pc) =	sbr.rel $0x88, $3  }
0x1: {  	(tag) =	ssettag $0x0;
	lr =	simm.s32 $0x1  }
0x2: {  	[smem:$0x3F8A] =	sst lr;
	_ =	strace $0xD0000000  }
0x3: {  	_ = 	snop  }
0x4: {  	_ = 	snop  }
0x5: {  	_ = 	snop  }
0x6: {  	_ = 	snop  }
0x7: {  	_ = 	snop  }
__scs_overlays_trampoline_lowered:
0x8: {  	[smem:$0x3F99] =	sst s0  }
0x9: {  	[smem:$0x3F9A] =	sst s1  }
0xa: {  	[smem:$0x3F9B] =	sst s2  }
0xb: {  	[smem:$0x3F9C] =	sst s3  }
0xc: {  	[smem:$0x3F9D] =	sst s4  }
0xd: {  	[smem:$0x3F9E] =	sst s5  }
0xe: {  	[smem:$0x3F9F] =	sst s6  }
0xf: {  	[smem:$0x3FA0] =	sst s7  }
0x10: {  	[smem:$0x3FA1] =	sst s8  }
0x11: {  	[smem:$0x3FA2] =	sst s9;
	s0 =	simm.s32 @!p0 $0x0  }
0x12: {  	s1 =	sld [smem:$0x3F88];
	s0 =	simm.s32 @p0 $0x1  }
0x13: {  	[smem:$0x3FA3] =	sst s0;
	s0 =	simm.s32 @!p1 $0x0  }
0x14: {  	s2 =	sld [smem:$0x3F87];
	s0 =	simm.s32 @p1 $0x1  }
0x15: {  	[smem:$0x3FA4] =	sst s0;
	s0 =	simm.s32 @!p2 $0x0  }
0x16: {  	s3 =	sld [smem:$0x3FDB];
	s0 =	simm.s32 @p2 $0x1  }
0x17: {  	s4 =	simm.s32 $0x1BF5;
	[smem:$0x3FA6] =	sst s0  }
0x18: {  	s0 =	sld [smem:$0x3F89];
	_ =	swait.ge [sflag:s4], $0x0  }
0x19: {  	s7 =	sld [smem:$0x3F8A]  }
0x1a: {  	s8 =	sadd.s32 $0xFFFFE003, lr  }
0x1b: {  	s9 =	sadd.s32 $0xFFFFFEF7, lr;
	s5 =	simm.s32 $0xFFFFFFFF;
	p2 =	slt.u32 s8, $0xFFFFF086  }
0x1c: {  	p1 =	slt.u32 s9, $0xF7A;
	s5 =	simm.s32 @!p2 $0x0  }
0x1d: {  	s5 =	simm.s32 @p1 $0x1;
	p0 =	seq.s32 s7, s2  }
0x1e: {  	s7 =	smul.u32 @!p0 $0xF7A, s2;
	p2 =	seq.s32 @!p0 s5, $0x0  }
0x1f: {  	s9 =	smul.u32 $0xF7A, s1;
	s8 =	simm.s32 @!p0 $0x1BF5;
	p2 =	por !p2, p0  }
0x20: {  	[sflag:s8] =	ssyncset.s32 @!p0 $0xFFFFF086;
	s6 =	sadd.s32 @!p0 s3, s7;
	s7 =	simm.s32 @!p0 $0x108  }
0x21: {  	s3 =	sadd.s32 s3, s9;
	s6 =	sadd.s32 @!p0 $0x88, s6;
	s7 =	simm.s32 @p2 $0x1082  }
0x22: {  	[simem:s7], [sflag:s8] =	dma.local @!p0 [hbm:s6], $0xF7A  }
0x23: {  	s9 =	sor.u32 $0xD0000000, s2;
	s6 =	simm.s32 $0x108;
	_ =	swait.ge @!p0 [sflag:s8], $0x0  }
0x24: {  	s3 =	sadd.s32 $0x88, s3;
	s6 =	simm.s32 @!p1 $0x1082;
	[sflag:s4] =	ssyncset.s32 $0xFFFFF086  }
0x25: {  	[simem:s6], [sflag:s4] =	dma.local [hbm:s3], $0xF7A  }
0x26: {  	[smem:$0x3F8A] =	sst s1;
	(tag) =	ssettag s2;
	_ =	strace s9  }
0x27: {  	s1 =	sld [smem:$0x3F9A]  }
0x28: {  	s2 =	sld [smem:$0x3F9B]  }
0x29: {  	s4 =	sld [smem:$0x3F9D]  }
0x2a: {  	p0 =	seq.s32 s5, $0x0;
	s5 =	sld [smem:$0x3F9E]  }
0x2b: {  	s6 =	sld [smem:$0x3F9F]  }
0x2c: {  	s7 =	sld [smem:$0x3FA0]  }
0x2d: {  	s3 =	simm.s32 $0x108;
	s8 =	sld [smem:$0x3FA1]  }
0x2e: {  	s3 =	simm.s32 @!p0 $0x1082;
	s9 =	sld [smem:$0x3FA2]  }
0x2f: {  	lr =	sadd.s32 s0, s3;
	s0 =	sld [smem:$0x3F99]  }
0x30: {  	s3 =	sld [smem:$0x3F9C]  }
0x31: {  	[smem:$0x3FA5] =	sst s10  }
0x32: {  	s10 =	sld [smem:$0x3FA3];
	_ =	sdelay $0x3  }
0x33: {  	p0 =	seq.s32 s10, $0x1;
	s10 =	sld [smem:$0x3FA5];
	_ =	sdelay $0x3  }
0x34: {  	[smem:$0x3FA5] =	sst s10  }
0x35: {  	s10 =	sld [smem:$0x3FA4];
	_ =	sdelay $0x3  }
0x36: {  	p1 =	seq.s32 s10, $0x1;
	s10 =	sld [smem:$0x3FA5];
	_ =	sdelay $0x3  }
0x37: {  	[smem:$0x3FA5] =	sst s10  }
0x38: {  	s10 =	sld [smem:$0x3FA6]  }
0x39: {  	_ = 	snop;
	(pc) =	sbr.ind lr, $3  }
0x3a: {  	_ = 	snop  }
0x3b: {  	_ = 	snop  }
0x3c: {  	p2 =	seq.s32 s10, $0x1;
	s10 =	sld [smem:$0x3FA5]  }
0x3d: {  	_ =	shalt  }
0x3e: {  	_ =	shalt  }
0x3f: {  	_ =	shalt  }
0x40: {  	_ =	shalt  }
0x41: {  	_ =	shalt  }
0x42: {  	_ =	shalt  }
0x43: {  	_ =	shalt  }
0x44: {  	_ =	shalt  }
0x45: {  	_ =	shalt  }
0x46: {  	_ =	shalt  }
0x47: {  	_ =	shalt  }
0x48: {  	_ =	shalt  }
0x49: {  	_ =	shalt  }
0x4a: {  	_ =	shalt  }
0x4b: {  	_ =	shalt  }
0x4c: {  	_ =	shalt  }
0x4d: {  	_ =	shalt  }
0x4e: {  	_ =	shalt  }
0x4f: {  	_ =	shalt  }
0x50: {  	_ =	shalt  }
0x51: {  	_ =	shalt  }
0x52: {  	_ =	shalt  }
0x53: {  	_ =	shalt  }
0x54: {  	_ =	shalt  }
0x55: {  	_ =	shalt  }
0x56: {  	_ =	shalt  }
0x57: {  	_ =	shalt  }
0x58: {  	_ =	shalt  }
0x59: {  	_ =	shalt  }
0x5a: {  	_ =	shalt  }
0x5b: {  	_ =	shalt  }
0x5c: {  	_ =	shalt  }
0x5d: {  	_ =	shalt  }
0x5e: {  	_ =	shalt  }
0x5f: {  	_ =	shalt  }
0x60: {  	_ =	shalt  }
0x61: {  	_ =	shalt  }
0x62: {  	_ =	shalt  }
0x63: {  	_ =	shalt  }
0x64: {  	_ =	shalt  }
0x65: {  	_ =	shalt  }
0x66: {  	_ =	shalt  }
0x67: {  	_ =	shalt  }
0x68: {  	_ =	shalt  }
0x69: {  	_ =	shalt  }
0x6a: {  	_ =	shalt  }
0x6b: {  	_ =	shalt  }
0x6c: {  	_ =	shalt  }
0x6d: {  	_ =	shalt  }
0x6e: {  	_ =	shalt  }
0x6f: {  	_ =	shalt  }
0x70: {  	_ =	shalt  }
0x71: {  	_ =	shalt  }
0x72: {  	_ =	shalt  }
0x73: {  	_ =	shalt  }
0x74: {  	_ =	shalt  }
0x75: {  	_ =	shalt  }
0x76: {  	_ =	shalt  }
0x77: {  	_ =	shalt  }
0x78: {  	_ =	shalt  }
0x79: {  	_ =	shalt  }
0x7a: {  	_ =	shalt  }
0x7b: {  	_ =	shalt  }
0x7c: {  	_ =	shalt  }
0x7d: {  	_ =	shalt  }
0x7e: {  	_ =	shalt  }
0x7f: {  	_ =	shalt  }
0x80: {  	_ =	shalt  }
0x81: {  	_ =	shalt  }
0x82: {  	_ =	shalt  }
0x83: {  	_ =	shalt  }
0x84: {  	_ =	shalt  }
0x85: {  	_ =	shalt  }
0x86: {  	_ =	shalt  }
0x87: {  	_ =	shalt  }
.Lfunc_end0:
.L_simem_size_0:
called_computation.6_lowered:
.L_overlay_start_0:
0x88: {  	s2 =	sld [smem:$0x3FD9]  }
0x89: {  	s3 =	sld [smem:$0x3FFE];
	_ =	sdelay $0x1  }
0x8a: {  	s1 =	srdreg.scid  }
0x8b: {  	s0 =	sand.u32 $0x1, s1  }
0x8c: {  	s16 =	sshll.u32 s0, $0xA;
	s2 =	sadd.s32 s3, s2  }
0x8d: {  	s2 =	sadd.s32 s2, s16  }
0x8e: {  	[smem:$0x3FB1] =	sst s2  }
0x8f: {  	_ = 	snop  }
0x90: {  	(tm) =	ssettm $0x1  }
0x91: {  	s17 =	sld [smem:$0x3FFB];
	_ =	sdelay $0x3  }
0x92: {  	_ =	strace s17  }
0x93: {  	s2 =	sld [smem:$0x3FFC];
	_ =	sdelay $0x3  }
0x94: {  	_ =	strace s2  }
0x95: {  	s2 =	sld [smem:$0x3FFD];
	_ =	sdelay $0x3  }
0x96: {  	_ =	strace s2  }
0x97: {  	_ =	strace $0x8FFFFFFF  }
0x98: {  	s18 =	sld [smem:$0x3FDB];
	_ =	sdelay $0x1  }
0x99: {  	s19 =	simm.s32 $_scs_section_size  }
0x9a: {  	s4 =	simm.s32 $_size__tile_overlayer_lowered;
	s5 =	simm.s32 $_tile_overlayer_lowered  }
0x9b: {  	s22 =	simm.s32 $0x1BFF;
	s21 =	sshll.u32 s5, $0x1;
	s2 =	sadd.s32 s19, s18  }
0x9c: {  	s6 =	simm.s32 $0x0;
	s20 =	sshll.u32 s4, $0x1;
	s4 =	sadd.s32 s21, s2  }
0x9d: {  	[timem:s6], [sflag:s22] =	dma.local [hbm:s4], s20  }
0x9e: {  	_ =	swait.ge [sflag:s22], s20  }
0x9f: {  	s3 =	ssub.s32 $0x0, s20;
	[sflag:s22] =	ssyncset.done $0x0  }
0xa0: {  	[sflag:s22] =	ssyncadd.s32 s3;
	_ =	sdelay $0x1  }
0xa1: {  	s23 =	simm.s32 $0x1B8B  }
0xa2: {  	_ =	swait.ge [sflag:s23], $0x1  }
0xa3: {  	[sflag:s23] =	ssyncset.done $0x0  }
0xa4: {  	s25 =	simm.s32 $0x1B8E;
	s24 =	sld [smem:$0x3FFE];
	[sflag:s23] =	ssyncadd.s32 $0xFFFFFFFF  }
0xa5: {  	s26 =	simm.s32 $execute0_lowered;
	[smem:$0x3FD2] =	sst s25  }
0xa6: {  	s4 =	sshll.u32 s26, $0x1;
	_ =	strace $0x80000055;
	[dreg:$0x1] =	wrdreg $0xFFFFFFFF  }
0xa7: {  	s28 =	simm.s32 $_size_execute0_lowered;
	s2 =	sadd.s32 s2, s4;
	[dreg:$0x0] =	wrdreg $0x0  }
0xa8: {  	s4 =	sshll.u32 s28, $0x1;
	[dreg:$0x2] =	wrdreg s2  }
0xa9: {  	[dreg:$0x3] =	wrdreg s4  }
0xaa: {  	[dreg:$0x4] =	wrdreg $0xC0  }
0xab: {  	_ =	task [dreg:s6], $0x5FFFF  }
0xac: {  	[dreg:$0x1] =	wrdreg $0xFFFFFFFF  }
0xad: {  	[dreg:$0x0] =	wrdreg $0x60  }
0xae: {  	[dreg:$0x2] =	wrdreg s24  }
0xaf: {  	[dreg:$0x3] =	wrdreg $0xA  }
0xb0: {  	_ =	task.clear_ibuf [dreg:s6], $0x4FFFF;
	_ =	strace $0x90000055  }
0xb1: {  	s29 =	simm.s32 $0xA;
	_ =	strace $0x80000057  }
0xb2: {  	_ =	swait.ge [sflag:s29], $0x1  }
0xb3: {  	[sflag:s29] =	ssyncadd.s32 $0xFFFFFFFF  }
0xb4: {  	_ =	strace $0x90000057  }
0xb5: {  	_ =	sfence  }
0xb6: {  	s30 =	sld [smem:$0x0];
	_ =	sdelay $0x2  }
0xb7: {  	s31 =	sshll.u32 s1, $0xD;
	s1 =	sshrl.u32 s1, $0x2  }
0xb8: {  	s3 =	sand.u32 $0x4000, s31;
	s1 =	sadd.s32 s1, s30  }
0xb9: {  	s0 =	sor.u32 s3, s0;
	s1 =	sshll.u32 s1, $0x11  }
0xba: {  	s0 =	sor.u32 s1, s0  }
0xbb: {  	s0 =	sadd.s32 $0x8F2B, s0  }
0xbc: {  	[sflag:s0] =	ssyncadd.remote.s32 $0x1  }
0xbd: {  	_ =	sfence.sel $0xFFFF  }
0xbe: {  	[dreg:$0x0] =	wrdreg $0xFFFFFFFF;
	(pc) =	sbr.abs _section_cstart, $3  }
0xbf: {  	[dreg:$0x1] =	wrdreg $0xFFFFFFFF  }
0xc0: {  	_ =	task.clear_ibuf [dreg:s6], $0x2FFFF;
	_ =	strace $0x9FFFFFFF  }
0xc1: {  	(tm) =	ssettm $0x7FFFFFFF  }
tec
execute0_lowered:
.L_overlay_start_1:
0x0: {  	(tag) =	ssettag $0x1  }
0x1: {  	s1 =	rddreg [dreg:$0x0]  }
0x2: {  	s0 =	rddreg [dreg:$0x1];
	_ =	strace $0x80000056  }
0x3: {  	s5 =	simm.s32 $0x1;
	s6 =	srdreg.scid;
	s9 =	simm.s32 $0x4  }
0x4: {  	s13 =	simm.s32 $0x0;
	s10 =	simm.s32 $0x0;
	s2 =	sadd.s32 $0xD9400, s1  }
0x5: {  	s3 =	sadd.s32 $0xE9400, s1;
	s4 =	sadd.s32 $0xF9400, s1;
	s31 =	sshll.u32 s6, $0x4  }
.Ltmp0:
0x6: {  	s1 =	stileid.u32;
	s6 =	sand.u32 $0x10, s31;
	(pc) =	sbr.rel .LBB2_1-.Ltmp0, $4  }
0x7: {  	[sflag:s5] =	ssyncpa.u1 $0x0;
	s5 =	simm.s32 $0x2;
	s7 =	sor.u32 s1, s6  }
0x8: {  	[sflag:s5] =	ssyncpa.u1 $0x0;
	s6 =	simm.s32 $0x3;
	s7 =	sshll.u32 s7, $0xD  }
0x9: {  	s11 =	simm.s32 $0x0;
	[sflag:s6] =	ssyncpa.u1 $0x0;
	s8 =	sadd.s32 $0x2000, s7  }
0xa: {  	v0 =	vlaneseq.u32;
	vm0 =	vmmov $0xffff;
	[sflag:s9] =	ssyncpa.u1 $0x0;
	s9 =	simm.s32 $0x0;
	s12 =	smov.u32 s7  }
.LBB2_3:
0xb: {  	s13 =	sshrl.u32 s12, $0x3  }
0xc: {  	s14 =	sand.u32 $0x7, s12;
	s13 =	sadd.s32 s3, s13  }
0xd: {  	[tilespmem:s9], [sflag:$0x2] =	stream.linear.gather [hbm4b:s13+s14], $0x2000, $0x38;
	[tilespmem:$0xB000] =	vst v63  }
.LBB2_10:
0xe: {  	s14 =	sadd.s32 $0x2000, s12  }
0xf: {  	s15 =	smov.u32 s7;
	p0 =	slt.s32 s14, s8  }
0x10: {  	s13 =	smov.u32 s10;
	s15 =	smov.u32 @p0 s14  }
0x11: {  	s10 =	smov.u32 s12;
	s11 =	sadd.s32 $0x1, s11;
	s12 =	smov.u32 s15  }
.LBB2_1:
0x12: {  	p0 =	sgt.s32 s11, $0x1  }
.Ltmp1:
0x13: {  	_ = 	snop;
	(pc) =	sbr.rel @p0 .LBB2_11-.Ltmp1, $1  }
0x14: {  	_ =	sdelay $0x3  }
0x15: {  	p0 =	seq.s32 s11, $0x0  }
.Ltmp2:
0x16: {  	_ = 	snop;
	(pc) =	sbr.rel @p0 .LBB2_3-.Ltmp2, $1  }
0x17: {  	_ =	sdelay $0x3  }
0x18: {  	_ =	swait.ge [sflag:s5], $0x2000  }
0x19: {  	s15 =	simm.s32 $0x0;
	[sflag:s5] =	ssyncset.done $0x0  }
0x1a: {  	[sflag:s5] =	ssyncadd.s32 $0xFFFFE000;
	(ifvalue) =	ssetifvalue $0x7FFFFFFF;
	v1 =	vld.msk [tilespmem:s15+$0x0 ss:$0x1], $0xffff  }
0x1b: {  	s13 =	simm.s32 $0x10  }
0x1c: {  	v4 =	vld.msk [tilespmem:s13+$0x0 ss:$0x1], $0xffff;
	_ =	sdelay $0x2  }
0x1d: {  	v2 =	vshll.u32 v1, $0x10  }
0x1e: {  	s16 =	ssub.s32 $0x40000, s10;
	vm1 =	veq.s32 v1, $0x80000000;
	v3 =	vshrl.u32 v1, $0xC;
	v1 =	vshrl.u32 v1, $0x5  }
0x1f: {  	p0 =	slt.s32 s16, $0x2000;
	vm2 =	veq.s32 v4, $0x80000000;
	v1 =	vand.u32 $0x7F, v1;
	v3 =	vand.u32 $0x1FF, v3  }
0x20: {  	s16 =	simm.s32 @!p0 $0x2000;
	v2 =	vand.u32 $0x1F0000, v2;
	v5 =	vsel vm1, $0xFFFFFFFF, v1;
	v1 =	vsel vm1, $0xFFFFFFFF, v3  }
0x21: {  	p0 =	sgt.s32 s16, $0x0;
	s14 =	smov.u32 s16;
	v2 =	vsel vm1, $0xFFFF0000, v2;
	v3 =	vshll.u32 v5, $0x9;
	v6 =	vshll.u32 v1, $0x3  }
0x22: {  	s14 =	simm.s32 @!p0 $0x0;
	v7 =	vshll.u32 v5, $0x7;
	v1 =	vshll.u32 v1, $0x2;
	v5 =	vand.u32 $0x3, v5  }
0x23: {  	s14 =	smin.u32 s14, $0x10;
	v3 =	vand.u32 $0xFFFFF000, v3;
	v6 =	vand.u32 $0xFFFFFC00, v6;
	v1 =	vand.u32 $0x1FC, v1  }
0x24: {  	v2 =	vadd.s32 v2, v3;
	v3 =	vand.u32 $0x200, v7;
	v7 =	vmov s14  }
0x25: {  	v2 =	vadd.s32 v6, v2;
	v1 =	vor.u32 v1, v3;
	v3 =	vshll.u32 v4, $0x10  }
0x26: {  	vm1 =	vgt.u32 v7, v0;
	v1 =	vor.u32 v1, v2;
	v2 =	vshrl.u32 v4, $0xC  }
0x27: {  	v4 =	vshrl.u32 v4, $0x5;
	v3 =	vand.u32 $0x1F0000, v3;
	v1 =	vshrl.u32 v1, $0x2  }
0x28: {  	s14 =	simm.s32 $0x20;
	v2 =	vand.u32 $0x1FF, v2;
	v6 =	vnsel vm1, $0x7FFFFFFF, v1;
	v1 =	vand.u32 $0x7F, v4  }
0x29: {  	s16 =	sadd.s32 $0xFFFFFFF0, s16;
	v3 =	vsel vm2, $0xFFFF0000, v3;
	v4 =	vld.msk [tilespmem:s14+$0x0 ss:$0x1], $0xffff;
	v2 =	vsel vm2, $0xFFFFFFFF, v2;
	v1 =	vsel vm2, $0xFFFFFFFF, v1  }
0x2a: {  	p0 =	sgt.s32 s16, $0x0;
	s17 =	smov.u32 s16;
	v8 =	vshll.u32 v2, $0x3;
	v2 =	vshll.u32 v2, $0x2;
	v7 =	vshll.u32 v1, $0x9  }
0x2b: {  	s17 =	simm.s32 @!p0 $0x0;
	v9 =	vshll.u32 v1, $0x7;
	v8 =	vand.u32 $0xFFFFFC00, v8;
	v7 =	vand.u32 $0xFFFFF000, v7  }
0x2c: {  	s17 =	smin.u32 s17, $0x10;
	[tilespmem:s15+$0x0] =	vst v5;
	v2 =	vand.u32 $0x1FC, v2;
	v5 =	vand.u32 $0x200, v9;
	v3 =	vadd.s32 v3, v7  }
0x2d: {  	s15 =	simm.s32 $0x6000;
	(ifvalue) =	ssetifvalue $0x7FFFFFFF;
	v7 =	vmov s17;
	v2 =	vor.u32 v2, v5;
	v3 =	vadd.s32 v8, v3  }
0x2e: {  	[tilespmem:s15], [sflag:$0x3] =	stream.indirect_vreg.gather [hbm4b:s2+s9], $0x1, v6, vm0, $0x4038;
	v6 =	vshll.u32 v4, $0x10;
	vm2 =	vgt.u32 v7, v0;
	v2 =	vor.u32 v2, v3;
	[tilespmem:$0xB000] =	vst v63  }
0x2f: {  	vm1 =	veq.s32 v4, $0x80000000;
	v5 =	vshrl.u32 v4, $0x5;
	v2 =	vshrl.u32 v2, $0x2  }
0x30: {  	s18 =	simm.s32 $0x30;
	s17 =	simm.s32 $0x20;
	v3 =	vshrl.u32 v4, $0xC;
	v4 =	vand.u32 $0x1F0000, v6;
	v2 =	vnsel vm2, $0x7FFFFFFF, v2  }
.LBB2_5:
0x31: {  	v6 =	vld.msk [tilespmem:s18+$0x0 ss:$0x1], $0xffff;
	v5 =	vand.u32 $0x7F, v5;
	v3 =	vand.u32 $0x1FF, v3;
	v4 =	vsel vm1, $0xFFFF0000, v4;
	s16 =	sadd.s32 $0xFFFFFFF0, s16  }
0x32: {  	v7 =	vand.u32 $0x3, v1;
	p0 =	sgt.s32 s16, $0x0;
	v3 =	vsel vm1, $0xFFFFFFFF, v3;
	v1 =	vsel vm1, $0xFFFFFFFF, v5;
	s19 =	smov.u32 s16  }
0x33: {  	s17 =	sadd.s32 $0x10, s17;
	s15 =	sadd.s32 $0x10, s15;
	s19 =	simm.s32 @!p0 $0x0;
	v5 =	vshll.u32 v1, $0x9;
	v8 =	vshll.u32 v3, $0x3;
	v9 =	vshll.u32 v1, $0x7  }
0x34: {  	p0 =	slt.u32 s17, $0x1FF0;
	v3 =	vshll.u32 v3, $0x2;
	s19 =	smin.u32 s19, $0x10;
	v5 =	vand.u32 $0xFFFFF000, v5;
	v8 =	vand.u32 $0xFFFFFC00, v8;
	[tilespmem:s13+$0x0] =	vst v7;
	(ifvalue) =	ssetifvalue $0x7FFFFFFF  }
0x35: {  	[tilespmem:s15], [sflag:$0x3] =	stream.indirect_vreg.gather [hbm4b:s2+s9], $0x1, v2, vm0, $0x4038;
	[tilespmem:$0xB000] =	vst v63  }
.Ltmp3:
0x36: {  	v3 =	vand.u32 $0x1FC, v3;
	v4 =	vadd.s32 v4, v5;
	v5 =	vand.u32 $0x200, v9;
	(pc) =	sbr.rel @p0 .LBB2_5-.Ltmp3, $4  }
0x37: {  	s13 =	smov.u32 s14;
	s14 =	smov.u32 s18;
	v2 =	vmov s19;
	v4 =	vadd.s32 v8, v4;
	v3 =	vor.u32 v3, v5  }
0x38: {  	v7 =	vshll.u32 v6, $0x10;
	vm2 =	vgt.u32 v2, v0;
	v2 =	vor.u32 v3, v4  }
0x39: {  	vm1 =	veq.s32 v6, $0x80000000;
	v3 =	vshrl.u32 v6, $0xC;
	v2 =	vshrl.u32 v2, $0x2  }
0x3a: {  	s18 =	sadd.s32 $0x10, s18;
	v5 =	vshrl.u32 v6, $0x5;
	v4 =	vand.u32 $0x1F0000, v7;
	v2 =	vnsel vm2, $0x7FFFFFFF, v2  }
0x3b: {  	v5 =	vand.u32 $0x7F, v5;
	v3 =	vand.u32 $0x1FF, v3  }
0x3c: {  	v4 =	vsel vm1, $0xFFFF0000, v4;
	v5 =	vsel vm1, $0xFFFFFFFF, v5;
	v3 =	vsel vm1, $0xFFFFFFFF, v3  }
0x3d: {  	s16 =	sadd.s32 $0xFFFFFFF0, s16;
	v6 =	vshll.u32 v5, $0x9;
	v7 =	vshll.u32 v3, $0x3;
	v8 =	vshll.u32 v5, $0x7  }
0x3e: {  	p0 =	sgt.s32 s16, $0x0;
	v3 =	vshll.u32 v3, $0x2;
	v6 =	vand.u32 $0xFFFFF000, v6;
	v7 =	vand.u32 $0xFFFFFC00, v7  }
0x3f: {  	s16 =	simm.s32 @!p0 $0x0;
	v62 =	vand.u32 $0x200, v8;
	v3 =	vand.u32 $0x1FC, v3;
	v4 =	vadd.s32 v4, v6  }
0x40: {  	s16 =	smin.u32 s16, $0x10;
	v3 =	vor.u32 v3, v62;
	v4 =	vadd.s32 v7, v4  }
0x41: {  	v63 =	vmov s16;
	v3 =	vor.u32 v3, v4  }
0x42: {  	vm1 =	vgt.u32 v63, v0;
	v3 =	vshrl.u32 v3, $0x2  }
0x43: {  	v3 =	vnsel vm1, $0x7FFFFFFF, v3  }
.Ltmp4:
0x44: {  	v1 =	vand.u32 $0x3, v1;
	(pc) =	sbr.rel .LBB2_10-.Ltmp4, $4  }
0x45: {  	s31 =	sadd.s32 $0x10, s15;
	[tilespmem:s13+$0x0] =	vst v1;
	(ifvalue) =	ssetifvalue $0x7FFFFFFF  }
0x46: {  	[tilespmem:s31], [sflag:$0x3] =	stream.indirect_vreg.gather [hbm4b:s2+s9], $0x1, v2, vm0, $0x4038;
	v1 =	vand.u32 $0x3, v5;
	[tilespmem:$0xB000] =	vst v63  }
0x47: {  	s13 =	sadd.s32 $0x10, s31;
	[tilespmem:s14+$0x0] =	vst v1;
	(ifvalue) =	ssetifvalue $0x7FFFFFFF  }
0x48: {  	[tilespmem:s13], [sflag:$0x3] =	stream.indirect_vreg.gather [hbm4b:s2+s9], $0x1, v3, vm0, $0x4038;
	[tilespmem:$0xB000] =	vst v63  }
.LBB2_11:
0x49: {  	p0 =	seq.s32 s11, $0x2  }
.Ltmp5:
0x4a: {  	_ = 	snop;
	(pc) =	sbr.rel @!p0 .LBB2_12-.Ltmp5, $1  }
0x4b: {  	_ =	sdelay $0x3  }
0x4c: {  	s15 =	sshll.u32 s11, $0xF  }
0x4d: {  	s14 =	sand.u32 $0x1, s11;
	s15 =	sshra.s32 s15, $0x2  }
0x4e: {  	s16 =	sshll.u32 s14, $0xD;
	s17 =	sadd.s32 $0xFFFFC000, s15  }
0x4f: {  	s16 =	sadd.s32 $0x6000, s16;
	v2 =	vmov s17  }
0x50: {  	_ =	swait.ge [sflag:s6], $0x2000;
	s14 =	sshll.u32 s14, $0xB;
	v1 =	vmov s16  }
0x51: {  	[sflag:s6] =	ssyncset.done $0x0;
	s14 =	sor.u32 $0xA000, s14  }
0x52: {  	[sflag:s6] =	ssyncadd.s32 $0xFFFFE000;
	s15 =	simm.s32 $0x0;
	v3 =	vmov s14  }
.LBB2_8:
0x53: {  	s16 =	sshll.u32 s15, $0x9  }
0x54: {  	s17 =	sand.u32 $0x3FFFFE00, s16;
	v5 =	vld.idx.msk [tilespmem:v2+s16+$0x0 ss:$0x1], $0xffff  }
0x55: {  	s23 =	sor.u32 $0x80, s16;
	v4 =	vld.idx.msk [tilespmem:v1+s17+$0x0 ss:$0x1], $0xffff  }
0x56: {  	v6 =	vld.idx.msk [tilespmem:v1+s23+$0x0 ss:$0x1], $0xffff  }
0x57: {  	s18 =	sor.u32 $0x100, s16;
	v7 =	vld.idx.msk [tilespmem:v2+s23+$0x0 ss:$0x1], $0xffff  }
0x58: {  	v8 =	vld.idx.msk [tilespmem:v2+s18+$0x0 ss:$0x1], $0xffff  }
0x59: {  	s20 =	sor.u32 $0x180, s16;
	v9 =	vld.idx.msk [tilespmem:v1+s18+$0x0 ss:$0x1], $0xffff  }
0x5a: {  	v10 =	vld.idx.msk [tilespmem:v2+s20+$0x0 ss:$0x1], $0xffff;
	_ =	sdelay $0x1  }
0x5b: {  	v11 =	vld.idx.msk [tilespmem:v1+s20+$0x0 ss:$0x1], $0xffff  }
0x5c: {  	v5 =	vshll.u32 v5, $0x3;
	v7 =	vshll.u32 v7, $0x3  }
0x5d: {  	v4 =	vshrl.u32 v4, v5;
	v30 =	vshll.u32 v8, $0x3;
	v5 =	vshrl.u32 v6, v7  }
0x5e: {  	v31 =	vshll.u32 v10, $0x3;
	v6 =	vshrl.u32 v9, v30;
	v5 =	vshll.u32 v5, $0x8  }
0x5f: {  	v4 =	vand.u32 $0xFF, v4;
	v6 =	vshll.u32 v6, $0x10;
	v5 =	vand.u32 $0xFF00, v5  }
0x60: {  	v32 =	vshrl.u32 v11, v31;
	v4 =	vor.u32 v4, v5;
	v5 =	vand.u32 $0xFF0000, v6  }
0x61: {  	v4 =	vor.u32 v5, v4;
	v5 =	vshll.u32 v32, $0x18  }
0x62: {  	s24 =	sshra.s32 s16, $0x2;
	v4 =	vor.u32 v5, v4  }
0x63: {  	s25 =	sor.u32 $0x10, s16;
	[tilespmem:v3+s24+$0x0 ss:$0x1] =	vst.idx.msk $0xffff, v4  }
0x64: {  	v4 =	vld.idx.msk [tilespmem:v1+s25+$0x0 ss:$0x1], $0xffff  }
0x65: {  	s26 =	sor.u32 $0x90, s16;
	v5 =	vld.idx.msk [tilespmem:v2+s25+$0x0 ss:$0x1], $0xffff  }
0x66: {  	v33 =	vld.idx.msk [tilespmem:v1+s26+$0x0 ss:$0x1], $0xffff  }
0x67: {  	s28 =	sor.u32 $0x110, s16;
	v34 =	vld.idx.msk [tilespmem:v2+s26+$0x0 ss:$0x1], $0xffff  }
0x68: {  	v35 =	vld.idx.msk [tilespmem:v2+s28+$0x0 ss:$0x1], $0xffff  }
0x69: {  	s29 =	sor.u32 $0x190, s16;
	v36 =	vld.idx.msk [tilespmem:v1+s28+$0x0 ss:$0x1], $0xffff  }
0x6a: {  	v37 =	vld.idx.msk [tilespmem:v2+s29+$0x0 ss:$0x1], $0xffff;
	_ =	sdelay $0x1  }
0x6b: {  	v38 =	vld.idx.msk [tilespmem:v1+s29+$0x0 ss:$0x1], $0xffff  }
0x6c: {  	v5 =	vshll.u32 v5, $0x3;
	v7 =	vshll.u32 v34, $0x3  }
0x6d: {  	v39 =	vshll.u32 v35, $0x3;
	v4 =	vshrl.u32 v4, v5;
	v5 =	vshrl.u32 v33, v7  }
0x6e: {  	v40 =	vshll.u32 v37, $0x3;
	v6 =	vshrl.u32 v36, v39;
	v5 =	vshll.u32 v5, $0x8  }
0x6f: {  	v4 =	vand.u32 $0xFF, v4;
	v6 =	vshll.u32 v6, $0x10;
	v5 =	vand.u32 $0xFF00, v5  }
0x70: {  	v41 =	vshrl.u32 v38, v40;
	v4 =	vor.u32 v4, v5;
	v5 =	vand.u32 $0xFF0000, v6  }
0x71: {  	s17 =	sor.u32 $0x40, s16;
	v4 =	vor.u32 v5, v4;
	v5 =	vshll.u32 v41, $0x18  }
0x72: {  	s19 =	sshra.s32 s17, $0x2;
	v4 =	vor.u32 v5, v4  }
0x73: {  	s30 =	sor.u32 $0x20, s16;
	[tilespmem:v3+s19+$0x0 ss:$0x1] =	vst.idx.msk $0xffff, v4  }
0x74: {  	v4 =	vld.idx.msk [tilespmem:v1+s30+$0x0 ss:$0x1], $0xffff  }
0x75: {  	s31 =	sor.u32 $0xA0, s16;
	v5 =	vld.idx.msk [tilespmem:v2+s30+$0x0 ss:$0x1], $0xffff  }
0x76: {  	v42 =	vld.idx.msk [tilespmem:v1+s31+$0x0 ss:$0x1], $0xffff  }
0x77: {  	s21 =	sor.u32 $0x120, s16;
	v43 =	vld.idx.msk [tilespmem:v2+s31+$0x0 ss:$0x1], $0xffff  }
0x78: {  	v44 =	vld.idx.msk [tilespmem:v2+s21+$0x0 ss:$0x1], $0xffff  }
0x79: {  	s22 =	sor.u32 $0x1A0, s16;
	v45 =	vld.idx.msk [tilespmem:v1+s21+$0x0 ss:$0x1], $0xffff  }
0x7a: {  	v46 =	vld.idx.msk [tilespmem:v2+s22+$0x0 ss:$0x1], $0xffff;
	_ =	sdelay $0x1  }
0x7b: {  	s24 =	sor.u32 $0x200, s16;
	v47 =	vld.idx.msk [tilespmem:v1+s22+$0x0 ss:$0x1], $0xffff  }
0x7c: {  	s25 =	sand.u32 $0x3FFFFE00, s24;
	v49 =	vld.idx.msk [tilespmem:v2+s24+$0x0 ss:$0x1], $0xffff;
	v5 =	vshll.u32 v5, $0x3;
	v7 =	vshll.u32 v43, $0x3  }
0x7d: {  	v12 =	vld.idx.msk [tilespmem:v1+s25+$0x0 ss:$0x1], $0xffff;
	s22 =	sor.u32 $0x280, s16;
	v48 =	vshll.u32 v44, $0x3;
	v4 =	vshrl.u32 v4, v5;
	v5 =	vshrl.u32 v42, v7  }
0x7e: {  	v50 =	vld.idx.msk [tilespmem:v1+s22+$0x0 ss:$0x1], $0xffff;
	v51 =	vshll.u32 v46, $0x3;
	v6 =	vshrl.u32 v45, v48;
	v5 =	vshll.u32 v5, $0x8  }
0x7f: {  	s21 =	sor.u32 $0x300, s16;
	v52 =	vld.idx.msk [tilespmem:v2+s22+$0x0 ss:$0x1], $0xffff;
	v4 =	vand.u32 $0xFF, v4;
	v6 =	vshll.u32 v6, $0x10;
	v5 =	vand.u32 $0xFF00, v5  }
0x80: {  	v54 =	vld.idx.msk [tilespmem:v2+s21+$0x0 ss:$0x1], $0xffff;
	v53 =	vshrl.u32 v47, v51;
	v4 =	vor.u32 v4, v5;
	v5 =	vand.u32 $0xFF0000, v6  }
0x81: {  	s19 =	sor.u32 $0x380, s16;
	v55 =	vld.idx.msk [tilespmem:v1+s21+$0x0 ss:$0x1], $0xffff;
	v4 =	vor.u32 v5, v4;
	v5 =	vshll.u32 v53, $0x18  }
0x82: {  	s23 =	sshra.s32 s23, $0x2;
	v4 =	vor.u32 v5, v4;
	v5 =	vld.idx.msk [tilespmem:v2+s19+$0x0 ss:$0x1], $0xffff  }
0x83: {  	s26 =	sor.u32 $0x30, s16;
	[tilespmem:v3+s23+$0x0 ss:$0x1] =	vst.idx.msk $0xffff, v4;
	v4 =	vld.idx.msk [tilespmem:v1+s19+$0x0 ss:$0x1], $0xffff  }
0x84: {  	v56 =	vld.idx.msk [tilespmem:v1+s26+$0x0 ss:$0x1], $0xffff  }
0x85: {  	s28 =	sor.u32 $0xB0, s16;
	v7 =	vshll.u32 v49, $0x3;
	v10 =	vshll.u32 v52, $0x3;
	v13 =	vld.idx.msk [tilespmem:v2+s26+$0x0 ss:$0x1], $0xffff  }
0x86: {  	v9 =	vshll.u32 v54, $0x3;
	v7 =	vshrl.u32 v12, v7;
	v8 =	vshrl.u32 v50, v10;
	v57 =	vld.idx.msk [tilespmem:v1+s28+$0x0 ss:$0x1], $0xffff  }
0x87: {  	s29 =	sor.u32 $0x130, s16;
	v7 =	vand.u32 $0xFF, v7;
	v8 =	vshll.u32 v8, $0x8;
	v6 =	vshrl.u32 v55, v9;
	v58 =	vld.idx.msk [tilespmem:v2+s28+$0x0 ss:$0x1], $0xffff  }
0x88: {  	s30 =	sor.u32 $0x1B0, s16;
	v8 =	vand.u32 $0xFF00, v8;
	v6 =	vshll.u32 v6, $0x10;
	v59 =	vld.idx.msk [tilespmem:v2+s29+$0x0 ss:$0x1], $0xffff;
	v5 =	vshll.u32 v5, $0x3  }
0x89: {  	v7 =	vor.u32 v7, v8;
	v6 =	vand.u32 $0xFF0000, v6;
	v60 =	vld.idx.msk [tilespmem:v2+s30+$0x0 ss:$0x1], $0xffff;
	v4 =	vshrl.u32 v4, v5  }
0x8a: {  	v6 =	vor.u32 v6, v7;
	v5 =	vld.idx.msk [tilespmem:v1+s29+$0x0 ss:$0x1], $0xffff;
	v4 =	vshll.u32 v4, $0x18  }
0x8b: {  	s24 =	sshrl.u32 s24, $0x2;
	v4 =	vor.u32 v4, v6  }
0x8c: {  	s31 =	sor.u32 $0x210, s16;
	v61 =	vld.idx.msk [tilespmem:v1+s30+$0x0 ss:$0x1], $0xffff;
	[tilespmem:v3+s24+$0x0 ss:$0x1] =	vst.idx.msk $0xffff, v4  }
0x8d: {  	v62 =	vshll.u32 v58, $0x3;
	v15 =	vshll.u32 v59, $0x3;
	v63 =	vld.idx.msk [tilespmem:v1+s31+$0x0 ss:$0x1], $0xffff  }
0x8e: {  	v7 =	vshll.u32 v60, $0x3;
	v8 =	vshrl.u32 v57, v62;
	v4 =	vshll.u32 v13, $0x3;
	s24 =	sor.u32 $0x290, s16;
	v16 =	vld.idx.msk [tilespmem:v2+s31+$0x0 ss:$0x1], $0xffff  }
0x8f: {  	v8 =	vshll.u32 v8, $0x8;
	v4 =	vshrl.u32 v56, v4;
	v17 =	vld.idx.msk [tilespmem:v1+s24+$0x0 ss:$0x1], $0xffff;
	v5 =	vshrl.u32 v5, v15  }
0x90: {  	s25 =	sor.u32 $0x310, s16;
	v8 =	vand.u32 $0xFF00, v8;
	v18 =	vld.idx.msk [tilespmem:v2+s24+$0x0 ss:$0x1], $0xffff;
	v4 =	vand.u32 $0xFF, v4;
	v5 =	vshll.u32 v5, $0x10  }
0x91: {  	v6 =	vshrl.u32 v61, v7;
	v19 =	vld.idx.msk [tilespmem:v2+s25+$0x0 ss:$0x1], $0xffff;
	v4 =	vor.u32 v4, v8;
	v5 =	vand.u32 $0xFF0000, v5  }
0x92: {  	s26 =	sor.u32 $0xC0, s16;
	s28 =	sor.u32 $0x390, s16;
	v20 =	vld.idx.msk [tilespmem:v1+s25+$0x0 ss:$0x1], $0xffff;
	v4 =	vor.u32 v5, v4;
	v5 =	vshll.u32 v6, $0x18  }
0x93: {  	s25 =	sshra.s32 s26, $0x2;
	v4 =	vor.u32 v5, v4;
	v5 =	vld.idx.msk [tilespmem:v2+s28+$0x0 ss:$0x1], $0xffff  }
0x94: {  	[tilespmem:v3+s25+$0x0 ss:$0x1] =	vst.idx.msk $0xffff, v4;
	v4 =	vld.idx.msk [tilespmem:v1+s28+$0x0 ss:$0x1], $0xffff  }
0x95: {  	v21 =	vld.idx.msk [tilespmem:v1+s17+$0x0 ss:$0x1], $0xffff  }
0x96: {  	v11 =	vshll.u32 v16, $0x3;
	v12 =	vshll.u32 v18, $0x3;
	v22 =	vld.idx.msk [tilespmem:v2+s17+$0x0 ss:$0x1], $0xffff  }
0x97: {  	v7 =	vshll.u32 v19, $0x3;
	v9 =	vshrl.u32 v63, v11;
	v10 =	vshrl.u32 v17, v12;
	v23 =	vld.idx.msk [tilespmem:v1+s26+$0x0 ss:$0x1], $0xffff  }
0x98: {  	s24 =	sor.u32 $0x140, s16;
	v6 =	vshrl.u32 v20, v7;
	v9 =	vand.u32 $0xFF, v9;
	v10 =	vshll.u32 v10, $0x8;
	v24 =	vld.idx.msk [tilespmem:v2+s26+$0x0 ss:$0x1], $0xffff  }
0x99: {  	v6 =	vshll.u32 v6, $0x10;
	v25 =	vld.idx.msk [tilespmem:v2+s24+$0x0 ss:$0x1], $0xffff;
	s17 =	sor.u32 $0x1C0, s16;
	v10 =	vand.u32 $0xFF00, v10;
	v5 =	vshll.u32 v5, $0x3  }
0x9a: {  	v6 =	vand.u32 $0xFF0000, v6;
	v26 =	vld.idx.msk [tilespmem:v2+s17+$0x0 ss:$0x1], $0xffff;
	v9 =	vor.u32 v9, v10;
	v4 =	vshrl.u32 v4, v5  }
0x9b: {  	s23 =	sor.u32 $0x240, s16;
	v6 =	vor.u32 v6, v9;
	v5 =	vld.idx.msk [tilespmem:v1+s24+$0x0 ss:$0x1], $0xffff;
	v4 =	vshll.u32 v4, $0x18  }
0x9c: {  	s29 =	sshrl.u32 s23, $0x2;
	v4 =	vor.u32 v4, v6  }
0x9d: {  	s30 =	sor.u32 $0x220, s16;
	v27 =	vld.idx.msk [tilespmem:v1+s17+$0x0 ss:$0x1], $0xffff;
	[tilespmem:v3+s29+$0x0 ss:$0x1] =	vst.idx.msk $0xffff, v4  }
0x9e: {  	v7 =	vshll.u32 v24, $0x3;
	v29 =	vshll.u32 v25, $0x3;
	v28 =	vld.idx.msk [tilespmem:v1+s30+$0x0 ss:$0x1], $0xffff  }
0x9f: {  	s31 =	sor.u32 $0x2A0, s16;
	v7 =	vshrl.u32 v23, v7;
	v9 =	vshll.u32 v26, $0x3;
	v4 =	vshll.u32 v22, $0x3;
	v30 =	vld.idx.msk [tilespmem:v2+s30+$0x0 ss:$0x1], $0xffff  }
0xa0: {  	v7 =	vshll.u32 v7, $0x8;
	v4 =	vshrl.u32 v21, v4;
	v31 =	vld.idx.msk [tilespmem:v1+s31+$0x0 ss:$0x1], $0xffff;
	v5 =	vshrl.u32 v5, v29  }
0xa1: {  	s26 =	sor.u32 $0x320, s16;
	v7 =	vand.u32 $0xFF00, v7;
	v32 =	vld.idx.msk [tilespmem:v2+s31+$0x0 ss:$0x1], $0xffff;
	v4 =	vand.u32 $0xFF, v4;
	v5 =	vshll.u32 v5, $0x10  }
0xa2: {  	v6 =	vshrl.u32 v27, v9;
	v33 =	vld.idx.msk [tilespmem:v2+s26+$0x0 ss:$0x1], $0xffff;
	v4 =	vor.u32 v4, v7;
	v5 =	vand.u32 $0xFF0000, v5  }
0xa3: {  	s28 =	sor.u32 $0x3A0, s16;
	v34 =	vld.idx.msk [tilespmem:v1+s26+$0x0 ss:$0x1], $0xffff;
	v4 =	vor.u32 v5, v4;
	v5 =	vshll.u32 v6, $0x18  }
0xa4: {  	s18 =	sshra.s32 s18, $0x2;
	v4 =	vor.u32 v5, v4;
	v5 =	vld.idx.msk [tilespmem:v2+s28+$0x0 ss:$0x1], $0xffff  }
0xa5: {  	s29 =	sor.u32 $0x50, s16;
	[tilespmem:v3+s18+$0x0 ss:$0x1] =	vst.idx.msk $0xffff, v4;
	v4 =	vld.idx.msk [tilespmem:v1+s28+$0x0 ss:$0x1], $0xffff  }
0xa6: {  	v35 =	vld.idx.msk [tilespmem:v1+s29+$0x0 ss:$0x1], $0xffff  }
0xa7: {  	s30 =	sor.u32 $0xD0, s16;
	v11 =	vshll.u32 v30, $0x3;
	v12 =	vshll.u32 v32, $0x3;
	v36 =	vld.idx.msk [tilespmem:v2+s29+$0x0 ss:$0x1], $0xffff  }
0xa8: {  	v7 =	vshll.u32 v33, $0x3;
	v10 =	vshrl.u32 v28, v11;
	v8 =	vshrl.u32 v31, v12;
	v37 =	vld.idx.msk [tilespmem:v1+s30+$0x0 ss:$0x1], $0xffff  }
0xa9: {  	s31 =	sor.u32 $0x150, s16;
	v6 =	vshrl.u32 v34, v7;
	v10 =	vand.u32 $0xFF, v10;
	v8 =	vshll.u32 v8, $0x8;
	v38 =	vld.idx.msk [tilespmem:v2+s30+$0x0 ss:$0x1], $0xffff  }
0xaa: {  	s25 =	sor.u32 $0x1D0, s16;
	v6 =	vshll.u32 v6, $0x10;
	v39 =	vld.idx.msk [tilespmem:v2+s31+$0x0 ss:$0x1], $0xffff;
	v8 =	vand.u32 $0xFF00, v8;
	v5 =	vshll.u32 v5, $0x3  }
0xab: {  	v40 =	vld.idx.msk [tilespmem:v2+s25+$0x0 ss:$0x1], $0xffff;
	v6 =	vand.u32 $0xFF0000, v6;
	v8 =	vor.u32 v10, v8;
	v4 =	vshrl.u32 v4, v5  }
0xac: {  	v6 =	vor.u32 v6, v8;
	v5 =	vld.idx.msk [tilespmem:v1+s31+$0x0 ss:$0x1], $0xffff;
	v4 =	vshll.u32 v4, $0x18  }
0xad: {  	s22 =	sshrl.u32 s22, $0x2;
	v4 =	vor.u32 v4, v6  }
0xae: {  	s26 =	sor.u32 $0x230, s16;
	v41 =	vld.idx.msk [tilespmem:v1+s25+$0x0 ss:$0x1], $0xffff;
	[tilespmem:v3+s22+$0x0 ss:$0x1] =	vst.idx.msk $0xffff, v4  }
0xaf: {  	v7 =	vshll.u32 v38, $0x3;
	v43 =	vshll.u32 v39, $0x3;
	v42 =	vld.idx.msk [tilespmem:v1+s26+$0x0 ss:$0x1], $0xffff  }
0xb0: {  	s28 =	sor.u32 $0x2B0, s16;
	v8 =	vshll.u32 v40, $0x3;
	v7 =	vshrl.u32 v37, v7;
	v4 =	vshll.u32 v36, $0x3;
	v44 =	vld.idx.msk [tilespmem:v2+s26+$0x0 ss:$0x1], $0xffff  }
0xb1: {  	v7 =	vshll.u32 v7, $0x8;
	v4 =	vshrl.u32 v35, v4;
	v45 =	vld.idx.msk [tilespmem:v1+s28+$0x0 ss:$0x1], $0xffff;
	v5 =	vshrl.u32 v5, v43  }
0xb2: {  	s29 =	sor.u32 $0x330, s16;
	v7 =	vand.u32 $0xFF00, v7;
	v46 =	vld.idx.msk [tilespmem:v2+s28+$0x0 ss:$0x1], $0xffff;
	v4 =	vand.u32 $0xFF, v4;
	v5 =	vshll.u32 v5, $0x10  }
0xb3: {  	v6 =	vshrl.u32 v41, v8;
	v47 =	vld.idx.msk [tilespmem:v2+s29+$0x0 ss:$0x1], $0xffff;
	v4 =	vor.u32 v4, v7;
	v5 =	vand.u32 $0xFF0000, v5  }
0xb4: {  	s30 =	sor.u32 $0x3B0, s16;
	v48 =	vld.idx.msk [tilespmem:v1+s29+$0x0 ss:$0x1], $0xffff;
	v4 =	vor.u32 v5, v4;
	v5 =	vshll.u32 v6, $0x18  }
0xb5: {  	s31 =	sshra.s32 s24, $0x2;
	v4 =	vor.u32 v5, v4;
	v5 =	vld.idx.msk [tilespmem:v2+s30+$0x0 ss:$0x1], $0xffff  }
0xb6: {  	s24 =	sor.u32 $0x60, s16;
	[tilespmem:v3+s31+$0x0 ss:$0x1] =	vst.idx.msk $0xffff, v4;
	v4 =	vld.idx.msk [tilespmem:v1+s30+$0x0 ss:$0x1], $0xffff  }
0xb7: {  	v49 =	vld.idx.msk [tilespmem:v1+s24+$0x0 ss:$0x1], $0xffff  }
0xb8: {  	s25 =	sor.u32 $0xE0, s16;
	v11 =	vshll.u32 v44, $0x3;
	v12 =	vshll.u32 v46, $0x3;
	v50 =	vld.idx.msk [tilespmem:v2+s24+$0x0 ss:$0x1], $0xffff  }
0xb9: {  	v7 =	vshll.u32 v47, $0x3;
	v10 =	vshrl.u32 v42, v11;
	v9 =	vshrl.u32 v45, v12;
	v51 =	vld.idx.msk [tilespmem:v1+s25+$0x0 ss:$0x1], $0xffff  }
0xba: {  	s26 =	sor.u32 $0x160, s16;
	v6 =	vshrl.u32 v48, v7;
	v10 =	vand.u32 $0xFF, v10;
	v9 =	vshll.u32 v9, $0x8;
	v52 =	vld.idx.msk [tilespmem:v2+s25+$0x0 ss:$0x1], $0xffff  }
0xbb: {  	s28 =	sor.u32 $0x1E0, s16;
	v6 =	vshll.u32 v6, $0x10;
	v53 =	vld.idx.msk [tilespmem:v2+s26+$0x0 ss:$0x1], $0xffff;
	v9 =	vand.u32 $0xFF00, v9;
	v5 =	vshll.u32 v5, $0x3  }
0xbc: {  	v54 =	vld.idx.msk [tilespmem:v2+s28+$0x0 ss:$0x1], $0xffff;
	v6 =	vand.u32 $0xFF0000, v6;
	v9 =	vor.u32 v10, v9;
	v4 =	vshrl.u32 v4, v5  }
0xbd: {  	s29 =	sor.u32 $0x2C0, s16;
	v6 =	vor.u32 v6, v9;
	v5 =	vld.idx.msk [tilespmem:v1+s26+$0x0 ss:$0x1], $0xffff;
	v4 =	vshll.u32 v4, $0x18  }
0xbe: {  	s30 =	sshrl.u32 s29, $0x2;
	v4 =	vor.u32 v4, v6  }
0xbf: {  	v55 =	vld.idx.msk [tilespmem:v1+s28+$0x0 ss:$0x1], $0xffff;
	[tilespmem:v3+s30+$0x0 ss:$0x1] =	vst.idx.msk $0xffff, v4  }
0xc0: {  	v7 =	vshll.u32 v52, $0x3;
	v57 =	vshll.u32 v53, $0x3;
	v56 =	vld.idx.msk [tilespmem:v1+s23+$0x0 ss:$0x1], $0xffff  }
0xc1: {  	v60 =	vshll.u32 v54, $0x3;
	v7 =	vshrl.u32 v51, v7;
	v4 =	vshll.u32 v50, $0x3;
	v58 =	vld.idx.msk [tilespmem:v2+s23+$0x0 ss:$0x1], $0xffff  }
0xc2: {  	v7 =	vshll.u32 v7, $0x8;
	v4 =	vshrl.u32 v49, v4;
	v59 =	vld.idx.msk [tilespmem:v1+s29+$0x0 ss:$0x1], $0xffff;
	v5 =	vshrl.u32 v5, v57  }
0xc3: {  	s24 =	sor.u32 $0x340, s16;
	v7 =	vand.u32 $0xFF00, v7;
	v61 =	vld.idx.msk [tilespmem:v2+s29+$0x0 ss:$0x1], $0xffff;
	v4 =	vand.u32 $0xFF, v4;
	v5 =	vshll.u32 v5, $0x10  }
0xc4: {  	v6 =	vshrl.u32 v55, v60;
	v62 =	vld.idx.msk [tilespmem:v2+s24+$0x0 ss:$0x1], $0xffff;
	v4 =	vor.u32 v4, v7;
	v5 =	vand.u32 $0xFF0000, v5  }
0xc5: {  	s18 =	sor.u32 $0x3C0, s16;
	v63 =	vld.idx.msk [tilespmem:v1+s24+$0x0 ss:$0x1], $0xffff;
	v4 =	vor.u32 v5, v4;
	v5 =	vshll.u32 v6, $0x18  }
0xc6: {  	s20 =	sshra.s32 s20, $0x2;
	v16 =	vld.idx.msk [tilespmem:v1+s18+$0x0 ss:$0x1], $0xffff;
	v4 =	vor.u32 v5, v4  }
0xc7: {  	s31 =	sor.u32 $0x70, s16;
	v5 =	vld.idx.msk [tilespmem:v2+s18+$0x0 ss:$0x1], $0xffff;
	[tilespmem:v3+s20+$0x0 ss:$0x1] =	vst.idx.msk $0xffff, v4  }
0xc8: {  	v8 =	vld.idx.msk [tilespmem:v1+s31+$0x0 ss:$0x1], $0xffff  }
0xc9: {  	s22 =	sor.u32 $0xF0, s16;
	v17 =	vshll.u32 v61, $0x3;
	v4 =	vshll.u32 v58, $0x3;
	v9 =	vld.idx.msk [tilespmem:v2+s31+$0x0 ss:$0x1], $0xffff  }
0xca: {  	v7 =	vshll.u32 v62, $0x3;
	v11 =	vshrl.u32 v59, v17;
	s20 =	sor.u32 $0x580, s16;
	v4 =	vshrl.u32 v56, v4;
	v10 =	vld.idx.msk [tilespmem:v1+s22+$0x0 ss:$0x1], $0xffff  }
0xcb: {  	v6 =	vshrl.u32 v63, v7;
	v33 =	vld.idx.msk [tilespmem:v2+s20+$0x0 ss:$0x1], $0xffff;
	v18 =	vand.u32 $0xFF, v4;
	v4 =	vshll.u32 v11, $0x8  }
0xcc: {  	s23 =	sor.u32 $0x170, s16;
	v6 =	vshll.u32 v6, $0x10;
	v11 =	vld.idx.msk [tilespmem:v2+s22+$0x0 ss:$0x1], $0xffff;
	v19 =	vand.u32 $0xFF00, v4;
	v5 =	vshll.u32 v5, $0x3  }
0xcd: {  	s31 =	sor.u32 $0x400, s16;
	v20 =	vand.u32 $0xFF0000, v6;
	v6 =	vld.idx.msk [tilespmem:v2+s23+$0x0 ss:$0x1], $0xffff;
	v7 =	vor.u32 v18, v19;
	v5 =	vshrl.u32 v16, v5  }
0xce: {  	v25 =	vld.idx.msk [tilespmem:v2+s31+$0x0 ss:$0x1], $0xffff;
	v7 =	vor.u32 v20, v7;
	v21 =	vshll.u32 v5, $0x18  }
0xcf: {  	s21 =	sshrl.u32 s21, $0x2;
	s22 =	sor.u32 $0x480, s16;
	v4 =	vld.idx.msk [tilespmem:v1+s23+$0x0 ss:$0x1], $0xffff;
	v12 =	vor.u32 v21, v7  }
0xd0: {  	s26 =	sor.u32 $0x250, s16;
	v26 =	vld.idx.msk [tilespmem:v1+s22+$0x0 ss:$0x1], $0xffff;
	[tilespmem:v3+s21+$0x0 ss:$0x1] =	vst.idx.msk $0xffff, v12  }
0xd1: {  	v12 =	vld.idx.msk [tilespmem:v1+s26+$0x0 ss:$0x1], $0xffff  }
0xd2: {  	s28 =	sor.u32 $0x2D0, s16;
	v22 =	vld.idx.msk [tilespmem:v2+s26+$0x0 ss:$0x1], $0xffff  }
0xd3: {  	v14 =	vld.idx.msk [tilespmem:v1+s28+$0x0 ss:$0x1], $0xffff  }
0xd4: {  	s29 =	sor.u32 $0x350, s16;
	v15 =	vld.idx.msk [tilespmem:v2+s28+$0x0 ss:$0x1], $0xffff  }
0xd5: {  	s30 =	sor.u32 $0x3D0, s16;
	v16 =	vld.idx.msk [tilespmem:v2+s29+$0x0 ss:$0x1], $0xffff  }
0xd6: {  	v18 =	vld.idx.msk [tilespmem:v2+s30+$0x0 ss:$0x1], $0xffff  }
0xd7: {  	v17 =	vld.idx.msk [tilespmem:v1+s29+$0x0 ss:$0x1], $0xffff  }
0xd8: {  	v28 =	vld.idx.msk [tilespmem:v2+s22+$0x0 ss:$0x1], $0xffff  }
0xd9: {  	s23 =	sor.u32 $0x500, s16;
	v19 =	vld.idx.msk [tilespmem:v1+s30+$0x0 ss:$0x1], $0xffff  }
0xda: {  	s25 =	sor.u32 $0x1F0, s16;
	v32 =	vld.idx.msk [tilespmem:v1+s23+$0x0 ss:$0x1], $0xffff;
	v13 =	vshll.u32 v22, $0x3;
	v15 =	vshll.u32 v15, $0x3  }
0xdb: {  	v5 =	vld.idx.msk [tilespmem:v1+s25+$0x0 ss:$0x1], $0xffff;
	v24 =	vshll.u32 v16, $0x3;
	v27 =	vshll.u32 v18, $0x3;
	v23 =	vshrl.u32 v14, v15  }
0xdc: {  	v7 =	vld.idx.msk [tilespmem:v2+s25+$0x0 ss:$0x1], $0xffff;
	v12 =	vshrl.u32 v12, v13;
	v14 =	vshrl.u32 v17, v24;
	v13 =	vshll.u32 v23, $0x8  }
0xdd: {  	s25 =	sand.u32 $0x3FFFFE00, s31;
	v21 =	vld.idx.msk [tilespmem:v2+s23+$0x0 ss:$0x1], $0xffff;
	v12 =	vand.u32 $0xFF, v12;
	v14 =	vshll.u32 v14, $0x10;
	v13 =	vand.u32 $0xFF00, v13  }
0xde: {  	v20 =	vld.idx.msk [tilespmem:v1+s25+$0x0 ss:$0x1], $0xffff;
	v30 =	vshrl.u32 v19, v27;
	v29 =	vand.u32 $0xFF0000, v14;
	v12 =	vor.u32 v12, v13  }
0xdf: {  	v31 =	vshll.u32 v30, $0x18;
	v12 =	vor.u32 v29, v12  }
0xe0: {  	s24 =	sshrl.u32 s24, $0x2;
	v34 =	vld.idx.msk [tilespmem:v1+s20+$0x0 ss:$0x1], $0xffff;
	v12 =	vor.u32 v31, v12  }
0xe1: {  	v38 =	vshll.u32 v33, $0x3;
	s26 =	sor.u32 $0x260, s16;
	v18 =	vshll.u32 v28, $0x3;
	[tilespmem:v3+s24+$0x0 ss:$0x1] =	vst.idx.msk $0xffff, v12  }
0xe2: {  	v35 =	vshll.u32 v21, $0x3;
	v15 =	vshll.u32 v25, $0x3;
	v18 =	vshrl.u32 v26, v18;
	v16 =	vld.idx.msk [tilespmem:v1+s26+$0x0 ss:$0x1], $0xffff  }
0xe3: {  	s28 =	sor.u32 $0x2E0, s16;
	v15 =	vshrl.u32 v20, v15;
	v36 =	vshll.u32 v18, $0x8;
	v14 =	vshrl.u32 v32, v35;
	v19 =	vld.idx.msk [tilespmem:v2+s26+$0x0 ss:$0x1], $0xffff  }
0xe4: {  	v15 =	vand.u32 $0xFF, v15;
	v37 =	vand.u32 $0xFF00, v36;
	v14 =	vshll.u32 v14, $0x10;
	v17 =	vld.idx.msk [tilespmem:v1+s28+$0x0 ss:$0x1], $0xffff  }
0xe5: {  	s29 =	sor.u32 $0x360, s16;
	v20 =	vor.u32 v15, v37;
	v14 =	vand.u32 $0xFF0000, v14;
	v12 =	vshrl.u32 v34, v38;
	v18 =	vld.idx.msk [tilespmem:v2+s28+$0x0 ss:$0x1], $0xffff  }
0xe6: {  	v14 =	vor.u32 v14, v20;
	v13 =	vld.idx.msk [tilespmem:v1+s29+$0x0 ss:$0x1], $0xffff;
	v39 =	vshll.u32 v12, $0x18  }
0xe7: {  	s21 =	sshrl.u32 s31, $0x2;
	s30 =	sor.u32 $0x3E0, s16;
	v15 =	vld.idx.msk [tilespmem:v2+s29+$0x0 ss:$0x1], $0xffff;
	v20 =	vor.u32 v39, v14  }
0xe8: {  	s31 =	sor.u32 $0x410, s16;
	v12 =	vld.idx.msk [tilespmem:v1+s30+$0x0 ss:$0x1], $0xffff;
	[tilespmem:v3+s21+$0x0 ss:$0x1] =	vst.idx.msk $0xffff, v20  }
0xe9: {  	v20 =	vld.idx.msk [tilespmem:v1+s31+$0x0 ss:$0x1], $0xffff  }
0xea: {  	s24 =	sor.u32 $0x490, s16;
	v40 =	vld.idx.msk [tilespmem:v2+s31+$0x0 ss:$0x1], $0xffff  }
0xeb: {  	v22 =	vld.idx.msk [tilespmem:v1+s24+$0x0 ss:$0x1], $0xffff  }
0xec: {  	s25 =	sor.u32 $0x510, s16;
	v23 =	vld.idx.msk [tilespmem:v2+s24+$0x0 ss:$0x1], $0xffff  }
0xed: {  	s26 =	sor.u32 $0x590, s16;
	v24 =	vld.idx.msk [tilespmem:v2+s25+$0x0 ss:$0x1], $0xffff  }
0xee: {  	v26 =	vld.idx.msk [tilespmem:v2+s26+$0x0 ss:$0x1], $0xffff  }
0xef: {  	v25 =	vld.idx.msk [tilespmem:v1+s25+$0x0 ss:$0x1], $0xffff  }
0xf0: {  	v14 =	vld.idx.msk [tilespmem:v2+s30+$0x0 ss:$0x1], $0xffff  }
0xf1: {  	s28 =	sor.u32 $0x600, s16;
	v27 =	vld.idx.msk [tilespmem:v1+s26+$0x0 ss:$0x1], $0xffff  }
0xf2: {  	s29 =	sand.u32 $0x3FFFFE00, s28;
	v43 =	vld.idx.msk [tilespmem:v2+s28+$0x0 ss:$0x1], $0xffff;
	v21 =	vshll.u32 v40, $0x3;
	v23 =	vshll.u32 v23, $0x3  }
0xf3: {  	v28 =	vld.idx.msk [tilespmem:v1+s29+$0x0 ss:$0x1], $0xffff;
	s21 =	sor.u32 $0x780, s16;
	v42 =	vshll.u32 v24, $0x3;
	v45 =	vshll.u32 v26, $0x3;
	v41 =	vshrl.u32 v22, v23  }
0xf4: {  	s25 =	sor.u32 $0x680, s16;
	v52 =	vld.idx.msk [tilespmem:v2+s21+$0x0 ss:$0x1], $0xffff;
	v20 =	vshrl.u32 v20, v21;
	v22 =	vshrl.u32 v25, v42;
	v21 =	vshll.u32 v41, $0x8  }
0xf5: {  	v44 =	vld.idx.msk [tilespmem:v1+s25+$0x0 ss:$0x1], $0xffff;
	v20 =	vand.u32 $0xFF, v20;
	v22 =	vshll.u32 v22, $0x10;
	v21 =	vand.u32 $0xFF00, v21  }
0xf6: {  	s24 =	sor.u32 $0x700, s16;
	v46 =	vld.idx.msk [tilespmem:v2+s25+$0x0 ss:$0x1], $0xffff;
	v48 =	vshrl.u32 v27, v45;
	v47 =	vand.u32 $0xFF0000, v22;
	v20 =	vor.u32 v20, v21  }
0xf7: {  	s26 =	sor.u32 $0x440, s16;
	v49 =	vld.idx.msk [tilespmem:v2+s24+$0x0 ss:$0x1], $0xffff;
	v50 =	vshll.u32 v48, $0x18;
	v20 =	vor.u32 v47, v20  }
0xf8: {  	v51 =	vld.idx.msk [tilespmem:v1+s24+$0x0 ss:$0x1], $0xffff;
	s29 =	sshrl.u32 s26, $0x2;
	v20 =	vor.u32 v50, v20  }
0xf9: {  	s30 =	sor.u32 $0x420, s16;
	v53 =	vld.idx.msk [tilespmem:v1+s21+$0x0 ss:$0x1], $0xffff;
	[tilespmem:v3+s29+$0x0 ss:$0x1] =	vst.idx.msk $0xffff, v20  }
0xfa: {  	v54 =	vld.idx.msk [tilespmem:v1+s30+$0x0 ss:$0x1], $0xffff  }
0xfb: {  	s31 =	sor.u32 $0x4A0, s16;
	v23 =	vshll.u32 v43, $0x3;
	v26 =	vshll.u32 v46, $0x3;
	v55 =	vld.idx.msk [tilespmem:v2+s30+$0x0 ss:$0x1], $0xffff  }
0xfc: {  	v25 =	vshll.u32 v49, $0x3;
	v23 =	vshrl.u32 v28, v23;
	v24 =	vshrl.u32 v44, v26;
	v56 =	vld.idx.msk [tilespmem:v1+s31+$0x0 ss:$0x1], $0xffff  }
0xfd: {  	v23 =	vand.u32 $0xFF, v23;
	v24 =	vshll.u32 v24, $0x8;
	v22 =	vshrl.u32 v51, v25;
	v57 =	vld.idx.msk [tilespmem:v2+s31+$0x0 ss:$0x1], $0xffff;
	s30 =	sor.u32 $0x520, s16  }
0xfe: {  	v24 =	vand.u32 $0xFF00, v24;
	v22 =	vshll.u32 v22, $0x10;
	v21 =	vshll.u32 v52, $0x3;
	v58 =	vld.idx.msk [tilespmem:v2+s30+$0x0 ss:$0x1], $0xffff  }
0xff: {  	v23 =	vor.u32 v23, v24;
	v22 =	vand.u32 $0xFF0000, v22;
	v20 =	vshrl.u32 v53, v21;
	s31 =	sor.u32 $0x5A0, s16;
	v59 =	vld.idx.msk [tilespmem:v1+s30+$0x0 ss:$0x1], $0xffff  }
0x100: {  	v22 =	vor.u32 v22, v23;
	v20 =	vshll.u32 v20, $0x18;
	v60 =	vld.idx.msk [tilespmem:v2+s31+$0x0 ss:$0x1], $0xffff  }
0x101: {  	s28 =	sshrl.u32 s28, $0x2;
	v20 =	vor.u32 v20, v22  }
0x102: {  	v61 =	vld.idx.msk [tilespmem:v1+s31+$0x0 ss:$0x1], $0xffff;
	s30 =	sor.u32 $0x610, s16;
	[tilespmem:v3+s28+$0x0 ss:$0x1] =	vst.idx.msk $0xffff, v20  }
0x103: {  	v63 =	vld.idx.msk [tilespmem:v1+s30+$0x0 ss:$0x1], $0xffff;
	v62 =	vshll.u32 v55, $0x3;
	v25 =	vshll.u32 v57, $0x3  }
0x104: {  	s31 =	sor.u32 $0x690, s16;
	v31 =	vld.idx.msk [tilespmem:v2+s30+$0x0 ss:$0x1], $0xffff;
	v20 =	vshrl.u32 v54, v62;
	v25 =	vshrl.u32 v56, v25;
	v24 =	vshll.u32 v58, $0x3  }
0x105: {  	v32 =	vld.idx.msk [tilespmem:v1+s31+$0x0 ss:$0x1], $0xffff;
	v23 =	vshll.u32 v60, $0x3;
	v25 =	vshll.u32 v25, $0x8;
	v21 =	vshrl.u32 v59, v24  }
0x106: {  	s29 =	sor.u32 $0x710, s16;
	v33 =	vld.idx.msk [tilespmem:v2+s31+$0x0 ss:$0x1], $0xffff;
	v20 =	vand.u32 $0xFF, v20;
	v25 =	vand.u32 $0xFF00, v25;
	v21 =	vshll.u32 v21, $0x10  }
0x107: {  	v34 =	vld.idx.msk [tilespmem:v2+s29+$0x0 ss:$0x1], $0xffff;
	v22 =	vshrl.u32 v61, v23;
	v20 =	vor.u32 v20, v25;
	v21 =	vand.u32 $0xFF0000, v21  }
0x108: {  	v36 =	vld.idx.msk [tilespmem:v1+s29+$0x0 ss:$0x1], $0xffff;
	s30 =	sor.u32 $0x790, s16;
	v35 =	vshll.u32 v22, $0x18;
	v20 =	vor.u32 v21, v20  }
0x109: {  	s22 =	sshrl.u32 s22, $0x2;
	v37 =	vld.idx.msk [tilespmem:v2+s30+$0x0 ss:$0x1], $0xffff;
	v20 =	vor.u32 v35, v20  }
0x10a: {  	s31 =	sor.u32 $0x430, s16;
	v38 =	vld.idx.msk [tilespmem:v1+s30+$0x0 ss:$0x1], $0xffff;
	[tilespmem:v3+s22+$0x0 ss:$0x1] =	vst.idx.msk $0xffff, v20  }
0x10b: {  	v39 =	vld.idx.msk [tilespmem:v1+s31+$0x0 ss:$0x1], $0xffff  }
0x10c: {  	s29 =	sor.u32 $0x4B0, s16;
	v26 =	vshll.u32 v31, $0x3;
	v27 =	vshll.u32 v33, $0x3;
	v40 =	vld.idx.msk [tilespmem:v2+s31+$0x0 ss:$0x1], $0xffff  }
0x10d: {  	v23 =	vshll.u32 v34, $0x3;
	v26 =	vshrl.u32 v63, v26;
	v24 =	vshrl.u32 v32, v27;
	v41 =	vld.idx.msk [tilespmem:v1+s29+$0x0 ss:$0x1], $0xffff  }
0x10e: {  	s30 =	sor.u32 $0x530, s16;
	v22 =	vshrl.u32 v36, v23;
	v26 =	vand.u32 $0xFF, v26;
	v24 =	vshll.u32 v24, $0x8;
	v42 =	vld.idx.msk [tilespmem:v2+s29+$0x0 ss:$0x1], $0xffff  }
0x10f: {  	v22 =	vshll.u32 v22, $0x10;
	v21 =	vshll.u32 v37, $0x3;
	v24 =	vand.u32 $0xFF00, v24;
	v43 =	vld.idx.msk [tilespmem:v2+s30+$0x0 ss:$0x1], $0xffff  }
0x110: {  	v22 =	vand.u32 $0xFF0000, v22;
	v24 =	vor.u32 v26, v24;
	v20 =	vshrl.u32 v38, v21;
	v44 =	vld.idx.msk [tilespmem:v1+s30+$0x0 ss:$0x1], $0xffff;
	s31 =	sor.u32 $0x5B0, s16  }
0x111: {  	s28 =	sor.u32 $0x640, s16;
	v22 =	vor.u32 v22, v24;
	v20 =	vshll.u32 v20, $0x18;
	v45 =	vld.idx.msk [tilespmem:v2+s31+$0x0 ss:$0x1], $0xffff  }
0x112: {  	s30 =	sshrl.u32 s28, $0x2;
	v20 =	vor.u32 v20, v22  }
0x113: {  	v46 =	vld.idx.msk [tilespmem:v1+s31+$0x0 ss:$0x1], $0xffff;
	s31 =	sor.u32 $0x620, s16;
	[tilespmem:v3+s30+$0x0 ss:$0x1] =	vst.idx.msk $0xffff, v20  }
0x114: {  	v48 =	vld.idx.msk [tilespmem:v1+s31+$0x0 ss:$0x1], $0xffff;
	v47 =	vshll.u32 v40, $0x3;
	v23 =	vshll.u32 v42, $0x3  }
0x115: {  	s29 =	sor.u32 $0x6A0, s16;
	v50 =	vld.idx.msk [tilespmem:v2+s31+$0x0 ss:$0x1], $0xffff;
	v49 =	vshll.u32 v43, $0x3;
	v20 =	vshrl.u32 v39, v47;
	v23 =	vshrl.u32 v41, v23  }
0x116: {  	v51 =	vld.idx.msk [tilespmem:v1+s29+$0x0 ss:$0x1], $0xffff;
	v21 =	vshrl.u32 v44, v49;
	v24 =	vshll.u32 v45, $0x3;
	v23 =	vshll.u32 v23, $0x8  }
0x117: {  	s30 =	sor.u32 $0x720, s16;
	v52 =	vld.idx.msk [tilespmem:v2+s29+$0x0 ss:$0x1], $0xffff;
	v20 =	vand.u32 $0xFF, v20;
	v21 =	vshll.u32 v21, $0x10;
	v23 =	vand.u32 $0xFF00, v23  }
0x118: {  	v53 =	vld.idx.msk [tilespmem:v2+s30+$0x0 ss:$0x1], $0xffff;
	v22 =	vshrl.u32 v46, v24;
	v21 =	vand.u32 $0xFF0000, v21;
	v20 =	vor.u32 v20, v23  }
0x119: {  	s29 =	sor.u32 $0x4C0, s16;
	v55 =	vld.idx.msk [tilespmem:v1+s30+$0x0 ss:$0x1], $0xffff;
	s31 =	sor.u32 $0x7A0, s16;
	v54 =	vshll.u32 v22, $0x18;
	v20 =	vor.u32 v21, v20  }
0x11a: {  	s30 =	sshrl.u32 s29, $0x2;
	v57 =	vld.idx.msk [tilespmem:v2+s31+$0x0 ss:$0x1], $0xffff;
	v56 =	vor.u32 v54, v20  }
0x11b: {  	v19 =	vshll.u32 v19, $0x3;
	v58 =	vld.idx.msk [tilespmem:v1+s31+$0x0 ss:$0x1], $0xffff;
	[tilespmem:v3+s30+$0x0 ss:$0x1] =	vst.idx.msk $0xffff, v56  }
0x11c: {  	v16 =	vshrl.u32 v16, v19;
	v60 =	vshll.u32 v50, $0x3;
	v61 =	vshll.u32 v52, $0x3;
	v59 =	vld.idx.msk [tilespmem:v1+s26+$0x0 ss:$0x1], $0xffff  }
0x11d: {  	v24 =	vshrl.u32 v51, v61;
	v23 =	vshll.u32 v53, $0x3;
	v21 =	vshrl.u32 v48, v60;
	v62 =	vld.idx.msk [tilespmem:v2+s26+$0x0 ss:$0x1], $0xffff  }
0x11e: {  	v24 =	vshll.u32 v24, $0x8;
	v22 =	vshrl.u32 v55, v23;
	v21 =	vand.u32 $0xFF, v21;
	v63 =	vld.idx.msk [tilespmem:v1+s29+$0x0 ss:$0x1], $0xffff  }
0x11f: {  	s22 =	sor.u32 $0x5C0, s16;
	v24 =	vand.u32 $0xFF00, v24;
	v22 =	vshll.u32 v22, $0x10;
	v20 =	vshll.u32 v57, $0x3;
	v30 =	vld.idx.msk [tilespmem:v2+s29+$0x0 ss:$0x1], $0xffff  }
0x120: {  	v21 =	vor.u32 v21, v24;
	v22 =	vand.u32 $0xFF0000, v22;
	v19 =	vshrl.u32 v58, v20;
	v33 =	vld.idx.msk [tilespmem:v1+s22+$0x0 ss:$0x1], $0xffff  }
0x121: {  	v18 =	vshll.u32 v18, $0x3;
	s26 =	sor.u32 $0x540, s16;
	v21 =	vor.u32 v22, v21;
	v19 =	vshll.u32 v19, $0x18;
	v34 =	vld.idx.msk [tilespmem:v2+s22+$0x0 ss:$0x1], $0xffff  }
0x122: {  	s25 =	sshrl.u32 s25, $0x2;
	v15 =	vshll.u32 v15, $0x3;
	v17 =	vshrl.u32 v17, v18;
	v31 =	vld.idx.msk [tilespmem:v1+s26+$0x0 ss:$0x1], $0xffff;
	v19 =	vor.u32 v19, v21  }
0x123: {  	v13 =	vshrl.u32 v13, v15;
	v14 =	vshll.u32 v14, $0x3;
	v17 =	vshll.u32 v17, $0x8;
	s29 =	sor.u32 $0x630, s16;
	v32 =	vld.idx.msk [tilespmem:v2+s26+$0x0 ss:$0x1], $0xffff;
	[tilespmem:v3+s25+$0x0 ss:$0x1] =	vst.idx.msk $0xffff, v19  }
0x124: {  	v16 =	vand.u32 $0xFF, v16;
	v13 =	vshll.u32 v13, $0x10;
	v17 =	vand.u32 $0xFF00, v17;
	v35 =	vld.idx.msk [tilespmem:v1+s29+$0x0 ss:$0x1], $0xffff  }
0x125: {  	v12 =	vshrl.u32 v12, v14;
	v13 =	vand.u32 $0xFF0000, v13;
	v16 =	vor.u32 v16, v17;
	s30 =	sor.u32 $0x6B0, s16;
	v36 =	vld.idx.msk [tilespmem:v2+s29+$0x0 ss:$0x1], $0xffff  }
0x126: {  	v12 =	vshll.u32 v12, $0x18;
	v13 =	vor.u32 v13, v16;
	v19 =	vld.idx.msk [tilespmem:v1+s30+$0x0 ss:$0x1], $0xffff  }
0x127: {  	v12 =	vor.u32 v12, v13;
	s31 =	sor.u32 $0x730, s16;
	v40 =	vld.idx.msk [tilespmem:v2+s30+$0x0 ss:$0x1], $0xffff  }
0x128: {  	v41 =	vld.idx.msk [tilespmem:v2+s31+$0x0 ss:$0x1], $0xffff;
	v37 =	vshll.u32 v62, $0x3;
	v38 =	vshll.u32 v30, $0x3;
	v21 =	vshll.u32 v34, $0x3  }
0x129: {  	v42 =	vld.idx.msk [tilespmem:v1+s31+$0x0 ss:$0x1], $0xffff;
	s29 =	sor.u32 $0x7B0, s16;
	v13 =	vshrl.u32 v59, v37;
	v16 =	vshrl.u32 v63, v38;
	v39 =	vshll.u32 v32, $0x3  }
0x12a: {  	v44 =	vld.idx.msk [tilespmem:v2+s29+$0x0 ss:$0x1], $0xffff;
	v15 =	vshrl.u32 v33, v21;
	v13 =	vand.u32 $0xFF, v13;
	v16 =	vshll.u32 v16, $0x8  }
0x12b: {  	v18 =	vshrl.u32 v31, v39;
	v46 =	vshll.u32 v15, $0x18;
	v16 =	vand.u32 $0xFF00, v16  }
0x12c: {  	s19 =	sshrl.u32 s19, $0x2;
	v47 =	vld.idx.msk [tilespmem:v1+s29+$0x0 ss:$0x1], $0xffff;
	v18 =	vshll.u32 v18, $0x10;
	v49 =	vshll.u32 v36, $0x3;
	v50 =	vshll.u32 v40, $0x3  }
0x12d: {  	[tilespmem:v3+s19+$0x0 ss:$0x1] =	vst.idx.msk $0xffff, v12;
	s30 =	sor.u32 $0x270, s16;
	v51 =	vshll.u32 v41, $0x3;
	v13 =	vor.u32 v13, v16;
	v43 =	vand.u32 $0xFF0000, v18  }
0x12e: {  	s31 =	sor.u32 $0x2F0, s16;
	v17 =	vld.idx.msk [tilespmem:v2+s30+$0x0 ss:$0x1], $0xffff;
	v14 =	vshrl.u32 v35, v49;
	v45 =	vor.u32 v43, v13;
	v13 =	vshrl.u32 v19, v50  }
0x12f: {  	s25 =	sor.u32 $0x370, s16;
	v12 =	vld.idx.msk [tilespmem:v1+s31+$0x0 ss:$0x1], $0xffff;
	v18 =	vshll.u32 v44, $0x3;
	v19 =	vshrl.u32 v42, v51;
	v13 =	vshll.u32 v13, $0x8  }
0x130: {  	v15 =	vld.idx.msk [tilespmem:v2+s25+$0x0 ss:$0x1], $0xffff;
	v52 =	vand.u32 $0xFF, v14;
	v19 =	vshll.u32 v19, $0x10;
	v53 =	vand.u32 $0xFF00, v13  }
0x131: {  	v16 =	vld.idx.msk [tilespmem:v1+s30+$0x0 ss:$0x1], $0xffff;
	v18 =	vshrl.u32 v47, v18;
	v19 =	vand.u32 $0xFF0000, v19;
	v20 =	vor.u32 v52, v53  }
0x132: {  	s23 =	sshrl.u32 s23, $0x2;
	s30 =	sor.u32 $0x6C0, s16;
	v14 =	vld.idx.msk [tilespmem:v2+s31+$0x0 ss:$0x1], $0xffff;
	v48 =	vor.u32 v46, v45;
	v18 =	vshll.u32 v18, $0x18;
	v19 =	vor.u32 v19, v20  }
0x133: {  	s29 =	sor.u32 $0x450, s16;
	s31 =	sshrl.u32 s30, $0x2;
	v13 =	vld.idx.msk [tilespmem:v1+s25+$0x0 ss:$0x1], $0xffff;
	[tilespmem:v3+s23+$0x0 ss:$0x1] =	vst.idx.msk $0xffff, v48;
	v18 =	vor.u32 v18, v19  }
0x134: {  	v54 =	vld.idx.msk [tilespmem:v1+s29+$0x0 ss:$0x1], $0xffff;
	[tilespmem:v3+s31+$0x0 ss:$0x1] =	vst.idx.msk $0xffff, v18  }
0x135: {  	v18 =	vld.idx.msk [tilespmem:v1+s28+$0x0 ss:$0x1], $0xffff  }
0x136: {  	v55 =	vld.idx.msk [tilespmem:v2+s28+$0x0 ss:$0x1], $0xffff  }
0x137: {  	v56 =	vld.idx.msk [tilespmem:v1+s30+$0x0 ss:$0x1], $0xffff  }
0x138: {  	s23 =	sor.u32 $0x740, s16;
	v57 =	vld.idx.msk [tilespmem:v2+s30+$0x0 ss:$0x1], $0xffff  }
0x139: {  	s19 =	sor.u32 $0x7C0, s16;
	v58 =	vld.idx.msk [tilespmem:v2+s23+$0x0 ss:$0x1], $0xffff  }
0x13a: {  	v60 =	vld.idx.msk [tilespmem:v2+s19+$0x0 ss:$0x1], $0xffff  }
0x13b: {  	v59 =	vld.idx.msk [tilespmem:v1+s23+$0x0 ss:$0x1], $0xffff  }
0x13c: {  	v21 =	vld.idx.msk [tilespmem:v2+s29+$0x0 ss:$0x1], $0xffff  }
0x13d: {  	s29 =	sor.u32 $0x550, s16;
	v61 =	vld.idx.msk [tilespmem:v1+s19+$0x0 ss:$0x1], $0xffff  }
0x13e: {  	v31 =	vld.idx.msk [tilespmem:v1+s29+$0x0 ss:$0x1], $0xffff;
	v19 =	vshll.u32 v55, $0x3;
	v23 =	vshll.u32 v57, $0x3  }
0x13f: {  	v32 =	vld.idx.msk [tilespmem:v2+s29+$0x0 ss:$0x1], $0xffff;
	s28 =	sor.u32 $0x4D0, s16;
	v30 =	vshll.u32 v58, $0x3;
	v33 =	vshll.u32 v60, $0x3;
	v63 =	vshrl.u32 v56, v23  }
0x140: {  	v62 =	vld.idx.msk [tilespmem:v1+s28+$0x0 ss:$0x1], $0xffff;
	v18 =	vshrl.u32 v18, v19;
	v22 =	vshrl.u32 v59, v30;
	v19 =	vshll.u32 v63, $0x8  }
0x141: {  	s30 =	sor.u32 $0x5D0, s16;
	v29 =	vld.idx.msk [tilespmem:v2+s28+$0x0 ss:$0x1], $0xffff;
	v18 =	vand.u32 $0xFF, v18;
	v22 =	vshll.u32 v22, $0x10;
	v19 =	vand.u32 $0xFF00, v19  }
0x142: {  	v35 =	vld.idx.msk [tilespmem:v1+s30+$0x0 ss:$0x1], $0xffff;
	v34 =	vshrl.u32 v61, v33;
	v22 =	vand.u32 $0xFF0000, v22;
	v18 =	vor.u32 v18, v19  }
0x143: {  	s31 =	sor.u32 $0x3F0, s16;
	v36 =	vld.idx.msk [tilespmem:v2+s30+$0x0 ss:$0x1], $0xffff;
	v19 =	vshll.u32 v34, $0x18;
	v18 =	vor.u32 v22, v18  }
0x144: {  	s24 =	sshrl.u32 s24, $0x2;
	v19 =	vor.u32 v19, v18;
	v18 =	vld.idx.msk [tilespmem:v1+s31+$0x0 ss:$0x1], $0xffff  }
0x145: {  	s25 =	sor.u32 $0x650, s16;
	[tilespmem:v3+s24+$0x0 ss:$0x1] =	vst.idx.msk $0xffff, v19;
	v19 =	vld.idx.msk [tilespmem:v2+s31+$0x0 ss:$0x1], $0xffff  }
0x146: {  	v39 =	vld.idx.msk [tilespmem:v1+s25+$0x0 ss:$0x1], $0xffff  }
0x147: {  	v21 =	vshll.u32 v21, $0x3;
	s28 =	sor.u32 $0x6D0, s16;
	v37 =	vshll.u32 v29, $0x3;
	v40 =	vld.idx.msk [tilespmem:v2+s25+$0x0 ss:$0x1], $0xffff  }
0x148: {  	v20 =	vshrl.u32 v54, v21;
	v24 =	vshll.u32 v32, $0x3;
	v38 =	vshrl.u32 v62, v37;
	v41 =	vld.idx.msk [tilespmem:v2+s28+$0x0 ss:$0x1], $0xffff  }
0x149: {  	s29 =	sor.u32 $0x750, s16;
	v20 =	vand.u32 $0xFF, v20;
	v23 =	vshrl.u32 v31, v24;
	v21 =	vshll.u32 v38, $0x8;
	v43 =	vld.idx.msk [tilespmem:v1+s28+$0x0 ss:$0x1], $0xffff  }
0x14a: {  	v23 =	vshll.u32 v23, $0x10;
	v21 =	vand.u32 $0xFF00, v21;
	v22 =	vshll.u32 v36, $0x3;
	s31 =	sor.u32 $0x7D0, s16;
	v45 =	vld.idx.msk [tilespmem:v2+s29+$0x0 ss:$0x1], $0xffff  }
0x14b: {  	v42 =	vand.u32 $0xFF0000, v23;
	v20 =	vor.u32 v20, v21;
	v22 =	vshrl.u32 v35, v22;
	v47 =	vld.idx.msk [tilespmem:v2+s31+$0x0 ss:$0x1], $0xffff  }
0x14c: {  	v20 =	vor.u32 v42, v20;
	v44 =	vshll.u32 v22, $0x18;
	v46 =	vld.idx.msk [tilespmem:v1+s29+$0x0 ss:$0x1], $0xffff  }
0x14d: {  	v9 =	vshll.u32 v9, $0x3;
	s30 =	sshrl.u32 s26, $0x2;
	v20 =	vor.u32 v44, v20  }
0x14e: {  	v11 =	vshll.u32 v11, $0x3;
	v8 =	vshrl.u32 v8, v9;
	s26 =	sor.u32 $0x460, s16;
	v49 =	vld.idx.msk [tilespmem:v1+s31+$0x0 ss:$0x1], $0xffff;
	[tilespmem:v3+s30+$0x0 ss:$0x1] =	vst.idx.msk $0xffff, v20  }
0x14f: {  	v48 =	vshrl.u32 v10, v11;
	v51 =	vld.idx.msk [tilespmem:v1+s26+$0x0 ss:$0x1], $0xffff;
	v50 =	vshll.u32 v41, $0x3;
	v24 =	vshll.u32 v40, $0x3  }
0x150: {  	s28 =	sor.u32 $0x4E0, s16;
	v52 =	vld.idx.msk [tilespmem:v2+s26+$0x0 ss:$0x1], $0xffff;
	v22 =	vshll.u32 v45, $0x3;
	v20 =	vshll.u32 v47, $0x3;
	v11 =	vshrl.u32 v43, v50  }
0x151: {  	v53 =	vld.idx.msk [tilespmem:v2+s28+$0x0 ss:$0x1], $0xffff;
	v24 =	vshrl.u32 v39, v24;
	v21 =	vshrl.u32 v46, v22;
	v11 =	vshll.u32 v11, $0x8  }
0x152: {  	s29 =	sor.u32 $0x560, s16;
	v54 =	vld.idx.msk [tilespmem:v1+s28+$0x0 ss:$0x1], $0xffff;
	v24 =	vand.u32 $0xFF, v24;
	v21 =	vshll.u32 v21, $0x10;
	v11 =	vand.u32 $0xFF00, v11  }
0x153: {  	v55 =	vld.idx.msk [tilespmem:v2+s29+$0x0 ss:$0x1], $0xffff;
	v10 =	vshrl.u32 v49, v20;
	v21 =	vand.u32 $0xFF0000, v21;
	v11 =	vor.u32 v24, v11  }
0x154: {  	v6 =	vshll.u32 v6, $0x3;
	s30 =	sor.u32 $0x5E0, s16;
	v56 =	vld.idx.msk [tilespmem:v1+s29+$0x0 ss:$0x1], $0xffff;
	v10 =	vshll.u32 v10, $0x18;
	v11 =	vor.u32 v21, v11  }
0x155: {  	v4 =	vshrl.u32 v4, v6;
	v9 =	vshll.u32 v48, $0x8;
	s23 =	sshrl.u32 s23, $0x2;
	v58 =	vld.idx.msk [tilespmem:v2+s30+$0x0 ss:$0x1], $0xffff;
	v57 =	vor.u32 v10, v11  }
0x156: {  	v8 =	vand.u32 $0xFF, v8;
	v4 =	vshll.u32 v4, $0x10;
	v9 =	vand.u32 $0xFF00, v9;
	s31 =	sor.u32 $0x660, s16;
	v61 =	vld.idx.msk [tilespmem:v1+s30+$0x0 ss:$0x1], $0xffff;
	[tilespmem:v3+s23+$0x0 ss:$0x1] =	vst.idx.msk $0xffff, v57  }
0x157: {  	v4 =	vand.u32 $0xFF0000, v4;
	v8 =	vor.u32 v8, v9;
	v63 =	vld.idx.msk [tilespmem:v1+s31+$0x0 ss:$0x1], $0xffff  }
0x158: {  	v59 =	vshll.u32 v7, $0x3;
	s24 =	sor.u32 $0x6E0, s16;
	v60 =	vshll.u32 v53, $0x3;
	v62 =	vshll.u32 v52, $0x3;
	v24 =	vld.idx.msk [tilespmem:v2+s31+$0x0 ss:$0x1], $0xffff  }
0x159: {  	v20 =	vshll.u32 v55, $0x3;
	v7 =	vshrl.u32 v54, v60;
	v6 =	vshrl.u32 v51, v62;
	v25 =	vld.idx.msk [tilespmem:v1+s24+$0x0 ss:$0x1], $0xffff  }
0x15a: {  	s25 =	sor.u32 $0x760, s16;
	v20 =	vshrl.u32 v56, v20;
	v7 =	vshll.u32 v7, $0x8;
	v6 =	vand.u32 $0xFF, v6;
	v27 =	vld.idx.msk [tilespmem:v2+s24+$0x0 ss:$0x1], $0xffff  }
0x15b: {  	s26 =	sor.u32 $0x7E0, s16;
	v26 =	vshll.u32 v20, $0x10;
	v7 =	vand.u32 $0xFF00, v7;
	v10 =	vshll.u32 v58, $0x3;
	v28 =	vld.idx.msk [tilespmem:v2+s25+$0x0 ss:$0x1], $0xffff  }
0x15c: {  	v6 =	vor.u32 v6, v7;
	v7 =	vand.u32 $0xFF0000, v26;
	v9 =	vshrl.u32 v61, v10;
	v31 =	vld.idx.msk [tilespmem:v2+s26+$0x0 ss:$0x1], $0xffff  }
0x15d: {  	v5 =	vshrl.u32 v5, v59;
	v6 =	vor.u32 v7, v6;
	v29 =	vshll.u32 v9, $0x18;
	v30 =	vld.idx.msk [tilespmem:v1+s25+$0x0 ss:$0x1], $0xffff  }
0x15e: {  	s20 =	sshrl.u32 s20, $0x2;
	v4 =	vor.u32 v4, v8;
	v5 =	vshll.u32 v5, $0x18;
	v6 =	vor.u32 v29, v6  }
0x15f: {  	v4 =	vor.u32 v5, v4;
	s28 =	sor.u32 $0x470, s16;
	v32 =	vld.idx.msk [tilespmem:v1+s26+$0x0 ss:$0x1], $0xffff;
	[tilespmem:v3+s20+$0x0 ss:$0x1] =	vst.idx.msk $0xffff, v6  }
0x160: {  	v5 =	vshll.u32 v17, $0x3;
	v33 =	vld.idx.msk [tilespmem:v1+s28+$0x0 ss:$0x1], $0xffff;
	v34 =	vshll.u32 v24, $0x3;
	v35 =	vshll.u32 v27, $0x3  }
0x161: {  	s29 =	sor.u32 $0x4F0, s16;
	v36 =	vld.idx.msk [tilespmem:v2+s28+$0x0 ss:$0x1], $0xffff;
	v10 =	vshll.u32 v28, $0x3;
	v7 =	vshll.u32 v31, $0x3;
	v17 =	vshrl.u32 v25, v35  }
0x162: {  	v37 =	vld.idx.msk [tilespmem:v1+s29+$0x0 ss:$0x1], $0xffff;
	v11 =	vshrl.u32 v63, v34;
	v9 =	vshrl.u32 v30, v10;
	v17 =	vshll.u32 v17, $0x8  }
0x163: {  	s30 =	sor.u32 $0x570, s16;
	v38 =	vld.idx.msk [tilespmem:v2+s29+$0x0 ss:$0x1], $0xffff;
	v11 =	vand.u32 $0xFF, v11;
	v9 =	vshll.u32 v9, $0x10;
	v17 =	vand.u32 $0xFF00, v17  }
0x164: {  	v39 =	vld.idx.msk [tilespmem:v1+s30+$0x0 ss:$0x1], $0xffff;
	v6 =	vshrl.u32 v32, v7;
	v9 =	vand.u32 $0xFF0000, v9;
	v11 =	vor.u32 v11, v17  }
0x165: {  	v14 =	vshll.u32 v14, $0x3;
	s31 =	sor.u32 $0x5F0, s16;
	v40 =	vld.idx.msk [tilespmem:v2+s30+$0x0 ss:$0x1], $0xffff;
	v6 =	vshll.u32 v6, $0x18;
	v9 =	vor.u32 v9, v11  }
0x166: {  	s21 =	sshrl.u32 s21, $0x2;
	v12 =	vshrl.u32 v12, v14;
	v42 =	vld.idx.msk [tilespmem:v1+s31+$0x0 ss:$0x1], $0xffff;
	v6 =	vor.u32 v6, v9  }
0x167: {  	v5 =	vshrl.u32 v16, v5;
	v41 =	vshll.u32 v15, $0x3;
	s23 =	sor.u32 $0x670, s16;
	v43 =	vld.idx.msk [tilespmem:v2+s31+$0x0 ss:$0x1], $0xffff;
	[tilespmem:v3+s21+$0x0 ss:$0x1] =	vst.idx.msk $0xffff, v6  }
0x168: {  	v12 =	vshll.u32 v12, $0x8;
	v5 =	vand.u32 $0xFF, v5;
	v13 =	vshrl.u32 v13, v41;
	v47 =	vld.idx.msk [tilespmem:v1+s23+$0x0 ss:$0x1], $0xffff  }
0x169: {  	v44 =	vand.u32 $0xFF00, v12;
	v46 =	vshll.u32 v19, $0x3;
	v45 =	vshll.u32 v13, $0x10;
	s24 =	sor.u32 $0x6F0, s16;
	v50 =	vld.idx.msk [tilespmem:v2+s23+$0x0 ss:$0x1], $0xffff  }
0x16a: {  	v5 =	vor.u32 v5, v44;
	v49 =	vshrl.u32 v18, v46;
	v48 =	vand.u32 $0xFF0000, v45;
	v52 =	vld.idx.msk [tilespmem:v2+s24+$0x0 ss:$0x1], $0xffff  }
0x16b: {  	v51 =	vshll.u32 v49, $0x18;
	v5 =	vor.u32 v48, v5;
	s25 =	sor.u32 $0x770, s16;
	v10 =	vshll.u32 v38, $0x3;
	v53 =	vld.idx.msk [tilespmem:v1+s24+$0x0 ss:$0x1], $0xffff  }
0x16c: {  	s16 =	sor.u32 $0x7F0, s16;
	v16 =	vshll.u32 v36, $0x3;
	v10 =	vshrl.u32 v37, v10;
	v11 =	vshll.u32 v40, $0x3;
	v54 =	vld.idx.msk [tilespmem:v2+s25+$0x0 ss:$0x1], $0xffff  }
0x16d: {  	v8 =	vshrl.u32 v33, v16;
	v10 =	vshll.u32 v10, $0x8;
	v7 =	vshrl.u32 v39, v11;
	v57 =	vld.idx.msk [tilespmem:v2+s16+$0x0 ss:$0x1], $0xffff  }
0x16e: {  	v8 =	vand.u32 $0xFF, v8;
	v10 =	vand.u32 $0xFF00, v10;
	v7 =	vshll.u32 v7, $0x10;
	v55 =	vld.idx.msk [tilespmem:v1+s25+$0x0 ss:$0x1], $0xffff  }
0x16f: {  	v58 =	vshll.u32 v43, $0x3;
	v56 =	vor.u32 v8, v10;
	v7 =	vand.u32 $0xFF0000, v7  }
0x170: {  	v5 =	vor.u32 v51, v5;
	v60 =	vld.idx.msk [tilespmem:v1+s16+$0x0 ss:$0x1], $0xffff;
	v6 =	vor.u32 v7, v56;
	v7 =	vshrl.u32 v42, v58  }
0x171: {  	v7 =	vshll.u32 v7, $0x18;
	v59 =	vshll.u32 v52, $0x3;
	v61 =	vshll.u32 v50, $0x3  }
0x172: {  	v11 =	vshll.u32 v54, $0x3;
	v8 =	vshll.u32 v57, $0x3;
	v9 =	vshrl.u32 v53, v59  }
0x173: {  	p0 =	slt.u32 s15, $0xC;
	v12 =	vshrl.u32 v47, v61;
	v11 =	vshrl.u32 v55, v11;
	v9 =	vshll.u32 v9, $0x8  }
.Ltmp6:
0x174: {  	s26 =	sshra.s32 s17, $0x2;
	v12 =	vand.u32 $0xFF, v12;
	v11 =	vshll.u32 v11, $0x10;
	v9 =	vand.u32 $0xFF00, v9;
	(pc) =	sbr.rel @p0 .LBB2_8-.Ltmp6, $4  }
0x175: {  	[tilespmem:v3+s26+$0x0 ss:$0x1] =	vst.idx.msk $0xffff, v4;
	s28 =	sshrl.u32 s18, $0x2;
	v4 =	vshrl.u32 v60, v8;
	v62 =	vand.u32 $0xFF0000, v11;
	v9 =	vor.u32 v12, v9  }
0x176: {  	s29 =	sshrl.u32 s22, $0x2;
	[tilespmem:v3+s28+$0x0 ss:$0x1] =	vst.idx.msk $0xffff, v5;
	v5 =	vor.u32 v7, v6;
	v4 =	vshll.u32 v4, $0x18;
	v63 =	vor.u32 v62, v9  }
0x177: {  	s30 =	sshrl.u32 s19, $0x2;
	s31 =	sadd.s32 $0x4, s15;
	[tilespmem:v3+s29+$0x0 ss:$0x1] =	vst.idx.msk $0xffff, v5;
	v4 =	vor.u32 v4, v63  }
0x178: {  	s15 =	smov.u32 s31;
	[tilespmem:v3+s30+$0x0 ss:$0x1] =	vst.idx.msk $0xffff, v4  }
.Ltmp7:
0x179: {  	(pc) =	sbr.rel .LBB2_10-.Ltmp7, $4  }
0x17a: {  	_ = 	snop  }
0x17b: {  	s15 =	sshrl.u32 s13, $0x2;
	s31 =	sshrl.u32 s13, $0x5  }
0x17c: {  	s13 =	sadd.s32 s31, s4;
	s15 =	sand.u32 $0x7, s15  }
0x17d: {  	[hbm4b:s13+s15] =	stream.linear.scatter [tilespmem:s14], [sflag:$0x4], $0x800, $0x38;
	[tilespmem:$0xB000] =	vst v63  }
.LBB2_12:
0x17e: {  	s2 =	simm.s32 $0x4  }
0x17f: {  	_ =	swait.ge [sflag:s2], $0x800  }
0x180: {  	[sflag:s2] =	ssyncset.done $0x0  }
0x181: {  	[sflag:s2] =	ssyncadd.s32 $0xFFFFF800  }
0x182: {  	_ =	sfence.sel $0x180000  }
0x183: {  	s3 =	simm.s32 $0x2;
	[bflag:$0x0] =	sbarrier.arrive $0xFFFF  }
0x184: {  	s30 =	simm.s32 $0x3;
	[sflag:s3] =	ssyncpa.u1 $0x1  }
0x185: {  	[sflag:s30] =	ssyncpa.u1 $0x1  }
0x186: {  	s31 =	simm.s32 $0x1;
	[sflag:s2] =	ssyncpa.u1 $0x1  }
0x187: {  	[sflag:s31] =	ssyncpa.u1 $0x1  }
0x188: {  	p0 =	sne.s32 s1, $0x0;
	_ =	strace $0x90000056  }
0x189: {  	s0 =	sadd.s32 @!p0 $0x100000, s0;
	[bflag:$0x2] =	sbarrier.arrive $0xFFFF  }
0x18a: {  	[sflag:s0] =	ssyncadd.tile.s32 @!p0 $0x1;
	_ =	shalt  }
.Lfunc_end2:
_tile_overlayer_lowered:
.L_overlay_start_2:
0x18b: {  	(tag) =	ssettag $0x2  }
0x18c: {  	s0 =	rddreg [dreg:$0x0];
	s2 =	stileid.u32  }
0x18d: {  	s1 =	rddreg [dreg:$0x1];
	p0 =	sne.s32 s2, $0x0  }
0x18e: {  	s3 =	rddreg [dreg:$0x2];
	[bflag:$0x3] =	sbarrier.arrive $0xFFFF;
	s2 =	simm.s32 @!p0 $0x1C01  }
0x18f: {  	[timem:s3], [sflag:s2] =	dma.local @!p0 [hbm:s0], s1  }
0x190: {  	s0 =	simm.s32 @!p0 $0x1  }
0x191: {  	_ =	swait.ge @!p0 [sflag:s0], s1  }
0x192: {  	s1 =	ssub.s32 @!p0 $0x0, s1;
	[sflag:s0] =	ssyncset.done @!p0 $0x0  }
0x193: {  	[sflag:s0] =	ssyncadd.s32 @!p0 s1  }
0x194: {  	[bflag:$0x3] =	sbarrier.arrive $0xFFFF  }
0x195: {  	_ =	shalt  }

// kernel: gather_offload_async_start.5
scs
__scs_entry_jumppad:
0x0: {  	(pc) =	sbr.rel $0x88, $3  }
0x1: {  	(tag) =	ssettag $0x0;
	lr =	simm.s32 $0x1  }
0x2: {  	[smem:$0x3F8A] =	sst lr;
	_ =	strace $0xD0000000  }
0x3: {  	_ = 	snop  }
0x4: {  	_ = 	snop  }
0x5: {  	_ = 	snop  }
0x6: {  	_ = 	snop  }
0x7: {  	_ = 	snop  }
__scs_overlays_trampoline_lowered:
0x8: {  	[smem:$0x3F99] =	sst s0  }
0x9: {  	[smem:$0x3F9A] =	sst s1  }
0xa: {  	[smem:$0x3F9B] =	sst s2  }
0xb: {  	[smem:$0x3F9C] =	sst s3  }
0xc: {  	[smem:$0x3F9D] =	sst s4  }
0xd: {  	[smem:$0x3F9E] =	sst s5  }
0xe: {  	[smem:$0x3F9F] =	sst s6  }
0xf: {  	[smem:$0x3FA0] =	sst s7  }
0x10: {  	[smem:$0x3FA1] =	sst s8  }
0x11: {  	[smem:$0x3FA2] =	sst s9;
	s0 =	simm.s32 @!p0 $0x0  }
0x12: {  	s1 =	sld [smem:$0x3F88];
	s0 =	simm.s32 @p0 $0x1  }
0x13: {  	[smem:$0x3FA3] =	sst s0;
	s0 =	simm.s32 @!p1 $0x0  }
0x14: {  	s2 =	sld [smem:$0x3F87];
	s0 =	simm.s32 @p1 $0x1  }
0x15: {  	[smem:$0x3FA4] =	sst s0;
	s0 =	simm.s32 @!p2 $0x0  }
0x16: {  	s3 =	sld [smem:$0x3FDB];
	s0 =	simm.s32 @p2 $0x1  }
0x17: {  	s4 =	simm.s32 $0x1BF5;
	[smem:$0x3FA6] =	sst s0  }
0x18: {  	s0 =	sld [smem:$0x3F89];
	_ =	swait.ge [sflag:s4], $0x0  }
0x19: {  	s7 =	sld [smem:$0x3F8A]  }
0x1a: {  	s8 =	sadd.s32 $0xFFFFE003, lr  }
0x1b: {  	s9 =	sadd.s32 $0xFFFFFEF7, lr;
	s5 =	simm.s32 $0xFFFFFFFF;
	p2 =	slt.u32 s8, $0xFFFFF086  }
0x1c: {  	p1 =	slt.u32 s9, $0xF7A;
	s5 =	simm.s32 @!p2 $0x0  }
0x1d: {  	s5 =	simm.s32 @p1 $0x1;
	p0 =	seq.s32 s7, s2  }
0x1e: {  	s7 =	smul.u32 @!p0 $0xF7A, s2;
	p2 =	seq.s32 @!p0 s5, $0x0  }
0x1f: {  	s9 =	smul.u32 $0xF7A, s1;
	s8 =	simm.s32 @!p0 $0x1BF5;
	p2 =	por !p2, p0  }
0x20: {  	[sflag:s8] =	ssyncset.s32 @!p0 $0xFFFFF086;
	s6 =	sadd.s32 @!p0 s3, s7;
	s7 =	simm.s32 @!p0 $0x108  }
0x21: {  	s3 =	sadd.s32 s3, s9;
	s6 =	sadd.s32 @!p0 $0x88, s6;
	s7 =	simm.s32 @p2 $0x1082  }
0x22: {  	[simem:s7], [sflag:s8] =	dma.local @!p0 [hbm:s6], $0xF7A  }
0x23: {  	s9 =	sor.u32 $0xD0000000, s2;
	s6 =	simm.s32 $0x108;
	_ =	swait.ge @!p0 [sflag:s8], $0x0  }
0x24: {  	s3 =	sadd.s32 $0x88, s3;
	s6 =	simm.s32 @!p1 $0x1082;
	[sflag:s4] =	ssyncset.s32 $0xFFFFF086  }
0x25: {  	[simem:s6], [sflag:s4] =	dma.local [hbm:s3], $0xF7A  }
0x26: {  	[smem:$0x3F8A] =	sst s1;
	(tag) =	ssettag s2;
	_ =	strace s9  }
0x27: {  	s1 =	sld [smem:$0x3F9A]  }
0x28: {  	s2 =	sld [smem:$0x3F9B]  }
0x29: {  	s4 =	sld [smem:$0x3F9D]  }
0x2a: {  	p0 =	seq.s32 s5, $0x0;
	s5 =	sld [smem:$0x3F9E]  }
0x2b: {  	s6 =	sld [smem:$0x3F9F]  }
0x2c: {  	s7 =	sld [smem:$0x3FA0]  }
0x2d: {  	s3 =	simm.s32 $0x108;
	s8 =	sld [smem:$0x3FA1]  }
0x2e: {  	s3 =	simm.s32 @!p0 $0x1082;
	s9 =	sld [smem:$0x3FA2]  }
0x2f: {  	lr =	sadd.s32 s0, s3;
	s0 =	sld [smem:$0x3F99]  }
0x30: {  	s3 =	sld [smem:$0x3F9C]  }
0x31: {  	[smem:$0x3FA5] =	sst s10  }
0x32: {  	s10 =	sld [smem:$0x3FA3];
	_ =	sdelay $0x3  }
0x33: {  	p0 =	seq.s32 s10, $0x1;
	s10 =	sld [smem:$0x3FA5];
	_ =	sdelay $0x3  }
0x34: {  	[smem:$0x3FA5] =	sst s10  }
0x35: {  	s10 =	sld [smem:$0x3FA4];
	_ =	sdelay $0x3  }
0x36: {  	p1 =	seq.s32 s10, $0x1;
	s10 =	sld [smem:$0x3FA5];
	_ =	sdelay $0x3  }
0x37: {  	[smem:$0x3FA5] =	sst s10  }
0x38: {  	s10 =	sld [smem:$0x3FA6]  }
0x39: {  	_ = 	snop;
	(pc) =	sbr.ind lr, $3  }
0x3a: {  	_ = 	snop  }
0x3b: {  	_ = 	snop  }
0x3c: {  	p2 =	seq.s32 s10, $0x1;
	s10 =	sld [smem:$0x3FA5]  }
0x3d: {  	_ =	shalt  }
0x3e: {  	_ =	shalt  }
0x3f: {  	_ =	shalt  }
0x40: {  	_ =	shalt  }
0x41: {  	_ =	shalt  }
0x42: {  	_ =	shalt  }
0x43: {  	_ =	shalt  }
0x44: {  	_ =	shalt  }
0x45: {  	_ =	shalt  }
0x46: {  	_ =	shalt  }
0x47: {  	_ =	shalt  }
0x48: {  	_ =	shalt  }
0x49: {  	_ =	shalt  }
0x4a: {  	_ =	shalt  }
0x4b: {  	_ =	shalt  }
0x4c: {  	_ =	shalt  }
0x4d: {  	_ =	shalt  }
0x4e: {  	_ =	shalt  }
0x4f: {  	_ =	shalt  }
0x50: {  	_ =	shalt  }
0x51: {  	_ =	shalt  }
0x52: {  	_ =	shalt  }
0x53: {  	_ =	shalt  }
0x54: {  	_ =	shalt  }
0x55: {  	_ =	shalt  }
0x56: {  	_ =	shalt  }
0x57: {  	_ =	shalt  }
0x58: {  	_ =	shalt  }
0x59: {  	_ =	shalt  }
0x5a: {  	_ =	shalt  }
0x5b: {  	_ =	shalt  }
0x5c: {  	_ =	shalt  }
0x5d: {  	_ =	shalt  }
0x5e: {  	_ =	shalt  }
0x5f: {  	_ =	shalt  }
0x60: {  	_ =	shalt  }
0x61: {  	_ =	shalt  }
0x62: {  	_ =	shalt  }
0x63: {  	_ =	shalt  }
0x64: {  	_ =	shalt  }
0x65: {  	_ =	shalt  }
0x66: {  	_ =	shalt  }
0x67: {  	_ =	shalt  }
0x68: {  	_ =	shalt  }
0x69: {  	_ =	shalt  }
0x6a: {  	_ =	shalt  }
0x6b: {  	_ =	shalt  }
0x6c: {  	_ =	shalt  }
0x6d: {  	_ =	shalt  }
0x6e: {  	_ =	shalt  }
0x6f: {  	_ =	shalt  }
0x70: {  	_ =	shalt  }
0x71: {  	_ =	shalt  }
0x72: {  	_ =	shalt  }
0x73: {  	_ =	shalt  }
0x74: {  	_ =	shalt  }
0x75: {  	_ =	shalt  }
0x76: {  	_ =	shalt  }
0x77: {  	_ =	shalt  }
0x78: {  	_ =	shalt  }
0x79: {  	_ =	shalt  }
0x7a: {  	_ =	shalt  }
0x7b: {  	_ =	shalt  }
0x7c: {  	_ =	shalt  }
0x7d: {  	_ =	shalt  }
0x7e: {  	_ =	shalt  }
0x7f: {  	_ =	shalt  }
0x80: {  	_ =	shalt  }
0x81: {  	_ =	shalt  }
0x82: {  	_ =	shalt  }
0x83: {  	_ =	shalt  }
0x84: {  	_ =	shalt  }
0x85: {  	_ =	shalt  }
0x86: {  	_ =	shalt  }
0x87: {  	_ =	shalt  }
.Lfunc_end0:
.L_simem_size_0:
called_computation.7_lowered:
.L_overlay_start_0:
0x88: {  	s2 =	sld [smem:$0x3FD9]  }
0x89: {  	s3 =	sld [smem:$0x3FFE];
	_ =	sdelay $0x1  }
0x8a: {  	s1 =	srdreg.scid  }
0x8b: {  	s0 =	sand.u32 $0x1, s1  }
0x8c: {  	s16 =	sshll.u32 s0, $0xA;
	s2 =	sadd.s32 s3, s2  }
0x8d: {  	s2 =	sadd.s32 s2, s16  }
0x8e: {  	[smem:$0x3FB1] =	sst s2  }
0x8f: {  	_ = 	snop  }
0x90: {  	(tm) =	ssettm $0x1  }
0x91: {  	s17 =	sld [smem:$0x3FFB];
	_ =	sdelay $0x3  }
0x92: {  	_ =	strace s17  }
0x93: {  	s2 =	sld [smem:$0x3FFC];
	_ =	sdelay $0x3  }
0x94: {  	_ =	strace s2  }
0x95: {  	s2 =	sld [smem:$0x3FFD];
	_ =	sdelay $0x3  }
0x96: {  	_ =	strace s2  }
0x97: {  	_ =	strace $0x8FFFFFFF  }
0x98: {  	s18 =	sld [smem:$0x3FDB];
	_ =	sdelay $0x1  }
0x99: {  	s19 =	simm.s32 $_scs_section_size  }
0x9a: {  	s4 =	simm.s32 $_size__tile_overlayer_lowered;
	s5 =	simm.s32 $_tile_overlayer_lowered  }
0x9b: {  	s22 =	simm.s32 $0x1BFF;
	s21 =	sshll.u32 s5, $0x1;
	s2 =	sadd.s32 s19, s18  }
0x9c: {  	s6 =	simm.s32 $0x0;
	s20 =	sshll.u32 s4, $0x1;
	s4 =	sadd.s32 s21, s2  }
0x9d: {  	[timem:s6], [sflag:s22] =	dma.local [hbm:s4], s20  }
0x9e: {  	_ =	swait.ge [sflag:s22], s20  }
0x9f: {  	s3 =	ssub.s32 $0x0, s20;
	[sflag:s22] =	ssyncset.done $0x0  }
0xa0: {  	[sflag:s22] =	ssyncadd.s32 s3;
	_ =	sdelay $0x1  }
0xa1: {  	s23 =	simm.s32 $0x1B8B  }
0xa2: {  	_ =	swait.ge [sflag:s23], $0x1  }
0xa3: {  	[sflag:s23] =	ssyncset.done $0x0  }
0xa4: {  	s25 =	simm.s32 $0x1B8E;
	s24 =	sld [smem:$0x3FFE];
	[sflag:s23] =	ssyncadd.s32 $0xFFFFFFFF  }
0xa5: {  	s26 =	simm.s32 $execute0_lowered;
	[smem:$0x3FD2] =	sst s25  }
0xa6: {  	s4 =	sshll.u32 s26, $0x1;
	_ =	strace $0x8000004C;
	[dreg:$0x1] =	wrdreg $0xFFFFFFFF  }
0xa7: {  	s28 =	simm.s32 $_size_execute0_lowered;
	s2 =	sadd.s32 s2, s4;
	[dreg:$0x0] =	wrdreg $0x0  }
0xa8: {  	s4 =	sshll.u32 s28, $0x1;
	[dreg:$0x2] =	wrdreg s2  }
0xa9: {  	[dreg:$0x3] =	wrdreg s4  }
0xaa: {  	[dreg:$0x4] =	wrdreg $0xC0  }
0xab: {  	_ =	task [dreg:s6], $0x5FFFF  }
0xac: {  	[dreg:$0x1] =	wrdreg $0xFFFFFFFF  }
0xad: {  	[dreg:$0x0] =	wrdreg $0x60  }
0xae: {  	[dreg:$0x2] =	wrdreg s24  }
0xaf: {  	[dreg:$0x3] =	wrdreg $0x9  }
0xb0: {  	_ =	task.clear_ibuf [dreg:s6], $0x4FFFF;
	_ =	strace $0x9000004C  }
0xb1: {  	s29 =	simm.s32 $0x9;
	_ =	strace $0x8000004E  }
0xb2: {  	_ =	swait.ge [sflag:s29], $0x1  }
0xb3: {  	[sflag:s29] =	ssyncadd.s32 $0xFFFFFFFF  }
0xb4: {  	_ =	strace $0x9000004E  }
0xb5: {  	_ =	sfence  }
0xb6: {  	s30 =	sld [smem:$0x0];
	_ =	sdelay $0x2  }
0xb7: {  	s31 =	sshll.u32 s1, $0xD;
	s1 =	sshrl.u32 s1, $0x2  }
0xb8: {  	s3 =	sand.u32 $0x4000, s31;
	s1 =	sadd.s32 s1, s30  }
0xb9: {  	s0 =	sor.u32 s3, s0;
	s1 =	sshll.u32 s1, $0x11  }
0xba: {  	s0 =	sor.u32 s1, s0  }
0xbb: {  	s0 =	sadd.s32 $0x8F2B, s0  }
0xbc: {  	[sflag:s0] =	ssyncadd.remote.s32 $0x1  }
0xbd: {  	_ =	sfence.sel $0xFFFF  }
0xbe: {  	[dreg:$0x0] =	wrdreg $0xFFFFFFFF;
	(pc) =	sbr.abs _section_cstart, $3  }
0xbf: {  	[dreg:$0x1] =	wrdreg $0xFFFFFFFF  }
0xc0: {  	_ =	task.clear_ibuf [dreg:s6], $0x2FFFF;
	_ =	strace $0x9FFFFFFF  }
0xc1: {  	(tm) =	ssettm $0x7FFFFFFF  }
tec
execute0_lowered:
.L_overlay_start_1:
0x0: {  	(tag) =	ssettag $0x1  }
0x1: {  	s8 =	rddreg [dreg:$0x0]  }
0x2: {  	_ =	strace $0x8000004D;
	s3 =	simm.s32 $0x1;
	s1 =	srdreg.scid  }
0x3: {  	s0 =	stileid.u32;
	s10 =	simm.s32 $0x4;
	s11 =	simm.s32 $0x8000  }
0x4: {  	s12 =	simm.s32 $0xFFFFC000;
	s16 =	simm.s32 $0x0;
	s14 =	simm.s32 $0x0  }
0x5: {  	s13 =	simm.s32 $0x0;
	s2 =	sadd.s32 $0x349400, s8;
	s5 =	sshll.u32 s1, $0x4  }
.Ltmp0:
0x6: {  	s4 =	sadd.s32 $0xC9400, s8;
	s6 =	sand.u32 $0x10, s5;
	(pc) =	sbr.rel .LBB2_1-.Ltmp0, $4  }
0x7: {  	[sflag:s3] =	ssyncpa.u1 $0x0;
	s5 =	simm.s32 $0x2;
	s7 =	sor.u32 s0, s6  }
0x8: {  	[sflag:s5] =	ssyncpa.u1 $0x0;
	s6 =	simm.s32 $0x3;
	s7 =	sshll.u32 s7, $0xF  }
0x9: {  	s8 =	sadd.s32 $0xE9400, s8;
	[sflag:s6] =	ssyncpa.u1 $0x0;
	s9 =	sadd.s32 $0x8000, s7  }
0xa: {  	v0 =	vlaneseq.u32;
	vm0 =	vmmov $0xffff;
	[sflag:s10] =	ssyncpa.u1 $0x0;
	s10 =	simm.s32 $0x0;
	s15 =	smov.u32 s7  }
.LBB2_10:
0xb: {  	p0 =	slt.u32 s13, $0x3;
	s1 =	sadd.s32 $0x4000, s15  }
0xc: {  	s17 =	smov.u32 s7;
	s13 =	sadd.s32 $0x1, s13;
	p1 =	slt.s32 s1, s9  }
0xd: {  	s17 =	smov.u32 @p1 s1;
	p1 =	sne.s32 s13, $0x5  }
.Ltmp1:
0xe: {  	_ = 	snop;
	(pc) =	sbr.rel @!p1 .LBB2_11-.Ltmp1, $4  }
0xf: {  	s0 =	simm.s32 @!p0 $0x4  }
0x10: {  	s16 =	smov.u32 s14;
	_ =	swait.ge @!p0 [sflag:s0], $0x1000  }
0x11: {  	s14 =	smov.u32 s15;
	s11 =	sadd.s32 $0x4000, s11;
	[sflag:s0] =	ssyncset.done @!p0 $0x0  }
0x12: {  	s12 =	sadd.s32 $0x4000, s12;
	s15 =	smov.u32 s17;
	[sflag:s0] =	ssyncadd.s32 @!p0 $0xFFFFF000  }
.LBB2_1:
0x13: {  	p0 =	sgt.u32 s13, $0x1  }
0x14: {  	s31 =	sadd.s32 $0xFFFFFFFF, s13;
	s17 =	sshrl.u32 @!p0 s15, $0x3;
	s18 =	sshll.u32 @!p0 s13, $0xE  }
0x15: {  	s19 =	sand.u32 @!p0 $0x7, s15;
	s17 =	sadd.s32 @!p0 s4, s17;
	s18 =	sand.u32 @!p0 $0x3FFFC000, s18  }
0x16: {  	[tilespmem:s18], [sflag:$0x2] =	stream.linear.gather @!p0 [hbm4b:s17+s19], $0x4000, $0x38;
	[tilespmem:$0x16000] =	vst v63  }
0x17: {  	p0 =	sgt.u32 s31, $0x1  }
.Ltmp2:
0x18: {  	_ = 	snop;
	(pc) =	sbr.rel @p0 .LBB2_5-.Ltmp2, $1  }
0x19: {  	_ =	sdelay $0x3  }
0x1a: {  	_ =	swait.ge [sflag:s5], $0x4000  }
0x1b: {  	[sflag:s5] =	ssyncset.done $0x0  }
0x1c: {  	[sflag:s5] =	ssyncadd.s32 $0xFFFFC000;
	(ifvalue) =	ssetifvalue $0x7FFFFFFF;
	v1 =	vld.msk [tilespmem:s12+$0x0 ss:$0x1], $0xffff  }
0x1d: {  	s17 =	sadd.s32 $0x10, s12  }
0x1e: {  	v4 =	vld.msk [tilespmem:s17+$0x0 ss:$0x1], $0xffff;
	_ =	sdelay $0x2  }
0x1f: {  	v2 =	vshll.u32 v1, $0x13  }
0x20: {  	s19 =	ssub.s32 $0x100000, s14;
	vm1 =	veq.s32 v1, $0x80000000;
	v3 =	vshrl.u32 v1, $0xE;
	v1 =	vshrl.u32 v1, $0x5  }
0x21: {  	p0 =	slt.s32 s19, $0x4000;
	vm2 =	veq.s32 v4, $0x80000000;
	v1 =	vand.u32 $0x1FF, v1;
	v3 =	vand.u32 $0x3FF, v3  }
0x22: {  	s19 =	simm.s32 @!p0 $0x4000;
	v2 =	vand.u32 $0xF80000, v2;
	v5 =	vsel vm1, $0xFFFFFFFF, v1;
	v1 =	vsel vm1, $0xFFFFFFFF, v3  }
0x23: {  	p0 =	sgt.s32 s19, $0x0;
	s18 =	smov.u32 s19;
	v2 =	vsel vm1, $0xFFF80000, v2;
	v3 =	vshll.u32 v5, $0xA;
	v6 =	vshll.u32 v1, $0x3  }
0x24: {  	s18 =	simm.s32 @!p0 $0x0;
	v7 =	vshll.u32 v5, $0x7;
	v1 =	vshll.u32 v1, $0x2;
	v5 =	vand.u32 $0x3, v5  }
0x25: {  	s18 =	smin.u32 s18, $0x10;
	v3 =	vand.u32 $0xFFFFE000, v3;
	v6 =	vand.u32 $0xFFFFFC00, v6;
	v1 =	vand.u32 $0x1FC, v1  }
0x26: {  	v2 =	vadd.s32 v2, v3;
	v3 =	vand.u32 $0x200, v7;
	v7 =	vmov s18  }
0x27: {  	v2 =	vadd.s32 v6, v2;
	v1 =	vor.u32 v1, v3;
	v3 =	vshll.u32 v4, $0x13  }
0x28: {  	vm1 =	vgt.u32 v7, v0;
	v1 =	vor.u32 v1, v2;
	v2 =	vshrl.u32 v4, $0xE  }
0x29: {  	v4 =	vshrl.u32 v4, $0x5;
	v3 =	vand.u32 $0xF80000, v3;
	v1 =	vshrl.u32 v1, $0x2  }
0x2a: {  	s18 =	sadd.s32 $0x10, s17;
	v2 =	vand.u32 $0x3FF, v2;
	v6 =	vnsel vm1, $0x7FFFFFFF, v1;
	v1 =	vand.u32 $0x1FF, v4  }
0x2b: {  	s19 =	sadd.s32 $0xFFFFFFF0, s19;
	v3 =	vsel vm2, $0xFFF80000, v3;
	v4 =	vld.msk [tilespmem:s18+$0x0 ss:$0x1], $0xffff;
	v2 =	vsel vm2, $0xFFFFFFFF, v2;
	v1 =	vsel vm2, $0xFFFFFFFF, v1  }
0x2c: {  	p0 =	sgt.s32 s19, $0x0;
	s20 =	smov.u32 s19;
	v8 =	vshll.u32 v2, $0x3;
	v2 =	vshll.u32 v2, $0x2;
	v7 =	vshll.u32 v1, $0xA  }
0x2d: {  	s20 =	simm.s32 @!p0 $0x0;
	v9 =	vshll.u32 v1, $0x7;
	v8 =	vand.u32 $0xFFFFFC00, v8;
	v7 =	vand.u32 $0xFFFFE000, v7  }
0x2e: {  	s20 =	smin.u32 s20, $0x10;
	[tilespmem:s12+$0x0] =	vst v5;
	v2 =	vand.u32 $0x1FC, v2;
	v5 =	vand.u32 $0x200, v9;
	v3 =	vadd.s32 v3, v7  }
0x2f: {  	(ifvalue) =	ssetifvalue $0x7FFFFFFF;
	v7 =	vmov s20;
	v2 =	vor.u32 v2, v5;
	v3 =	vadd.s32 v8, v3  }
0x30: {  	[tilespmem:s11], [sflag:$0x3] =	stream.indirect_vreg.gather [hbm4b:s2+s10], $0x1, v6, vm0, $0x4038;
	v6 =	vshll.u32 v4, $0x13;
	vm2 =	vgt.u32 v7, v0;
	v2 =	vor.u32 v2, v3;
	[tilespmem:$0x16000] =	vst v63  }
0x31: {  	vm1 =	veq.s32 v4, $0x80000000;
	v5 =	vshrl.u32 v4, $0x5;
	v2 =	vshrl.u32 v2, $0x2  }
0x32: {  	s21 =	simm.s32 $0x20;
	s22 =	sadd.s32 $0x10, s18;
	s20 =	smov.u32 s11;
	v3 =	vshrl.u32 v4, $0xE;
	v4 =	vand.u32 $0xF80000, v6;
	v2 =	vnsel vm2, $0x7FFFFFFF, v2  }
.LBB2_3:
0x33: {  	v6 =	vld.msk [tilespmem:s22+$0x0 ss:$0x1], $0xffff;
	v5 =	vand.u32 $0x1FF, v5;
	v3 =	vand.u32 $0x3FF, v3;
	v4 =	vsel vm1, $0xFFF80000, v4;
	s19 =	sadd.s32 $0xFFFFFFF0, s19  }
0x34: {  	v7 =	vand.u32 $0x3, v1;
	p0 =	sgt.s32 s19, $0x0;
	v3 =	vsel vm1, $0xFFFFFFFF, v3;
	v1 =	vsel vm1, $0xFFFFFFFF, v5;
	s23 =	smov.u32 s19  }
0x35: {  	s21 =	sadd.s32 $0x10, s21;
	s20 =	sadd.s32 $0x10, s20;
	s23 =	simm.s32 @!p0 $0x0;
	v5 =	vshll.u32 v1, $0xA;
	v8 =	vshll.u32 v3, $0x3;
	v9 =	vshll.u32 v1, $0x7  }
0x36: {  	p0 =	slt.u32 s21, $0x3FF0;
	v3 =	vshll.u32 v3, $0x2;
	s23 =	smin.u32 s23, $0x10;
	v5 =	vand.u32 $0xFFFFE000, v5;
	v8 =	vand.u32 $0xFFFFFC00, v8;
	[tilespmem:s17+$0x0] =	vst v7;
	(ifvalue) =	ssetifvalue $0x7FFFFFFF  }
0x37: {  	[tilespmem:s20], [sflag:$0x3] =	stream.indirect_vreg.gather [hbm4b:s2+s10], $0x1, v2, vm0, $0x4038;
	[tilespmem:$0x16000] =	vst v63  }
.Ltmp3:
0x38: {  	v3 =	vand.u32 $0x1FC, v3;
	v4 =	vadd.s32 v4, v5;
	v5 =	vand.u32 $0x200, v9;
	(pc) =	sbr.rel @p0 .LBB2_3-.Ltmp3, $4  }
0x39: {  	s17 =	smov.u32 s18;
	s18 =	smov.u32 s22;
	v2 =	vmov s23;
	v4 =	vadd.s32 v8, v4;
	v3 =	vor.u32 v3, v5  }
0x3a: {  	v7 =	vshll.u32 v6, $0x13;
	vm2 =	vgt.u32 v2, v0;
	v2 =	vor.u32 v3, v4  }
0x3b: {  	vm1 =	veq.s32 v6, $0x80000000;
	v3 =	vshrl.u32 v6, $0xE;
	v2 =	vshrl.u32 v2, $0x2  }
0x3c: {  	s22 =	sadd.s32 $0x10, s22;
	v5 =	vshrl.u32 v6, $0x5;
	v4 =	vand.u32 $0xF80000, v7;
	v2 =	vnsel vm2, $0x7FFFFFFF, v2  }
0x3d: {  	v5 =	vand.u32 $0x1FF, v5;
	v3 =	vand.u32 $0x3FF, v3  }
0x3e: {  	v4 =	vsel vm1, $0xFFF80000, v4;
	v5 =	vsel vm1, $0xFFFFFFFF, v5;
	v3 =	vsel vm1, $0xFFFFFFFF, v3  }
0x3f: {  	s19 =	sadd.s32 $0xFFFFFFF0, s19;
	v6 =	vshll.u32 v5, $0xA;
	v7 =	vshll.u32 v3, $0x3;
	v8 =	vshll.u32 v5, $0x7  }
0x40: {  	p0 =	sgt.s32 s19, $0x0;
	v3 =	vshll.u32 v3, $0x2;
	v6 =	vand.u32 $0xFFFFE000, v6;
	v7 =	vand.u32 $0xFFFFFC00, v7  }
0x41: {  	s19 =	simm.s32 @!p0 $0x0;
	v62 =	vand.u32 $0x200, v8;
	v3 =	vand.u32 $0x1FC, v3;
	v4 =	vadd.s32 v4, v6  }
0x42: {  	s19 =	smin.u32 s19, $0x10;
	v3 =	vor.u32 v3, v62;
	v4 =	vadd.s32 v7, v4  }
0x43: {  	v63 =	vmov s19;
	v3 =	vor.u32 v3, v4  }
0x44: {  	vm1 =	vgt.u32 v63, v0;
	v3 =	vshrl.u32 v3, $0x2  }
0x45: {  	v3 =	vnsel vm1, $0x7FFFFFFF, v3  }
0x46: {  	v1 =	vand.u32 $0x3, v1  }
0x47: {  	s31 =	sadd.s32 $0x10, s20;
	[tilespmem:s17+$0x0] =	vst v1;
	(ifvalue) =	ssetifvalue $0x7FFFFFFF  }
0x48: {  	[tilespmem:s31], [sflag:$0x3] =	stream.indirect_vreg.gather [hbm4b:s2+s10], $0x1, v2, vm0, $0x4038;
	v1 =	vand.u32 $0x3, v5;
	[tilespmem:$0x16000] =	vst v63  }
0x49: {  	s17 =	sadd.s32 $0x10, s31;
	[tilespmem:s18+$0x0] =	vst v1;
	(ifvalue) =	ssetifvalue $0x7FFFFFFF  }
0x4a: {  	[tilespmem:s17], [sflag:$0x3] =	stream.indirect_vreg.gather [hbm4b:s2+s10], $0x1, v3, vm0, $0x4038;
	[tilespmem:$0x16000] =	vst v63  }
.LBB2_5:
0x4b: {  	p0 =	sgt.u32 s13, $0x4  }
.Ltmp4:
0x4c: {  	_ = 	snop;
	(pc) =	sbr.rel @p0 .LBB2_7-.Ltmp4, $1  }
0x4d: {  	_ =	sdelay $0x3  }
0x4e: {  	s17 =	sshll.u32 s3, s13  }
0x4f: {  	s17 =	sand.u32 $0x13, s17  }
0x50: {  	p0 =	sne.s32 s17, $0x0  }
.Ltmp5:
0x51: {  	_ = 	snop;
	(pc) =	sbr.rel @p0 .LBB2_10-.Ltmp5, $1  }
0x52: {  	_ =	sdelay $0x3  }
.LBB2_7:
0x53: {  	s17 =	sadd.s32 $0xFFFFFFFE, s13  }
0x54: {  	s18 =	smulhi.u32 $0xAAAAAAAB, s17;
	_ =	sdelay $0x1  }
0x55: {  	s18 =	sshrl.u32 s18, $0x1  }
0x56: {  	s18 =	smul.u32 $0x3, s18;
	_ =	sdelay $0x1  }
0x57: {  	s19 =	sand.u32 $0x1, s13;
	s17 =	ssub.s32 s17, s18  }
0x58: {  	s31 =	sshll.u32 s19, $0xE;
	s21 =	sshll.u32 s17, $0xE  }
0x59: {  	s20 =	sadd.s32 $0xC000, s31;
	v2 =	vmov s21  }
0x5a: {  	_ =	swait.ge [sflag:s6], $0x4000;
	s19 =	sshll.u32 s19, $0xC;
	v1 =	vmov s20  }
0x5b: {  	[sflag:s6] =	ssyncset.done $0x0;
	s17 =	sor.u32 $0x14000, s19  }
0x5c: {  	[sflag:s6] =	ssyncadd.s32 $0xFFFFC000;
	s18 =	simm.s32 $0x0;
	v3 =	vmov s17  }
.LBB2_8:
0x5d: {  	s19 =	sshll.u32 s18, $0x9  }
0x5e: {  	s20 =	sand.u32 $0x3FFFFE00, s19;
	v5 =	vld.idx.msk [tilespmem:v2+s19+$0x0 ss:$0x1], $0xffff  }
0x5f: {  	s26 =	sor.u32 $0x80, s19;
	v4 =	vld.idx.msk [tilespmem:v1+s20+$0x0 ss:$0x1], $0xffff  }
0x60: {  	v6 =	vld.idx.msk [tilespmem:v1+s26+$0x0 ss:$0x1], $0xffff  }
0x61: {  	s21 =	sor.u32 $0x100, s19;
	v7 =	vld.idx.msk [tilespmem:v2+s26+$0x0 ss:$0x1], $0xffff  }
0x62: {  	v8 =	vld.idx.msk [tilespmem:v2+s21+$0x0 ss:$0x1], $0xffff  }
0x63: {  	s23 =	sor.u32 $0x180, s19;
	v9 =	vld.idx.msk [tilespmem:v1+s21+$0x0 ss:$0x1], $0xffff  }
0x64: {  	v10 =	vld.idx.msk [tilespmem:v2+s23+$0x0 ss:$0x1], $0xffff;
	_ =	sdelay $0x1  }
0x65: {  	v11 =	vld.idx.msk [tilespmem:v1+s23+$0x0 ss:$0x1], $0xffff  }
0x66: {  	v5 =	vshll.u32 v5, $0x3;
	v7 =	vshll.u32 v7, $0x3  }
0x67: {  	v4 =	vshrl.u32 v4, v5;
	v30 =	vshll.u32 v8, $0x3;
	v5 =	vshrl.u32 v6, v7  }
0x68: {  	v31 =	vshll.u32 v10, $0x3;
	v6 =	vshrl.u32 v9, v30;
	v5 =	vshll.u32 v5, $0x8  }
0x69: {  	v4 =	vand.u32 $0xFF, v4;
	v6 =	vshll.u32 v6, $0x10;
	v5 =	vand.u32 $0xFF00, v5  }
0x6a: {  	v32 =	vshrl.u32 v11, v31;
	v4 =	vor.u32 v4, v5;
	v5 =	vand.u32 $0xFF0000, v6  }
0x6b: {  	v4 =	vor.u32 v5, v4;
	v5 =	vshll.u32 v32, $0x18  }
0x6c: {  	s25 =	sshra.s32 s19, $0x2;
	v4 =	vor.u32 v5, v4  }
0x6d: {  	s28 =	sor.u32 $0x10, s19;
	[tilespmem:v3+s25+$0x0 ss:$0x1] =	vst.idx.msk $0xffff, v4  }
0x6e: {  	v4 =	vld.idx.msk [tilespmem:v1+s28+$0x0 ss:$0x1], $0xffff  }
0x6f: {  	s29 =	sor.u32 $0x90, s19;
	v5 =	vld.idx.msk [tilespmem:v2+s28+$0x0 ss:$0x1], $0xffff  }
0x70: {  	v33 =	vld.idx.msk [tilespmem:v1+s29+$0x0 ss:$0x1], $0xffff  }
0x71: {  	s30 =	sor.u32 $0x110, s19;
	v34 =	vld.idx.msk [tilespmem:v2+s29+$0x0 ss:$0x1], $0xffff  }
0x72: {  	v35 =	vld.idx.msk [tilespmem:v2+s30+$0x0 ss:$0x1], $0xffff  }
0x73: {  	s31 =	sor.u32 $0x190, s19;
	v36 =	vld.idx.msk [tilespmem:v1+s30+$0x0 ss:$0x1], $0xffff  }
0x74: {  	v37 =	vld.idx.msk [tilespmem:v2+s31+$0x0 ss:$0x1], $0xffff;
	_ =	sdelay $0x1  }
0x75: {  	v38 =	vld.idx.msk [tilespmem:v1+s31+$0x0 ss:$0x1], $0xffff  }
0x76: {  	v5 =	vshll.u32 v5, $0x3;
	v7 =	vshll.u32 v34, $0x3  }
0x77: {  	v39 =	vshll.u32 v35, $0x3;
	v4 =	vshrl.u32 v4, v5;
	v5 =	vshrl.u32 v33, v7  }
0x78: {  	v40 =	vshll.u32 v37, $0x3;
	v6 =	vshrl.u32 v36, v39;
	v5 =	vshll.u32 v5, $0x8  }
0x79: {  	v4 =	vand.u32 $0xFF, v4;
	v6 =	vshll.u32 v6, $0x10;
	v5 =	vand.u32 $0xFF00, v5  }
0x7a: {  	v41 =	vshrl.u32 v38, v40;
	v4 =	vor.u32 v4, v5;
	v5 =	vand.u32 $0xFF0000, v6  }
0x7b: {  	s20 =	sor.u32 $0x40, s19;
	v4 =	vor.u32 v5, v4;
	v5 =	vshll.u32 v41, $0x18  }
0x7c: {  	s22 =	sshra.s32 s20, $0x2;
	v4 =	vor.u32 v5, v4  }
0x7d: {  	s0 =	sor.u32 $0x20, s19;
	[tilespmem:v3+s22+$0x0 ss:$0x1] =	vst.idx.msk $0xffff, v4  }
0x7e: {  	v4 =	vld.idx.msk [tilespmem:v1+s0+$0x0 ss:$0x1], $0xffff  }
0x7f: {  	s1 =	sor.u32 $0xA0, s19;
	v5 =	vld.idx.msk [tilespmem:v2+s0+$0x0 ss:$0x1], $0xffff  }
0x80: {  	v42 =	vld.idx.msk [tilespmem:v1+s1+$0x0 ss:$0x1], $0xffff  }
0x81: {  	s24 =	sor.u32 $0x120, s19;
	v43 =	vld.idx.msk [tilespmem:v2+s1+$0x0 ss:$0x1], $0xffff  }
0x82: {  	v44 =	vld.idx.msk [tilespmem:v2+s24+$0x0 ss:$0x1], $0xffff  }
0x83: {  	s25 =	sor.u32 $0x1A0, s19;
	v45 =	vld.idx.msk [tilespmem:v1+s24+$0x0 ss:$0x1], $0xffff  }
0x84: {  	v46 =	vld.idx.msk [tilespmem:v2+s25+$0x0 ss:$0x1], $0xffff;
	_ =	sdelay $0x1  }
0x85: {  	s28 =	sor.u32 $0x200, s19;
	v47 =	vld.idx.msk [tilespmem:v1+s25+$0x0 ss:$0x1], $0xffff  }
0x86: {  	s29 =	sand.u32 $0x3FFFFE00, s28;
	v49 =	vld.idx.msk [tilespmem:v2+s28+$0x0 ss:$0x1], $0xffff;
	v5 =	vshll.u32 v5, $0x3;
	v7 =	vshll.u32 v43, $0x3  }
0x87: {  	v12 =	vld.idx.msk [tilespmem:v1+s29+$0x0 ss:$0x1], $0xffff;
	s25 =	sor.u32 $0x280, s19;
	v48 =	vshll.u32 v44, $0x3;
	v4 =	vshrl.u32 v4, v5;
	v5 =	vshrl.u32 v42, v7  }
0x88: {  	v50 =	vld.idx.msk [tilespmem:v1+s25+$0x0 ss:$0x1], $0xffff;
	v51 =	vshll.u32 v46, $0x3;
	v6 =	vshrl.u32 v45, v48;
	v5 =	vshll.u32 v5, $0x8  }
0x89: {  	s24 =	sor.u32 $0x300, s19;
	v52 =	vld.idx.msk [tilespmem:v2+s25+$0x0 ss:$0x1], $0xffff;
	v4 =	vand.u32 $0xFF, v4;
	v6 =	vshll.u32 v6, $0x10;
	v5 =	vand.u32 $0xFF00, v5  }
0x8a: {  	v54 =	vld.idx.msk [tilespmem:v2+s24+$0x0 ss:$0x1], $0xffff;
	v53 =	vshrl.u32 v47, v51;
	v4 =	vor.u32 v4, v5;
	v5 =	vand.u32 $0xFF0000, v6  }
0x8b: {  	s22 =	sor.u32 $0x380, s19;
	v55 =	vld.idx.msk [tilespmem:v1+s24+$0x0 ss:$0x1], $0xffff;
	v4 =	vor.u32 v5, v4;
	v5 =	vshll.u32 v53, $0x18  }
0x8c: {  	s26 =	sshra.s32 s26, $0x2;
	v4 =	vor.u32 v5, v4;
	v5 =	vld.idx.msk [tilespmem:v2+s22+$0x0 ss:$0x1], $0xffff  }
0x8d: {  	s30 =	sor.u32 $0x30, s19;
	[tilespmem:v3+s26+$0x0 ss:$0x1] =	vst.idx.msk $0xffff, v4;
	v4 =	vld.idx.msk [tilespmem:v1+s22+$0x0 ss:$0x1], $0xffff  }
0x8e: {  	v56 =	vld.idx.msk [tilespmem:v1+s30+$0x0 ss:$0x1], $0xffff  }
0x8f: {  	s31 =	sor.u32 $0xB0, s19;
	v7 =	vshll.u32 v49, $0x3;
	v10 =	vshll.u32 v52, $0x3;
	v13 =	vld.idx.msk [tilespmem:v2+s30+$0x0 ss:$0x1], $0xffff  }
0x90: {  	v9 =	vshll.u32 v54, $0x3;
	v7 =	vshrl.u32 v12, v7;
	v8 =	vshrl.u32 v50, v10;
	v57 =	vld.idx.msk [tilespmem:v1+s31+$0x0 ss:$0x1], $0xffff  }
0x91: {  	s0 =	sor.u32 $0x130, s19;
	v7 =	vand.u32 $0xFF, v7;
	v8 =	vshll.u32 v8, $0x8;
	v6 =	vshrl.u32 v55, v9;
	v58 =	vld.idx.msk [tilespmem:v2+s31+$0x0 ss:$0x1], $0xffff  }
0x92: {  	s1 =	sor.u32 $0x1B0, s19;
	v8 =	vand.u32 $0xFF00, v8;
	v6 =	vshll.u32 v6, $0x10;
	v59 =	vld.idx.msk [tilespmem:v2+s0+$0x0 ss:$0x1], $0xffff;
	v5 =	vshll.u32 v5, $0x3  }
0x93: {  	v7 =	vor.u32 v7, v8;
	v6 =	vand.u32 $0xFF0000, v6;
	v60 =	vld.idx.msk [tilespmem:v2+s1+$0x0 ss:$0x1], $0xffff;
	v4 =	vshrl.u32 v4, v5  }
0x94: {  	v6 =	vor.u32 v6, v7;
	v5 =	vld.idx.msk [tilespmem:v1+s0+$0x0 ss:$0x1], $0xffff;
	v4 =	vshll.u32 v4, $0x18  }
0x95: {  	s28 =	sshrl.u32 s28, $0x2;
	v4 =	vor.u32 v4, v6  }
0x96: {  	v61 =	vld.idx.msk [tilespmem:v1+s1+$0x0 ss:$0x1], $0xffff;
	[tilespmem:v3+s28+$0x0 ss:$0x1] =	vst.idx.msk $0xffff, v4;
	s28 =	sor.u32 $0x210, s19  }
0x97: {  	v62 =	vshll.u32 v58, $0x3;
	v15 =	vshll.u32 v59, $0x3;
	v63 =	vld.idx.msk [tilespmem:v1+s28+$0x0 ss:$0x1], $0xffff  }
0x98: {  	s29 =	sor.u32 $0x290, s19;
	v7 =	vshll.u32 v60, $0x3;
	v8 =	vshrl.u32 v57, v62;
	v4 =	vshll.u32 v13, $0x3;
	v16 =	vld.idx.msk [tilespmem:v2+s28+$0x0 ss:$0x1], $0xffff  }
0x99: {  	v8 =	vshll.u32 v8, $0x8;
	v4 =	vshrl.u32 v56, v4;
	v17 =	vld.idx.msk [tilespmem:v1+s29+$0x0 ss:$0x1], $0xffff;
	v5 =	vshrl.u32 v5, v15  }
0x9a: {  	s30 =	sor.u32 $0x310, s19;
	v8 =	vand.u32 $0xFF00, v8;
	v18 =	vld.idx.msk [tilespmem:v2+s29+$0x0 ss:$0x1], $0xffff;
	v4 =	vand.u32 $0xFF, v4;
	v5 =	vshll.u32 v5, $0x10  }
0x9b: {  	v6 =	vshrl.u32 v61, v7;
	v19 =	vld.idx.msk [tilespmem:v2+s30+$0x0 ss:$0x1], $0xffff;
	v4 =	vor.u32 v4, v8;
	v5 =	vand.u32 $0xFF0000, v5  }
0x9c: {  	s31 =	sor.u32 $0xC0, s19;
	s0 =	sor.u32 $0x390, s19;
	v20 =	vld.idx.msk [tilespmem:v1+s30+$0x0 ss:$0x1], $0xffff;
	v4 =	vor.u32 v5, v4;
	v5 =	vshll.u32 v6, $0x18  }
0x9d: {  	s29 =	sshra.s32 s31, $0x2;
	v4 =	vor.u32 v5, v4;
	v5 =	vld.idx.msk [tilespmem:v2+s0+$0x0 ss:$0x1], $0xffff  }
0x9e: {  	[tilespmem:v3+s29+$0x0 ss:$0x1] =	vst.idx.msk $0xffff, v4;
	v4 =	vld.idx.msk [tilespmem:v1+s0+$0x0 ss:$0x1], $0xffff  }
0x9f: {  	v21 =	vld.idx.msk [tilespmem:v1+s20+$0x0 ss:$0x1], $0xffff  }
0xa0: {  	v11 =	vshll.u32 v16, $0x3;
	v12 =	vshll.u32 v18, $0x3;
	v22 =	vld.idx.msk [tilespmem:v2+s20+$0x0 ss:$0x1], $0xffff  }
0xa1: {  	v7 =	vshll.u32 v19, $0x3;
	v9 =	vshrl.u32 v63, v11;
	v10 =	vshrl.u32 v17, v12;
	v23 =	vld.idx.msk [tilespmem:v1+s31+$0x0 ss:$0x1], $0xffff  }
0xa2: {  	s28 =	sor.u32 $0x140, s19;
	v6 =	vshrl.u32 v20, v7;
	v9 =	vand.u32 $0xFF, v9;
	v10 =	vshll.u32 v10, $0x8;
	v24 =	vld.idx.msk [tilespmem:v2+s31+$0x0 ss:$0x1], $0xffff  }
0xa3: {  	v6 =	vshll.u32 v6, $0x10;
	v25 =	vld.idx.msk [tilespmem:v2+s28+$0x0 ss:$0x1], $0xffff;
	s20 =	sor.u32 $0x1C0, s19;
	v10 =	vand.u32 $0xFF00, v10;
	v5 =	vshll.u32 v5, $0x3  }
0xa4: {  	v6 =	vand.u32 $0xFF0000, v6;
	v26 =	vld.idx.msk [tilespmem:v2+s20+$0x0 ss:$0x1], $0xffff;
	v9 =	vor.u32 v9, v10;
	v4 =	vshrl.u32 v4, v5  }
0xa5: {  	s26 =	sor.u32 $0x240, s19;
	v6 =	vor.u32 v6, v9;
	v5 =	vld.idx.msk [tilespmem:v1+s28+$0x0 ss:$0x1], $0xffff;
	v4 =	vshll.u32 v4, $0x18  }
0xa6: {  	s1 =	sshrl.u32 s26, $0x2;
	v4 =	vor.u32 v4, v6  }
0xa7: {  	s30 =	sor.u32 $0x220, s19;
	v27 =	vld.idx.msk [tilespmem:v1+s20+$0x0 ss:$0x1], $0xffff;
	[tilespmem:v3+s1+$0x0 ss:$0x1] =	vst.idx.msk $0xffff, v4  }
0xa8: {  	v7 =	vshll.u32 v24, $0x3;
	v29 =	vshll.u32 v25, $0x3;
	v28 =	vld.idx.msk [tilespmem:v1+s30+$0x0 ss:$0x1], $0xffff  }
0xa9: {  	s31 =	sor.u32 $0x2A0, s19;
	v7 =	vshrl.u32 v23, v7;
	v9 =	vshll.u32 v26, $0x3;
	v4 =	vshll.u32 v22, $0x3;
	v30 =	vld.idx.msk [tilespmem:v2+s30+$0x0 ss:$0x1], $0xffff  }
0xaa: {  	v7 =	vshll.u32 v7, $0x8;
	v4 =	vshrl.u32 v21, v4;
	v31 =	vld.idx.msk [tilespmem:v1+s31+$0x0 ss:$0x1], $0xffff;
	v5 =	vshrl.u32 v5, v29  }
0xab: {  	s0 =	sor.u32 $0x320, s19;
	v7 =	vand.u32 $0xFF00, v7;
	v32 =	vld.idx.msk [tilespmem:v2+s31+$0x0 ss:$0x1], $0xffff;
	v4 =	vand.u32 $0xFF, v4;
	v5 =	vshll.u32 v5, $0x10  }
0xac: {  	v6 =	vshrl.u32 v27, v9;
	v33 =	vld.idx.msk [tilespmem:v2+s0+$0x0 ss:$0x1], $0xffff;
	v4 =	vor.u32 v4, v7;
	v5 =	vand.u32 $0xFF0000, v5  }
0xad: {  	s1 =	sor.u32 $0x3A0, s19;
	v34 =	vld.idx.msk [tilespmem:v1+s0+$0x0 ss:$0x1], $0xffff;
	v4 =	vor.u32 v5, v4;
	v5 =	vshll.u32 v6, $0x18  }
0xae: {  	s21 =	sshra.s32 s21, $0x2;
	v4 =	vor.u32 v5, v4;
	v5 =	vld.idx.msk [tilespmem:v2+s1+$0x0 ss:$0x1], $0xffff  }
0xaf: {  	s30 =	sor.u32 $0x50, s19;
	[tilespmem:v3+s21+$0x0 ss:$0x1] =	vst.idx.msk $0xffff, v4;
	v4 =	vld.idx.msk [tilespmem:v1+s1+$0x0 ss:$0x1], $0xffff  }
0xb0: {  	v35 =	vld.idx.msk [tilespmem:v1+s30+$0x0 ss:$0x1], $0xffff  }
0xb1: {  	s31 =	sor.u32 $0xD0, s19;
	v11 =	vshll.u32 v30, $0x3;
	v12 =	vshll.u32 v32, $0x3;
	v36 =	vld.idx.msk [tilespmem:v2+s30+$0x0 ss:$0x1], $0xffff  }
0xb2: {  	v7 =	vshll.u32 v33, $0x3;
	v10 =	vshrl.u32 v28, v11;
	v8 =	vshrl.u32 v31, v12;
	v37 =	vld.idx.msk [tilespmem:v1+s31+$0x0 ss:$0x1], $0xffff  }
0xb3: {  	s0 =	sor.u32 $0x150, s19;
	v6 =	vshrl.u32 v34, v7;
	v10 =	vand.u32 $0xFF, v10;
	v8 =	vshll.u32 v8, $0x8;
	v38 =	vld.idx.msk [tilespmem:v2+s31+$0x0 ss:$0x1], $0xffff  }
0xb4: {  	s1 =	sor.u32 $0x1D0, s19;
	v6 =	vshll.u32 v6, $0x10;
	v39 =	vld.idx.msk [tilespmem:v2+s0+$0x0 ss:$0x1], $0xffff;
	v8 =	vand.u32 $0xFF00, v8;
	v5 =	vshll.u32 v5, $0x3  }
0xb5: {  	v40 =	vld.idx.msk [tilespmem:v2+s1+$0x0 ss:$0x1], $0xffff;
	v6 =	vand.u32 $0xFF0000, v6;
	v8 =	vor.u32 v10, v8;
	v4 =	vshrl.u32 v4, v5  }
0xb6: {  	v6 =	vor.u32 v6, v8;
	v5 =	vld.idx.msk [tilespmem:v1+s0+$0x0 ss:$0x1], $0xffff;
	v4 =	vshll.u32 v4, $0x18  }
0xb7: {  	s25 =	sshrl.u32 s25, $0x2;
	v4 =	vor.u32 v4, v6  }
0xb8: {  	v41 =	vld.idx.msk [tilespmem:v1+s1+$0x0 ss:$0x1], $0xffff;
	[tilespmem:v3+s25+$0x0 ss:$0x1] =	vst.idx.msk $0xffff, v4;
	s25 =	sor.u32 $0x230, s19  }
0xb9: {  	v7 =	vshll.u32 v38, $0x3;
	v43 =	vshll.u32 v39, $0x3;
	v42 =	vld.idx.msk [tilespmem:v1+s25+$0x0 ss:$0x1], $0xffff  }
0xba: {  	s29 =	sor.u32 $0x2B0, s19;
	v8 =	vshll.u32 v40, $0x3;
	v7 =	vshrl.u32 v37, v7;
	v4 =	vshll.u32 v36, $0x3;
	v44 =	vld.idx.msk [tilespmem:v2+s25+$0x0 ss:$0x1], $0xffff  }
0xbb: {  	v7 =	vshll.u32 v7, $0x8;
	v4 =	vshrl.u32 v35, v4;
	v45 =	vld.idx.msk [tilespmem:v1+s29+$0x0 ss:$0x1], $0xffff;
	v5 =	vshrl.u32 v5, v43  }
0xbc: {  	s30 =	sor.u32 $0x330, s19;
	v7 =	vand.u32 $0xFF00, v7;
	v46 =	vld.idx.msk [tilespmem:v2+s29+$0x0 ss:$0x1], $0xffff;
	v4 =	vand.u32 $0xFF, v4;
	v5 =	vshll.u32 v5, $0x10  }
0xbd: {  	v6 =	vshrl.u32 v41, v8;
	v47 =	vld.idx.msk [tilespmem:v2+s30+$0x0 ss:$0x1], $0xffff;
	v4 =	vor.u32 v4, v7;
	v5 =	vand.u32 $0xFF0000, v5  }
0xbe: {  	s31 =	sor.u32 $0x3B0, s19;
	v48 =	vld.idx.msk [tilespmem:v1+s30+$0x0 ss:$0x1], $0xffff;
	v4 =	vor.u32 v5, v4;
	v5 =	vshll.u32 v6, $0x18  }
0xbf: {  	s0 =	sshra.s32 s28, $0x2;
	v4 =	vor.u32 v5, v4;
	v5 =	vld.idx.msk [tilespmem:v2+s31+$0x0 ss:$0x1], $0xffff  }
0xc0: {  	s1 =	sor.u32 $0x60, s19;
	[tilespmem:v3+s0+$0x0 ss:$0x1] =	vst.idx.msk $0xffff, v4;
	v4 =	vld.idx.msk [tilespmem:v1+s31+$0x0 ss:$0x1], $0xffff  }
0xc1: {  	v49 =	vld.idx.msk [tilespmem:v1+s1+$0x0 ss:$0x1], $0xffff  }
0xc2: {  	s25 =	sor.u32 $0xE0, s19;
	v11 =	vshll.u32 v44, $0x3;
	v12 =	vshll.u32 v46, $0x3;
	v50 =	vld.idx.msk [tilespmem:v2+s1+$0x0 ss:$0x1], $0xffff  }
0xc3: {  	v7 =	vshll.u32 v47, $0x3;
	v10 =	vshrl.u32 v42, v11;
	v9 =	vshrl.u32 v45, v12;
	v51 =	vld.idx.msk [tilespmem:v1+s25+$0x0 ss:$0x1], $0xffff  }
0xc4: {  	s28 =	sor.u32 $0x160, s19;
	v6 =	vshrl.u32 v48, v7;
	v10 =	vand.u32 $0xFF, v10;
	v9 =	vshll.u32 v9, $0x8;
	v52 =	vld.idx.msk [tilespmem:v2+s25+$0x0 ss:$0x1], $0xffff  }
0xc5: {  	s29 =	sor.u32 $0x1E0, s19;
	v6 =	vshll.u32 v6, $0x10;
	v53 =	vld.idx.msk [tilespmem:v2+s28+$0x0 ss:$0x1], $0xffff;
	v9 =	vand.u32 $0xFF00, v9;
	v5 =	vshll.u32 v5, $0x3  }
0xc6: {  	v54 =	vld.idx.msk [tilespmem:v2+s29+$0x0 ss:$0x1], $0xffff;
	v6 =	vand.u32 $0xFF0000, v6;
	v9 =	vor.u32 v10, v9;
	v4 =	vshrl.u32 v4, v5  }
0xc7: {  	s30 =	sor.u32 $0x2C0, s19;
	v6 =	vor.u32 v6, v9;
	v5 =	vld.idx.msk [tilespmem:v1+s28+$0x0 ss:$0x1], $0xffff;
	v4 =	vshll.u32 v4, $0x18  }
0xc8: {  	s31 =	sshrl.u32 s30, $0x2;
	v4 =	vor.u32 v4, v6  }
0xc9: {  	v55 =	vld.idx.msk [tilespmem:v1+s29+$0x0 ss:$0x1], $0xffff;
	[tilespmem:v3+s31+$0x0 ss:$0x1] =	vst.idx.msk $0xffff, v4  }
0xca: {  	v7 =	vshll.u32 v52, $0x3;
	v57 =	vshll.u32 v53, $0x3;
	v56 =	vld.idx.msk [tilespmem:v1+s26+$0x0 ss:$0x1], $0xffff  }
0xcb: {  	v60 =	vshll.u32 v54, $0x3;
	v7 =	vshrl.u32 v51, v7;
	v4 =	vshll.u32 v50, $0x3;
	v58 =	vld.idx.msk [tilespmem:v2+s26+$0x0 ss:$0x1], $0xffff  }
0xcc: {  	v7 =	vshll.u32 v7, $0x8;
	v4 =	vshrl.u32 v49, v4;
	v59 =	vld.idx.msk [tilespmem:v1+s30+$0x0 ss:$0x1], $0xffff;
	v5 =	vshrl.u32 v5, v57  }
0xcd: {  	s28 =	sor.u32 $0x340, s19;
	v7 =	vand.u32 $0xFF00, v7;
	v61 =	vld.idx.msk [tilespmem:v2+s30+$0x0 ss:$0x1], $0xffff;
	v4 =	vand.u32 $0xFF, v4;
	v5 =	vshll.u32 v5, $0x10  }
0xce: {  	v6 =	vshrl.u32 v55, v60;
	v62 =	vld.idx.msk [tilespmem:v2+s28+$0x0 ss:$0x1], $0xffff;
	v4 =	vor.u32 v4, v7;
	v5 =	vand.u32 $0xFF0000, v5  }
0xcf: {  	s21 =	sor.u32 $0x3C0, s19;
	v63 =	vld.idx.msk [tilespmem:v1+s28+$0x0 ss:$0x1], $0xffff;
	v4 =	vor.u32 v5, v4;
	v5 =	vshll.u32 v6, $0x18  }
0xd0: {  	s23 =	sshra.s32 s23, $0x2;
	v16 =	vld.idx.msk [tilespmem:v1+s21+$0x0 ss:$0x1], $0xffff;
	v4 =	vor.u32 v5, v4  }
0xd1: {  	s0 =	sor.u32 $0x70, s19;
	v5 =	vld.idx.msk [tilespmem:v2+s21+$0x0 ss:$0x1], $0xffff;
	[tilespmem:v3+s23+$0x0 ss:$0x1] =	vst.idx.msk $0xffff, v4  }
0xd2: {  	v8 =	vld.idx.msk [tilespmem:v1+s0+$0x0 ss:$0x1], $0xffff  }
0xd3: {  	s1 =	sor.u32 $0xF0, s19;
	v17 =	vshll.u32 v61, $0x3;
	v4 =	vshll.u32 v58, $0x3;
	v9 =	vld.idx.msk [tilespmem:v2+s0+$0x0 ss:$0x1], $0xffff  }
0xd4: {  	v7 =	vshll.u32 v62, $0x3;
	v11 =	vshrl.u32 v59, v17;
	s23 =	sor.u32 $0x580, s19;
	v4 =	vshrl.u32 v56, v4;
	v10 =	vld.idx.msk [tilespmem:v1+s1+$0x0 ss:$0x1], $0xffff  }
0xd5: {  	v6 =	vshrl.u32 v63, v7;
	v33 =	vld.idx.msk [tilespmem:v2+s23+$0x0 ss:$0x1], $0xffff;
	v18 =	vand.u32 $0xFF, v4;
	v4 =	vshll.u32 v11, $0x8  }
0xd6: {  	s25 =	sor.u32 $0x170, s19;
	v6 =	vshll.u32 v6, $0x10;
	v11 =	vld.idx.msk [tilespmem:v2+s1+$0x0 ss:$0x1], $0xffff;
	v19 =	vand.u32 $0xFF00, v4;
	v5 =	vshll.u32 v5, $0x3  }
0xd7: {  	v20 =	vand.u32 $0xFF0000, v6;
	v6 =	vld.idx.msk [tilespmem:v2+s25+$0x0 ss:$0x1], $0xffff;
	v7 =	vor.u32 v18, v19;
	v5 =	vshrl.u32 v16, v5  }
0xd8: {  	s1 =	sor.u32 $0x400, s19;
	v4 =	vld.idx.msk [tilespmem:v1+s25+$0x0 ss:$0x1], $0xffff;
	v7 =	vor.u32 v20, v7;
	v21 =	vshll.u32 v5, $0x18  }
0xd9: {  	s24 =	sshrl.u32 s24, $0x2;
	v25 =	vld.idx.msk [tilespmem:v2+s1+$0x0 ss:$0x1], $0xffff;
	s25 =	sor.u32 $0x480, s19;
	v12 =	vor.u32 v21, v7  }
0xda: {  	s29 =	sor.u32 $0x250, s19;
	v26 =	vld.idx.msk [tilespmem:v1+s25+$0x0 ss:$0x1], $0xffff;
	[tilespmem:v3+s24+$0x0 ss:$0x1] =	vst.idx.msk $0xffff, v12  }
0xdb: {  	v12 =	vld.idx.msk [tilespmem:v1+s29+$0x0 ss:$0x1], $0xffff  }
0xdc: {  	s30 =	sor.u32 $0x2D0, s19;
	v22 =	vld.idx.msk [tilespmem:v2+s29+$0x0 ss:$0x1], $0xffff  }
0xdd: {  	v14 =	vld.idx.msk [tilespmem:v1+s30+$0x0 ss:$0x1], $0xffff  }
0xde: {  	s31 =	sor.u32 $0x350, s19;
	v15 =	vld.idx.msk [tilespmem:v2+s30+$0x0 ss:$0x1], $0xffff  }
0xdf: {  	s0 =	sor.u32 $0x3D0, s19;
	v16 =	vld.idx.msk [tilespmem:v2+s31+$0x0 ss:$0x1], $0xffff  }
0xe0: {  	v18 =	vld.idx.msk [tilespmem:v2+s0+$0x0 ss:$0x1], $0xffff  }
0xe1: {  	v17 =	vld.idx.msk [tilespmem:v1+s31+$0x0 ss:$0x1], $0xffff  }
0xe2: {  	v28 =	vld.idx.msk [tilespmem:v2+s25+$0x0 ss:$0x1], $0xffff  }
0xe3: {  	s26 =	sor.u32 $0x1F0, s19;
	v19 =	vld.idx.msk [tilespmem:v1+s0+$0x0 ss:$0x1], $0xffff  }
0xe4: {  	v5 =	vld.idx.msk [tilespmem:v1+s26+$0x0 ss:$0x1], $0xffff;
	v13 =	vshll.u32 v22, $0x3;
	v15 =	vshll.u32 v15, $0x3  }
0xe5: {  	v7 =	vld.idx.msk [tilespmem:v2+s26+$0x0 ss:$0x1], $0xffff;
	s26 =	sand.u32 $0x3FFFFE00, s1;
	v24 =	vshll.u32 v16, $0x3;
	v27 =	vshll.u32 v18, $0x3;
	v23 =	vshrl.u32 v14, v15  }
0xe6: {  	v20 =	vld.idx.msk [tilespmem:v1+s26+$0x0 ss:$0x1], $0xffff;
	s26 =	sor.u32 $0x500, s19;
	v12 =	vshrl.u32 v12, v13;
	v14 =	vshrl.u32 v17, v24;
	v13 =	vshll.u32 v23, $0x8  }
0xe7: {  	v21 =	vld.idx.msk [tilespmem:v2+s26+$0x0 ss:$0x1], $0xffff;
	v12 =	vand.u32 $0xFF, v12;
	v14 =	vshll.u32 v14, $0x10;
	v13 =	vand.u32 $0xFF00, v13  }
0xe8: {  	v32 =	vld.idx.msk [tilespmem:v1+s26+$0x0 ss:$0x1], $0xffff;
	v30 =	vshrl.u32 v19, v27;
	v29 =	vand.u32 $0xFF0000, v14;
	v12 =	vor.u32 v12, v13  }
0xe9: {  	v31 =	vshll.u32 v30, $0x18;
	v12 =	vor.u32 v29, v12  }
0xea: {  	s28 =	sshrl.u32 s28, $0x2;
	v34 =	vld.idx.msk [tilespmem:v1+s23+$0x0 ss:$0x1], $0xffff;
	v12 =	vor.u32 v31, v12  }
0xeb: {  	v38 =	vshll.u32 v33, $0x3;
	s29 =	sor.u32 $0x260, s19;
	v18 =	vshll.u32 v28, $0x3;
	[tilespmem:v3+s28+$0x0 ss:$0x1] =	vst.idx.msk $0xffff, v12  }
0xec: {  	v35 =	vshll.u32 v21, $0x3;
	v15 =	vshll.u32 v25, $0x3;
	v18 =	vshrl.u32 v26, v18;
	v16 =	vld.idx.msk [tilespmem:v1+s29+$0x0 ss:$0x1], $0xffff  }
0xed: {  	s30 =	sor.u32 $0x2E0, s19;
	v15 =	vshrl.u32 v20, v15;
	v36 =	vshll.u32 v18, $0x8;
	v14 =	vshrl.u32 v32, v35;
	v19 =	vld.idx.msk [tilespmem:v2+s29+$0x0 ss:$0x1], $0xffff  }
0xee: {  	v15 =	vand.u32 $0xFF, v15;
	v37 =	vand.u32 $0xFF00, v36;
	v14 =	vshll.u32 v14, $0x10;
	v17 =	vld.idx.msk [tilespmem:v1+s30+$0x0 ss:$0x1], $0xffff  }
0xef: {  	s31 =	sor.u32 $0x360, s19;
	v20 =	vor.u32 v15, v37;
	v14 =	vand.u32 $0xFF0000, v14;
	v12 =	vshrl.u32 v34, v38;
	v18 =	vld.idx.msk [tilespmem:v2+s30+$0x0 ss:$0x1], $0xffff  }
0xf0: {  	v14 =	vor.u32 v14, v20;
	v13 =	vld.idx.msk [tilespmem:v1+s31+$0x0 ss:$0x1], $0xffff;
	v39 =	vshll.u32 v12, $0x18  }
0xf1: {  	s24 =	sshrl.u32 s1, $0x2;
	s0 =	sor.u32 $0x3E0, s19;
	v15 =	vld.idx.msk [tilespmem:v2+s31+$0x0 ss:$0x1], $0xffff;
	v20 =	vor.u32 v39, v14  }
0xf2: {  	s1 =	sor.u32 $0x410, s19;
	v12 =	vld.idx.msk [tilespmem:v1+s0+$0x0 ss:$0x1], $0xffff;
	[tilespmem:v3+s24+$0x0 ss:$0x1] =	vst.idx.msk $0xffff, v20  }
0xf3: {  	v20 =	vld.idx.msk [tilespmem:v1+s1+$0x0 ss:$0x1], $0xffff  }
0xf4: {  	s28 =	sor.u32 $0x490, s19;
	v40 =	vld.idx.msk [tilespmem:v2+s1+$0x0 ss:$0x1], $0xffff  }
0xf5: {  	v22 =	vld.idx.msk [tilespmem:v1+s28+$0x0 ss:$0x1], $0xffff  }
0xf6: {  	s29 =	sor.u32 $0x510, s19;
	v23 =	vld.idx.msk [tilespmem:v2+s28+$0x0 ss:$0x1], $0xffff  }
0xf7: {  	s30 =	sor.u32 $0x590, s19;
	v24 =	vld.idx.msk [tilespmem:v2+s29+$0x0 ss:$0x1], $0xffff  }
0xf8: {  	v26 =	vld.idx.msk [tilespmem:v2+s30+$0x0 ss:$0x1], $0xffff  }
0xf9: {  	v25 =	vld.idx.msk [tilespmem:v1+s29+$0x0 ss:$0x1], $0xffff  }
0xfa: {  	v14 =	vld.idx.msk [tilespmem:v2+s0+$0x0 ss:$0x1], $0xffff  }
0xfb: {  	s31 =	sor.u32 $0x600, s19;
	v27 =	vld.idx.msk [tilespmem:v1+s30+$0x0 ss:$0x1], $0xffff  }
0xfc: {  	s0 =	sand.u32 $0x3FFFFE00, s31;
	v43 =	vld.idx.msk [tilespmem:v2+s31+$0x0 ss:$0x1], $0xffff;
	v21 =	vshll.u32 v40, $0x3;
	v23 =	vshll.u32 v23, $0x3  }
0xfd: {  	v28 =	vld.idx.msk [tilespmem:v1+s0+$0x0 ss:$0x1], $0xffff;
	s29 =	sor.u32 $0x680, s19;
	v42 =	vshll.u32 v24, $0x3;
	v45 =	vshll.u32 v26, $0x3;
	v41 =	vshrl.u32 v22, v23  }
0xfe: {  	v44 =	vld.idx.msk [tilespmem:v1+s29+$0x0 ss:$0x1], $0xffff;
	v20 =	vshrl.u32 v20, v21;
	v22 =	vshrl.u32 v25, v42;
	v21 =	vshll.u32 v41, $0x8  }
0xff: {  	s28 =	sor.u32 $0x700, s19;
	v46 =	vld.idx.msk [tilespmem:v2+s29+$0x0 ss:$0x1], $0xffff;
	v20 =	vand.u32 $0xFF, v20;
	v22 =	vshll.u32 v22, $0x10;
	v21 =	vand.u32 $0xFF00, v21  }
0x100: {  	v49 =	vld.idx.msk [tilespmem:v2+s28+$0x0 ss:$0x1], $0xffff;
	v48 =	vshrl.u32 v27, v45;
	v47 =	vand.u32 $0xFF0000, v22;
	v20 =	vor.u32 v20, v21  }
0x101: {  	s24 =	sor.u32 $0x780, s19;
	s30 =	sor.u32 $0x440, s19;
	v51 =	vld.idx.msk [tilespmem:v1+s28+$0x0 ss:$0x1], $0xffff;
	v50 =	vshll.u32 v48, $0x18;
	v20 =	vor.u32 v47, v20  }
0x102: {  	v52 =	vld.idx.msk [tilespmem:v2+s24+$0x0 ss:$0x1], $0xffff;
	s0 =	sshrl.u32 s30, $0x2;
	v20 =	vor.u32 v50, v20  }
0x103: {  	s1 =	sor.u32 $0x420, s19;
	v53 =	vld.idx.msk [tilespmem:v1+s24+$0x0 ss:$0x1], $0xffff;
	[tilespmem:v3+s0+$0x0 ss:$0x1] =	vst.idx.msk $0xffff, v20  }
0x104: {  	v23 =	vshll.u32 v43, $0x3;
	v26 =	vshll.u32 v46, $0x3;
	v54 =	vld.idx.msk [tilespmem:v1+s1+$0x0 ss:$0x1], $0xffff  }
0x105: {  	v25 =	vshll.u32 v49, $0x3;
	v23 =	vshrl.u32 v28, v23;
	v24 =	vshrl.u32 v44, v26;
	v55 =	vld.idx.msk [tilespmem:v2+s1+$0x0 ss:$0x1], $0xffff;
	s1 =	sor.u32 $0x4A0, s19  }
0x106: {  	v23 =	vand.u32 $0xFF, v23;
	v24 =	vshll.u32 v24, $0x8;
	v22 =	vshrl.u32 v51, v25;
	v56 =	vld.idx.msk [tilespmem:v1+s1+$0x0 ss:$0x1], $0xffff  }
0x107: {  	v24 =	vand.u32 $0xFF00, v24;
	v22 =	vshll.u32 v22, $0x10;
	v21 =	vshll.u32 v52, $0x3;
	v57 =	vld.idx.msk [tilespmem:v2+s1+$0x0 ss:$0x1], $0xffff;
	s1 =	sor.u32 $0x520, s19  }
0x108: {  	v23 =	vor.u32 v23, v24;
	v22 =	vand.u32 $0xFF0000, v22;
	v20 =	vshrl.u32 v53, v21;
	v58 =	vld.idx.msk [tilespmem:v2+s1+$0x0 ss:$0x1], $0xffff  }
0x109: {  	v22 =	vor.u32 v22, v23;
	v20 =	vshll.u32 v20, $0x18;
	v59 =	vld.idx.msk [tilespmem:v1+s1+$0x0 ss:$0x1], $0xffff;
	s1 =	sor.u32 $0x5A0, s19  }
0x10a: {  	s31 =	sshrl.u32 s31, $0x2;
	v20 =	vor.u32 v20, v22;
	v60 =	vld.idx.msk [tilespmem:v2+s1+$0x0 ss:$0x1], $0xffff  }
0x10b: {  	[tilespmem:v3+s31+$0x0 ss:$0x1] =	vst.idx.msk $0xffff, v20;
	s31 =	sor.u32 $0x690, s19;
	v61 =	vld.idx.msk [tilespmem:v1+s1+$0x0 ss:$0x1], $0xffff  }
0x10c: {  	v32 =	vld.idx.msk [tilespmem:v1+s31+$0x0 ss:$0x1], $0xffff;
	v62 =	vshll.u32 v55, $0x3;
	v25 =	vshll.u32 v57, $0x3  }
0x10d: {  	s1 =	sor.u32 $0x610, s19;
	v33 =	vld.idx.msk [tilespmem:v2+s31+$0x0 ss:$0x1], $0xffff;
	v20 =	vshrl.u32 v54, v62;
	v25 =	vshrl.u32 v56, v25;
	v24 =	vshll.u32 v58, $0x3  }
0x10e: {  	v63 =	vld.idx.msk [tilespmem:v1+s1+$0x0 ss:$0x1], $0xffff;
	v20 =	vand.u32 $0xFF, v20;
	v25 =	vshll.u32 v25, $0x8;
	v21 =	vshrl.u32 v59, v24  }
0x10f: {  	s31 =	sor.u32 $0x790, s19;
	v31 =	vld.idx.msk [tilespmem:v2+s1+$0x0 ss:$0x1], $0xffff;
	v23 =	vshll.u32 v60, $0x3;
	v25 =	vand.u32 $0xFF00, v25;
	v21 =	vshll.u32 v21, $0x10  }
0x110: {  	s1 =	sor.u32 $0x710, s19;
	v37 =	vld.idx.msk [tilespmem:v2+s31+$0x0 ss:$0x1], $0xffff;
	v22 =	vshrl.u32 v61, v23;
	v20 =	vor.u32 v20, v25;
	v21 =	vand.u32 $0xFF0000, v21  }
0x111: {  	v34 =	vld.idx.msk [tilespmem:v2+s1+$0x0 ss:$0x1], $0xffff;
	v35 =	vshll.u32 v22, $0x18;
	v20 =	vor.u32 v21, v20  }
0x112: {  	s25 =	sshrl.u32 s25, $0x2;
	v36 =	vld.idx.msk [tilespmem:v1+s1+$0x0 ss:$0x1], $0xffff;
	v20 =	vor.u32 v35, v20  }
0x113: {  	v38 =	vld.idx.msk [tilespmem:v1+s31+$0x0 ss:$0x1], $0xffff;
	s1 =	sor.u32 $0x430, s19;
	[tilespmem:v3+s25+$0x0 ss:$0x1] =	vst.idx.msk $0xffff, v20  }
0x114: {  	v39 =	vld.idx.msk [tilespmem:v1+s1+$0x0 ss:$0x1], $0xffff  }
0x115: {  	s31 =	sor.u32 $0x4B0, s19;
	v27 =	vshll.u32 v33, $0x3;
	v26 =	vshll.u32 v31, $0x3;
	v40 =	vld.idx.msk [tilespmem:v2+s1+$0x0 ss:$0x1], $0xffff  }
0x116: {  	v24 =	vshrl.u32 v32, v27;
	v26 =	vshrl.u32 v63, v26;
	v23 =	vshll.u32 v34, $0x3;
	v41 =	vld.idx.msk [tilespmem:v1+s31+$0x0 ss:$0x1], $0xffff  }
0x117: {  	v24 =	vshll.u32 v24, $0x8;
	v26 =	vand.u32 $0xFF, v26;
	v22 =	vshrl.u32 v36, v23;
	s25 =	sor.u32 $0x5B0, s19;
	v42 =	vld.idx.msk [tilespmem:v2+s31+$0x0 ss:$0x1], $0xffff  }
0x118: {  	v24 =	vand.u32 $0xFF00, v24;
	v21 =	vshll.u32 v37, $0x3;
	v22 =	vshll.u32 v22, $0x10;
	s1 =	sor.u32 $0x530, s19;
	v45 =	vld.idx.msk [tilespmem:v2+s25+$0x0 ss:$0x1], $0xffff  }
0x119: {  	v24 =	vor.u32 v26, v24;
	v22 =	vand.u32 $0xFF0000, v22;
	v20 =	vshrl.u32 v38, v21;
	v43 =	vld.idx.msk [tilespmem:v2+s1+$0x0 ss:$0x1], $0xffff  }
0x11a: {  	v22 =	vor.u32 v22, v24;
	v20 =	vshll.u32 v20, $0x18;
	s31 =	sor.u32 $0x640, s19;
	v44 =	vld.idx.msk [tilespmem:v1+s1+$0x0 ss:$0x1], $0xffff  }
0x11b: {  	v20 =	vor.u32 v20, v22;
	s1 =	sshrl.u32 s31, $0x2  }
0x11c: {  	v46 =	vld.idx.msk [tilespmem:v1+s25+$0x0 ss:$0x1], $0xffff;
	[tilespmem:v3+s1+$0x0 ss:$0x1] =	vst.idx.msk $0xffff, v20;
	s1 =	sor.u32 $0x620, s19  }
0x11d: {  	v48 =	vld.idx.msk [tilespmem:v1+s1+$0x0 ss:$0x1], $0xffff;
	v47 =	vshll.u32 v40, $0x3;
	v23 =	vshll.u32 v42, $0x3  }
0x11e: {  	s25 =	sor.u32 $0x6A0, s19;
	v50 =	vld.idx.msk [tilespmem:v2+s1+$0x0 ss:$0x1], $0xffff;
	v24 =	vshll.u32 v45, $0x3;
	v23 =	vshrl.u32 v41, v23;
	v49 =	vshll.u32 v43, $0x3  }
0x11f: {  	v51 =	vld.idx.msk [tilespmem:v1+s25+$0x0 ss:$0x1], $0xffff;
	v20 =	vshrl.u32 v39, v47;
	v23 =	vshll.u32 v23, $0x8;
	v21 =	vshrl.u32 v44, v49  }
0x120: {  	v52 =	vld.idx.msk [tilespmem:v2+s25+$0x0 ss:$0x1], $0xffff;
	s1 =	sor.u32 $0x720, s19;
	v20 =	vand.u32 $0xFF, v20;
	v23 =	vand.u32 $0xFF00, v23;
	v21 =	vshll.u32 v21, $0x10  }
0x121: {  	v53 =	vld.idx.msk [tilespmem:v2+s1+$0x0 ss:$0x1], $0xffff;
	v22 =	vshrl.u32 v46, v24;
	v20 =	vor.u32 v20, v23;
	v21 =	vand.u32 $0xFF0000, v21  }
0x122: {  	s0 =	sor.u32 $0x7A0, s19;
	s25 =	sor.u32 $0x4C0, s19;
	v55 =	vld.idx.msk [tilespmem:v1+s1+$0x0 ss:$0x1], $0xffff;
	v54 =	vshll.u32 v22, $0x18;
	v20 =	vor.u32 v21, v20  }
0x123: {  	v57 =	vld.idx.msk [tilespmem:v2+s0+$0x0 ss:$0x1], $0xffff;
	s1 =	sshrl.u32 s25, $0x2;
	v56 =	vor.u32 v54, v20  }
0x124: {  	v19 =	vshll.u32 v19, $0x3;
	v58 =	vld.idx.msk [tilespmem:v1+s0+$0x0 ss:$0x1], $0xffff;
	[tilespmem:v3+s1+$0x0 ss:$0x1] =	vst.idx.msk $0xffff, v56  }
0x125: {  	v16 =	vshrl.u32 v16, v19;
	v60 =	vshll.u32 v50, $0x3;
	v61 =	vshll.u32 v52, $0x3;
	v59 =	vld.idx.msk [tilespmem:v1+s30+$0x0 ss:$0x1], $0xffff  }
0x126: {  	v24 =	vshrl.u32 v51, v61;
	v23 =	vshll.u32 v53, $0x3;
	v21 =	vshrl.u32 v48, v60;
	v62 =	vld.idx.msk [tilespmem:v2+s30+$0x0 ss:$0x1], $0xffff  }
0x127: {  	v24 =	vshll.u32 v24, $0x8;
	v22 =	vshrl.u32 v55, v23;
	v21 =	vand.u32 $0xFF, v21;
	v63 =	vld.idx.msk [tilespmem:v1+s25+$0x0 ss:$0x1], $0xffff  }
0x128: {  	v24 =	vand.u32 $0xFF00, v24;
	v22 =	vshll.u32 v22, $0x10;
	v20 =	vshll.u32 v57, $0x3;
	v30 =	vld.idx.msk [tilespmem:v2+s25+$0x0 ss:$0x1], $0xffff;
	s30 =	sor.u32 $0x540, s19  }
0x129: {  	v21 =	vor.u32 v21, v24;
	v22 =	vand.u32 $0xFF0000, v22;
	v19 =	vshrl.u32 v58, v20;
	v31 =	vld.idx.msk [tilespmem:v1+s30+$0x0 ss:$0x1], $0xffff  }
0x12a: {  	s25 =	sor.u32 $0x5C0, s19;
	v21 =	vor.u32 v22, v21;
	v19 =	vshll.u32 v19, $0x18;
	v32 =	vld.idx.msk [tilespmem:v2+s30+$0x0 ss:$0x1], $0xffff  }
0x12b: {  	s29 =	sshrl.u32 s29, $0x2;
	v18 =	vshll.u32 v18, $0x3;
	v15 =	vshll.u32 v15, $0x3;
	v33 =	vld.idx.msk [tilespmem:v1+s25+$0x0 ss:$0x1], $0xffff;
	v19 =	vor.u32 v19, v21  }
0x12c: {  	v17 =	vshrl.u32 v17, v18;
	v13 =	vshrl.u32 v13, v15;
	s1 =	sor.u32 $0x630, s19;
	v34 =	vld.idx.msk [tilespmem:v2+s25+$0x0 ss:$0x1], $0xffff;
	[tilespmem:v3+s29+$0x0 ss:$0x1] =	vst.idx.msk $0xffff, v19  }
0x12d: {  	v14 =	vshll.u32 v14, $0x3;
	v16 =	vand.u32 $0xFF, v16;
	v17 =	vshll.u32 v17, $0x8;
	v35 =	vld.idx.msk [tilespmem:v1+s1+$0x0 ss:$0x1], $0xffff  }
0x12e: {  	v13 =	vshll.u32 v13, $0x10;
	v12 =	vshrl.u32 v12, v14;
	v17 =	vand.u32 $0xFF00, v17;
	s29 =	sor.u32 $0x6B0, s19;
	v36 =	vld.idx.msk [tilespmem:v2+s1+$0x0 ss:$0x1], $0xffff  }
0x12f: {  	v13 =	vand.u32 $0xFF0000, v13;
	v12 =	vshll.u32 v12, $0x18;
	v16 =	vor.u32 v16, v17;
	v19 =	vld.idx.msk [tilespmem:v1+s29+$0x0 ss:$0x1], $0xffff  }
0x130: {  	v13 =	vor.u32 v13, v16;
	v40 =	vld.idx.msk [tilespmem:v2+s29+$0x0 ss:$0x1], $0xffff;
	s1 =	sor.u32 $0x730, s19;
	v37 =	vshll.u32 v62, $0x3;
	v38 =	vshll.u32 v30, $0x3  }
0x131: {  	v12 =	vor.u32 v12, v13;
	s0 =	sor.u32 $0x7B0, s19;
	v41 =	vld.idx.msk [tilespmem:v2+s1+$0x0 ss:$0x1], $0xffff;
	v13 =	vshrl.u32 v59, v37;
	v16 =	vshrl.u32 v63, v38  }
0x132: {  	v44 =	vld.idx.msk [tilespmem:v2+s0+$0x0 ss:$0x1], $0xffff;
	v39 =	vshll.u32 v32, $0x3;
	v21 =	vshll.u32 v34, $0x3;
	v13 =	vand.u32 $0xFF, v13  }
0x133: {  	v42 =	vld.idx.msk [tilespmem:v1+s1+$0x0 ss:$0x1], $0xffff;
	v16 =	vshll.u32 v16, $0x8;
	v18 =	vshrl.u32 v31, v39;
	v15 =	vshrl.u32 v33, v21  }
0x134: {  	v47 =	vld.idx.msk [tilespmem:v1+s0+$0x0 ss:$0x1], $0xffff;
	v16 =	vand.u32 $0xFF00, v16;
	v18 =	vshll.u32 v18, $0x10;
	v46 =	vshll.u32 v15, $0x18  }
0x135: {  	s22 =	sshrl.u32 s22, $0x2;
	v49 =	vshll.u32 v36, $0x3;
	v50 =	vshll.u32 v40, $0x3;
	v13 =	vor.u32 v13, v16  }
0x136: {  	[tilespmem:v3+s22+$0x0 ss:$0x1] =	vst.idx.msk $0xffff, v12;
	s29 =	sor.u32 $0x270, s19;
	v43 =	vand.u32 $0xFF0000, v18;
	v14 =	vshrl.u32 v35, v49;
	v51 =	vshll.u32 v41, $0x3  }
0x137: {  	v17 =	vld.idx.msk [tilespmem:v2+s29+$0x0 ss:$0x1], $0xffff;
	s1 =	sor.u32 $0x2F0, s19;
	v18 =	vshll.u32 v44, $0x3;
	v45 =	vor.u32 v43, v13;
	v13 =	vshrl.u32 v19, v50  }
0x138: {  	s22 =	sor.u32 $0x370, s19;
	v12 =	vld.idx.msk [tilespmem:v1+s1+$0x0 ss:$0x1], $0xffff;
	v52 =	vand.u32 $0xFF, v14;
	v19 =	vshrl.u32 v42, v51;
	v13 =	vshll.u32 v13, $0x8  }
0x139: {  	v15 =	vld.idx.msk [tilespmem:v2+s22+$0x0 ss:$0x1], $0xffff;
	v18 =	vshrl.u32 v47, v18;
	v19 =	vshll.u32 v19, $0x10;
	v53 =	vand.u32 $0xFF00, v13  }
0x13a: {  	v16 =	vld.idx.msk [tilespmem:v1+s29+$0x0 ss:$0x1], $0xffff;
	s29 =	sshrl.u32 s26, $0x2;
	v48 =	vor.u32 v46, v45;
	v19 =	vand.u32 $0xFF0000, v19;
	v20 =	vor.u32 v52, v53  }
0x13b: {  	v18 =	vshll.u32 v18, $0x18;
	v13 =	vld.idx.msk [tilespmem:v1+s22+$0x0 ss:$0x1], $0xffff;
	[tilespmem:v3+s29+$0x0 ss:$0x1] =	vst.idx.msk $0xffff, v48;
	s22 =	sor.u32 $0x450, s19;
	s29 =	sor.u32 $0x6C0, s19;
	v19 =	vor.u32 v19, v20  }
0x13c: {  	v54 =	vld.idx.msk [tilespmem:v1+s22+$0x0 ss:$0x1], $0xffff;
	s26 =	sshrl.u32 s29, $0x2;
	v18 =	vor.u32 v18, v19  }
0x13d: {  	v21 =	vld.idx.msk [tilespmem:v2+s22+$0x0 ss:$0x1], $0xffff;
	[tilespmem:v3+s26+$0x0 ss:$0x1] =	vst.idx.msk $0xffff, v18  }
0x13e: {  	v18 =	vld.idx.msk [tilespmem:v1+s31+$0x0 ss:$0x1], $0xffff  }
0x13f: {  	v55 =	vld.idx.msk [tilespmem:v2+s31+$0x0 ss:$0x1], $0xffff  }
0x140: {  	v56 =	vld.idx.msk [tilespmem:v1+s29+$0x0 ss:$0x1], $0xffff  }
0x141: {  	s26 =	sor.u32 $0x740, s19;
	v57 =	vld.idx.msk [tilespmem:v2+s29+$0x0 ss:$0x1], $0xffff  }
0x142: {  	s22 =	sor.u32 $0x7C0, s19;
	v58 =	vld.idx.msk [tilespmem:v2+s26+$0x0 ss:$0x1], $0xffff  }
0x143: {  	v60 =	vld.idx.msk [tilespmem:v2+s22+$0x0 ss:$0x1], $0xffff  }
0x144: {  	v59 =	vld.idx.msk [tilespmem:v1+s26+$0x0 ss:$0x1], $0xffff  }
0x145: {  	v14 =	vld.idx.msk [tilespmem:v2+s1+$0x0 ss:$0x1], $0xffff  }
0x146: {  	s1 =	sor.u32 $0x5D0, s19;
	v61 =	vld.idx.msk [tilespmem:v1+s22+$0x0 ss:$0x1], $0xffff  }
0x147: {  	v35 =	vld.idx.msk [tilespmem:v1+s1+$0x0 ss:$0x1], $0xffff;
	v19 =	vshll.u32 v55, $0x3;
	v23 =	vshll.u32 v57, $0x3  }
0x148: {  	v36 =	vld.idx.msk [tilespmem:v2+s1+$0x0 ss:$0x1], $0xffff;
	s29 =	sor.u32 $0x4D0, s19;
	v30 =	vshll.u32 v58, $0x3;
	v33 =	vshll.u32 v60, $0x3;
	v63 =	vshrl.u32 v56, v23  }
0x149: {  	v62 =	vld.idx.msk [tilespmem:v1+s29+$0x0 ss:$0x1], $0xffff;
	v18 =	vshrl.u32 v18, v19;
	v22 =	vshrl.u32 v59, v30;
	v19 =	vshll.u32 v63, $0x8  }
0x14a: {  	s31 =	sor.u32 $0x550, s19;
	v29 =	vld.idx.msk [tilespmem:v2+s29+$0x0 ss:$0x1], $0xffff;
	v18 =	vand.u32 $0xFF, v18;
	v22 =	vshll.u32 v22, $0x10;
	v19 =	vand.u32 $0xFF00, v19  }
0x14b: {  	v31 =	vld.idx.msk [tilespmem:v1+s31+$0x0 ss:$0x1], $0xffff;
	v34 =	vshrl.u32 v61, v33;
	v22 =	vand.u32 $0xFF0000, v22;
	v18 =	vor.u32 v18, v19  }
0x14c: {  	v32 =	vld.idx.msk [tilespmem:v2+s31+$0x0 ss:$0x1], $0xffff;
	s29 =	sor.u32 $0x3F0, s19;
	v19 =	vshll.u32 v34, $0x18;
	v18 =	vor.u32 v22, v18  }
0x14d: {  	s31 =	sshrl.u32 s28, $0x2;
	v19 =	vor.u32 v19, v18;
	v18 =	vld.idx.msk [tilespmem:v1+s29+$0x0 ss:$0x1], $0xffff  }
0x14e: {  	s1 =	sor.u32 $0x650, s19;
	[tilespmem:v3+s31+$0x0 ss:$0x1] =	vst.idx.msk $0xffff, v19;
	v19 =	vld.idx.msk [tilespmem:v2+s29+$0x0 ss:$0x1], $0xffff  }
0x14f: {  	v39 =	vld.idx.msk [tilespmem:v1+s1+$0x0 ss:$0x1], $0xffff  }
0x150: {  	v21 =	vshll.u32 v21, $0x3;
	s28 =	sor.u32 $0x6D0, s19;
	v37 =	vshll.u32 v29, $0x3;
	v40 =	vld.idx.msk [tilespmem:v2+s1+$0x0 ss:$0x1], $0xffff  }
0x151: {  	v20 =	vshrl.u32 v54, v21;
	v24 =	vshll.u32 v32, $0x3;
	v38 =	vshrl.u32 v62, v37;
	v41 =	vld.idx.msk [tilespmem:v2+s28+$0x0 ss:$0x1], $0xffff  }
0x152: {  	v20 =	vand.u32 $0xFF, v20;
	v23 =	vshrl.u32 v31, v24;
	v21 =	vshll.u32 v38, $0x8;
	s29 =	sor.u32 $0x750, s19;
	v43 =	vld.idx.msk [tilespmem:v1+s28+$0x0 ss:$0x1], $0xffff  }
0x153: {  	v23 =	vshll.u32 v23, $0x10;
	v21 =	vand.u32 $0xFF00, v21;
	v22 =	vshll.u32 v36, $0x3;
	s31 =	sor.u32 $0x7D0, s19;
	v45 =	vld.idx.msk [tilespmem:v2+s29+$0x0 ss:$0x1], $0xffff  }
0x154: {  	v42 =	vand.u32 $0xFF0000, v23;
	v20 =	vor.u32 v20, v21;
	v22 =	vshrl.u32 v35, v22;
	v47 =	vld.idx.msk [tilespmem:v2+s31+$0x0 ss:$0x1], $0xffff  }
0x155: {  	v20 =	vor.u32 v42, v20;
	v44 =	vshll.u32 v22, $0x18;
	v46 =	vld.idx.msk [tilespmem:v1+s29+$0x0 ss:$0x1], $0xffff  }
0x156: {  	v9 =	vshll.u32 v9, $0x3;
	s30 =	sshrl.u32 s30, $0x2;
	v20 =	vor.u32 v44, v20  }
0x157: {  	v11 =	vshll.u32 v11, $0x3;
	v8 =	vshrl.u32 v8, v9;
	v49 =	vld.idx.msk [tilespmem:v1+s31+$0x0 ss:$0x1], $0xffff;
	s1 =	sor.u32 $0x460, s19;
	[tilespmem:v3+s30+$0x0 ss:$0x1] =	vst.idx.msk $0xffff, v20  }
0x158: {  	v48 =	vshrl.u32 v10, v11;
	v51 =	vld.idx.msk [tilespmem:v1+s1+$0x0 ss:$0x1], $0xffff;
	v50 =	vshll.u32 v41, $0x3;
	v24 =	vshll.u32 v40, $0x3  }
0x159: {  	s28 =	sor.u32 $0x4E0, s19;
	v52 =	vld.idx.msk [tilespmem:v2+s1+$0x0 ss:$0x1], $0xffff;
	v22 =	vshll.u32 v45, $0x3;
	v20 =	vshll.u32 v47, $0x3;
	v11 =	vshrl.u32 v43, v50  }
0x15a: {  	v53 =	vld.idx.msk [tilespmem:v2+s28+$0x0 ss:$0x1], $0xffff;
	v24 =	vshrl.u32 v39, v24;
	v21 =	vshrl.u32 v46, v22;
	v11 =	vshll.u32 v11, $0x8  }
0x15b: {  	s29 =	sor.u32 $0x560, s19;
	v54 =	vld.idx.msk [tilespmem:v1+s28+$0x0 ss:$0x1], $0xffff;
	v24 =	vand.u32 $0xFF, v24;
	v21 =	vshll.u32 v21, $0x10;
	v11 =	vand.u32 $0xFF00, v11  }
0x15c: {  	v55 =	vld.idx.msk [tilespmem:v2+s29+$0x0 ss:$0x1], $0xffff;
	v10 =	vshrl.u32 v49, v20;
	v21 =	vand.u32 $0xFF0000, v21;
	v11 =	vor.u32 v24, v11  }
0x15d: {  	v6 =	vshll.u32 v6, $0x3;
	s30 =	sor.u32 $0x5E0, s19;
	v56 =	vld.idx.msk [tilespmem:v1+s29+$0x0 ss:$0x1], $0xffff;
	v10 =	vshll.u32 v10, $0x18;
	v11 =	vor.u32 v21, v11  }
0x15e: {  	v4 =	vshrl.u32 v4, v6;
	v9 =	vshll.u32 v48, $0x8;
	s31 =	sshrl.u32 s26, $0x2;
	v58 =	vld.idx.msk [tilespmem:v2+s30+$0x0 ss:$0x1], $0xffff;
	v57 =	vor.u32 v10, v11  }
0x15f: {  	v8 =	vand.u32 $0xFF, v8;
	v4 =	vshll.u32 v4, $0x10;
	v9 =	vand.u32 $0xFF00, v9;
	s26 =	sor.u32 $0x660, s19;
	v61 =	vld.idx.msk [tilespmem:v1+s30+$0x0 ss:$0x1], $0xffff;
	[tilespmem:v3+s31+$0x0 ss:$0x1] =	vst.idx.msk $0xffff, v57  }
0x160: {  	v4 =	vand.u32 $0xFF0000, v4;
	v8 =	vor.u32 v8, v9;
	v63 =	vld.idx.msk [tilespmem:v1+s26+$0x0 ss:$0x1], $0xffff  }
0x161: {  	v59 =	vshll.u32 v7, $0x3;
	s28 =	sor.u32 $0x6E0, s19;
	v60 =	vshll.u32 v53, $0x3;
	v62 =	vshll.u32 v52, $0x3;
	v24 =	vld.idx.msk [tilespmem:v2+s26+$0x0 ss:$0x1], $0xffff  }
0x162: {  	v20 =	vshll.u32 v55, $0x3;
	v7 =	vshrl.u32 v54, v60;
	v6 =	vshrl.u32 v51, v62;
	v25 =	vld.idx.msk [tilespmem:v1+s28+$0x0 ss:$0x1], $0xffff  }
0x163: {  	s29 =	sor.u32 $0x760, s19;
	v20 =	vshrl.u32 v56, v20;
	v7 =	vshll.u32 v7, $0x8;
	v6 =	vand.u32 $0xFF, v6;
	v27 =	vld.idx.msk [tilespmem:v2+s28+$0x0 ss:$0x1], $0xffff  }
0x164: {  	s30 =	sor.u32 $0x7E0, s19;
	v26 =	vshll.u32 v20, $0x10;
	v7 =	vand.u32 $0xFF00, v7;
	v10 =	vshll.u32 v58, $0x3;
	v28 =	vld.idx.msk [tilespmem:v2+s29+$0x0 ss:$0x1], $0xffff  }
0x165: {  	v6 =	vor.u32 v6, v7;
	v7 =	vand.u32 $0xFF0000, v26;
	v9 =	vshrl.u32 v61, v10;
	v31 =	vld.idx.msk [tilespmem:v2+s30+$0x0 ss:$0x1], $0xffff  }
0x166: {  	v5 =	vshrl.u32 v5, v59;
	v6 =	vor.u32 v7, v6;
	v29 =	vshll.u32 v9, $0x18;
	v30 =	vld.idx.msk [tilespmem:v1+s29+$0x0 ss:$0x1], $0xffff  }
0x167: {  	v4 =	vor.u32 v4, v8;
	v5 =	vshll.u32 v5, $0x18;
	s31 =	sshrl.u32 s23, $0x2;
	v6 =	vor.u32 v29, v6  }
0x168: {  	v4 =	vor.u32 v5, v4;
	s23 =	sor.u32 $0x470, s19;
	v32 =	vld.idx.msk [tilespmem:v1+s30+$0x0 ss:$0x1], $0xffff;
	[tilespmem:v3+s31+$0x0 ss:$0x1] =	vst.idx.msk $0xffff, v6  }
0x169: {  	v5 =	vshll.u32 v17, $0x3;
	v33 =	vld.idx.msk [tilespmem:v1+s23+$0x0 ss:$0x1], $0xffff;
	v34 =	vshll.u32 v24, $0x3;
	v35 =	vshll.u32 v27, $0x3  }
0x16a: {  	s26 =	sor.u32 $0x4F0, s19;
	v36 =	vld.idx.msk [tilespmem:v2+s23+$0x0 ss:$0x1], $0xffff;
	v10 =	vshll.u32 v28, $0x3;
	v7 =	vshll.u32 v31, $0x3;
	v17 =	vshrl.u32 v25, v35  }
0x16b: {  	v37 =	vld.idx.msk [tilespmem:v1+s26+$0x0 ss:$0x1], $0xffff;
	v11 =	vshrl.u32 v63, v34;
	v9 =	vshrl.u32 v30, v10;
	v17 =	vshll.u32 v17, $0x8  }
0x16c: {  	s28 =	sor.u32 $0x570, s19;
	v38 =	vld.idx.msk [tilespmem:v2+s26+$0x0 ss:$0x1], $0xffff;
	v11 =	vand.u32 $0xFF, v11;
	v9 =	vshll.u32 v9, $0x10;
	v17 =	vand.u32 $0xFF00, v17  }
0x16d: {  	v39 =	vld.idx.msk [tilespmem:v1+s28+$0x0 ss:$0x1], $0xffff;
	v6 =	vshrl.u32 v32, v7;
	v9 =	vand.u32 $0xFF0000, v9;
	v11 =	vor.u32 v11, v17  }
0x16e: {  	v14 =	vshll.u32 v14, $0x3;
	s29 =	sor.u32 $0x5F0, s19;
	v40 =	vld.idx.msk [tilespmem:v2+s28+$0x0 ss:$0x1], $0xffff;
	v6 =	vshll.u32 v6, $0x18;
	v9 =	vor.u32 v9, v11  }
0x16f: {  	v12 =	vshrl.u32 v12, v14;
	s30 =	sshrl.u32 s24, $0x2;
	v42 =	vld.idx.msk [tilespmem:v1+s29+$0x0 ss:$0x1], $0xffff;
	v6 =	vor.u32 v6, v9  }
0x170: {  	v5 =	vshrl.u32 v16, v5;
	v41 =	vshll.u32 v15, $0x3;
	s31 =	sor.u32 $0x670, s19;
	v43 =	vld.idx.msk [tilespmem:v2+s29+$0x0 ss:$0x1], $0xffff;
	[tilespmem:v3+s30+$0x0 ss:$0x1] =	vst.idx.msk $0xffff, v6  }
0x171: {  	v12 =	vshll.u32 v12, $0x8;
	v5 =	vand.u32 $0xFF, v5;
	v13 =	vshrl.u32 v13, v41;
	v47 =	vld.idx.msk [tilespmem:v1+s31+$0x0 ss:$0x1], $0xffff  }
0x172: {  	v44 =	vand.u32 $0xFF00, v12;
	s1 =	sor.u32 $0x6F0, s19;
	v46 =	vshll.u32 v19, $0x3;
	v45 =	vshll.u32 v13, $0x10;
	v50 =	vld.idx.msk [tilespmem:v2+s31+$0x0 ss:$0x1], $0xffff  }
0x173: {  	v5 =	vor.u32 v5, v44;
	v49 =	vshrl.u32 v18, v46;
	v48 =	vand.u32 $0xFF0000, v45;
	v52 =	vld.idx.msk [tilespmem:v2+s1+$0x0 ss:$0x1], $0xffff  }
0x174: {  	v51 =	vshll.u32 v49, $0x18;
	v5 =	vor.u32 v48, v5;
	s23 =	sor.u32 $0x770, s19;
	v10 =	vshll.u32 v38, $0x3;
	v53 =	vld.idx.msk [tilespmem:v1+s1+$0x0 ss:$0x1], $0xffff  }
0x175: {  	s24 =	sor.u32 $0x7F0, s19;
	v16 =	vshll.u32 v36, $0x3;
	v10 =	vshrl.u32 v37, v10;
	v11 =	vshll.u32 v40, $0x3;
	v54 =	vld.idx.msk [tilespmem:v2+s23+$0x0 ss:$0x1], $0xffff  }
0x176: {  	v8 =	vshrl.u32 v33, v16;
	v10 =	vshll.u32 v10, $0x8;
	v7 =	vshrl.u32 v39, v11;
	v57 =	vld.idx.msk [tilespmem:v2+s24+$0x0 ss:$0x1], $0xffff  }
0x177: {  	v8 =	vand.u32 $0xFF, v8;
	v10 =	vand.u32 $0xFF00, v10;
	v7 =	vshll.u32 v7, $0x10;
	v55 =	vld.idx.msk [tilespmem:v1+s23+$0x0 ss:$0x1], $0xffff  }
0x178: {  	v58 =	vshll.u32 v43, $0x3;
	v56 =	vor.u32 v8, v10;
	v7 =	vand.u32 $0xFF0000, v7  }
0x179: {  	v5 =	vor.u32 v51, v5;
	v60 =	vld.idx.msk [tilespmem:v1+s24+$0x0 ss:$0x1], $0xffff;
	v6 =	vor.u32 v7, v56;
	v7 =	vshrl.u32 v42, v58  }
0x17a: {  	v7 =	vshll.u32 v7, $0x18;
	v59 =	vshll.u32 v52, $0x3;
	v61 =	vshll.u32 v50, $0x3  }
0x17b: {  	v11 =	vshll.u32 v54, $0x3;
	v8 =	vshll.u32 v57, $0x3;
	v9 =	vshrl.u32 v53, v59  }
0x17c: {  	p0 =	slt.u32 s18, $0x1C;
	v12 =	vshrl.u32 v47, v61;
	v11 =	vshrl.u32 v55, v11;
	v9 =	vshll.u32 v9, $0x8  }
.Ltmp6:
0x17d: {  	s26 =	sshra.s32 s20, $0x2;
	v12 =	vand.u32 $0xFF, v12;
	v11 =	vshll.u32 v11, $0x10;
	v9 =	vand.u32 $0xFF00, v9;
	(pc) =	sbr.rel @p0 .LBB2_8-.Ltmp6, $4  }
0x17e: {  	s28 =	sshrl.u32 s21, $0x2;
	[tilespmem:v3+s26+$0x0 ss:$0x1] =	vst.idx.msk $0xffff, v4;
	v4 =	vshrl.u32 v60, v8;
	v62 =	vand.u32 $0xFF0000, v11;
	v9 =	vor.u32 v12, v9  }
0x17f: {  	s29 =	sshrl.u32 s25, $0x2;
	[tilespmem:v3+s28+$0x0 ss:$0x1] =	vst.idx.msk $0xffff, v5;
	v5 =	vor.u32 v7, v6;
	v4 =	vshll.u32 v4, $0x18;
	v63 =	vor.u32 v62, v9  }
0x180: {  	s30 =	sshrl.u32 s22, $0x2;
	s31 =	sadd.s32 $0x4, s18;
	[tilespmem:v3+s29+$0x0 ss:$0x1] =	vst.idx.msk $0xffff, v5;
	v4 =	vor.u32 v4, v63  }
0x181: {  	s18 =	smov.u32 s31;
	[tilespmem:v3+s30+$0x0 ss:$0x1] =	vst.idx.msk $0xffff, v4  }
.Ltmp7:
0x182: {  	(pc) =	sbr.rel .LBB2_10-.Ltmp7, $4  }
0x183: {  	_ = 	snop  }
0x184: {  	s0 =	sshrl.u32 s16, $0x2;
	s1 =	sshrl.u32 s16, $0x5  }
0x185: {  	s1 =	sadd.s32 s1, s8;
	s0 =	sand.u32 $0x7, s0  }
0x186: {  	[hbm4b:s1+s0] =	stream.linear.scatter [tilespmem:s17], [sflag:$0x4], $0x1000, $0x38;
	[tilespmem:$0x16000] =	vst v63  }
.LBB2_11:
0x187: {  	_ =	sfence.sel $0x180000  }
0x188: {  	s0 =	simm.s32 $0x2;
	[bflag:$0x0] =	sbarrier.arrive $0xFFFF  }
0x189: {  	s28 =	simm.s32 $0x3;
	[sflag:s0] =	ssyncpa.u1 $0x1  }
0x18a: {  	s29 =	simm.s32 $0x4;
	[sflag:s28] =	ssyncpa.u1 $0x1  }
0x18b: {  	s30 =	simm.s32 $0x1;
	[sflag:s29] =	ssyncpa.u1 $0x1  }
0x18c: {  	[sflag:s30] =	ssyncpa.u1 $0x1  }
0x18d: {  	_ =	strace $0x9000004D  }
0x18e: {  	s31 =	stileid.u32;
	[bflag:$0x2] =	sbarrier.arrive $0xFFFF  }
0x18f: {  	p0 =	sne.s32 s31, $0x0;
	s0 =	rddreg [dreg:$0x1]  }
0x190: {  	s0 =	sadd.s32 @!p0 $0x100000, s0  }
0x191: {  	[sflag:s0] =	ssyncadd.tile.s32 @!p0 $0x1;
	_ =	shalt  }
.Lfunc_end2:
_tile_overlayer_lowered:
.L_overlay_start_2:
0x192: {  	(tag) =	ssettag $0x2  }
0x193: {  	s0 =	rddreg [dreg:$0x0];
	s2 =	stileid.u32  }
0x194: {  	s1 =	rddreg [dreg:$0x1];
	p0 =	sne.s32 s2, $0x0  }
0x195: {  	s3 =	rddreg [dreg:$0x2];
	[bflag:$0x3] =	sbarrier.arrive $0xFFFF;
	s2 =	simm.s32 @!p0 $0x1C01  }
0x196: {  	[timem:s3], [sflag:s2] =	dma.local @!p0 [hbm:s0], s1  }
0x197: {  	s0 =	simm.s32 @!p0 $0x1  }
0x198: {  	_ =	swait.ge @!p0 [sflag:s0], s1  }
0x199: {  	s1 =	ssub.s32 @!p0 $0x0, s1;
	[sflag:s0] =	ssyncset.done @!p0 $0x0  }
0x19a: {  	[sflag:s0] =	ssyncadd.s32 @!p0 s1  }
0x19b: {  	[bflag:$0x3] =	sbarrier.arrive $0xFFFF  }
0x19c: {  	_ =	shalt  }

// kernel: gather_offload_async_start
scs
__scs_entry_jumppad:
0x0: {  	(pc) =	sbr.rel $0x88, $3  }
0x1: {  	(tag) =	ssettag $0x0;
	lr =	simm.s32 $0x1  }
0x2: {  	[smem:$0x3F8A] =	sst lr;
	_ =	strace $0xD0000000  }
0x3: {  	_ = 	snop  }
0x4: {  	_ = 	snop  }
0x5: {  	_ = 	snop  }
0x6: {  	_ = 	snop  }
0x7: {  	_ = 	snop  }
__scs_overlays_trampoline_lowered:
0x8: {  	[smem:$0x3F99] =	sst s0  }
0x9: {  	[smem:$0x3F9A] =	sst s1  }
0xa: {  	[smem:$0x3F9B] =	sst s2  }
0xb: {  	[smem:$0x3F9C] =	sst s3  }
0xc: {  	[smem:$0x3F9D] =	sst s4  }
0xd: {  	[smem:$0x3F9E] =	sst s5  }
0xe: {  	[smem:$0x3F9F] =	sst s6  }
0xf: {  	[smem:$0x3FA0] =	sst s7  }
0x10: {  	[smem:$0x3FA1] =	sst s8  }
0x11: {  	[smem:$0x3FA2] =	sst s9;
	s0 =	simm.s32 @!p0 $0x0  }
0x12: {  	s1 =	sld [smem:$0x3F88];
	s0 =	simm.s32 @p0 $0x1  }
0x13: {  	[smem:$0x3FA3] =	sst s0;
	s0 =	simm.s32 @!p1 $0x0  }
0x14: {  	s2 =	sld [smem:$0x3F87];
	s0 =	simm.s32 @p1 $0x1  }
0x15: {  	[smem:$0x3FA4] =	sst s0;
	s0 =	simm.s32 @!p2 $0x0  }
0x16: {  	s3 =	sld [smem:$0x3FDB];
	s0 =	simm.s32 @p2 $0x1  }
0x17: {  	s4 =	simm.s32 $0x1BF5;
	[smem:$0x3FA6] =	sst s0  }
0x18: {  	s0 =	sld [smem:$0x3F89];
	_ =	swait.ge [sflag:s4], $0x0  }
0x19: {  	s7 =	sld [smem:$0x3F8A]  }
0x1a: {  	s8 =	sadd.s32 $0xFFFFE003, lr  }
0x1b: {  	s9 =	sadd.s32 $0xFFFFFEF7, lr;
	s5 =	simm.s32 $0xFFFFFFFF;
	p2 =	slt.u32 s8, $0xFFFFF086  }
0x1c: {  	p1 =	slt.u32 s9, $0xF7A;
	s5 =	simm.s32 @!p2 $0x0  }
0x1d: {  	s5 =	simm.s32 @p1 $0x1;
	p0 =	seq.s32 s7, s2  }
0x1e: {  	s7 =	smul.u32 @!p0 $0xF7A, s2;
	p2 =	seq.s32 @!p0 s5, $0x0  }
0x1f: {  	s9 =	smul.u32 $0xF7A, s1;
	s8 =	simm.s32 @!p0 $0x1BF5;
	p2 =	por !p2, p0  }
0x20: {  	[sflag:s8] =	ssyncset.s32 @!p0 $0xFFFFF086;
	s6 =	sadd.s32 @!p0 s3, s7;
	s7 =	simm.s32 @!p0 $0x108  }
0x21: {  	s3 =	sadd.s32 s3, s9;
	s6 =	sadd.s32 @!p0 $0x88, s6;
	s7 =	simm.s32 @p2 $0x1082  }
0x22: {  	[simem:s7], [sflag:s8] =	dma.local @!p0 [hbm:s6], $0xF7A  }
0x23: {  	s9 =	sor.u32 $0xD0000000, s2;
	s6 =	simm.s32 $0x108;
	_ =	swait.ge @!p0 [sflag:s8], $0x0  }
0x24: {  	s3 =	sadd.s32 $0x88, s3;
	s6 =	simm.s32 @!p1 $0x1082;
	[sflag:s4] =	ssyncset.s32 $0xFFFFF086  }
0x25: {  	[simem:s6], [sflag:s4] =	dma.local [hbm:s3], $0xF7A  }
0x26: {  	[smem:$0x3F8A] =	sst s1;
	(tag) =	ssettag s2;
	_ =	strace s9  }
0x27: {  	s1 =	sld [smem:$0x3F9A]  }
0x28: {  	s2 =	sld [smem:$0x3F9B]  }
0x29: {  	s4 =	sld [smem:$0x3F9D]  }
0x2a: {  	p0 =	seq.s32 s5, $0x0;
	s5 =	sld [smem:$0x3F9E]  }
0x2b: {  	s6 =	sld [smem:$0x3F9F]  }
0x2c: {  	s7 =	sld [smem:$0x3FA0]  }
0x2d: {  	s3 =	simm.s32 $0x108;
	s8 =	sld [smem:$0x3FA1]  }
0x2e: {  	s3 =	simm.s32 @!p0 $0x1082;
	s9 =	sld [smem:$0x3FA2]  }
0x2f: {  	lr =	sadd.s32 s0, s3;
	s0 =	sld [smem:$0x3F99]  }
0x30: {  	s3 =	sld [smem:$0x3F9C]  }
0x31: {  	[smem:$0x3FA5] =	sst s10  }
0x32: {  	s10 =	sld [smem:$0x3FA3];
	_ =	sdelay $0x3  }
0x33: {  	p0 =	seq.s32 s10, $0x1;
	s10 =	sld [smem:$0x3FA5];
	_ =	sdelay $0x3  }
0x34: {  	[smem:$0x3FA5] =	sst s10  }
0x35: {  	s10 =	sld [smem:$0x3FA4];
	_ =	sdelay $0x3  }
0x36: {  	p1 =	seq.s32 s10, $0x1;
	s10 =	sld [smem:$0x3FA5];
	_ =	sdelay $0x3  }
0x37: {  	[smem:$0x3FA5] =	sst s10  }
0x38: {  	s10 =	sld [smem:$0x3FA6]  }
0x39: {  	_ = 	snop;
	(pc) =	sbr.ind lr, $3  }
0x3a: {  	_ = 	snop  }
0x3b: {  	_ = 	snop  }
0x3c: {  	p2 =	seq.s32 s10, $0x1;
	s10 =	sld [smem:$0x3FA5]  }
0x3d: {  	_ =	shalt  }
0x3e: {  	_ =	shalt  }
0x3f: {  	_ =	shalt  }
0x40: {  	_ =	shalt  }
0x41: {  	_ =	shalt  }
0x42: {  	_ =	shalt  }
0x43: {  	_ =	shalt  }
0x44: {  	_ =	shalt  }
0x45: {  	_ =	shalt  }
0x46: {  	_ =	shalt  }
0x47: {  	_ =	shalt  }
0x48: {  	_ =	shalt  }
0x49: {  	_ =	shalt  }
0x4a: {  	_ =	shalt  }
0x4b: {  	_ =	shalt  }
0x4c: {  	_ =	shalt  }
0x4d: {  	_ =	shalt  }
0x4e: {  	_ =	shalt  }
0x4f: {  	_ =	shalt  }
0x50: {  	_ =	shalt  }
0x51: {  	_ =	shalt  }
0x52: {  	_ =	shalt  }
0x53: {  	_ =	shalt  }
0x54: {  	_ =	shalt  }
0x55: {  	_ =	shalt  }
0x56: {  	_ =	shalt  }
0x57: {  	_ =	shalt  }
0x58: {  	_ =	shalt  }
0x59: {  	_ =	shalt  }
0x5a: {  	_ =	shalt  }
0x5b: {  	_ =	shalt  }
0x5c: {  	_ =	shalt  }
0x5d: {  	_ =	shalt  }
0x5e: {  	_ =	shalt  }
0x5f: {  	_ =	shalt  }
0x60: {  	_ =	shalt  }
0x61: {  	_ =	shalt  }
0x62: {  	_ =	shalt  }
0x63: {  	_ =	shalt  }
0x64: {  	_ =	shalt  }
0x65: {  	_ =	shalt  }
0x66: {  	_ =	shalt  }
0x67: {  	_ =	shalt  }
0x68: {  	_ =	shalt  }
0x69: {  	_ =	shalt  }
0x6a: {  	_ =	shalt  }
0x6b: {  	_ =	shalt  }
0x6c: {  	_ =	shalt  }
0x6d: {  	_ =	shalt  }
0x6e: {  	_ =	shalt  }
0x6f: {  	_ =	shalt  }
0x70: {  	_ =	shalt  }
0x71: {  	_ =	shalt  }
0x72: {  	_ =	shalt  }
0x73: {  	_ =	shalt  }
0x74: {  	_ =	shalt  }
0x75: {  	_ =	shalt  }
0x76: {  	_ =	shalt  }
0x77: {  	_ =	shalt  }
0x78: {  	_ =	shalt  }
0x79: {  	_ =	shalt  }
0x7a: {  	_ =	shalt  }
0x7b: {  	_ =	shalt  }
0x7c: {  	_ =	shalt  }
0x7d: {  	_ =	shalt  }
0x7e: {  	_ =	shalt  }
0x7f: {  	_ =	shalt  }
0x80: {  	_ =	shalt  }
0x81: {  	_ =	shalt  }
0x82: {  	_ =	shalt  }
0x83: {  	_ =	shalt  }
0x84: {  	_ =	shalt  }
0x85: {  	_ =	shalt  }
0x86: {  	_ =	shalt  }
0x87: {  	_ =	shalt  }
.Lfunc_end0:
.L_simem_size_0:
called_computation.2_lowered:
.L_overlay_start_0:
0x88: {  	s2 =	sld [smem:$0x3FD9]  }
0x89: {  	s3 =	sld [smem:$0x3FFE];
	_ =	sdelay $0x1  }
0x8a: {  	s1 =	srdreg.scid  }
0x8b: {  	s0 =	sand.u32 $0x1, s1  }
0x8c: {  	s16 =	sshll.u32 s0, $0xA;
	s2 =	sadd.s32 s3, s2  }
0x8d: {  	s2 =	sadd.s32 s2, s16  }
0x8e: {  	[smem:$0x3FB1] =	sst s2  }
0x8f: {  	_ = 	snop  }
0x90: {  	(tm) =	ssettm $0x1  }
0x91: {  	s17 =	sld [smem:$0x3FFB];
	_ =	sdelay $0x3  }
0x92: {  	_ =	strace s17  }
0x93: {  	s2 =	sld [smem:$0x3FFC];
	_ =	sdelay $0x3  }
0x94: {  	_ =	strace s2  }
0x95: {  	s2 =	sld [smem:$0x3FFD];
	_ =	sdelay $0x3  }
0x96: {  	_ =	strace s2  }
0x97: {  	_ =	strace $0x8FFFFFFF  }
0x98: {  	s18 =	sld [smem:$0x3FDB];
	_ =	sdelay $0x1  }
0x99: {  	s19 =	simm.s32 $_scs_section_size  }
0x9a: {  	s4 =	simm.s32 $_size__tile_overlayer_lowered;
	s5 =	simm.s32 $_tile_overlayer_lowered  }
0x9b: {  	s22 =	simm.s32 $0x1BFF;
	s21 =	sshll.u32 s5, $0x1;
	s2 =	sadd.s32 s19, s18  }
0x9c: {  	s6 =	simm.s32 $0x0;
	s20 =	sshll.u32 s4, $0x1;
	s4 =	sadd.s32 s21, s2  }
0x9d: {  	[timem:s6], [sflag:s22] =	dma.local [hbm:s4], s20  }
0x9e: {  	_ =	swait.ge [sflag:s22], s20  }
0x9f: {  	s3 =	ssub.s32 $0x0, s20;
	[sflag:s22] =	ssyncset.done $0x0  }
0xa0: {  	[sflag:s22] =	ssyncadd.s32 s3;
	_ =	sdelay $0x1  }
0xa1: {  	s23 =	simm.s32 $0x1B8B  }
0xa2: {  	_ =	swait.ge [sflag:s23], $0x1  }
0xa3: {  	[sflag:s23] =	ssyncset.done $0x0  }
0xa4: {  	s25 =	simm.s32 $0x1B8E;
	s24 =	sld [smem:$0x3FFE];
	[sflag:s23] =	ssyncadd.s32 $0xFFFFFFFF  }
0xa5: {  	s26 =	simm.s32 $execute0_lowered;
	[smem:$0x3FD2] =	sst s25  }
0xa6: {  	s4 =	sshll.u32 s26, $0x1;
	_ =	strace $0x80000049;
	[dreg:$0x1] =	wrdreg $0xFFFFFFFF  }
0xa7: {  	s28 =	simm.s32 $_size_execute0_lowered;
	s2 =	sadd.s32 s2, s4;
	[dreg:$0x0] =	wrdreg $0x0  }
0xa8: {  	s4 =	sshll.u32 s28, $0x1;
	[dreg:$0x2] =	wrdreg s2  }
0xa9: {  	[dreg:$0x3] =	wrdreg s4  }
0xaa: {  	[dreg:$0x4] =	wrdreg $0xC0  }
0xab: {  	_ =	task [dreg:s6], $0x5FFFF  }
0xac: {  	[dreg:$0x1] =	wrdreg $0xFFFFFFFF  }
0xad: {  	[dreg:$0x0] =	wrdreg $0x60  }
0xae: {  	[dreg:$0x2] =	wrdreg s24  }
0xaf: {  	[dreg:$0x3] =	wrdreg $0x9  }
0xb0: {  	_ =	task.clear_ibuf [dreg:s6], $0x4FFFF;
	_ =	strace $0x90000049  }
0xb1: {  	s29 =	simm.s32 $0x9;
	_ =	strace $0x8000004B  }
0xb2: {  	_ =	swait.ge [sflag:s29], $0x1  }
0xb3: {  	[sflag:s29] =	ssyncadd.s32 $0xFFFFFFFF  }
0xb4: {  	_ =	strace $0x9000004B  }
0xb5: {  	_ =	sfence  }
0xb6: {  	s30 =	sld [smem:$0x0];
	_ =	sdelay $0x2  }
0xb7: {  	s31 =	sshll.u32 s1, $0xD;
	s1 =	sshrl.u32 s1, $0x2  }
0xb8: {  	s3 =	sand.u32 $0x4000, s31;
	s1 =	sadd.s32 s1, s30  }
0xb9: {  	s0 =	sor.u32 s3, s0;
	s1 =	sshll.u32 s1, $0x11  }
0xba: {  	s0 =	sor.u32 s1, s0  }
0xbb: {  	s0 =	sadd.s32 $0x8F2B, s0  }
0xbc: {  	[sflag:s0] =	ssyncadd.remote.s32 $0x1  }
0xbd: {  	_ =	sfence.sel $0xFFFF  }
0xbe: {  	[dreg:$0x0] =	wrdreg $0xFFFFFFFF;
	(pc) =	sbr.abs _section_cstart, $3  }
0xbf: {  	[dreg:$0x1] =	wrdreg $0xFFFFFFFF  }
0xc0: {  	_ =	task.clear_ibuf [dreg:s6], $0x2FFFF;
	_ =	strace $0x9FFFFFFF  }
0xc1: {  	(tm) =	ssettm $0x7FFFFFFF  }
tec
execute0_lowered:
.L_overlay_start_1:
0x0: {  	(tag) =	ssettag $0x1  }
0x1: {  	s7 =	rddreg [dreg:$0x0]  }
0x2: {  	s0 =	rddreg [dreg:$0x1];
	_ =	strace $0x8000004A  }
0x3: {  	s1 =	srdreg.scid;
	s4 =	simm.s32 $0x1;
	s9 =	simm.s32 $0x3  }
0x4: {  	s11 =	simm.s32 $0x0;
	p0 =	por $0x0, $0x0;
	s5 =	sshll.u32 s1, $0x4  }
.Ltmp0:
0x5: {  	s1 =	stileid.u32;
	s5 =	sand.u32 $0x10, s5;
	(pc) =	sbr.rel .LBB2_1-.Ltmp0, $4  }
0x6: {  	s2 =	sadd.s32 $0x6400, s7;
	s3 =	sadd.s32 $0x86400, s7;
	s6 =	sor.u32 s1, s5  }
0x7: {  	[sflag:s4] =	ssyncpa.u1 $0x0;
	s5 =	simm.s32 $0x2;
	s6 =	sshll.u32 s6, $0x9  }
0x8: {  	s7 =	sadd.s32 $0xC7400, s7;
	[sflag:s5] =	ssyncpa.u1 $0x0;
	s8 =	sadd.s32 $0x200, s6  }
0x9: {  	vm0 =	vmmov $0xff;
	vm1 =	vcmask $0x3F20;
	[sflag:s9] =	ssyncpa.u1 $0x0;
	s10 =	smov.u32 s6;
	s9 =	simm.s32 $0x0  }
.LBB2_7:
0xa: {  	p1 =	slt.u32 s9, $0x2;
	s11 =	sadd.s32 $0x100, s10  }
0xb: {  	s13 =	smov.u32 s6;
	s9 =	sadd.s32 $0x1, s9;
	p2 =	slt.s32 s11, s8  }
0xc: {  	s13 =	smov.u32 @p2 s11;
	p2 =	sne.s32 s9, $0x4  }
.Ltmp1:
0xd: {  	_ = 	snop;
	(pc) =	sbr.rel @!p2 .LBB2_8-.Ltmp1, $4  }
0xe: {  	s12 =	simm.s32 @!p1 $0x3  }
0xf: {  	_ =	swait.ge @!p1 [sflag:s12], $0x8000  }
0x10: {  	p0 =	por !p0, !p0;
	[sflag:s12] =	ssyncset.done @!p1 $0x0  }
0x11: {  	s11 =	smov.u32 s10;
	s10 =	smov.u32 s13;
	[sflag:s12] =	ssyncadd.s32 @!p1 $0xFFFF8000  }
.LBB2_1:
0x12: {  	p1 =	sgt.u32 s9, $0x1  }
0x13: {  	s12 =	sshll.u32 @!p1 s9, $0x8;
	s13 =	sshrl.u32 @!p1 s10, $0x3  }
0x14: {  	s14 =	sand.u32 @!p1 $0x7, s10;
	s12 =	sxor.u32 @!p1 $0x100, s12;
	s13 =	sadd.s32 @!p1 s3, s13  }
0x15: {  	[tilespmem:s12], [sflag:$0x2] =	stream.linear.gather @!p1 [hbm4b:s13+s14], $0x100, $0x38;
	[tilespmem:$0x10200] =	vst v63  }
0x16: {  	p1 =	seq.s32 s9, $0x0  }
0x17: {  	p2 =	seq.s32 @!p1 s9, $0x3  }
0x18: {  	p1 =	por p1, p2  }
.Ltmp2:
0x19: {  	_ = 	snop;
	(pc) =	sbr.rel @p1 .LBB2_7-.Ltmp2, $1  }
0x1a: {  	_ =	sdelay $0x3  }
0x1b: {  	s12 =	simm.s32 $0x1  }
0x1c: {  	_ =	swait.ge [sflag:s5], $0x100;
	s12 =	simm.s32 @!p0 $0x0  }
0x1d: {  	[sflag:s5] =	ssyncset.done $0x0;
	s14 =	sshll.u32 s12, $0x8  }
0x1e: {  	[sflag:s5] =	ssyncadd.s32 $0xFFFFFF00;
	s13 =	sadd.s32 $0x0, s14  }
0x1f: {  	v0 =	vld.msk [tilespmem:s13+$0x0 ss:$0x1], $0xffff;
	_ =	sdelay $0x4  }
0x20: {  	v1 =	vshll.u32 v0, $0x2  }
0x21: {  	vm2 =	veq.s32 v0, $0x80000000;
	v0 =	vshll.u32 v0, $0x11;
	v1 =	vand.u32 $0x1FF80, v1  }
0x22: {  	v0 =	vand.u32 $0x3E0000, v0;
	v1 =	vsel vm2, $0xFFFFFF80, v1  }
0x23: {  	v0 =	vsel vm2, $0xFFFE0000, v0;
	v2 =	vand.u32 $0xFFFFFC00, v1  }
0x24: {  	v1 =	vand.u32 $0x380, v1;
	v0 =	vadd.s32 v0, v2  }
0x25: {  	v0 =	vor.u32 v1, v0  }
0x26: {  	v0 =	vshrl.u32 v0, $0x3;
	_ =	sdelay $0x2  }
0x27: {  	s12 =	sshll.u32 s12, $0xF  }
0x28: {  	s12 =	sor.u32 $0x200, s12  }
0x29: {  	[tilespmem:s12], [sflag:$0x1] =	stream.indirect_vreg.gather [hbm:s2], $0x80, v0, vm0, $0x38;
	[tilespmem:$0x10200] =	vst v63  }
0x2a: {  	s15 =	sadd.s32 $0x10, s14;
	s13 =	sadd.s32 $0x400, s12  }
0x2b: {  	[tilespmem:s13], [sflag:$0x1] =	stream.indirect_vreg.gather [hbm:s2], $0x80, v0, vm1, $0x38;
	[tilespmem:$0x10200] =	vst v63  }
0x2c: {  	s16 =	simm.s32 $0x80;
	v0 =	vld.msk [tilespmem:s15+$0x0 ss:$0x1], $0xffff;
	s15 =	smov.u32 s12  }
.LBB2_3:
0x2d: {  	p1 =	sne.s32 s16, $0x3C0;
	_ =	sdelay $0x4  }
0x2e: {  	v1 =	vshll.u32 v0, $0x2  }
0x2f: {  	vm2 =	veq.s32 v0, $0x80000000;
	v0 =	vshll.u32 v0, $0x11;
	v1 =	vand.u32 $0x1FF80, v1  }
0x30: {  	v0 =	vand.u32 $0x3E0000, v0;
	v1 =	vsel vm2, $0xFFFFFF80, v1  }
0x31: {  	v0 =	vsel vm2, $0xFFFE0000, v0;
	v2 =	vand.u32 $0xFFFFFC00, v1  }
0x32: {  	v1 =	vand.u32 $0x380, v1;
	v0 =	vadd.s32 v0, v2  }
0x33: {  	v0 =	vor.u32 v1, v0  }
0x34: {  	v0 =	vshrl.u32 v0, $0x3;
	_ =	sdelay $0x3  }
.Ltmp3:
0x35: {  	s17 =	sshra.s32 s16, $0x2;
	s15 =	sadd.s32 $0x800, s15;
	(pc) =	sbr.rel @p1 .LBB2_3-.Ltmp3, $4  }
0x36: {  	[tilespmem:s15], [sflag:$0x1] =	stream.indirect_vreg.gather [hbm:s2], $0x80, v0, vm0, $0x38;
	[tilespmem:$0x10200] =	vst v63  }
0x37: {  	s17 =	sadd.s32 s17, s14;
	s18 =	sadd.s32 $0x400, s15  }
0x38: {  	[tilespmem:s18], [sflag:$0x1] =	stream.indirect_vreg.gather [hbm:s2], $0x80, v0, vm1, $0x38;
	[tilespmem:$0x10200] =	vst v63  }
0x39: {  	s16 =	sadd.s32 $0x40, s16;
	v0 =	vld.msk [tilespmem:s17+$0x0 ss:$0x1], $0xffff  }
0x3a: {  	_ =	sdelay $0x3  }
0x3b: {  	v1 =	vshll.u32 v0, $0x2  }
0x3c: {  	vm2 =	veq.s32 v0, $0x80000000;
	v63 =	vshll.u32 v0, $0x11;
	v1 =	vand.u32 $0x1FF80, v1  }
0x3d: {  	v0 =	vand.u32 $0x3E0000, v63;
	v1 =	vsel vm2, $0xFFFFFF80, v1  }
0x3e: {  	v0 =	vsel vm2, $0xFFFE0000, v0;
	v2 =	vand.u32 $0xFFFFFC00, v1  }
0x3f: {  	v1 =	vand.u32 $0x380, v1;
	v0 =	vadd.s32 v0, v2  }
0x40: {  	v0 =	vor.u32 v1, v0  }
0x41: {  	v0 =	vshrl.u32 v0, $0x3;
	_ =	sdelay $0x3  }
0x42: {  	s14 =	sadd.s32 $0x800, s15  }
0x43: {  	[tilespmem:s14], [sflag:$0x1] =	stream.indirect_vreg.gather [hbm:s2], $0x80, v0, vm0, $0x38;
	[tilespmem:$0x10200] =	vst v63  }
0x44: {  	s14 =	sadd.s32 $0x400, s14  }
0x45: {  	[tilespmem:s14], [sflag:$0x1] =	stream.indirect_vreg.gather [hbm:s2], $0x80, v0, vm1, $0x38;
	[tilespmem:$0x10200] =	vst v63  }
0x46: {  	s11 =	sshll.u32 s11, $0x4;
	_ =	swait.ge [sflag:s4], $0x8000  }
0x47: {  	s11 =	sadd.s32 s11, s7;
	[sflag:s4] =	ssyncset.done $0x0  }
0x48: {  	s15 =	sadd.s32 $0x0, s11;
	s14 =	simm.s32 $0x80;
	[sflag:s4] =	ssyncadd.s32 $0xFFFF8000  }
.LBB2_5:
0x49: {  	[hbm:s15] =	stream.linear.scatter [tilespmem:s12], [sflag:$0x3], $0x400, $0x38;
	[tilespmem:$0x10200] =	vst v63  }
0x4a: {  	s15 =	smov.u32 s14;
	s12 =	smov.u32 s13;
	p1 =	sne.s32 s14, $0xF80  }
.Ltmp4:
0x4b: {  	s14 =	sadd.s32 $0x80, s14;
	(pc) =	sbr.rel @p1 .LBB2_5-.Ltmp4, $2  }
0x4c: {  	_ =	sdelay $0x2  }
0x4d: {  	s13 =	sadd.s32 $0x400, s13;
	s15 =	sadd.s32 s15, s11  }
.Ltmp5:
0x4e: {  	(pc) =	sbr.rel .LBB2_7-.Ltmp5, $2  }
0x4f: {  	_ =	sdelay $0x2  }
0x50: {  	[hbm:s15] =	stream.linear.scatter [tilespmem:s12], [sflag:$0x3], $0x400, $0x38;
	[tilespmem:$0x10200] =	vst v63  }
.LBB2_8:
0x51: {  	_ =	sfence.sel $0x180000  }
0x52: {  	s2 =	simm.s32 $0x2;
	[bflag:$0x0] =	sbarrier.arrive $0xFFFF  }
0x53: {  	s30 =	simm.s32 $0x3;
	[sflag:s2] =	ssyncpa.u1 $0x1  }
0x54: {  	s31 =	simm.s32 $0x1;
	[sflag:s30] =	ssyncpa.u1 $0x1  }
0x55: {  	[sflag:s31] =	ssyncpa.u1 $0x1  }
0x56: {  	p0 =	sne.s32 s1, $0x0;
	_ =	strace $0x9000004A  }
0x57: {  	s0 =	sadd.s32 @!p0 $0x100000, s0;
	[bflag:$0x2] =	sbarrier.arrive $0xFFFF  }
0x58: {  	[sflag:s0] =	ssyncadd.tile.s32 @!p0 $0x1;
	_ =	shalt  }
.Lfunc_end2:
_tile_overlayer_lowered:
.L_overlay_start_2:
0x59: {  	(tag) =	ssettag $0x2  }
0x5a: {  	s0 =	rddreg [dreg:$0x0];
	s2 =	stileid.u32  }
0x5b: {  	s1 =	rddreg [dreg:$0x1];
	p0 =	sne.s32 s2, $0x0  }
0x5c: {  	s3 =	rddreg [dreg:$0x2];
	[bflag:$0x3] =	sbarrier.arrive $0xFFFF;
	s2 =	simm.s32 @!p0 $0x1C01  }
0x5d: {  	[timem:s3], [sflag:s2] =	dma.local @!p0 [hbm:s0], s1  }
0x5e: {  	s0 =	simm.s32 @!p0 $0x1  }
0x5f: {  	_ =	swait.ge @!p0 [sflag:s0], s1  }
0x60: {  	s1 =	ssub.s32 @!p0 $0x0, s1;
	[sflag:s0] =	ssyncset.done @!p0 $0x0  }
0x61: {  	[sflag:s0] =	ssyncadd.s32 @!p0 s1  }
0x62: {  	[bflag:$0x3] =	sbarrier.arrive $0xFFFF  }
0x63: {  	_ =	shalt  }

// kernel: scatter_offload_async_start
scs
__scs_entry_jumppad:
0x0: {  	(pc) =	sbr.rel $0x88, $3  }
0x1: {  	(tag) =	ssettag $0x0;
	lr =	simm.s32 $0x1  }
0x2: {  	[smem:$0x3F8A] =	sst lr;
	_ =	strace $0xD0000000  }
0x3: {  	_ = 	snop  }
0x4: {  	_ = 	snop  }
0x5: {  	_ = 	snop  }
0x6: {  	_ = 	snop  }
0x7: {  	_ = 	snop  }
__scs_overlays_trampoline_lowered:
0x8: {  	[smem:$0x3F99] =	sst s0  }
0x9: {  	[smem:$0x3F9A] =	sst s1  }
0xa: {  	[smem:$0x3F9B] =	sst s2  }
0xb: {  	[smem:$0x3F9C] =	sst s3  }
0xc: {  	[smem:$0x3F9D] =	sst s4  }
0xd: {  	[smem:$0x3F9E] =	sst s5  }
0xe: {  	[smem:$0x3F9F] =	sst s6  }
0xf: {  	[smem:$0x3FA0] =	sst s7  }
0x10: {  	[smem:$0x3FA1] =	sst s8  }
0x11: {  	[smem:$0x3FA2] =	sst s9;
	s0 =	simm.s32 @!p0 $0x0  }
0x12: {  	s1 =	sld [smem:$0x3F88];
	s0 =	simm.s32 @p0 $0x1  }
0x13: {  	[smem:$0x3FA3] =	sst s0;
	s0 =	simm.s32 @!p1 $0x0  }
0x14: {  	s2 =	sld [smem:$0x3F87];
	s0 =	simm.s32 @p1 $0x1  }
0x15: {  	[smem:$0x3FA4] =	sst s0;
	s0 =	simm.s32 @!p2 $0x0  }
0x16: {  	s3 =	sld [smem:$0x3FDB];
	s0 =	simm.s32 @p2 $0x1  }
0x17: {  	s4 =	simm.s32 $0x1BF5;
	[smem:$0x3FA6] =	sst s0  }
0x18: {  	s0 =	sld [smem:$0x3F89];
	_ =	swait.ge [sflag:s4], $0x0  }
0x19: {  	s7 =	sld [smem:$0x3F8A]  }
0x1a: {  	s8 =	sadd.s32 $0xFFFFE003, lr  }
0x1b: {  	s9 =	sadd.s32 $0xFFFFFEF7, lr;
	s5 =	simm.s32 $0xFFFFFFFF;
	p2 =	slt.u32 s8, $0xFFFFF086  }
0x1c: {  	p1 =	slt.u32 s9, $0xF7A;
	s5 =	simm.s32 @!p2 $0x0  }
0x1d: {  	s5 =	simm.s32 @p1 $0x1;
	p0 =	seq.s32 s7, s2  }
0x1e: {  	s7 =	smul.u32 @!p0 $0xF7A, s2;
	p2 =	seq.s32 @!p0 s5, $0x0  }
0x1f: {  	s9 =	smul.u32 $0xF7A, s1;
	s8 =	simm.s32 @!p0 $0x1BF5;
	p2 =	por !p2, p0  }
0x20: {  	[sflag:s8] =	ssyncset.s32 @!p0 $0xFFFFF086;
	s6 =	sadd.s32 @!p0 s3, s7;
	s7 =	simm.s32 @!p0 $0x108  }
0x21: {  	s3 =	sadd.s32 s3, s9;
	s6 =	sadd.s32 @!p0 $0x88, s6;
	s7 =	simm.s32 @p2 $0x1082  }
0x22: {  	[simem:s7], [sflag:s8] =	dma.local @!p0 [hbm:s6], $0xF7A  }
0x23: {  	s9 =	sor.u32 $0xD0000000, s2;
	s6 =	simm.s32 $0x108;
	_ =	swait.ge @!p0 [sflag:s8], $0x0  }
0x24: {  	s3 =	sadd.s32 $0x88, s3;
	s6 =	simm.s32 @!p1 $0x1082;
	[sflag:s4] =	ssyncset.s32 $0xFFFFF086  }
0x25: {  	[simem:s6], [sflag:s4] =	dma.local [hbm:s3], $0xF7A  }
0x26: {  	[smem:$0x3F8A] =	sst s1;
	(tag) =	ssettag s2;
	_ =	strace s9  }
0x27: {  	s1 =	sld [smem:$0x3F9A]  }
0x28: {  	s2 =	sld [smem:$0x3F9B]  }
0x29: {  	s4 =	sld [smem:$0x3F9D]  }
0x2a: {  	p0 =	seq.s32 s5, $0x0;
	s5 =	sld [smem:$0x3F9E]  }
0x2b: {  	s6 =	sld [smem:$0x3F9F]  }
0x2c: {  	s7 =	sld [smem:$0x3FA0]  }
0x2d: {  	s3 =	simm.s32 $0x108;
	s8 =	sld [smem:$0x3FA1]  }
0x2e: {  	s3 =	simm.s32 @!p0 $0x1082;
	s9 =	sld [smem:$0x3FA2]  }
0x2f: {  	lr =	sadd.s32 s0, s3;
	s0 =	sld [smem:$0x3F99]  }
0x30: {  	s3 =	sld [smem:$0x3F9C]  }
0x31: {  	[smem:$0x3FA5] =	sst s10  }
0x32: {  	s10 =	sld [smem:$0x3FA3];
	_ =	sdelay $0x3  }
0x33: {  	p0 =	seq.s32 s10, $0x1;
	s10 =	sld [smem:$0x3FA5];
	_ =	sdelay $0x3  }
0x34: {  	[smem:$0x3FA5] =	sst s10  }
0x35: {  	s10 =	sld [smem:$0x3FA4];
	_ =	sdelay $0x3  }
0x36: {  	p1 =	seq.s32 s10, $0x1;
	s10 =	sld [smem:$0x3FA5];
	_ =	sdelay $0x3  }
0x37: {  	[smem:$0x3FA5] =	sst s10  }
0x38: {  	s10 =	sld [smem:$0x3FA6]  }
0x39: {  	_ = 	snop;
	(pc) =	sbr.ind lr, $3  }
0x3a: {  	_ = 	snop  }
0x3b: {  	_ = 	snop  }
0x3c: {  	p2 =	seq.s32 s10, $0x1;
	s10 =	sld [smem:$0x3FA5]  }
0x3d: {  	_ =	shalt  }
0x3e: {  	_ =	shalt  }
0x3f: {  	_ =	shalt  }
0x40: {  	_ =	shalt  }
0x41: {  	_ =	shalt  }
0x42: {  	_ =	shalt  }
0x43: {  	_ =	shalt  }
0x44: {  	_ =	shalt  }
0x45: {  	_ =	shalt  }
0x46: {  	_ =	shalt  }
0x47: {  	_ =	shalt  }
0x48: {  	_ =	shalt  }
0x49: {  	_ =	shalt  }
0x4a: {  	_ =	shalt  }
0x4b: {  	_ =	shalt  }
0x4c: {  	_ =	shalt  }
0x4d: {  	_ =	shalt  }
0x4e: {  	_ =	shalt  }
0x4f: {  	_ =	shalt  }
0x50: {  	_ =	shalt  }
0x51: {  	_ =	shalt  }
0x52: {  	_ =	shalt  }
0x53: {  	_ =	shalt  }
0x54: {  	_ =	shalt  }
0x55: {  	_ =	shalt  }
0x56: {  	_ =	shalt  }
0x57: {  	_ =	shalt  }
0x58: {  	_ =	shalt  }
0x59: {  	_ =	shalt  }
0x5a: {  	_ =	shalt  }
0x5b: {  	_ =	shalt  }
0x5c: {  	_ =	shalt  }
0x5d: {  	_ =	shalt  }
0x5e: {  	_ =	shalt  }
0x5f: {  	_ =	shalt  }
0x60: {  	_ =	shalt  }
0x61: {  	_ =	shalt  }
0x62: {  	_ =	shalt  }
0x63: {  	_ =	shalt  }
0x64: {  	_ =	shalt  }
0x65: {  	_ =	shalt  }
0x66: {  	_ =	shalt  }
0x67: {  	_ =	shalt  }
0x68: {  	_ =	shalt  }
0x69: {  	_ =	shalt  }
0x6a: {  	_ =	shalt  }
0x6b: {  	_ =	shalt  }
0x6c: {  	_ =	shalt  }
0x6d: {  	_ =	shalt  }
0x6e: {  	_ =	shalt  }
0x6f: {  	_ =	shalt  }
0x70: {  	_ =	shalt  }
0x71: {  	_ =	shalt  }
0x72: {  	_ =	shalt  }
0x73: {  	_ =	shalt  }
0x74: {  	_ =	shalt  }
0x75: {  	_ =	shalt  }
0x76: {  	_ =	shalt  }
0x77: {  	_ =	shalt  }
0x78: {  	_ =	shalt  }
0x79: {  	_ =	shalt  }
0x7a: {  	_ =	shalt  }
0x7b: {  	_ =	shalt  }
0x7c: {  	_ =	shalt  }
0x7d: {  	_ =	shalt  }
0x7e: {  	_ =	shalt  }
0x7f: {  	_ =	shalt  }
0x80: {  	_ =	shalt  }
0x81: {  	_ =	shalt  }
0x82: {  	_ =	shalt  }
0x83: {  	_ =	shalt  }
0x84: {  	_ =	shalt  }
0x85: {  	_ =	shalt  }
0x86: {  	_ =	shalt  }
0x87: {  	_ =	shalt  }
.Lfunc_end0:
.L_simem_size_0:
called_computation_lowered:
.L_overlay_start_0:
0x88: {  	s2 =	sld [smem:$0x3FD9]  }
0x89: {  	s3 =	sld [smem:$0x3FFE];
	_ =	sdelay $0x1  }
0x8a: {  	s1 =	srdreg.scid  }
0x8b: {  	s0 =	sand.u32 $0x1, s1  }
0x8c: {  	s15 =	sshll.u32 s0, $0xA;
	s2 =	sadd.s32 s3, s2  }
0x8d: {  	s2 =	sadd.s32 s2, s15  }
0x8e: {  	[smem:$0x3FB1] =	sst s2  }
0x8f: {  	_ = 	snop  }
0x90: {  	(tm) =	ssettm $0x1  }
0x91: {  	s16 =	sld [smem:$0x3FFB];
	_ =	sdelay $0x3  }
0x92: {  	_ =	strace s16  }
0x93: {  	s2 =	sld [smem:$0x3FFC];
	_ =	sdelay $0x3  }
0x94: {  	_ =	strace s2  }
0x95: {  	s2 =	sld [smem:$0x3FFD];
	_ =	sdelay $0x3  }
0x96: {  	_ =	strace s2  }
0x97: {  	_ =	strace $0x8FFFFFFF  }
0x98: {  	s17 =	sld [smem:$0x3FDB];
	_ =	sdelay $0x1  }
0x99: {  	s18 =	simm.s32 $_scs_section_size  }
0x9a: {  	s4 =	simm.s32 $_size__tile_overlayer_lowered;
	s5 =	simm.s32 $_tile_overlayer_lowered  }
0x9b: {  	s21 =	simm.s32 $0x1BFF;
	s20 =	sshll.u32 s5, $0x1;
	s2 =	sadd.s32 s18, s17  }
0x9c: {  	s6 =	simm.s32 $0x0;
	s19 =	sshll.u32 s4, $0x1;
	s4 =	sadd.s32 s20, s2  }
0x9d: {  	[timem:s6], [sflag:s21] =	dma.local [hbm:s4], s19  }
0x9e: {  	_ =	swait.ge [sflag:s21], s19  }
0x9f: {  	s3 =	ssub.s32 $0x0, s19;
	[sflag:s21] =	ssyncset.done $0x0  }
0xa0: {  	[sflag:s21] =	ssyncadd.s32 s3;
	_ =	sdelay $0x1  }
0xa1: {  	s22 =	simm.s32 $0x1B8B  }
0xa2: {  	_ =	swait.ge [sflag:s22], $0x1  }
0xa3: {  	[sflag:s22] =	ssyncset.done $0x0  }
0xa4: {  	s23 =	sld [smem:$0x3FFE];
	[sflag:s22] =	ssyncadd.s32 $0xFFFFFFFF  }
0xa5: {  	s25 =	simm.s32 $0x1B8E;
	s24 =	sld [smem:$0x0]  }
0xa6: {  	s26 =	simm.s32 $execute0_lowered;
	[smem:$0x3FD2] =	sst s25  }
0xa7: {  	s5 =	sshll.u32 s26, $0x1;
	_ =	strace $0x8000005B;
	[dreg:$0x1] =	wrdreg $0xFFFFFFFF  }
0xa8: {  	s28 =	simm.s32 $_size_execute0_lowered;
	s2 =	sadd.s32 s2, s5;
	[dreg:$0x0] =	wrdreg $0x0  }
0xa9: {  	s5 =	sshll.u32 s28, $0x1;
	[dreg:$0x2] =	wrdreg s2  }
0xaa: {  	[dreg:$0x3] =	wrdreg s5  }
0xab: {  	[dreg:$0x4] =	wrdreg $0xC0  }
0xac: {  	_ =	task [dreg:s6], $0x5FFFF  }
0xad: {  	[dreg:$0x1] =	wrdreg $0xFFFFFFFF  }
0xae: {  	[dreg:$0x0] =	wrdreg $0x60  }
0xaf: {  	[dreg:$0x2] =	wrdreg s23  }
0xb0: {  	[dreg:$0x3] =	wrdreg s1  }
0xb1: {  	[dreg:$0x4] =	wrdreg s24  }
0xb2: {  	[dreg:$0x5] =	wrdreg $0x9  }
0xb3: {  	_ =	task.clear_ibuf [dreg:s6], $0x6FFFF;
	_ =	strace $0x9000005B  }
0xb4: {  	s29 =	simm.s32 $0x9;
	_ =	strace $0x8000005D  }
0xb5: {  	_ =	swait.ge [sflag:s29], $0x1  }
0xb6: {  	[sflag:s29] =	ssyncadd.s32 $0xFFFFFFFF  }
0xb7: {  	_ =	strace $0x9000005D  }
0xb8: {  	_ =	sfence  }
0xb9: {  	s30 =	sld [smem:$0x0];
	_ =	sdelay $0x2  }
0xba: {  	s31 =	sshll.u32 s1, $0xD;
	s1 =	sshrl.u32 s1, $0x2  }
0xbb: {  	s3 =	sand.u32 $0x4000, s31;
	s1 =	sadd.s32 s1, s30  }
0xbc: {  	s0 =	sor.u32 s3, s0;
	s1 =	sshll.u32 s1, $0x11  }
0xbd: {  	s0 =	sor.u32 s1, s0  }
0xbe: {  	s0 =	sadd.s32 $0x8F2B, s0  }
0xbf: {  	[sflag:s0] =	ssyncadd.remote.s32 $0x1  }
0xc0: {  	_ =	sfence.sel $0xFFFF  }
0xc1: {  	[dreg:$0x0] =	wrdreg $0xFFFFFFFF;
	(pc) =	sbr.abs _section_cstart, $3  }
0xc2: {  	[dreg:$0x1] =	wrdreg $0xFFFFFFFF  }
0xc3: {  	_ =	task.clear_ibuf [dreg:s6], $0x2FFFF;
	_ =	strace $0x9FFFFFFF  }
0xc4: {  	(tm) =	ssettm $0x7FFFFFFF  }
0xc5: {  	_ =	shalt  }
tec
execute0_lowered:
.L_overlay_start_1:
0x0: {  	(tag) =	ssettag $0x1  }
0x1: {  	s2 =	rddreg [dreg:$0x0]  }
0x2: {  	s3 =	rddreg [dreg:$0x1];
	_ =	strace $0x8000005C;
	s0 =	simm.s32 $0x1  }
0x3: {  	s4 =	simm.s32 $0x408;
	v0 =	vimm.s32 $0x0;
	[sflag:s0] =	ssyncpa.u1 $0x0  }
0x4: {  	[tilespmem:s4+$0x70] =	vst v0  }
0x5: {  	[tilespmem:s4+$0x60] =	vst v0  }
0x6: {  	[tilespmem:s4+$0x50] =	vst v0  }
0x7: {  	[tilespmem:s4+$0x40] =	vst v0  }
0x8: {  	s5 =	simm.s32 $0x40;
	s1 =	sadd.s32 $0x40A00, s2;
	[tilespmem:s4+$0x30] =	vst v0  }
0x9: {  	s0 =	sadd.s32 $0xC6A00, s2;
	s7 =	sadd.s32 $0xA00, s2;
	s3 =	sand.u32 $0x1, s3;
	[tilespmem:s4+$0x20] =	vst v0  }
0xa: {  	s2 =	sadd.s32 $0xC6C00, s2;
	[dreg:$0x4] =	wrdreg s3;
	s3 =	sshll.u32 s3, $0x8;
	[tilespmem:s4+$0x10] =	vst v0  }
.LBB2_1:
0xb: {  	s5 =	sadd.s32 $0x40, s5;
	[tilespmem:s4+$0x0] =	vst v0;
	s4 =	sadd.s32 $0x80, s4  }
0xc: {  	p0 =	slt.u32 s5, $0x3100;
	[tilespmem:s4+$0x70] =	vst v0  }
0xd: {  	[tilespmem:s4+$0x60] =	vst v0  }
.Ltmp0:
0xe: {  	[tilespmem:s4+$0x50] =	vst v0;
	(pc) =	sbr.rel @p0 .LBB2_1-.Ltmp0, $4  }
0xf: {  	[tilespmem:s4+$0x40] =	vst v0  }
0x10: {  	[tilespmem:s4+$0x30] =	vst v0  }
0x11: {  	[tilespmem:s4+$0x20] =	vst v0  }
0x12: {  	[tilespmem:s4+$0x10] =	vst v0  }
0x13: {  	s8 =	stileid.u32  }
0x14: {  	s6 =	sshll.u32 s8, $0x1;
	s5 =	smin.u32 s8, $0xB  }
0x15: {  	s5 =	sadd.s32 s5, s6  }
0x16: {  	p0 =	slt.u32 s8, $0xB;
	s12 =	smul.u32 $0x30, s5;
	s5 =	simm.s32 $0x90  }
0x17: {  	s5 =	simm.s32 @!p0 $0x60  }
0x18: {  	s5 =	sadd.s32 s5, s12  }
0x19: {  	s9 =	smin.u32 s5, $0x800  }
0x1a: {  	s28 =	simm.s32 $0x2;
	s5 =	ssub.s32 s9, s12  }
0x1b: {  	s10 =	simm.s32 $0x9;
	s30 =	simm.s32 $0xA;
	p0 =	sgt.s32 s5, $0x0  }
0x1c: {  	s31 =	simm.s32 $0xB;
	s13 =	simm.s32 $0x1;
	s5 =	simm.s32 @!p0 $0x0  }
0x1d: {  	s15 =	sadd.s32 s3, s2;
	s16 =	sadd.s32 s3, s0;
	s26 =	smul.u32 $0xAAAB, s5  }
0x1e: {  	s25 =	simm.s32 $0x0;
	p1 =	por $0x0, $0x0;
	s19 =	simm.s32 $0x80  }
0x1f: {  	s20 =	simm.s32 $0x400;
	s21 =	simm.s32 $0xC;
	s29 =	sshrl.u32 s26, $0x15  }
0x20: {  	s22 =	simm.s32 $0x0;
	[dreg:$0x5] =	wrdreg s6;
	s6 =	smul.u32 $0x30, s29  }
0x21: {  	[tilespmem:s4+$0x0] =	vst v0;
	s24 =	simm.s32 $0x0;
	[sflag:s28] =	ssyncpa.u1 $0x0;
	s17 =	sshll.u32 s8, $0xA  }
.Ltmp1:
0x22: {  	v0 =	vimm.s32 $0xFFFFFFFF;
	p0 =	sne.s32 s5, s6;
	s5 =	simm.s32 $0x1;
	(pc) =	sbr.rel .LBB2_3-.Ltmp1, $4  }
0x23: {  	[dreg:$0x7] =	wrdreg s15;
	[tilespmem:$0xC808] =	vst v0;
	[sflag:s10] =	ssyncpa.u1 $0x0;
	s5 =	simm.s32 @!p0 $0x0  }
0x24: {  	[dreg:$0x8] =	wrdreg s16;
	[sflag:s30] =	ssyncpa.u1 $0x0;
	s14 =	sadd.s32 s29, s5  }
0x25: {  	[sflag:s31] =	ssyncpa.u1 $0x0;
	s18 =	sadd.s32 $0x1, s14;
	[dreg:$0x6] =	wrdreg s14  }
0x26: {  	v0 =	vlaneseq.u32;
	s23 =	smov.u32 s12;
	p0 =	por $0x1, $0x1;
	[dreg:$0x9] =	wrdreg s18  }
.LBB2_33:
0x27: {  	s2 =	sshrl.u32 s4, $0x2  }
.LBB2_35:
0x28: {  	_ =	swait.ge [sflag:s21], s2  }
0x29: {  	s31 =	ssub.s32 $0x0, s2;
	v1 =	vmov s26;
	vm0 =	veq.s32 v0, $0x0;
	[sflag:s21] =	ssyncset.done $0x0  }
0x2a: {  	vm15 =	veq.s32 v0, $0x2;
	v1 =	vsel vm0, s0, v1;
	[sflag:s21] =	ssyncadd.s32 s31  }
0x2b: {  	v1 =	vsel vm15, s28, v1;
	[sflag:s21] =	ssyncpa.u1 $0x1  }
0x2c: {  	[tilespmem:$0xC808] =	vst v1  }
.LBB2_36:
0x2d: {  	s0 =	sadd.s32 $0x30, s23  }
0x2e: {  	s2 =	smov.u32 s12;
	p2 =	slt.s32 s0, s9  }
0x2f: {  	s2 =	smov.u32 @p2 s0;
	p2 =	sne.s32 s24, s18  }
.Ltmp2:
0x30: {  	_ = 	snop;
	(pc) =	sbr.rel @!p2 .LBB2_37-.Ltmp2, $4  }
0x31: {  	_ = 	snop  }
0x32: {  	s25 =	smov.u32 s22  }
0x33: {  	s31 =	sadd.s32 $0x1, s24;
	s22 =	smov.u32 s23;
	p0 =	por !p0, !p0  }
0x34: {  	p1 =	por !p1, !p1;
	s24 =	smov.u32 s31;
	s23 =	smov.u32 s2  }
.LBB2_3:
0x35: {  	p2 =	sge.u32 s24, s14  }
0x36: {  	s0 =	smulhi.u32 @!p2 $0xAAAAAAAB, s24  }
0x37: {  	s2 =	smov.u32 s23;
	p3 =	sgt.s32 @!p2 s23, $0x7D0  }
0x38: {  	s3 =	sshra.s32 @!p2 s23, $0x1F;
	p3 =	por !p3, p2;
	s0 =	sshrl.u32 @!p2 s0, $0x1  }
0x39: {  	s3 =	sand.u32 @!p2 s3, s23;
	s2 =	simm.s32 @p3 $0x7D0;
	s0 =	smul.u32 @!p2 $0x3, s0  }
0x3a: {  	s2 =	ssub.s32 @!p2 s2, s3  }
0x3b: {  	s2 =	sadd.s32 @!p2 $0xFFFFF830, s2;
	s0 =	ssub.s32 @!p2 s24, s0  }
0x3c: {  	s3 =	sshll.u32 @!p2 s2, $0x2;
	p3 =	sgt.s32 @!p2 s2, $0x2F;
	s0 =	smul.u32 @!p2 $0xC0, s0  }
0x3d: {  	s4 =	sand.u32 @!p2 $0x7, s23;
	s2 =	ssub.s32 @!p2 $0xC0, s3;
	p3 =	por !p3, p2  }
0x3e: {  	s3 =	sshrl.u32 @!p2 s23, $0x3;
	s2 =	sshrl.u32 @!p2 s2, $0x2;
	s0 =	sshrl.u32 @!p2 s0, $0x2  }
0x3f: {  	s3 =	sadd.s32 @!p2 s3, s15;
	s2 =	simm.s32 @!p3 $0x0;
	s0 =	sadd.s32 @!p2 $0x10848, s0  }
0x40: {  	[tilespmem:s0], [sflag:$0xA] =	stream.linear.gather @!p2 [hbm4b:s3+s4], s2, $0x38;
	[tilespmem:$0x1C938] =	vst v63  }
0x41: {  	s2 =	sadd.s32 $0xFFFFFFFF, s24  }
0x42: {  	p2 =	sge.u32 s2, s14  }
0x43: {  	p3 =	sgt.s32 @!p2 s22, $0x7D0  }
0x44: {  	s0 =	smov.u32 s22;
	s3 =	sshra.s32 @!p2 s22, $0x1F;
	p3 =	por !p3, p2  }
0x45: {  	s3 =	sand.u32 @!p2 s3, s22;
	s0 =	simm.s32 @p3 $0x7D0  }
0x46: {  	s0 =	ssub.s32 @!p2 s0, s3  }
0x47: {  	s0 =	sadd.s32 @!p2 $0xFFFFF830, s0  }
0x48: {  	s3 =	sshll.u32 @!p2 s0, $0x2  }
0x49: {  	p3 =	sgt.s32 @!p2 s0, $0x2F;
	s0 =	ssub.s32 @!p2 $0xC0, s3  }
0x4a: {  	p3 =	por !p3, p2;
	s0 =	sshrl.u32 @!p2 s0, $0x2  }
0x4b: {  	s4 =	simm.s32 @!p2 $0xA;
	s3 =	sand.u32 @!p2 $0x1, s2;
	s0 =	simm.s32 @!p3 $0x0  }
0x4c: {  	s3 =	smul.u32 @!p2 $0xC0, s3;
	_ =	swait.ge @!p2 [sflag:s4], s0  }
0x4d: {  	s5 =	ssub.s32 @!p2 $0x0, s0;
	[sflag:s4] =	ssyncset.done @!p2 $0x0  }
0x4e: {  	s3 =	sshrl.u32 @!p2 s3, $0x2;
	[sflag:s4] =	ssyncadd.s32 @!p2 s5;
	s4 =	sshrl.u32 @!p2 s22, $0x3  }
0x4f: {  	s3 =	sadd.s32 @!p2 $0x108D8, s3;
	s5 =	sand.u32 @!p2 $0x7, s22;
	s4 =	sadd.s32 @!p2 s4, s16  }
0x50: {  	[tilespmem:s3], [sflag:$0xB] =	stream.linear.gather @!p2 [hbm4b:s4+s5], s0, $0x38;
	[tilespmem:$0x1C938] =	vst v63  }
0x51: {  	s0 =	ssub.s32 @!p2 $0x800, s22  }
0x52: {  	p3 =	slt.s32 @!p2 s0, $0x1  }
0x53: {  	p3 =	por p2, p3  }
.Ltmp3:
0x54: {  	_ = 	snop;
	(pc) =	sbr.rel @p3 .LBB2_9-.Ltmp3, $1  }
0x55: {  	_ =	sdelay $0x3  }
0x56: {  	s3 =	smulhi.u32 $0xAAAAAAAB, s2;
	_ =	sdelay $0x1  }
0x57: {  	s3 =	sshrl.u32 s3, $0x1  }
0x58: {  	s3 =	smul.u32 $0x3, s3;
	_ =	sdelay $0x1  }
0x59: {  	s29 =	ssub.s32 s2, s3  }
0x5a: {  	s4 =	simm.s32 $0x1;
	s2 =	smul.u32 $0xC0, s29  }
.Ltmp4:
0x5b: {  	s4 =	simm.s32 @!p0 $0x0;
	(pc) =	sbr.rel .LBB2_6-.Ltmp4, $4  }
0x5c: {  	s30 =	smul.u32 $0x18000, s4  }
0x5d: {  	p3 =	slt.s32 @!p2 s0, $0x30;
	s2 =	sshrl.u32 s2, $0x2  }
0x5e: {  	p2 =	por !p3, p2;
	s3 =	sshrl.u32 s30, $0x2;
	s31 =	sadd.s32 $0x10848, s2  }
0x5f: {  	s0 =	simm.s32 @p2 $0x30;
	s2 =	sor.u32 $0x10938, s3;
	s3 =	simm.s32 $0x0;
	v1 =	vmov s31  }
.LBB2_5:
0x60: {  	p2 =	sge.s32 s3, s0  }
.Ltmp5:
0x61: {  	_ = 	snop;
	(pc) =	sbr.rel @p2 .LBB2_9-.Ltmp5, $2  }
0x62: {  	_ =	sdelay $0x2  }
0x63: {  	s2 =	sadd.s32 $0x2000, s2  }
.LBB2_6:
0x64: {  	p2 =	sle.s32 s0, s3  }
.Ltmp6:
0x65: {  	_ = 	snop;
	(pc) =	sbr.rel @p2 .LBB2_5-.Ltmp6, $2  }
0x66: {  	_ =	sdelay $0x2  }
0x67: {  	s4 =	smov.u32 s3;
	s3 =	sadd.s32 $0x10, s3  }
0x68: {  	s5 =	ssub.s32 s0, s4  }
0x69: {  	p2 =	slt.s32 s5, $0x10  }
0x6a: {  	s5 =	simm.s32 @!p2 $0x10  }
0x6b: {  	v2 =	vmov s5  }
0x6c: {  	vm0 =	vgt.s32 v2, v0;
	_ =	sdelay $0x5  }
0x6d: {  	v2 =	vld.idx.msk [tilespmem:v1+s4+$0x0 ss:$0x1], vm0;
	_ =	sdelay $0x2  }
0x6e: {  	p2 =	slt.s32 s3, s0;
	s5 =	smov.u32 s0  }
0x6f: {  	s6 =	smov.u32 s2;
	s10 =	simm.s32 $0x0;
	s5 =	smov.u32 @p2 s3  }
.LBB2_8:
0x70: {  	(v2sf) =	vpush v2, s10;
	_ =	sdelay $0xe  }
0x71: {  	s10 =	sadd.s32 $0x1, s10;
	s11 =	spop (v2sf)  }
0x72: {  	s31 =	sadd.s32 s10, s4;
	s26 =	sshll.u32 s11, $0x9;
	s11 =	sshll.u32 s11, $0x7  }
0x73: {  	p2 =	slt.s32 s31, s5;
	s26 =	sand.u32 $0xFFFFF000, s26;
	s11 =	sand.u32 $0x380, s11  }
.Ltmp7:
0x74: {  	s11 =	sor.u32 s11, s26;
	(pc) =	sbr.rel @p2 .LBB2_8-.Ltmp7, $4  }
0x75: {  	s11 =	sshrl.u32 s11, $0x3  }
0x76: {  	s11 =	sadd.s32 s7, s11  }
0x77: {  	[tilespmem:s6], [sflag:$0x9] =	stream.strided.gather [hbm4b:s11+s19], $0x200, s20, s19, $0x38;
	[tilespmem:$0x1C938] =	vst v63  }
0x78: {  	s6 =	sadd.s32 $0x200, s6  }
.Ltmp8:
0x79: {  	_ = 	snop;
	(pc) =	sbr.rel .LBB2_5-.Ltmp8, $1  }
0x7a: {  	_ =	sdelay $0x3  }
.LBB2_9:
0x7b: {  	p2 =	slt.u32 s24, $0x2  }
.Ltmp9:
0x7c: {  	_ = 	snop;
	(pc) =	sbr.rel @p2 .LBB2_36-.Ltmp9, $1  }
0x7d: {  	_ =	sdelay $0x3  }
0x7e: {  	p2 =	sgt.s32 s25, $0x7D0  }
0x7f: {  	s0 =	smov.u32 s25;
	s2 =	sshra.s32 s25, $0x1F;
	s3 =	ssub.s32 $0x800, s25  }
0x80: {  	s0 =	simm.s32 @!p2 $0x7D0;
	s2 =	sand.u32 s2, s25;
	p2 =	slt.s32 s3, $0x30  }
0x81: {  	s0 =	ssub.s32 s0, s2;
	s3 =	simm.s32 @!p2 $0x30  }
0x82: {  	s0 =	sadd.s32 $0xFFFFF830, s0;
	s8 =	sshll.u32 s3, $0x9  }
0x83: {  	s26 =	simm.s32 $0x9;
	s10 =	sshll.u32 s0, $0x2;
	s2 =	sand.u32 $0x3FFFFE00, s8  }
0x84: {  	p2 =	sgt.s32 s0, $0x2F;
	s11 =	ssub.s32 $0xC0, s10;
	_ =	swait.ge [sflag:s26], s2  }
0x85: {  	s2 =	ssub.s32 $0x0, s2;
	[sflag:s26] =	ssyncset.done $0x0;
	s0 =	sshrl.u32 s11, $0x2  }
0x86: {  	s29 =	simm.s32 $0xB;
	[sflag:s26] =	ssyncadd.s32 s2;
	s0 =	simm.s32 @p2 $0x0  }
0x87: {  	_ =	swait.ge [sflag:s29], s0  }
0x88: {  	s0 =	ssub.s32 $0x0, s0;
	[sflag:s29] =	ssyncset.done $0x0  }
0x89: {  	[sflag:s29] =	ssyncadd.s32 s0  }
0x8a: {  	v1 =	vld [tilespmem:$0xC808];
	_ =	sdelay $0x4  }
0x8b: {  	(v2sf) =	vpush v1, $0x0  }
0x8c: {  	(v2sf) =	vpush v1, $0x1  }
0x8d: {  	(v2sf) =	vpush v1, $0x2;
	_ =	sdelay $0x3  }
0x8e: {  	s0 =	sadd.s32 $0x30, s25  }
0x8f: {  	s3 =	ssub.s32 $0x1000, s25;
	p2 =	slt.s32 s9, s0  }
0x90: {  	s0 =	smov.u32 @p2 s9;
	p2 =	sgt.s32 s3, $0x0  }
0x91: {  	s25 =	ssub.s32 s0, s25;
	s3 =	simm.s32 @!p2 $0x0  }
0x92: {  	p2 =	slt.s32 s3, s25  }
0x93: {  	s25 =	smov.u32 @p2 s3  }
0x94: {  	s2 =	simm.s32 $0x1;
	p2 =	slt.s32 s25, $0x1  }
.Ltmp10:
0x95: {  	s2 =	simm.s32 @!p1 $0x0;
	(pc) =	sbr.rel @p2 .LBB2_14-.Ltmp10, $4  }
0x96: {  	s31 =	smul.u32 $0xC0, s2  }
0x97: {  	s30 =	spop (v2sf)  }
0x98: {  	s0 =	sshrl.u32 s31, $0x2;
	s26 =	spop (v2sf)  }
0x99: {  	s0 =	sadd.s32 $0x108D8, s0;
	s28 =	spop (v2sf)  }
0x9a: {  	s3 =	smin.u32 s25, $0x10  }
0x9b: {  	v1 =	vmov s3  }
0x9c: {  	vm1 =	vgt.u32 v1, v0  }
0x9d: {  	p3 =	sgt.s32 s25, $0x10  }
.Ltmp11:
0x9e: {  	_ = 	snop;
	(pc) =	sbr.rel @!p3 .LBB2_13-.Ltmp11, $2  }
0x9f: {  	_ =	sdelay $0x2  }
0xa0: {  	s4 =	simm.s32 $0x10;
	s5 =	sadd.s32 $0xFFFFFFF0, s25;
	s3 =	smov.u32 s0;
	vm0 =	vmmov vm1;
	v1 =	vld.msk [tilespmem:s0+$0x0 ss:$0x1], vm1  }
.LBB2_12:
0xa1: {  	s6 =	smin.u32 s5, $0x10;
	s4 =	sadd.s32 $0x10, s4  }
0xa2: {  	v2 =	vmov s6;
	p3 =	slt.s32 s4, s25  }
0xa3: {  	vm1 =	vgt.u32 v2, v0;
	_ =	sdelay $0x1  }
0xa4: {  	v2 =	vshll.u32 v1, $0x6;
	v1 =	vshll.u32 v1, $0x4  }
.Ltmp12:
0xa5: {  	v2 =	vand.u32 $0xFFFFFE00, v2;
	v1 =	vand.u32 $0x70, v1;
	(pc) =	sbr.rel @p3 .LBB2_12-.Ltmp12, $4  }
0xa6: {  	v1 =	vor.u32 v1, v2  }
0xa7: {  	[tilespmem:s3+$0x0] =	vst.msk vm0, v1;
	s3 =	sadd.s32 $0x10, s3;
	vm0 =	vmmov vm1  }
0xa8: {  	v1 =	vld.msk [tilespmem:s3+$0x0 ss:$0x1], vm1  }
0xa9: {  	s5 =	sadd.s32 $0xFFFFFFF0, s5  }
.LBB2_13:
0xaa: {  	_ =	sdelay $0x3  }
0xab: {  	v2 =	vshll.u32 v1, $0x6;
	v1 =	vshll.u32 v1, $0x4  }
0xac: {  	v2 =	vand.u32 $0xFFFFFE00, v2;
	v1 =	vand.u32 $0x70, v1  }
0xad: {  	v1 =	vor.u32 v1, v2  }
0xae: {  	[tilespmem:s3+$0x0] =	vst.msk vm0, v1  }
.LBB2_14:
0xaf: {  	p3 =	sne.s32 s26, $0xFFFFFFFF  }
.Ltmp13:
0xb0: {  	_ = 	snop;
	(pc) =	sbr.rel @p3 .LBB2_18-.Ltmp13, $3  }
0xb1: {  	s2 =	smul.u32 $0x18000, s2;
	_ =	sdelay $0x1  }
0xb2: {  	s3 =	sand.u32 $0x1, s24;
	s2 =	sshrl.u32 s2, $0x2  }
0xb3: {  	s3 =	smul.u32 $0x30, s3;
	s29 =	sor.u32 $0x10938, s2  }
0xb4: {  	v2 =	vld [tilespmem:s29+$0x0]  }
0xb5: {  	s2 =	simm.s32 $0x408;
	s4 =	simm.s32 $0x0;
	s5 =	smov.u32 s29;
	v1 =	vld.msk [tilespmem:s3+$0x108D8], $0x1  }
.LBB2_16:
0xb6: {  	s4 =	sadd.s32 $0x10, s4  }
0xb7: {  	p3 =	slt.u32 s4, $0x1F0  }
.Ltmp14:
0xb8: {  	_ = 	snop;
	(pc) =	sbr.rel @p3 .LBB2_16-.Ltmp14, $3  }
0xb9: {  	_ =	sdelay $0x1  }
0xba: {  	s5 =	sadd.s32 $0x10, s5;
	[tilespmem:s2+$0x0] =	vst v2;
	s2 =	sadd.s32 $0x10, s2  }
0xbb: {  	v2 =	vld [tilespmem:s5+$0x0]  }
0xbc: {  	(v2sf) =	vpush v1, $0x0;
	_ =	sdelay $0xe  }
0xbd: {  	s30 =	spop (v2sf)  }
0xbe: {  	s28 =	simm.s32 $0x0;
	[tilespmem:s2+$0x0] =	vst v2;
	s26 =	smov.u32 s30  }
.LBB2_18:
.Ltmp15:
0xbf: {  	(pc) =	sbr.rel @p2 .LBB2_34-.Ltmp15, $2  }
0xc0: {  	_ =	sdelay $0x2  }
0xc1: {  	[sflag:s21] =	ssyncpa.u1 $0x0  }
0xc2: {  	v1 =	vld.msk [tilespmem:s0+$0x0], $0x1;
	_ =	sdelay $0x4  }
0xc3: {  	(v2sf) =	vpush v1, $0x0;
	_ =	sdelay $0xe  }
0xc4: {  	s2 =	spop (v2sf)  }
0xc5: {  	s14 =	smov.u32 s9;
	s9 =	smov.u32 s12;
	p2 =	seq.s32 s30, s2  }
0xc6: {  	s4 =	sadd.s32 $0x108D8, s3;
	s21 =	ssub.s32 $0x0, s25;
	p3 =	sgt.s32 @!p2 s30, $0x0  }
0xc7: {  	s6 =	smov.u32 s30;
	s31 =	simm.s32 $0x0;
	p3 =	por !p3, p2  }
0xc8: {  	s0 =	sadd.s32 $0x1, s0;
	s5 =	sadd.s32 $0x1, s21;
	s6 =	simm.s32 @p3 $0x0  }
0xc9: {  	s3 =	simm.s32 @!p2 $0x1;
	s10 =	simm.s32 @!p2 $0x6608;
	s11 =	smin.u32 @!p2 s6, $0x670  }
0xca: {  	p3 =	seq.s32 s5, $0x0;
	s6 =	sand.u32 @!p2 $0x7F8, s11;
	s12 =	sadd.s32 @!p2 $0x80, s11  }
0xcb: {  	s15 =	sadd.s32 @!p2 $0x100, s11;
	s16 =	sadd.s32 @!p2 s1, s6;
	s6 =	sand.u32 @!p2 $0x7, s11  }
0xcc: {  	s12 =	sand.u32 @!p2 $0xFF8, s12;
	s15 =	sand.u32 @!p2 $0xFF8, s15;
	s11 =	sadd.s32 @!p2 $0x180, s11  }
0xcd: {  	[tilespmem:s10], [sflag:$0x2] =	stream.linear.gather @!p2 [hbm4b:s16+s6], $0x80, $0x38;
	[tilespmem:$0x1C938] =	vst v63  }
.Ltmp16:
0xce: {  	s10 =	simm.s32 @!p2 $0x6688;
	s12 =	sadd.s32 @!p2 s1, s12;
	(pc) =	sbr.rel @p3 .LBB2_21-.Ltmp16, $4  }
0xcf: {  	[tilespmem:s10], [sflag:$0x2] =	stream.linear.gather @!p2 [hbm4b:s12+s6], $0x80, $0x38;
	[tilespmem:$0x1C938] =	vst v63  }
0xd0: {  	s11 =	sand.u32 @!p2 $0xFF8, s11;
	s10 =	simm.s32 @!p2 $0x6708;
	s12 =	sadd.s32 @!p2 s1, s15  }
0xd1: {  	[tilespmem:s10], [sflag:$0x2] =	stream.linear.gather @!p2 [hbm4b:s12+s6], $0x80, $0x38;
	[tilespmem:$0x1C938] =	vst v63  }
0xd2: {  	s3 =	smov.u32 @p2 s31;
	s11 =	sadd.s32 @!p2 s1, s11;
	s10 =	simm.s32 @!p2 $0x6788  }
.LBB2_20:
0xd3: {  	s12 =	smov.u32 s3  }
0xd4: {  	[tilespmem:s10], [sflag:$0x2] =	stream.linear.gather @!p2 [hbm4b:s11+s6], $0x80, $0x38;
	[tilespmem:$0x1C938] =	vst v63  }
0xd5: {  	s5 =	sadd.s32 $0x1, s5;
	s6 =	smov.u32 s2  }
0xd6: {  	p3 =	seq.s32 s5, $0x0;
	v1 =	vld.msk [tilespmem:s0+$0x0], $0x1;
	_ =	sdelay $0x4  }
0xd7: {  	(v2sf) =	vpush v1, $0x0;
	_ =	sdelay $0xe  }
0xd8: {  	s2 =	spop (v2sf)  }
0xd9: {  	p2 =	seq.s32 s6, s2  }
0xda: {  	p4 =	sgt.s32 @!p2 s6, $0x0  }
0xdb: {  	s10 =	sshll.u32 @!p2 s3, $0xB;
	s3 =	sadd.s32 @!p2 $0x1, s3;
	p4 =	por !p4, p2  }
0xdc: {  	s10 =	sshra.s32 @!p2 s10, $0x2;
	s3 =	smov.u32 @p2 s12;
	s6 =	simm.s32 @p4 $0x0  }
0xdd: {  	s11 =	sadd.s32 @!p2 $0x6608, s10;
	s12 =	sadd.s32 @!p2 $0x6688, s10;
	s15 =	smin.u32 @!p2 s6, $0x670  }
0xde: {  	s16 =	sadd.s32 @!p2 $0x6708, s10;
	s10 =	sadd.s32 @!p2 $0x6788, s10;
	s6 =	sand.u32 @!p2 $0x7F8, s15  }
0xdf: {  	s18 =	sadd.s32 @!p2 $0x80, s15;
	s8 =	sadd.s32 @!p2 $0x100, s15;
	s21 =	sadd.s32 @!p2 s1, s6  }
0xe0: {  	s6 =	sand.u32 @!p2 $0x7, s15;
	s18 =	sand.u32 @!p2 $0xFF8, s18;
	s8 =	sand.u32 @!p2 $0xFF8, s8  }
0xe1: {  	[tilespmem:s11], [sflag:$0x2] =	stream.linear.gather @!p2 [hbm4b:s21+s6], $0x80, $0x38;
	[tilespmem:$0x1C938] =	vst v63  }
.Ltmp17:
0xe2: {  	s15 =	sadd.s32 @!p2 $0x180, s15;
	s11 =	sadd.s32 @!p2 s1, s18;
	(pc) =	sbr.rel @!p3 .LBB2_20-.Ltmp17, $4  }
0xe3: {  	[tilespmem:s12], [sflag:$0x2] =	stream.linear.gather @!p2 [hbm4b:s11+s6], $0x80, $0x38;
	[tilespmem:$0x1C938] =	vst v63  }
0xe4: {  	s8 =	sadd.s32 @!p2 s1, s8;
	s11 =	sand.u32 @!p2 $0xFF8, s15  }
0xe5: {  	[tilespmem:s16], [sflag:$0x2] =	stream.linear.gather @!p2 [hbm4b:s8+s6], $0x80, $0x38;
	[tilespmem:$0x1C938] =	vst v63  }
0xe6: {  	s0 =	sadd.s32 $0x1, s0;
	s11 =	sadd.s32 @!p2 s1, s11  }
.LBB2_21:
0xe7: {  	[tilespmem:s10], [sflag:$0x2] =	stream.linear.gather @!p2 [hbm4b:s11+s6], $0x80, $0x38;
	[tilespmem:$0x1C938] =	vst v63  }
0xe8: {  	s0 =	sshll.u32 s3, $0x9  }
0xe9: {  	s2 =	simm.s32 $0x2;
	s0 =	sand.u32 $0x3FFFFE00, s0  }
.Ltmp18:
0xea: {  	_ =	swait.ge [sflag:s2], s0;
	(pc) =	sbr.rel .LBB2_22-.Ltmp18, $4  }
0xeb: {  	s12 =	smov.u32 s9;
	s9 =	smov.u32 s14;
	s14 =	rddreg [dreg:$0x6]  }
0xec: {  	v1 =	vmov s4;
	s4 =	simm.s32 $0x0;
	s5 =	simm.s32 $0x0;
	s15 =	rddreg [dreg:$0x7]  }
0xed: {  	s0 =	ssub.s32 $0x0, s0;
	[sflag:s2] =	ssyncset.done $0x0;
	s16 =	rddreg [dreg:$0x8]  }
0xee: {  	s21 =	simm.s32 $0xC;
	s18 =	rddreg [dreg:$0x9];
	[sflag:s2] =	ssyncadd.s32 s0  }
.LBB2_31:
0xef: {  	[tilespmem:s2+$0x0] =	vst v2;
	s31 =	sadd.s32 $0x1, s31  }
.LBB2_32:
0xf0: {  	s5 =	sadd.s32 $0x1, s5  }
0xf1: {  	p2 =	sne.s32 s5, s25  }
.Ltmp19:
0xf2: {  	_ = 	snop;
	(pc) =	sbr.rel @!p2 .LBB2_33-.Ltmp19, $2  }
0xf3: {  	_ =	sdelay $0x2  }
0xf4: {  	s29 =	sadd.s32 $0x200, s29;
	s30 =	smov.u32 s0  }
.LBB2_22:
0xf5: {  	_ =	sdelay $0x3  }
0xf6: {  	v2 =	vld.idx.msk [tilespmem:v1+s5+$0x0 ss:$0x1], $0x1;
	_ =	sdelay $0x4  }
0xf7: {  	(v2sf) =	vpush v2, $0x0;
	_ =	sdelay $0xe  }
0xf8: {  	s0 =	spop (v2sf)  }
0xf9: {  	p2 =	sne.s32 s30, s0  }
.Ltmp20:
0xfa: {  	_ = 	snop;
	(pc) =	sbr.rel @p2 .LBB2_25-.Ltmp20, $3  }
0xfb: {  	_ =	sdelay $0x1  }
0xfc: {  	s2 =	sshll.u32 s28, $0xB  }
0xfd: {  	s2 =	sshra.s32 s2, $0x2  }
0xfe: {  	s3 =	sadd.s32 $0x408, s2;
	v3 =	vld [tilespmem:s29+$0x0]  }
0xff: {  	v2 =	vld [tilespmem:s3+$0x0];
	_ =	sdelay $0x4  }
0x100: {  	v2 =	vmax.f32 v3, v2  }
0x101: {  	s2 =	simm.s32 $0x0;
	s6 =	smov.u32 s29;
	[tilespmem:s3+$0x0] =	vst v2;
	s3 =	sadd.s32 $0x10, s3  }
.LBB2_24:
0x102: {  	v2 =	vld [tilespmem:s3+$0x0];
	s6 =	sadd.s32 $0x10, s6  }
0x103: {  	s2 =	sadd.s32 $0x10, s2;
	v3 =	vld [tilespmem:s6+$0x0]  }
0x104: {  	p2 =	slt.u32 s2, $0x1F0  }
.Ltmp21:
0x105: {  	(pc) =	sbr.rel @p2 .LBB2_24-.Ltmp21, $3  }
0x106: {  	_ =	sdelay $0x1  }
0x107: {  	v2 =	vmax.f32 v3, v2  }
0x108: {  	[tilespmem:s3+$0x0] =	vst v2;
	s3 =	sadd.s32 $0x10, s3  }
.Ltmp22:
0x109: {  	_ = 	snop;
	(pc) =	sbr.rel .LBB2_32-.Ltmp22, $1  }
0x10a: {  	_ =	sdelay $0x3  }
.LBB2_25:
0x10b: {  	p2 =	seq.s32 s30, s26  }
.Ltmp23:
0x10c: {  	_ = 	snop;
	(pc) =	sbr.rel @!p2 .LBB2_26-.Ltmp23, $1  }
0x10d: {  	_ =	sdelay $0x3  }
.Ltmp24:
0x10e: {  	s2 =	sadd.s32 $0x408, s2;
	(pc) =	sbr.rel .LBB2_29-.Ltmp24, $4  }
0x10f: {  	[spmem:s17] =	stream.linear.scatter [tilespmem:s2], [sflag:$0x1], $0x200, $0x38;
	[tilespmem:$0x1C938] =	vst v63  }
0x110: {  	_ =	swait.ge [sflag:s13], $0x200  }
0x111: {  	[sflag:s13] =	ssyncset.done $0x0  }
0x112: {  	[sflag:s13] =	ssyncadd.s32 $0xFFFFFE00  }
.LBB2_26:
0x113: {  	s3 =	sshll.u32 s31, $0xB  }
0x114: {  	s3 =	sshra.s32 s3, $0x2  }
0x115: {  	s6 =	sadd.s32 $0x6608, s3;
	s3 =	sadd.s32 $0x408, s2  }
0x116: {  	v2 =	vld [tilespmem:s3+$0x0]  }
0x117: {  	v3 =	vld [tilespmem:s6+$0x0];
	_ =	sdelay $0x4  }
0x118: {  	v2 =	vmax.f32 v3, v2  }
0x119: {  	s10 =	simm.s32 $0x0;
	s11 =	sadd.s32 $0x10, s3;
	[tilespmem:s3+$0x0] =	vst v2  }
.LBB2_27:
0x11a: {  	v2 =	vld [tilespmem:s11+$0x0];
	s6 =	sadd.s32 $0x10, s6  }
0x11b: {  	s10 =	sadd.s32 $0x10, s10;
	v3 =	vld [tilespmem:s6+$0x0]  }
0x11c: {  	p2 =	slt.u32 s10, $0x1F0  }
.Ltmp25:
0x11d: {  	(pc) =	sbr.rel @p2 .LBB2_27-.Ltmp25, $3  }
0x11e: {  	_ =	sdelay $0x1  }
0x11f: {  	v2 =	vmax.f32 v3, v2  }
0x120: {  	[tilespmem:s11+$0x0] =	vst v2;
	s11 =	sadd.s32 $0x10, s11  }
0x121: {  	p2 =	sgt.u32 s30, $0x670  }
0x122: {  	s6 =	sand.u32 @!p2 $0x7F8, s30  }
0x123: {  	s8 =	sand.u32 @!p2 $0x7, s30;
	s6 =	sadd.s32 @!p2 s1, s6  }
0x124: {  	[hbm4b:s6+s8] =	stream.linear.scatter @!p2 [tilespmem:s3], [sflag:$0xC], $0x80, $0x38;
	[tilespmem:$0x1C938] =	vst v63  }
0x125: {  	s3 =	sadd.s32 @!p2 $0x80, s30  }
0x126: {  	s3 =	sand.u32 @!p2 $0xFF8, s3  }
0x127: {  	s6 =	sadd.s32 @!p2 $0x488, s2;
	s3 =	sadd.s32 @!p2 s1, s3  }
0x128: {  	[hbm4b:s3+s8] =	stream.linear.scatter @!p2 [tilespmem:s6], [sflag:$0xC], $0x80, $0x38;
	[tilespmem:$0x1C938] =	vst v63  }
0x129: {  	s3 =	sadd.s32 @!p2 $0x100, s30  }
0x12a: {  	s3 =	sand.u32 @!p2 $0xFF8, s3  }
0x12b: {  	s6 =	sadd.s32 @!p2 $0x508, s2;
	s3 =	sadd.s32 @!p2 s1, s3  }
0x12c: {  	[hbm4b:s3+s8] =	stream.linear.scatter @!p2 [tilespmem:s6], [sflag:$0xC], $0x80, $0x38;
	[tilespmem:$0x1C938] =	vst v63  }
0x12d: {  	s3 =	sadd.s32 @!p2 $0x180, s30;
	s6 =	simm.s32 $0x0  }
0x12e: {  	s3 =	sand.u32 @!p2 $0xFF8, s3;
	s6 =	simm.s32 @!p2 $0x800  }
0x12f: {  	s2 =	sadd.s32 @!p2 $0x588, s2;
	s3 =	sadd.s32 @!p2 s1, s3;
	s4 =	sadd.s32 s6, s4  }
0x130: {  	[hbm4b:s3+s8] =	stream.linear.scatter @!p2 [tilespmem:s2], [sflag:$0xC], $0x80, $0x38;
	[tilespmem:$0x1C938] =	vst v63  }
.LBB2_29:
0x131: {  	s2 =	sadd.s32 $0x1, s28  }
0x132: {  	s3 =	smulhi.u32 $0xAAAAAAAB, s2;
	_ =	sdelay $0x1  }
0x133: {  	s3 =	sshrl.u32 s3, $0x5  }
0x134: {  	s3 =	smul.u32 $0x30, s3;
	_ =	sdelay $0x1  }
0x135: {  	s28 =	ssub.s32 s2, s3  }
0x136: {  	s2 =	sshll.u32 s28, $0x9  }
0x137: {  	v2 =	vld [tilespmem:s29+$0x0];
	s6 =	smov.u32 s29;
	s3 =	simm.s32 $0x0;
	s2 =	sadd.s32 $0x408, s2  }
.LBB2_30:
0x138: {  	s3 =	sadd.s32 $0x10, s3  }
0x139: {  	p2 =	slt.u32 s3, $0x1F0  }
.Ltmp26:
0x13a: {  	_ = 	snop;
	(pc) =	sbr.rel @p2 .LBB2_30-.Ltmp26, $3  }
0x13b: {  	_ =	sdelay $0x1  }
0x13c: {  	[tilespmem:s2+$0x0] =	vst v2;
	s2 =	sadd.s32 $0x10, s2;
	s6 =	sadd.s32 $0x10, s6  }
0x13d: {  	v2 =	vld [tilespmem:s6+$0x0]  }
.Ltmp27:
0x13e: {  	_ = 	snop;
	(pc) =	sbr.rel .LBB2_31-.Ltmp27, $1  }
0x13f: {  	_ =	sdelay $0x3  }
.LBB2_34:
.Ltmp28:
0x140: {  	(pc) =	sbr.rel .LBB2_35-.Ltmp28, $4  }
0x141: {  	_ = 	snop  }
0x142: {  	s0 =	simm.s32 $0x2  }
0x143: {  	_ =	swait.ge [sflag:s0], $0x0  }
0x144: {  	s2 =	simm.s32 $0x0;
	[sflag:s0] =	ssyncset.done $0x0;
	s0 =	smov.u32 s30  }
.LBB2_37:
0x145: {  	_ =	sfence.sel $0x180000  }
0x146: {  	s0 =	simm.s32 $0x9;
	[bflag:$0x0] =	sbarrier.arrive $0xFFFF  }
0x147: {  	s24 =	simm.s32 $0xA;
	[sflag:s0] =	ssyncpa.u1 $0x1  }
0x148: {  	s25 =	simm.s32 $0xB;
	[sflag:s24] =	ssyncpa.u1 $0x1  }
0x149: {  	s26 =	simm.s32 $0x2;
	[sflag:s25] =	ssyncpa.u1 $0x1  }
0x14a: {  	[sflag:s26] =	ssyncpa.u1 $0x1  }
0x14b: {  	v0 =	vld [tilespmem:$0xC808];
	_ =	sdelay $0x4  }
0x14c: {  	(v2sf) =	vpush v0, $0x0  }
0x14d: {  	(v2sf) =	vpush v0, $0x1;
	_ =	sdelay $0x2  }
0x14e: {  	(v2sf) =	vpush v0, $0x2;
	_ =	sdelay $0xa  }
0x14f: {  	s0 =	spop (v2sf)  }
0x150: {  	s2 =	spop (v2sf)  }
0x151: {  	s3 =	smov.u32 s0;
	p0 =	sne.s32 s0, s2  }
0x152: {  	s3 =	simm.s32 @!p0 $0xFFFFFFFF  }
0x153: {  	v2 =	vimm.s32 $0x1;
	v3 =	vlaneseq.u32;
	v1 =	vmov s3;
	s3 =	spop (v2sf)  }
0x154: {  	v0 =	vperm.xlane v0, v2;
	v1 =	vperm.xlane v1, v3;
	p0 =	seq.s32 s3, $0xFFFFFFFF  }
0x155: {  	vm0 =	vcmask $0x3F04;
	s5 =	simm.s32 $0xC808;
	p1 =	sne.s32 @!p0 s0, s2  }
0x156: {  	s6 =	rddreg [dreg:$0x5];
	s0 =	simm.s32 @!p0 $0x1;
	v0 =	vsel vm0, v1, v0;
	p1 =	por !p1, p0  }
0x157: {  	s4 =	sor.u32 $0x4000, s6;
	s2 =	sshll.u32 @!p0 s3, $0xB;
	[tilespmem:$0xC808] =	vst v0;
	s0 =	simm.s32 @p1 $0x0  }
0x158: {  	[spmem:s4] =	stream.linear.scatter [tilespmem:s5], [sflag:$0x1], $0x2, $0x38;
	[tilespmem:$0x1C938] =	vst v63  }
0x159: {  	s2 =	sshra.s32 @!p0 s2, $0x2;
	s0 =	sor.u32 @!p0 s0, s6  }
0x15a: {  	s2 =	sadd.s32 @!p0 $0x408, s2;
	s0 =	sshll.u32 @!p0 s0, $0x9  }
0x15b: {  	[spmem:s0] =	stream.linear.scatter @!p0 [tilespmem:s2], [sflag:$0x1], $0x200, $0x38;
	[tilespmem:$0x1C938] =	vst v63  }
0x15c: {  	s0 =	simm.s32 @!p0 $0x202  }
0x15d: {  	s28 =	simm.s32 $0x1;
	s0 =	simm.s32 @p0 $0x2  }
0x15e: {  	_ =	swait.ge [sflag:s28], s0  }
0x15f: {  	s17 =	stileid.u32;
	s0 =	ssub.s32 $0x0, s0;
	[sflag:s28] =	ssyncset.done $0x0  }
0x160: {  	p0 =	sne.s32 s17, $0x0;
	[sflag:s28] =	ssyncadd.s32 s0  }
.Ltmp29:
0x161: {  	_ =	sfence.stream.spmem;
	(pc) =	sbr.rel @p0 .LBB2_60-.Ltmp29, $4  }
0x162: {  	s29 =	simm.s32 $0x3;
	[bflag:$0x0] =	sbarrier.arrive $0xFFFF  }
0x163: {  	s30 =	simm.s32 $0x4;
	[sflag:s29] =	ssyncpa.u1 $0x1  }
0x164: {  	s31 =	simm.s32 $0x3C;
	[sflag:s30] =	ssyncpa.u1 $0x1  }
0x165: {  	s16 =	rddreg [dreg:$0x4];
	[sflag:s31] =	ssyncpa.u1 $0x1  }
0x166: {  	_ =	sfence.stream.spmem;
	s0 =	simm.s32 $0x5  }
0x167: {  	s2 =	simm.s32 $0x4000;
	s3 =	simm.s32 $0xC818;
	[sflag:s0] =	ssyncpa.u1 $0x0  }
0x168: {  	[tilespmem:s3], [sflag:$0x5] =	stream.linear.gather [spmem:s2], $0x20, $0x38;
	[tilespmem:$0x1C938] =	vst v63  }
0x169: {  	s26 =	simm.s32 $0x0;
	s28 =	simm.s32 $0xC838  }
0x16a: {  	[tilespmem:s28], [sflag:$0x5] =	stream.linear.gather [spmem:s26], $0x4000, $0x38;
	[tilespmem:$0x1C938] =	vst v63  }
0x16b: {  	_ =	swait.ge [sflag:s0], $0x4020  }
0x16c: {  	[sflag:s0] =	ssyncset.done $0x0  }
0x16d: {  	s29 =	simm.s32 $0x0;
	[sflag:s0] =	ssyncadd.s32 $0xFFFFBFE0  }
0x16e: {  	v0 =	vld.msk [tilespmem:s29+$0xC818], $0x1;
	_ =	sdelay $0x1  }
0x16f: {  	s30 =	simm.s32 $0x1  }
0x170: {  	v1 =	vld.msk [tilespmem:s30+$0xC818], $0x1;
	_ =	sdelay $0x1  }
0x171: {  	(v2sf) =	vpush v0, $0x0;
	_ =	sdelay $0x2  }
0x172: {  	(v2sf) =	vpush v1, $0x0;
	_ =	sdelay $0x2  }
0x173: {  	s31 =	simm.s32 $0x2  }
0x174: {  	v0 =	vld.msk [tilespmem:s31+$0xC818], $0x1;
	_ =	sdelay $0x2  }
0x175: {  	s2 =	simm.s32 $0xFFFFFFFF;
	s3 =	simm.s32 $0xFFFFFFFF;
	s0 =	simm.s32 $0xC  }
.LBB2_39:
0x176: {  	s4 =	smov.u32 s3;
	s5 =	smov.u32 s2  }
0x177: {  	s2 =	sshra.s32 s0, $0x2;
	p1 =	sne.s32 s0, $0x7C;
	s0 =	sadd.s32 $0x4, s0;
	(v2sf) =	vpush v0, $0x0  }
0x178: {  	v0 =	vld.msk [tilespmem:s2+$0xC818], $0x1  }
.Ltmp30:
0x179: {  	(pc) =	sbr.rel @p1 .LBB2_39-.Ltmp30, $4  }
0x17a: {  	s3 =	spop (v2sf)  }
0x17b: {  	p2 =	sne.s32 s5, $0xFFFFFFFF;
	s2 =	smov.u32 s3  }
0x17c: {  	p3 =	seq.s32 s3, $0xFFFFFFFF;
	s2 =	smov.u32 @p2 s5  }
0x17d: {  	s3 =	smov.u32 @p3 s4;
	s2 =	smov.u32 @p3 s5  }
0x17e: {  	(v2sf) =	vpush v0, $0x0;
	_ =	sdelay $0x8  }
0x17f: {  	s0 =	spop (v2sf);
	p1 =	sne.s32 s2, $0xFFFFFFFF;
	s9 =	simm.s32 $0x6  }
0x180: {  	s6 =	simm.s32 $0x0;
	s10 =	simm.s32 $0xC838;
	s4 =	smov.u32 s0  }
0x181: {  	s11 =	simm.s32 $0xC688;
	p2 =	seq.s32 s0, $0xFFFFFFFF;
	s4 =	smov.u32 @p1 s2  }
0x182: {  	s12 =	simm.s32 $0xC708;
	s4 =	smov.u32 @p2 s2;
	s2 =	spop (v2sf)  }
0x183: {  	s0 =	smov.u32 @p2 s3;
	p1 =	sne.s32 s4, $0xFFFFFFFF;
	s5 =	smov.u32 s2  }
.Ltmp31:
0x184: {  	p2 =	seq.s32 s2, $0xFFFFFFFF;
	s5 =	smov.u32 @p1 s4;
	(pc) =	sbr.rel .LBB2_41-.Ltmp31, $4  }
0x185: {  	s13 =	simm.s32 $0xC788;
	s5 =	smov.u32 @p2 s4;
	s7 =	spop (v2sf)  }
0x186: {  	s14 =	simm.s32 $0x0;
	p1 =	sne.s32 s5, $0xFFFFFFFF;
	s8 =	smov.u32 s7  }
0x187: {  	s2 =	smov.u32 @p2 s0;
	p2 =	seq.s32 s7, $0xFFFFFFFF;
	s8 =	smov.u32 @p1 s5  }
0x188: {  	[sflag:s9] =	ssyncpa.u1 $0x0;
	s7 =	smov.u32 @p2 s2;
	s8 =	smov.u32 @p2 s5  }
.LBB2_54:
0x189: {  	s14 =	sadd.s32 $0x1, s14  }
0x18a: {  	p1 =	sne.s32 s14, $0x20  }
.Ltmp32:
0x18b: {  	_ = 	snop;
	(pc) =	sbr.rel @!p1 .LBB2_55-.Ltmp32, $2  }
0x18c: {  	_ =	sdelay $0x2  }
0x18d: {  	s10 =	sadd.s32 $0x200, s10  }
.LBB2_41:
0x18e: {  	v0 =	vld.msk [tilespmem:s14+$0xC818], $0x1;
	_ =	sdelay $0x4  }
0x18f: {  	(v2sf) =	vpush v0, $0x0;
	_ =	sdelay $0xe  }
0x190: {  	s0 =	spop (v2sf)  }
0x191: {  	p1 =	seq.s32 s0, $0xFFFFFFFF  }
.Ltmp33:
0x192: {  	_ = 	snop;
	(pc) =	sbr.rel @p1 .LBB2_54-.Ltmp33, $1  }
0x193: {  	_ =	sdelay $0x3  }
0x194: {  	p1 =	slt.s32 s6, $0x1  }
.Ltmp34:
0x195: {  	_ = 	snop;
	(pc) =	sbr.rel @p1 .LBB2_48-.Ltmp34, $1  }
0x196: {  	_ =	sdelay $0x3  }
0x197: {  	s2 =	simm.s32 $0xC818;
	p1 =	por $0x0, $0x0  }
0x198: {  	v1 =	vld.msk @!p1 [tilespmem:s2+$0x0], $0x1;
	_ =	sdelay $0x4  }
0x199: {  	(v2sf) =	vpush @!p1 v1, $0x0;
	_ =	sdelay $0xd  }
0x19a: {  	p3 =	sne.s32 s6, $0x1  }
.Ltmp35:
0x19b: {  	s3 =	spop @!p1 (v2sf);
	(pc) =	sbr.rel @!p3 .LBB2_45-.Ltmp35, $4  }
0x19c: {  	p2 =	seq.s32 @!p1 s0, s3  }
0x19d: {  	s3 =	simm.s32 $0x0;
	p2 =	por !p2, p1  }
0x19e: {  	s5 =	simm.s32 $0xFFFFFFFF;
	s3 =	simm.s32 @p2 $0xFFFFFFFF  }
0x19f: {  	s4 =	simm.s32 $0x1;
	s3 =	smov.u32 @p1 s5  }
.LBB2_44:
0x1a0: {  	s5 =	smov.u32 s3;
	p1 =	sne.s32 s3, $0xFFFFFFFF  }
0x1a1: {  	s2 =	sadd.s32 $0x1, s2;
	s3 =	smov.u32 s4;
	s4 =	sadd.s32 $0x1, s4  }
0x1a2: {  	p2 =	sne.s32 s6, s4;
	v1 =	vld.msk @!p1 [tilespmem:s2+$0x0], $0x1;
	_ =	sdelay $0x4  }
0x1a3: {  	(v2sf) =	vpush @!p1 v1, $0x0;
	_ =	sdelay $0xe  }
.Ltmp36:
0x1a4: {  	s15 =	spop @!p1 (v2sf);
	(pc) =	sbr.rel @p2 .LBB2_44-.Ltmp36, $4  }
0x1a5: {  	p3 =	seq.s32 @!p1 s0, s15  }
0x1a6: {  	p3 =	por !p3, p1  }
0x1a7: {  	s3 =	simm.s32 @p3 $0xFFFFFFFF  }
0x1a8: {  	s3 =	smov.u32 @p1 s5  }
.LBB2_45:
0x1a9: {  	p1 =	seq.s32 s3, $0xFFFFFFFF  }
.Ltmp37:
0x1aa: {  	_ = 	snop;
	(pc) =	sbr.rel @p1 .LBB2_48-.Ltmp37, $1  }
0x1ab: {  	_ =	sdelay $0x3  }
0x1ac: {  	s0 =	sshll.u32 s3, $0xB  }
0x1ad: {  	s0 =	sshra.s32 s0, $0x2  }
0x1ae: {  	v1 =	vld [tilespmem:s10+$0x0];
	s2 =	sadd.s32 $0xC838, s0  }
0x1af: {  	v0 =	vld [tilespmem:s2+$0x0];
	_ =	sdelay $0x4  }
0x1b0: {  	v0 =	vmax.f32 v1, v0  }
0x1b1: {  	s3 =	smov.u32 s10;
	s0 =	simm.s32 $0x0;
	[tilespmem:s2+$0x0] =	vst v0;
	s2 =	sadd.s32 $0x10, s2  }
.LBB2_47:
0x1b2: {  	v0 =	vld [tilespmem:s2+$0x0];
	s3 =	sadd.s32 $0x10, s3  }
0x1b3: {  	s0 =	sadd.s32 $0x10, s0;
	v1 =	vld [tilespmem:s3+$0x0]  }
0x1b4: {  	p1 =	slt.u32 s0, $0x1F0  }
.Ltmp38:
0x1b5: {  	(pc) =	sbr.rel @p1 .LBB2_47-.Ltmp38, $3  }
0x1b6: {  	_ =	sdelay $0x1  }
0x1b7: {  	v0 =	vmax.f32 v1, v0  }
0x1b8: {  	[tilespmem:s2+$0x0] =	vst v0;
	s2 =	sadd.s32 $0x10, s2  }
.Ltmp39:
0x1b9: {  	_ = 	snop;
	(pc) =	sbr.rel .LBB2_54-.Ltmp39, $1  }
0x1ba: {  	_ =	sdelay $0x3  }
.LBB2_48:
0x1bb: {  	p1 =	sgt.u32 s0, $0x670  }
0x1bc: {  	p2 =	seq.s32 @!p1 s0, s8  }
0x1bd: {  	p1 =	por p1, p2  }
0x1be: {  	p2 =	seq.s32 @!p1 s0, s7  }
0x1bf: {  	p1 =	por p1, p2  }
.Ltmp40:
0x1c0: {  	_ = 	snop;
	(pc) =	sbr.rel @p1 .LBB2_51-.Ltmp40, $1  }
0x1c1: {  	_ =	sdelay $0x3  }
0x1c2: {  	s2 =	sand.u32 $0x7F8, s0;
	s4 =	sand.u32 $0x7, s0  }
0x1c3: {  	s29 =	sadd.s32 $0x80, s0;
	s3 =	sadd.s32 s1, s2;
	s2 =	simm.s32 $0xC608  }
0x1c4: {  	[tilespmem:s2], [sflag:$0x6] =	stream.linear.gather [hbm4b:s3+s4], $0x80, $0x38;
	[tilespmem:$0x1C938] =	vst v63  }
0x1c5: {  	s3 =	sand.u32 $0xFF8, s29  }
0x1c6: {  	s30 =	sadd.s32 $0x100, s0;
	s3 =	sadd.s32 s1, s3  }
0x1c7: {  	[tilespmem:s11], [sflag:$0x6] =	stream.linear.gather [hbm4b:s3+s4], $0x80, $0x38;
	[tilespmem:$0x1C938] =	vst v63  }
0x1c8: {  	s31 =	sadd.s32 $0x180, s0;
	s3 =	sand.u32 $0xFF8, s30  }
0x1c9: {  	s0 =	sand.u32 $0xFF8, s31;
	s3 =	sadd.s32 s1, s3  }
0x1ca: {  	[tilespmem:s12], [sflag:$0x6] =	stream.linear.gather [hbm4b:s3+s4], $0x80, $0x38;
	[tilespmem:$0x1C938] =	vst v63  }
0x1cb: {  	s0 =	sadd.s32 s1, s0  }
0x1cc: {  	[tilespmem:s13], [sflag:$0x6] =	stream.linear.gather [hbm4b:s0+s4], $0x80, $0x38;
	[tilespmem:$0x1C938] =	vst v63  }
0x1cd: {  	_ =	swait.ge [sflag:s9], $0x200  }
0x1ce: {  	[sflag:s9] =	ssyncset.done $0x0  }
0x1cf: {  	[sflag:s9] =	ssyncadd.s32 $0xFFFFFE00  }
0x1d0: {  	v1 =	vld [tilespmem:s10+$0x0]  }
0x1d1: {  	v2 =	vld [tilespmem:s2+$0x0];
	_ =	sdelay $0x4  }
0x1d2: {  	v1 =	vmax.f32 v2, v1  }
0x1d3: {  	s3 =	sadd.s32 $0x10, s10;
	s0 =	simm.s32 $0x0;
	[tilespmem:s10+$0x0] =	vst v1  }
.LBB2_50:
0x1d4: {  	v1 =	vld [tilespmem:s3+$0x0];
	s2 =	sadd.s32 $0x10, s2  }
0x1d5: {  	s0 =	sadd.s32 $0x10, s0;
	v2 =	vld [tilespmem:s2+$0x0]  }
0x1d6: {  	p1 =	slt.u32 s0, $0x1F0  }
.Ltmp41:
0x1d7: {  	(pc) =	sbr.rel @p1 .LBB2_50-.Ltmp41, $3  }
0x1d8: {  	_ =	sdelay $0x1  }
0x1d9: {  	v1 =	vmax.f32 v2, v1  }
0x1da: {  	[tilespmem:s3+$0x0] =	vst v1;
	s3 =	sadd.s32 $0x10, s3  }
.LBB2_51:
0x1db: {  	s0 =	sshll.u32 s6, $0xB  }
0x1dc: {  	[tilespmem:s6+$0xC818] =	vst.msk $0x1, v0;
	s0 =	sshra.s32 s0, $0x2  }
0x1dd: {  	s2 =	simm.s32 $0x0;
	s3 =	smov.u32 s10;
	v0 =	vld [tilespmem:s10+$0x0];
	s0 =	sadd.s32 $0xC838, s0  }
.LBB2_52:
0x1de: {  	s2 =	sadd.s32 $0x10, s2  }
0x1df: {  	p1 =	slt.u32 s2, $0x1F0  }
.Ltmp42:
0x1e0: {  	_ = 	snop;
	(pc) =	sbr.rel @p1 .LBB2_52-.Ltmp42, $3  }
0x1e1: {  	_ =	sdelay $0x1  }
0x1e2: {  	s3 =	sadd.s32 $0x10, s3;
	[tilespmem:s0+$0x0] =	vst v0;
	s0 =	sadd.s32 $0x10, s0  }
0x1e3: {  	v0 =	vld [tilespmem:s3+$0x0]  }
.Ltmp43:
0x1e4: {  	_ = 	snop;
	(pc) =	sbr.rel .LBB2_54-.Ltmp43, $2  }
0x1e5: {  	_ =	sdelay $0x2  }
0x1e6: {  	s6 =	sadd.s32 $0x1, s6;
	[tilespmem:s0+$0x0] =	vst v0  }
.LBB2_55:
0x1e7: {  	s0 =	simm.s32 $0x6;
	p1 =	seq.s32 s6, $0x0  }
0x1e8: {  	[sflag:s0] =	ssyncpa.u1 $0x1;
	v0 =	vimm.s32 @p1 $0xFFFFFFFF  }
0x1e9: {  	s0 =	sadd.s32 $0xFFFFFFFF, s6;
	[tilespmem:$0x10838] =	vst @p1 v0  }
0x1ea: {  	v0 =	vld.msk @!p1 [tilespmem:s0+$0xC818], $0x1;
	_ =	sdelay $0x1  }
0x1eb: {  	v1 =	vld.msk @!p1 [tilespmem:$0xC818], $0x1;
	_ =	sdelay $0x2  }
0x1ec: {  	p2 =	seq.s32 @!p1 s0, $0x0;
	v0 =	vbroadcast @!p1 v0, $0x0  }
0x1ed: {  	vm0 =	vmmov @!p1 $0x1;
	p2 =	por !p2, p1  }
0x1ee: {  	v1 =	vnsel @!p1 vm0, $0xFFFFFFFF, v1;
	vm0 =	vcmask @!p1 $0x308;
	v0 =	vpsel !p2, $0xFFFFFFFF, v0  }
0x1ef: {  	p2 =	sne.s32 @!p1 s8, s7;
	v0 =	vsel @!p1 vm0, v1, v0  }
0x1f0: {  	s2 =	simm.s32 @!p1 $0xC838;
	s3 =	simm.s32 @!p1 $0x0;
	p3 =	por !p2, p1;
	[tilespmem:$0x10838] =	vst @!p1 v0  }
0x1f1: {  	[spmem:s3] =	stream.linear.scatter @!p1 [tilespmem:s2], [sflag:$0x1], $0x200, $0x38;
	[tilespmem:$0x1C938] =	vst v63  }
0x1f2: {  	s2 =	sshll.u32 @!p3 s0, $0xB  }
0x1f3: {  	s2 =	sshra.s32 @!p3 s2, $0x2  }
0x1f4: {  	s3 =	simm.s32 @!p3 $0x200;
	s2 =	sadd.s32 @!p3 $0xC838, s2  }
0x1f5: {  	[spmem:s3] =	stream.linear.scatter @!p3 [tilespmem:s2], [sflag:$0x1], $0x200, $0x38;
	[tilespmem:$0x1C938] =	vst v63  }
0x1f6: {  	s2 =	simm.s32 @!p3 $0x1  }
0x1f7: {  	_ =	swait.ge @!p3 [sflag:s2], $0x400  }
0x1f8: {  	p1 =	por p2, p1;
	[sflag:s2] =	ssyncset.done @!p3 $0x0  }
0x1f9: {  	[sflag:s2] =	ssyncadd.s32 @!p3 $0xFFFFFC00;
	s2 =	simm.s32 @!p1 $0x1  }
0x1fa: {  	_ =	swait.ge @!p1 [sflag:s2], $0x200  }
0x1fb: {  	s29 =	simm.s32 $0x10838;
	[sflag:s2] =	ssyncset.done @!p1 $0x0  }
0x1fc: {  	s30 =	simm.s32 $0x4000;
	s31 =	simm.s32 $0x1;
	[sflag:s2] =	ssyncadd.s32 @!p1 $0xFFFFFE00  }
0x1fd: {  	[spmem:s30] =	stream.linear.scatter [tilespmem:s29], [sflag:$0x1], $0x10, $0x38;
	[tilespmem:$0x1C938] =	vst v63  }
0x1fe: {  	_ =	swait.ge [sflag:s31], $0x10  }
0x1ff: {  	[sflag:s31] =	ssyncset.done $0x0  }
0x200: {  	p1 =	seq.s32 s16, $0x0;
	s9 =	rddreg [dreg:$0x1];
	[sflag:s31] =	ssyncadd.s32 $0xFFFFFFF0  }
0x201: {  	s3 =	sshll.u32 @p1 s9, $0xE;
	s8 =	rddreg [dreg:$0x2]  }
0x202: {  	s2 =	sadd.s32 @p1 $0x15C3C, s3;
	s3 =	sshll.u32 @p1 s8, $0x11  }
0x203: {  	_ =	sfence.stream.spmem;
	s2 =	sor.u32 @p1 s3, s2  }
0x204: {  	[sflag:s2] =	ssyncadd.remote.s32 @p1 $0x1;
	s2 =	simm.s32 @p1 $0x4  }
0x205: {  	s4 =	simm.s32 @!p1 $0x3C;
	s3 =	sand.u32 $0xFFFFFFFE, s9;
	_ =	swait.ge @p1 [sflag:s2], $0x82  }
0x206: {  	s5 =	simm.s32 @!p1 $0x0;
	s3 =	sadd.s32 @!p1 $0x4, s3;
	[sflag:s2] =	ssyncset.done @p1 $0x0  }
0x207: {  	s7 =	simm.s32 @!p1 $0x400;
	[sflag:s2] =	ssyncadd.s32 @p1 $0xFFFFFF7E;
	s2 =	sshll.u32 @!p1 s3, $0x1A  }
0x208: {  	s3 =	sshll.u32 @!p1 s3, $0xD;
	s2 =	sor.u32 @!p1 s2, s8;
	_ =	swait.eq @!p1 [sflag:s4], $0x1  }
0x209: {  	s3 =	sor.u32 @!p1 $0x1C04, s3;
	s4 =	simm.s32 @!p1 $0x1C03;
	s2 =	sor.u32 @!p1 $0x80004000, s2  }
0x20a: {  	[spmem:s7], [sflag:s3] =	dma.general @!p1 [spmem:s5], [sflag:s4], length:$0x80, [dreg:$0x0], stride_count:$0x0, ici_dest:s2, dma_misc:DstOpCode:WRITE  }
0x20b: {  	p2 =	slt.s32 s0, $0x2;
	s5 =	simm.s32 @!p1 $0x800;
	s7 =	simm.s32 @!p1 $0x802  }
0x20c: {  	[spmem:s7], [sflag:s3] =	dma.general @!p1 [spmem:s5], [sflag:s4], length:$0x2, [dreg:$0x0], stride_count:$0x0, ici_dest:s2, dma_misc:DstOpCode:WRITE  }
.Ltmp44:
0x20d: {  	s2 =	simm.s32 @!p1 $0x3;
	(pc) =	sbr.rel @p2 .LBB2_59-.Ltmp44, $4  }
0x20e: {  	s3 =	sshll.u32 @!p1 s9, $0xE;
	_ =	swait.ge @!p1 [sflag:s2], $0x82  }
0x20f: {  	s4 =	sshll.u32 @!p1 s8, $0x11;
	s3 =	sadd.s32 @!p1 $0x11C3C, s3;
	[sflag:s2] =	ssyncset.done @!p1 $0x0  }
0x210: {  	[sflag:s2] =	ssyncadd.s32 @!p1 $0xFFFFFF7E;
	s2 =	sor.u32 @!p1 s4, s3  }
0x211: {  	s0 =	simm.s32 $0x0;
	[sflag:s2] =	ssyncadd.remote.s32 @!p1 $0xFFFFFFFF  }
0x212: {  	s0 =	simm.s32 $0xC819  }
0x213: {  	v0 =	vld.msk [tilespmem:s0+$0x0], $0x1;
	_ =	sdelay $0x4  }
0x214: {  	(v2sf) =	vpush v0, $0x0;
	_ =	sdelay $0xe  }
0x215: {  	s2 =	sadd.s32 $0xFFFFFFFE, s6;
	s6 =	spop (v2sf)  }
0x216: {  	s0 =	simm.s32 $0x0;
	s4 =	sadd.s32 $0xFFFFFFFF, s2;
	p1 =	sgt.u32 s6, $0x670  }
0x217: {  	s2 =	simm.s32 $0xCA38;
	p2 =	sne.s32 s4, $0x0;
	s3 =	sand.u32 @!p1 $0x7F8, s6  }
0x218: {  	s5 =	sadd.s32 @!p1 $0x80, s6;
	s7 =	sadd.s32 @!p1 $0x100, s6;
	s8 =	sadd.s32 @!p1 s1, s3  }
0x219: {  	s3 =	sand.u32 @!p1 $0x7, s6;
	s5 =	sand.u32 @!p1 $0xFF8, s5;
	s7 =	sand.u32 @!p1 $0xFF8, s7  }
0x21a: {  	[hbm4b:s8+s3] =	stream.linear.scatter @!p1 [tilespmem:s2], [sflag:$0x5], $0x80, $0x38;
	[tilespmem:$0x1C938] =	vst v63  }
0x21b: {  	s2 =	simm.s32 @!p1 $0xCAB8;
	s5 =	sadd.s32 @!p1 s1, s5;
	s7 =	sadd.s32 @!p1 s1, s7  }
.Ltmp45:
0x21c: {  	s8 =	sadd.s32 @!p1 $0x180, s6;
	s6 =	simm.s32 $0x0;
	(pc) =	sbr.rel @!p2 .LBB2_58-.Ltmp45, $4  }
0x21d: {  	[hbm4b:s5+s3] =	stream.linear.scatter @!p1 [tilespmem:s2], [sflag:$0x5], $0x80, $0x38;
	[tilespmem:$0x1C938] =	vst v63  }
0x21e: {  	s6 =	simm.s32 @!p1 $0x800;
	s8 =	sand.u32 @!p1 $0xFF8, s8;
	s5 =	simm.s32 @!p1 $0xCB38  }
0x21f: {  	[hbm4b:s7+s3] =	stream.linear.scatter @!p1 [tilespmem:s5], [sflag:$0x5], $0x80, $0x38;
	[tilespmem:$0x1C938] =	vst v63  }
0x220: {  	s2 =	simm.s32 $0xC81A;
	s5 =	simm.s32 $0xCC38;
	s7 =	simm.s32 @!p1 $0xCBB8  }
.LBB2_57:
0x221: {  	s4 =	sadd.s32 $0xFFFFFFFF, s4;
	s8 =	sadd.s32 @!p1 s1, s8;
	s0 =	sadd.s32 s0, s6  }
0x222: {  	[hbm4b:s8+s3] =	stream.linear.scatter @!p1 [tilespmem:s7], [sflag:$0x5], $0x80, $0x38;
	[tilespmem:$0x1C938] =	vst v63  }
0x223: {  	p2 =	sne.s32 s4, $0x0;
	s7 =	smov.u32 s5;
	v0 =	vld.msk [tilespmem:s2+$0x0], $0x1;
	_ =	sdelay $0x4  }
0x224: {  	(v2sf) =	vpush v0, $0x0;
	_ =	sdelay $0xe  }
0x225: {  	s6 =	spop (v2sf)  }
0x226: {  	s5 =	sadd.s32 $0x200, s5;
	s2 =	sadd.s32 $0x1, s2;
	p1 =	sgt.u32 s6, $0x670  }
0x227: {  	s3 =	sand.u32 @!p1 $0x7F8, s6;
	s8 =	sadd.s32 @!p1 $0x80, s6;
	s9 =	sadd.s32 @!p1 $0x100, s6  }
0x228: {  	s10 =	sadd.s32 @!p1 s1, s3;
	s3 =	sand.u32 @!p1 $0x7, s6;
	s8 =	sand.u32 @!p1 $0xFF8, s8  }
0x229: {  	[hbm4b:s10+s3] =	stream.linear.scatter @!p1 [tilespmem:s7], [sflag:$0x5], $0x80, $0x38;
	[tilespmem:$0x1C938] =	vst v63  }
0x22a: {  	s9 =	sand.u32 @!p1 $0xFF8, s9;
	s10 =	sadd.s32 @!p1 $0x80, s7  }
.Ltmp46:
0x22b: {  	s8 =	sadd.s32 @!p1 s1, s8;
	s9 =	sadd.s32 @!p1 s1, s9;
	(pc) =	sbr.rel @p2 .LBB2_57-.Ltmp46, $4  }
0x22c: {  	[hbm4b:s8+s3] =	stream.linear.scatter @!p1 [tilespmem:s10], [sflag:$0x5], $0x80, $0x38;
	[tilespmem:$0x1C938] =	vst v63  }
0x22d: {  	s8 =	sadd.s32 @!p1 $0x100, s7;
	s10 =	sadd.s32 @!p1 $0x180, s6;
	s6 =	simm.s32 $0x0  }
0x22e: {  	[hbm4b:s9+s3] =	stream.linear.scatter @!p1 [tilespmem:s8], [sflag:$0x5], $0x80, $0x38;
	[tilespmem:$0x1C938] =	vst v63  }
0x22f: {  	s7 =	sadd.s32 @!p1 $0x180, s7;
	s6 =	simm.s32 @!p1 $0x800;
	s8 =	sand.u32 @!p1 $0xFF8, s10  }
.LBB2_58:
0x230: {  	s2 =	sadd.s32 @!p1 s1, s8;
	s0 =	sadd.s32 s0, s6  }
0x231: {  	[hbm4b:s2+s3] =	stream.linear.scatter @!p1 [tilespmem:s7], [sflag:$0x5], $0x80, $0x38;
	[tilespmem:$0x1C938] =	vst v63  }
0x232: {  	s0 =	sshrl.u32 s0, $0x2  }
.LBB2_59:
0x233: {  	s2 =	simm.s32 $0x5  }
0x234: {  	_ =	swait.ge [sflag:s2], s0  }
0x235: {  	s31 =	ssub.s32 $0x0, s0;
	[sflag:s2] =	ssyncset.done $0x0  }
0x236: {  	[sflag:s2] =	ssyncadd.s32 s31  }
0x237: {  	[sflag:s2] =	ssyncpa.u1 $0x1  }
.LBB2_60:
0x238: {  	s0 =	sor.u32 s16, s17  }
0x239: {  	p1 =	sne.s32 s0, $0x0  }
.Ltmp47:
0x23a: {  	_ = 	snop;
	(pc) =	sbr.rel @p1 .LBB2_81-.Ltmp47, $3  }
0x23b: {  	_ =	sdelay $0x1  }
0x23c: {  	[bflag:$0x0] =	sbarrier.arrive $0xFFFF  }
0x23d: {  	_ =	sfence  }
0x23e: {  	s0 =	simm.s32 $0x7  }
0x23f: {  	s2 =	simm.s32 $0x4000;
	s3 =	simm.s32 $0xC818;
	[sflag:s0] =	ssyncpa.u1 $0x0  }
0x240: {  	[tilespmem:s3], [sflag:$0x7] =	stream.linear.gather [spmem:s2], $0x20, $0x38;
	[tilespmem:$0x1C938] =	vst v63  }
0x241: {  	s2 =	simm.s32 $0x0;
	s3 =	simm.s32 $0xC838  }
0x242: {  	[tilespmem:s3], [sflag:$0x7] =	stream.linear.gather [spmem:s2], $0x4000, $0x38;
	[tilespmem:$0x1C938] =	vst v63  }
.Ltmp48:
0x243: {  	_ = 	snop;
	(pc) =	sbr.rel .LBB2_62-.Ltmp48, $4  }
0x244: {  	_ =	swait.ge [sflag:s0], $0x4020  }
0x245: {  	s4 =	simm.s32 $0x8;
	[sflag:s0] =	ssyncset.done $0x0  }
0x246: {  	s5 =	simm.s32 $0xC688;
	s6 =	simm.s32 $0xC708;
	[sflag:s0] =	ssyncadd.s32 $0xFFFFBFE0  }
0x247: {  	s7 =	simm.s32 $0xC788;
	s8 =	simm.s32 $0x0;
	[sflag:s4] =	ssyncpa.u1 $0x0  }
.LBB2_75:
0x248: {  	s8 =	sadd.s32 $0x1, s8  }
0x249: {  	p1 =	sne.s32 s8, $0x20  }
.Ltmp49:
0x24a: {  	_ = 	snop;
	(pc) =	sbr.rel @!p1 .LBB2_76-.Ltmp49, $2  }
0x24b: {  	_ =	sdelay $0x2  }
0x24c: {  	s3 =	sadd.s32 $0x200, s3  }
.LBB2_62:
0x24d: {  	v0 =	vld.msk [tilespmem:s8+$0xC818], $0x1;
	_ =	sdelay $0x4  }
0x24e: {  	(v2sf) =	vpush v0, $0x0;
	_ =	sdelay $0xe  }
0x24f: {  	s0 =	spop (v2sf)  }
0x250: {  	p1 =	seq.s32 s0, $0xFFFFFFFF  }
.Ltmp50:
0x251: {  	_ = 	snop;
	(pc) =	sbr.rel @p1 .LBB2_75-.Ltmp50, $1  }
0x252: {  	_ =	sdelay $0x3  }
0x253: {  	p1 =	slt.s32 s2, $0x1  }
.Ltmp51:
0x254: {  	_ = 	snop;
	(pc) =	sbr.rel @p1 .LBB2_69-.Ltmp51, $1  }
0x255: {  	_ =	sdelay $0x3  }
0x256: {  	s9 =	simm.s32 $0xC818;
	p1 =	por $0x0, $0x0  }
0x257: {  	v1 =	vld.msk @!p1 [tilespmem:s9+$0x0], $0x1;
	_ =	sdelay $0x4  }
0x258: {  	(v2sf) =	vpush @!p1 v1, $0x0;
	_ =	sdelay $0xd  }
0x259: {  	p3 =	sne.s32 s2, $0x1  }
.Ltmp52:
0x25a: {  	s10 =	spop @!p1 (v2sf);
	(pc) =	sbr.rel @!p3 .LBB2_66-.Ltmp52, $4  }
0x25b: {  	p2 =	seq.s32 @!p1 s0, s10  }
0x25c: {  	s10 =	simm.s32 $0x0;
	p2 =	por !p2, p1  }
0x25d: {  	s12 =	simm.s32 $0xFFFFFFFF;
	s10 =	simm.s32 @p2 $0xFFFFFFFF  }
0x25e: {  	s11 =	simm.s32 $0x1;
	s10 =	smov.u32 @p1 s12  }
.LBB2_65:
0x25f: {  	s12 =	smov.u32 s10;
	p1 =	sne.s32 s10, $0xFFFFFFFF  }
0x260: {  	s9 =	sadd.s32 $0x1, s9;
	s10 =	smov.u32 s11;
	s11 =	sadd.s32 $0x1, s11  }
0x261: {  	p2 =	sne.s32 s2, s11;
	v1 =	vld.msk @!p1 [tilespmem:s9+$0x0], $0x1;
	_ =	sdelay $0x4  }
0x262: {  	(v2sf) =	vpush @!p1 v1, $0x0;
	_ =	sdelay $0xe  }
.Ltmp53:
0x263: {  	s13 =	spop @!p1 (v2sf);
	(pc) =	sbr.rel @p2 .LBB2_65-.Ltmp53, $4  }
0x264: {  	p3 =	seq.s32 @!p1 s0, s13  }
0x265: {  	p3 =	por !p3, p1  }
0x266: {  	s10 =	simm.s32 @p3 $0xFFFFFFFF  }
0x267: {  	s10 =	smov.u32 @p1 s12  }
.LBB2_66:
0x268: {  	p1 =	seq.s32 s10, $0xFFFFFFFF  }
.Ltmp54:
0x269: {  	_ = 	snop;
	(pc) =	sbr.rel @p1 .LBB2_69-.Ltmp54, $1  }
0x26a: {  	_ =	sdelay $0x3  }
0x26b: {  	s0 =	sshll.u32 s10, $0xB  }
0x26c: {  	s0 =	sshra.s32 s0, $0x2  }
0x26d: {  	v1 =	vld [tilespmem:s3+$0x0];
	s9 =	sadd.s32 $0xC838, s0  }
0x26e: {  	v0 =	vld [tilespmem:s9+$0x0];
	_ =	sdelay $0x4  }
0x26f: {  	v0 =	vmax.f32 v1, v0  }
0x270: {  	s10 =	smov.u32 s3;
	s0 =	simm.s32 $0x0;
	[tilespmem:s9+$0x0] =	vst v0;
	s9 =	sadd.s32 $0x10, s9  }
.LBB2_68:
0x271: {  	v0 =	vld [tilespmem:s9+$0x0];
	s10 =	sadd.s32 $0x10, s10  }
0x272: {  	s0 =	sadd.s32 $0x10, s0;
	v1 =	vld [tilespmem:s10+$0x0]  }
0x273: {  	p1 =	slt.u32 s0, $0x1F0  }
.Ltmp55:
0x274: {  	(pc) =	sbr.rel @p1 .LBB2_68-.Ltmp55, $3  }
0x275: {  	_ =	sdelay $0x1  }
0x276: {  	v0 =	vmax.f32 v1, v0  }
0x277: {  	[tilespmem:s9+$0x0] =	vst v0;
	s9 =	sadd.s32 $0x10, s9  }
.Ltmp56:
0x278: {  	_ = 	snop;
	(pc) =	sbr.rel .LBB2_75-.Ltmp56, $1  }
0x279: {  	_ =	sdelay $0x3  }
.LBB2_69:
0x27a: {  	p1 =	sgt.u32 s0, $0x670  }
.Ltmp57:
0x27b: {  	_ = 	snop;
	(pc) =	sbr.rel @p1 .LBB2_72-.Ltmp57, $1  }
0x27c: {  	_ =	sdelay $0x3  }
0x27d: {  	s9 =	sand.u32 $0x7F8, s0;
	s11 =	sand.u32 $0x7, s0  }
0x27e: {  	s29 =	sadd.s32 $0x80, s0;
	s10 =	sadd.s32 s1, s9;
	s9 =	simm.s32 $0xC608  }
0x27f: {  	[tilespmem:s9], [sflag:$0x8] =	stream.linear.gather [hbm4b:s10+s11], $0x80, $0x38;
	[tilespmem:$0x1C938] =	vst v63  }
0x280: {  	s10 =	sand.u32 $0xFF8, s29  }
0x281: {  	s30 =	sadd.s32 $0x100, s0;
	s10 =	sadd.s32 s1, s10  }
0x282: {  	[tilespmem:s5], [sflag:$0x8] =	stream.linear.gather [hbm4b:s10+s11], $0x80, $0x38;
	[tilespmem:$0x1C938] =	vst v63  }
0x283: {  	s31 =	sadd.s32 $0x180, s0;
	s10 =	sand.u32 $0xFF8, s30  }
0x284: {  	s0 =	sand.u32 $0xFF8, s31;
	s10 =	sadd.s32 s1, s10  }
0x285: {  	[tilespmem:s6], [sflag:$0x8] =	stream.linear.gather [hbm4b:s10+s11], $0x80, $0x38;
	[tilespmem:$0x1C938] =	vst v63  }
0x286: {  	s0 =	sadd.s32 s1, s0  }
0x287: {  	[tilespmem:s7], [sflag:$0x8] =	stream.linear.gather [hbm4b:s0+s11], $0x80, $0x38;
	[tilespmem:$0x1C938] =	vst v63  }
0x288: {  	_ =	swait.ge [sflag:s4], $0x200  }
0x289: {  	[sflag:s4] =	ssyncset.done $0x0  }
0x28a: {  	[sflag:s4] =	ssyncadd.s32 $0xFFFFFE00  }
0x28b: {  	v1 =	vld [tilespmem:s3+$0x0]  }
0x28c: {  	v2 =	vld [tilespmem:s9+$0x0];
	_ =	sdelay $0x4  }
0x28d: {  	v1 =	vmax.f32 v2, v1  }
0x28e: {  	s10 =	sadd.s32 $0x10, s3;
	s0 =	simm.s32 $0x0;
	[tilespmem:s3+$0x0] =	vst v1  }
.LBB2_71:
0x28f: {  	v1 =	vld [tilespmem:s10+$0x0];
	s9 =	sadd.s32 $0x10, s9  }
0x290: {  	s0 =	sadd.s32 $0x10, s0;
	v2 =	vld [tilespmem:s9+$0x0]  }
0x291: {  	p1 =	slt.u32 s0, $0x1F0  }
.Ltmp58:
0x292: {  	(pc) =	sbr.rel @p1 .LBB2_71-.Ltmp58, $3  }
0x293: {  	_ =	sdelay $0x1  }
0x294: {  	v1 =	vmax.f32 v2, v1  }
0x295: {  	[tilespmem:s10+$0x0] =	vst v1;
	s10 =	sadd.s32 $0x10, s10  }
.LBB2_72:
0x296: {  	s0 =	sshll.u32 s2, $0xB  }
0x297: {  	[tilespmem:s2+$0xC818] =	vst.msk $0x1, v0;
	s0 =	sshra.s32 s0, $0x2  }
0x298: {  	s9 =	simm.s32 $0x0;
	s10 =	smov.u32 s3;
	v0 =	vld [tilespmem:s3+$0x0];
	s0 =	sadd.s32 $0xC838, s0  }
.LBB2_73:
0x299: {  	s9 =	sadd.s32 $0x10, s9  }
0x29a: {  	p1 =	slt.u32 s9, $0x1F0  }
.Ltmp59:
0x29b: {  	_ = 	snop;
	(pc) =	sbr.rel @p1 .LBB2_73-.Ltmp59, $3  }
0x29c: {  	_ =	sdelay $0x1  }
0x29d: {  	s10 =	sadd.s32 $0x10, s10;
	[tilespmem:s0+$0x0] =	vst v0;
	s0 =	sadd.s32 $0x10, s0  }
0x29e: {  	v0 =	vld [tilespmem:s10+$0x0]  }
.Ltmp60:
0x29f: {  	_ = 	snop;
	(pc) =	sbr.rel .LBB2_75-.Ltmp60, $2  }
0x2a0: {  	_ =	sdelay $0x2  }
0x2a1: {  	s2 =	sadd.s32 $0x1, s2;
	[tilespmem:s0+$0x0] =	vst v0  }
.LBB2_76:
0x2a2: {  	p1 =	slt.s32 s2, $0x1  }
.Ltmp61:
0x2a3: {  	_ = 	snop;
	(pc) =	sbr.rel @p1 .LBB2_80-.Ltmp61, $3  }
0x2a4: {  	_ =	sdelay $0x1  }
0x2a5: {  	s0 =	simm.s32 $0x8  }
0x2a6: {  	[sflag:s0] =	ssyncpa.u1 $0x1;
	s0 =	simm.s32 $0x0  }
0x2a7: {  	s3 =	simm.s32 $0xC818  }
0x2a8: {  	v0 =	vld.msk [tilespmem:s3+$0x0], $0x1;
	_ =	sdelay $0x4  }
0x2a9: {  	(v2sf) =	vpush v0, $0x0;
	_ =	sdelay $0xe  }
0x2aa: {  	s7 =	spop (v2sf)  }
0x2ab: {  	s2 =	sadd.s32 $0xFFFFFFFF, s2;
	p1 =	sgt.u32 s7, $0x670  }
0x2ac: {  	s3 =	simm.s32 $0xC838;
	s4 =	sand.u32 @!p1 $0x7F8, s7;
	s8 =	sadd.s32 @!p1 $0x80, s7  }
0x2ad: {  	s5 =	sand.u32 @!p1 $0x7, s7;
	s4 =	sadd.s32 @!p1 s1, s4;
	s8 =	sand.u32 @!p1 $0xFF8, s8  }
0x2ae: {  	[hbm4b:s4+s5] =	stream.linear.scatter @!p1 [tilespmem:s3], [sflag:$0x7], $0x80, $0x38;
	[tilespmem:$0x1C938] =	vst v63  }
0x2af: {  	p2 =	sne.s32 s2, $0x0;
	s3 =	simm.s32 @!p1 $0xC8B8;
	s4 =	sadd.s32 @!p1 s1, s8  }
0x2b0: {  	[hbm4b:s4+s5] =	stream.linear.scatter @!p1 [tilespmem:s3], [sflag:$0x7], $0x80, $0x38;
	[tilespmem:$0x1C938] =	vst v63  }
.Ltmp62:
0x2b1: {  	s6 =	simm.s32 $0x0;
	s9 =	sadd.s32 @!p1 $0x100, s7;
	(pc) =	sbr.rel @!p2 .LBB2_79-.Ltmp62, $4  }
0x2b2: {  	s6 =	simm.s32 @!p1 $0x800;
	s8 =	sand.u32 @!p1 $0xFF8, s9;
	s3 =	simm.s32 @!p1 $0xC938  }
0x2b3: {  	s4 =	sadd.s32 @!p1 s1, s8;
	s8 =	sadd.s32 @!p1 $0x180, s7;
	s7 =	simm.s32 @!p1 $0xC9B8  }
0x2b4: {  	[hbm4b:s4+s5] =	stream.linear.scatter @!p1 [tilespmem:s3], [sflag:$0x7], $0x80, $0x38;
	[tilespmem:$0x1C938] =	vst v63  }
0x2b5: {  	s8 =	sand.u32 @!p1 $0xFF8, s8;
	s3 =	simm.s32 $0xC819;
	s4 =	simm.s32 $0xCA38  }
.LBB2_78:
0x2b6: {  	s2 =	sadd.s32 $0xFFFFFFFF, s2;
	s8 =	sadd.s32 @!p1 s1, s8;
	s0 =	sadd.s32 s0, s6  }
0x2b7: {  	[hbm4b:s8+s5] =	stream.linear.scatter @!p1 [tilespmem:s7], [sflag:$0x7], $0x80, $0x38;
	[tilespmem:$0x1C938] =	vst v63  }
0x2b8: {  	p2 =	sne.s32 s2, $0x0;
	s7 =	smov.u32 s4;
	v0 =	vld.msk [tilespmem:s3+$0x0], $0x1;
	_ =	sdelay $0x4  }
0x2b9: {  	(v2sf) =	vpush v0, $0x0;
	_ =	sdelay $0xe  }
0x2ba: {  	s6 =	spop (v2sf)  }
0x2bb: {  	s4 =	sadd.s32 $0x200, s4;
	s3 =	sadd.s32 $0x1, s3;
	p1 =	sgt.u32 s6, $0x670  }
0x2bc: {  	s5 =	sand.u32 @!p1 $0x7F8, s6;
	s8 =	sadd.s32 @!p1 $0x80, s6;
	s9 =	sadd.s32 @!p1 $0x100, s6  }
0x2bd: {  	s10 =	sadd.s32 @!p1 s1, s5;
	s5 =	sand.u32 @!p1 $0x7, s6;
	s8 =	sand.u32 @!p1 $0xFF8, s8  }
0x2be: {  	[hbm4b:s10+s5] =	stream.linear.scatter @!p1 [tilespmem:s7], [sflag:$0x7], $0x80, $0x38;
	[tilespmem:$0x1C938] =	vst v63  }
0x2bf: {  	s9 =	sand.u32 @!p1 $0xFF8, s9;
	s10 =	sadd.s32 @!p1 $0x80, s7  }
.Ltmp63:
0x2c0: {  	s8 =	sadd.s32 @!p1 s1, s8;
	s9 =	sadd.s32 @!p1 s1, s9;
	(pc) =	sbr.rel @p2 .LBB2_78-.Ltmp63, $4  }
0x2c1: {  	[hbm4b:s8+s5] =	stream.linear.scatter @!p1 [tilespmem:s10], [sflag:$0x7], $0x80, $0x38;
	[tilespmem:$0x1C938] =	vst v63  }
0x2c2: {  	s8 =	sadd.s32 @!p1 $0x100, s7;
	s10 =	sadd.s32 @!p1 $0x180, s6;
	s6 =	simm.s32 $0x0  }
0x2c3: {  	[hbm4b:s9+s5] =	stream.linear.scatter @!p1 [tilespmem:s8], [sflag:$0x7], $0x80, $0x38;
	[tilespmem:$0x1C938] =	vst v63  }
0x2c4: {  	s7 =	sadd.s32 @!p1 $0x180, s7;
	s6 =	simm.s32 @!p1 $0x800;
	s8 =	sand.u32 @!p1 $0xFF8, s10  }
.LBB2_79:
0x2c5: {  	s1 =	sadd.s32 @!p1 s1, s8;
	s0 =	sadd.s32 s0, s6  }
0x2c6: {  	[hbm4b:s1+s5] =	stream.linear.scatter @!p1 [tilespmem:s7], [sflag:$0x7], $0x80, $0x38;
	[tilespmem:$0x1C938] =	vst v63  }
0x2c7: {  	s0 =	sshrl.u32 s0, $0x2  }
.LBB2_80:
0x2c8: {  	s1 =	simm.s32 $0x7  }
0x2c9: {  	_ =	swait.ge [sflag:s1], s0  }
0x2ca: {  	s31 =	ssub.s32 $0x0, s0;
	[sflag:s1] =	ssyncset.done $0x0  }
0x2cb: {  	[sflag:s1] =	ssyncadd.s32 s31  }
0x2cc: {  	[sflag:s1] =	ssyncpa.u1 $0x1  }
.LBB2_81:
0x2cd: {  	_ =	sfence;
	s0 =	simm.s32 $0x1  }
0x2ce: {  	[sflag:s0] =	ssyncpa.u1 $0x1  }
0x2cf: {  	_ =	strace $0x9000005C  }
0x2d0: {  	[bflag:$0x2] =	sbarrier.arrive $0xFFFF  }
0x2d1: {  	s0 =	rddreg [dreg:$0x3]  }
0x2d2: {  	s0 =	sadd.s32 @!p0 $0x100000, s0  }
0x2d3: {  	[sflag:s0] =	ssyncadd.tile.s32 @!p0 $0x1;
	_ =	shalt  }
.Lfunc_end2:
_tile_overlayer_lowered:
.L_overlay_start_2:
0x2d4: {  	(tag) =	ssettag $0x2  }
0x2d5: {  	s0 =	rddreg [dreg:$0x0];
	s2 =	stileid.u32  }
0x2d6: {  	s1 =	rddreg [dreg:$0x1];
	p0 =	sne.s32 s2, $0x0  }
0x2d7: {  	s3 =	rddreg [dreg:$0x2];
	[bflag:$0x3] =	sbarrier.arrive $0xFFFF;
	s2 =	simm.s32 @!p0 $0x1C01  }
0x2d8: {  	[timem:s3], [sflag:s2] =	dma.local @!p0 [hbm:s0], s1  }
0x2d9: {  	s0 =	simm.s32 @!p0 $0x1  }
0x2da: {  	_ =	swait.ge @!p0 [sflag:s0], s1  }
0x2db: {  	s1 =	ssub.s32 @!p0 $0x0, s1;
	[sflag:s0] =	ssyncset.done @!p0 $0x0  }
0x2dc: {  	[sflag:s0] =	ssyncadd.s32 @!p0 s1  }
0x2dd: {  	[bflag:$0x3] =	sbarrier.arrive $0xFFFF  }
0x2de: {  	_ =	shalt  }

// kernel: sparse-core-data-format-call.cloned.1.call-start
scs
called_computation.1_lowered:
.L_overlay_start_0:
0x0: {  	s2 =	sld [smem:$0x3FD9]  }
0x1: {  	s3 =	sld [smem:$0x3FFE];
	_ =	sdelay $0x1  }
0x2: {  	s1 =	srdreg.scid  }
0x3: {  	s0 =	sand.u32 $0x1, s1  }
0x4: {  	s18 =	sshll.u32 s0, $0xA;
	s2 =	sadd.s32 s3, s2  }
0x5: {  	s2 =	sadd.s32 s2, s18  }
0x6: {  	[smem:$0x3FB1] =	sst s2  }
0x7: {  	_ = 	snop  }
0x8: {  	(tm) =	ssettm $0x1  }
0x9: {  	s19 =	sld [smem:$0x3FFB];
	_ =	sdelay $0x3  }
0xa: {  	_ =	strace s19  }
0xb: {  	s2 =	sld [smem:$0x3FFC];
	_ =	sdelay $0x3  }
0xc: {  	_ =	strace s2  }
0xd: {  	s2 =	sld [smem:$0x3FFD];
	_ =	sdelay $0x3  }
0xe: {  	_ =	strace s2  }
0xf: {  	_ =	strace $0x8FFFFFFF  }
0x10: {  	s20 =	sld [smem:$0x3FDB];
	_ =	sdelay $0x1  }
0x11: {  	s21 =	simm.s32 $_scs_section_size  }
0x12: {  	s4 =	simm.s32 $_size__tile_overlayer_lowered;
	s5 =	simm.s32 $_tile_overlayer_lowered  }
0x13: {  	s6 =	simm.s32 $0x1BFF;
	s22 =	sshll.u32 s5, $0x1;
	s3 =	sadd.s32 s21, s20  }
0x14: {  	s23 =	simm.s32 $0x0;
	s4 =	sshll.u32 s4, $0x1;
	s5 =	sadd.s32 s22, s3  }
0x15: {  	[timem:s23], [sflag:s6] =	dma.local [hbm:s5], s4  }
0x16: {  	_ =	swait.ge [sflag:s6], s4  }
0x17: {  	s4 =	ssub.s32 $0x0, s4;
	[sflag:s6] =	ssyncset.done $0x0  }
0x18: {  	[sflag:s6] =	ssyncadd.s32 s4;
	_ =	sdelay $0x1  }
0x19: {  	s24 =	simm.s32 $0x1B8B  }
0x1a: {  	_ =	swait.ge [sflag:s24], $0x1  }
0x1b: {  	[sflag:s24] =	ssyncset.done $0x0  }
0x1c: {  	[sflag:s24] =	ssyncadd.s32 $0xFFFFFFFF  }
0x1d: {  	s4 =	sld [smem:$0x0]  }
0x1e: {  	s5 =	sand.u32 $0xFFFFFFFE, s1  }
0x1f: {  	p0 =	sne.s32 s1, s5  }
0x20: {  	s5 =	sshll.u32 @p0 s5, $0xE  }
0x21: {  	s5 =	sadd.s32 @p0 $0x11B8D, s5;
	s6 =	sshll.u32 @p0 s4, $0x11  }
0x22: {  	s5 =	sor.u32 @p0 s6, s5  }
0x23: {  	[sflag:s5] =	ssyncadd.remote.s32 @p0 $0x1;
	_ =	sdelay $0x1  }
0x24: {  	s5 =	simm.s32 @p0 $0x1B8D  }
0x25: {  	_ =	swait.eq @p0 [sflag:s5], $0x1  }
0x26: {  	[sflag:s5] =	ssyncadd.s32 @p0 $0xFFFFFFFF  }
0x27: {  	s6 =	sshll.u32 @!p0 s1, $0xE  }
0x28: {  	s6 =	sor.u32 @!p0 $0x4000, s6;
	s5 =	simm.s32 @!p0 $0x1B8D  }
0x29: {  	s4 =	sshll.u32 @!p0 s4, $0x11;
	s6 =	sadd.s32 @!p0 $0x11B8D, s6;
	_ =	swait.eq @!p0 [sflag:s5], $0x1  }
0x2a: {  	s4 =	sor.u32 @!p0 s4, s6;
	[sflag:s5] =	ssyncadd.s32 @!p0 $0xFFFFFFFF  }
0x2b: {  	s26 =	simm.s32 $0x1B8E;
	s25 =	sld [smem:$0x3FFE];
	[sflag:s4] =	ssyncadd.remote.s32 @!p0 $0x1  }
0x2c: {  	s27 =	simm.s32 $execute0_lowered;
	[smem:$0x3FD2] =	sst s26  }
0x2d: {  	s5 =	sshll.u32 s27, $0x1;
	_ =	strace $0x80000058;
	[dreg:$0x1] =	wrdreg $0xFFFFFFFF  }
0x2e: {  	s28 =	simm.s32 $_size_execute0_lowered;
	s3 =	sadd.s32 s3, s5;
	[dreg:$0x0] =	wrdreg $0x0  }
0x2f: {  	s5 =	sshll.u32 s28, $0x1;
	[dreg:$0x2] =	wrdreg s3  }
0x30: {  	[dreg:$0x3] =	wrdreg s5  }
0x31: {  	[dreg:$0x4] =	wrdreg $0xC0  }
0x32: {  	_ =	task [dreg:s23], $0x5FFFF  }
0x33: {  	[dreg:$0x1] =	wrdreg $0xFFFFFFFF  }
0x34: {  	[dreg:$0x0] =	wrdreg $0x60  }
0x35: {  	[dreg:$0x2] =	wrdreg s25  }
0x36: {  	[dreg:$0x3] =	wrdreg $0x9  }
0x37: {  	_ =	task.clear_ibuf [dreg:s23], $0x4FFFF;
	_ =	strace $0x90000058  }
0x38: {  	s29 =	simm.s32 $0x9;
	_ =	strace $0x8000005A  }
0x39: {  	_ =	swait.ge [sflag:s29], $0x1  }
0x3a: {  	[sflag:s29] =	ssyncadd.s32 $0xFFFFFFFF  }
0x3b: {  	_ =	strace $0x9000005A  }
0x3c: {  	_ =	sfence  }
0x3d: {  	s30 =	sld [smem:$0x0];
	_ =	sdelay $0x2  }
0x3e: {  	s31 =	sshll.u32 s1, $0xD;
	s1 =	sshrl.u32 s1, $0x2  }
0x3f: {  	s4 =	sand.u32 $0x4000, s31;
	s1 =	sadd.s32 s1, s30  }
0x40: {  	s0 =	sor.u32 s4, s0;
	s1 =	sshll.u32 s1, $0x11  }
0x41: {  	s0 =	sor.u32 s1, s0  }
0x42: {  	s0 =	sadd.s32 $0x8F2B, s0  }
0x43: {  	[sflag:s0] =	ssyncadd.remote.s32 $0x1  }
0x44: {  	_ =	sfence.sel $0xFFFF  }
0x45: {  	[dreg:$0x0] =	wrdreg $0xFFFFFFFF;
	(pc) =	sbr.abs _section_cstart, $3  }
0x46: {  	[dreg:$0x1] =	wrdreg $0xFFFFFFFF  }
0x47: {  	_ =	task.clear_ibuf [dreg:s23], $0x2FFFF;
	_ =	strace $0x9FFFFFFF  }
0x48: {  	(tm) =	ssettm $0x7FFFFFFF  }
0x49: {  	_ =	shalt  }
tec
execute0_lowered:
.L_overlay_start_1:
0x0: {  	(tag) =	ssettag $0x1  }
0x1: {  	s0 =	stileid.u32;
	s1 =	srdreg.scid  }
0x2: {  	s7 =	rddreg [dreg:$0x0];
	s31 =	simm.s32 $0x2;
	s15 =	simm.s32 $0x0  }
0x3: {  	s14 =	simm.s32 $0x0;
	s16 =	simm.s32 $0x0;
	s11 =	simm.s32 $0x0  }
0x4: {  	s13 =	simm.s32 $0x0;
	s2 =	sshll.u32 s0, $0x1;
	s3 =	sshll.u32 s1, $0x1  }
0x5: {  	s1 =	rddreg [dreg:$0x1];
	_ =	strace $0x80000059;
	s4 =	ssub.s32 $0x20, s2  }
0x6: {  	s3 =	sand.u32 $0x2, s3;
	s5 =	sshrl.u32 s4, $0x5;
	s4 =	sand.u32 $0x1E, s4  }
0x7: {  	s12 =	smov.u32 s2;
	s6 =	ssub.s32 $0x40, s3;
	p0 =	sne.s32 s4, $0x0  }
0x8: {  	s4 =	simm.s32 $0x1;
	s8 =	sshrl.u32 s6, $0x1;
	s6 =	sshrl.u32 s6, $0x2  }
.Ltmp0:
0x9: {  	s4 =	simm.s32 @!p0 $0x0;
	s8 =	sand.u32 $0x1, s8;
	(pc) =	sbr.rel .LBB1_1-.Ltmp0, $4  }
0xa: {  	s10 =	smov.u32 s3;
	s9 =	sadd.s32 s4, s5;
	s6 =	sadd.s32 s6, s8  }
0xb: {  	p0 =	por $0x0, $0x0;
	s5 =	simm.s32 $0x1;
	s6 =	smul.u32 s9, s6  }
0xc: {  	s4 =	sadd.s32 $0x149400, s7;
	s7 =	sadd.s32 $0x349400, s7;
	[sflag:s5] =	ssyncpa.u1 $0x0  }
0xd: {  	s9 =	simm.s32 $0x40000;
	[sflag:s31] =	ssyncpa.u1 $0x0;
	s8 =	sadd.s32 $0x1, s6  }
.LBB1_7:
0xe: {  	s17 =	sadd.s32 $0x4, s10  }
0xf: {  	s14 =	sadd.s32 $0x80, s11;
	s18 =	smov.u32 s11;
	p2 =	sgt.s32 s17, $0x3F  }
0x10: {  	s18 =	smov.u32 @p2 s14  }
0x11: {  	s20 =	smov.u32 s12;
	s14 =	sadd.s32 $0x20, s12;
	p3 =	sgt.s32 s18, $0x7F  }
0x12: {  	s20 =	smov.u32 @p3 s14  }
0x13: {  	s17 =	smov.u32 @p2 s3;
	p2 =	sgt.s32 s20, $0x1F  }
0x14: {  	p1 =	slt.u32 s13, $0x2;
	s20 =	smov.u32 @p2 s2;
	p2 =	sne.s32 s13, s8  }
.Ltmp1:
0x15: {  	s19 =	simm.s32 @!p1 $0x2;
	(pc) =	sbr.rel @!p2 .LBB1_8-.Ltmp1, $4  }
0x16: {  	s15 =	smov.u32 s10;
	s16 =	smov.u32 s12;
	_ =	swait.ge @!p1 [sflag:s19], $0x4000  }
0x17: {  	p0 =	por !p0, !p0;
	[sflag:s19] =	ssyncset.done @!p1 $0x0;
	s10 =	smov.u32 s17  }
0x18: {  	s18 =	simm.s32 @p3 $0x0;
	s14 =	smov.u32 s11;
	[sflag:s19] =	ssyncadd.s32 @!p1 $0xFFFFC000  }
0x19: {  	s11 =	smov.u32 s18;
	s13 =	sadd.s32 $0x1, s13;
	s12 =	smov.u32 s20  }
.LBB1_1:
0x1a: {  	p1 =	sge.u32 s13, s6;
	s31 =	sadd.s32 $0xFFFFFFFF, s13  }
0x1b: {  	s17 =	sshll.u32 @!p1 s12, $0x10;
	s18 =	sshll.u32 @!p1 s11, $0x9;
	s19 =	sshll.u32 @!p1 s10, $0x3  }
0x1c: {  	s20 =	sxor.u32 @!p1 $0xFFFFFFFF, s13;
	s17 =	sadd.s32 @!p1 s4, s17;
	s19 =	sand.u32 @!p1 $0x1F0, s19  }
0x1d: {  	s17 =	sadd.s32 @!p1 s18, s17;
	s18 =	sshll.u32 @!p1 s20, $0xE;
	s20 =	simm.s32 @!p1 $0x1000  }
0x1e: {  	s17 =	sadd.s32 @!p1 s19, s17;
	s18 =	sand.u32 @!p1 $0x4000, s18;
	s19 =	simm.s32 @!p1 $0x40  }
0x1f: {  	[tilespmem:s18], [sflag:$0x1] =	stream.strided.gather @!p1 [hbm4b:s17+s19], $0x4000, s20, s19, $0x38;
	[tilespmem:$0x10100] =	vst v63  }
0x20: {  	p1 =	sge.u32 s31, s6  }
.Ltmp2:
0x21: {  	_ = 	snop;
	(pc) =	sbr.rel @p1 .LBB1_7-.Ltmp2, $1  }
0x22: {  	_ =	sdelay $0x3  }
0x23: {  	s17 =	simm.s32 $0x1;
	s19 =	sand.u32 $0x1, s13  }
0x24: {  	_ =	swait.ge [sflag:s5], $0x4000;
	s17 =	simm.s32 @!p0 $0x0;
	s19 =	smul.u32 $0x10200, s19  }
0x25: {  	p2 =	por $0x1, $0x1;
	[sflag:s5] =	ssyncset.done $0x0;
	s18 =	smul.u32 $0x10200, s17  }
0x26: {  	s20 =	sshll.u32 s17, $0x10;
	[sflag:s5] =	ssyncadd.s32 $0xFFFFC000;
	s30 =	sshrl.u32 s19, $0x2  }
0x27: {  	s31 =	sshrl.u32 s20, $0x2;
	s20 =	simm.s32 $0x0;
	s18 =	sshrl.u32 s18, $0x2  }
0x28: {  	s17 =	sor.u32 $0x8000, s30;
	s19 =	sadd.s32 $0x20, s31;
	s18 =	sor.u32 $0x8000, s18  }
.LBB1_3:
0x29: {  	s21 =	sshll.u32 s20, $0xD  }
0x2a: {  	s21 =	sand.u32 $0x3FFFE000, s21  }
0x2b: {  	s21 =	sadd.s32 s21, s19  }
0x2c: {  	v0 =	vld [tilespmem:s21+$0x0]  }
0x2d: {  	v1 =	vld [tilespmem:s21+$0x10]  }
0x2e: {  	v2 =	vld [tilespmem:s21+$0xFFFFFFF0]  }
0x2f: {  	v3 =	vld [tilespmem:s21+$0xFFFFFFE0];
	_ =	sdelay $0x2  }
0x30: {  	s31 =	smul.u32 $0x8100, s20;
	s24 =	sadd.s32 $0x40, s21  }
0x31: {  	v1 =	vperm.xlane.i2c.b16 v1;
	v4 =	vperm.xlane.i2c.b16 v0;
	v0 =	vld [tilespmem:s24+$0x0]  }
0x32: {  	s20 =	sshra.s32 s31, $0x2;
	v6 =	vperm.xlane.i2c.b16 v2;
	v2 =	vld [tilespmem:s24+$0x10];
	v7 =	vperm.xlane.i2c.b16 v3  }
0x33: {  	s20 =	sadd.s32 s20, s18;
	v5 =	vcombine.low v4, v1;
	v8 =	vcombine.high v4, v1;
	v1 =	vld [tilespmem:s24+$0xFFFFFFF0]  }
0x34: {  	s21 =	sadd.s32 $0x0, s20;
	v3 =	vld [tilespmem:s24+$0xFFFFFFE0]  }
0x35: {  	p1 =	por p2, p2;
	[tilespmem:s21+$0x810 ss:$0x81] =	vst.msk $0xffff, v5;
	v5 =	vcombine.low v7, v6  }
0x36: {  	s22 =	simm.s32 $0x4;
	s23 =	simm.s32 $0x8;
	v4 =	vcombine.high v7, v6;
	s24 =	sadd.s32 $0x40, s24;
	[tilespmem:s21+$0x1830 ss:$0x81] =	vst.msk $0xffff, v8  }
.LBB1_4:
0x37: {  	v6 =	vperm.xlane.i2c.b16 v2;
	v7 =	vperm.xlane.i2c.b16 v0;
	v0 =	vld [tilespmem:s24+$0x0];
	[tilespmem:s21+$0x0 ss:$0x81] =	vst.msk $0xffff, v5;
	s25 =	smov.u32 s23;
	p2 =	sne.s32 s23, $0x1FC  }
.Ltmp3:
0x38: {  	v2 =	vld [tilespmem:s24+$0x10];
	v8 =	vperm.xlane.i2c.b16 v1;
	[tilespmem:s21+$0x1020 ss:$0x81] =	vst.msk $0xffff, v4;
	(pc) =	sbr.rel @p2 .LBB1_4-.Ltmp3, $4  }
0x39: {  	s23 =	sadd.s32 $0x4, s23;
	s21 =	sshra.s32 s22, $0x2;
	v1 =	vld [tilespmem:s24+$0xFFFFFFF0];
	v4 =	vperm.xlane.i2c.b16 v3;
	v9 =	vcombine.low v7, v6  }
0x3a: {  	s22 =	smov.u32 s25;
	s21 =	sadd.s32 s21, s20;
	v6 =	vcombine.high v7, v6;
	v3 =	vld [tilespmem:s24+$0xFFFFFFE0]  }
0x3b: {  	v5 =	vcombine.low v4, v8;
	v4 =	vcombine.high v4, v8;
	[tilespmem:s21+$0x810 ss:$0x81] =	vst.msk $0xffff, v9  }
0x3c: {  	s24 =	sadd.s32 $0x40, s24;
	[tilespmem:s21+$0x1830 ss:$0x81] =	vst.msk $0xffff, v6  }
0x3d: {  	v2 =	vperm.xlane.i2c.b16 v2;
	v0 =	vperm.xlane.i2c.b16 v0  }
0x3e: {  	v1 =	vperm.xlane.i2c.b16 v1  }
0x3f: {  	[tilespmem:s21+$0x0 ss:$0x81] =	vst.msk $0xffff, v5;
	s22 =	sshra.s32 s22, $0x2;
	v3 =	vperm.xlane.i2c.b16 v3;
	v62 =	vcombine.low v0, v2  }
.Ltmp4:
0x40: {  	[tilespmem:s21+$0x1020 ss:$0x81] =	vst.msk $0xffff, v4;
	s20 =	sadd.s32 s22, s20;
	v0 =	vcombine.high v0, v2;
	(pc) =	sbr.rel @p1 .LBB1_3-.Ltmp4, $4  }
0x41: {  	v63 =	vcombine.low v3, v1;
	[tilespmem:s20+$0x810 ss:$0x81] =	vst.msk $0xffff, v62  }
0x42: {  	v1 =	vcombine.high v3, v1;
	[tilespmem:s20+$0x1830 ss:$0x81] =	vst.msk $0xffff, v0  }
0x43: {  	[tilespmem:s20+$0x0 ss:$0x81] =	vst.msk $0xffff, v63  }
0x44: {  	p2 =	por $0x0, $0x0;
	[tilespmem:s20+$0x1020 ss:$0x81] =	vst.msk $0xffff, v1;
	s20 =	simm.s32 $0x1  }
0x45: {  	s18 =	sshll.u32 s14, $0x3  }
0x46: {  	s19 =	sshll.u32 s14, $0x1;
	s16 =	sshll.u32 s16, $0xF;
	s15 =	sshll.u32 s15, $0x9  }
0x47: {  	s29 =	sshrl.u32 s14, $0x3;
	s30 =	sand.u32 $0x7, s14;
	s18 =	sand.u32 $0x1C00, s18  }
.Ltmp5:
0x48: {  	s19 =	sand.u32 $0x80, s19;
	s16 =	sadd.s32 s7, s16;
	(pc) =	sbr.rel .LBB1_7-.Ltmp5, $4  }
0x49: {  	s18 =	sor.u32 s19, s18;
	s19 =	sand.u32 $0x7, s29;
	s15 =	sadd.s32 s15, s16  }
0x4a: {  	s14 =	sshll.u32 s30, $0x12;
	s31 =	sshrl.u32 s18, $0x4;
	s15 =	sadd.s32 s19, s15  }
0x4b: {  	s14 =	sor.u32 $0x2000, s14;
	s15 =	sadd.s32 s31, s15  }
0x4c: {  	[hbm4b:s15+s14] =	stream.strided.scatter [tilespmem:s17], [sflag:$0x2], $0x4000, s9, s14, $0x20;
	[tilespmem:$0x10100] =	vst v63  }
.LBB1_8:
0x4d: {  	_ =	sfence.sel $0x180000  }
0x4e: {  	s2 =	simm.s32 $0x1;
	[bflag:$0x0] =	sbarrier.arrive $0xFFFF  }
0x4f: {  	s31 =	simm.s32 $0x2;
	[sflag:s2] =	ssyncpa.u1 $0x1  }
0x50: {  	[sflag:s31] =	ssyncpa.u1 $0x1  }
0x51: {  	p0 =	sne.s32 s0, $0x0;
	_ =	strace $0x90000059  }
0x52: {  	s0 =	sadd.s32 @!p0 $0x100000, s1;
	[bflag:$0x2] =	sbarrier.arrive $0xFFFF  }
0x53: {  	[sflag:s0] =	ssyncadd.tile.s32 @!p0 $0x1;
	_ =	shalt  }
.Lfunc_end1:
_tile_overlayer_lowered:
.L_overlay_start_2:
0x54: {  	(tag) =	ssettag $0x2  }
0x55: {  	s0 =	rddreg [dreg:$0x0];
	s2 =	stileid.u32  }
0x56: {  	s1 =	rddreg [dreg:$0x1];
	p0 =	sne.s32 s2, $0x0  }
0x57: {  	s3 =	rddreg [dreg:$0x2];
	[bflag:$0x3] =	sbarrier.arrive $0xFFFF;
	s2 =	simm.s32 @!p0 $0x1C01  }
0x58: {  	[timem:s3], [sflag:s2] =	dma.local @!p0 [hbm:s0], s1  }
0x59: {  	s0 =	simm.s32 @!p0 $0x1  }
0x5a: {  	_ =	swait.ge @!p0 [sflag:s0], s1  }
0x5b: {  	s1 =	ssub.s32 @!p0 $0x0, s1;
	[sflag:s0] =	ssyncset.done @!p0 $0x0  }
0x5c: {  	[sflag:s0] =	ssyncadd.s32 @!p0 s1  }
0x5d: {  	[bflag:$0x3] =	sbarrier.arrive $0xFFFF  }
0x5e: {  	_ =	shalt  }

</sc_bundles>
